<compile_context>
chip_gen: v7x
topology: tpu7x:2x2x1
jax: 0.10.2.dev20260603
libtpu: 0.0.44.dev20260713+nightly
codegen_flags: <defaults>
</compile_context>

<pallas_src>
import functools

import jax
import jax.numpy as jnp
from jax import lax
from jax.experimental import pallas as pl
from jax.experimental.pallas import tpu as pltpu
from jax.experimental.pallas import tpu_sc as plsc

NUM_CB = 4
TAB_ROWS = 1030
BT = 8
BATCH = 64
TIME = 2048
OUT_F = NUM_CB * BT
NC = 2
NS = 16
NW = NC * NS
N_UNIT = (BATCH // NW) * NUM_CB
TT = TIME // 128
DSTR = TAB_ROWS + 2


def _body(idx_hbm, tab_hbm, out_hbm, table_s, table_v, idx_v0, idx_v1,
          out_v0, out_v1, out_v2, tab_sem, idx_sem, out_sem):
  idx_bufs = (idx_v0, idx_v1)
  out_bufs = (out_v0, out_v1, out_v2)
  core = lax.axis_index("c")
  sub = lax.axis_index("s")
  wid = sub * NC + core
  b0 = wid * (BATCH // NW)

  def unit_coords(k):
    return b0 + k // NUM_CB, k % NUM_CB

  def start_idx(k):
    b, c = unit_coords(k)
    return pltpu.async_copy(idx_hbm.at[b, c, :], idx_bufs[k % 2], idx_sem)

  def start_out(k):
    b, c = unit_coords(k)
    return pltpu.async_copy(out_bufs[k % 3], out_hbm.at[b, c], out_sem)

  idx_dma = [start_idx(0), start_idx(1)]

  @pl.when(sub == 0)
  def _():
    pltpu.async_copy(tab_hbm, table_s, tab_sem).wait()
  plsc.subcore_barrier()
  SEC = BT * TAB_ROWS
  pltpu.sync_copy(table_s.at[pl.ds(0, SEC)], table_v.at[pl.ds(0, SEC)])
  sec_dma = [
      pltpu.async_copy(table_s.at[pl.ds(c * SEC, SEC)],
                       table_v.at[pl.ds(c * SEC, SEC)], tab_sem)
      for c in range(1, NUM_CB)
  ]

  out_dma = []
  for k in range(N_UNIT):
    idx_dma[k].wait()
    ib = idx_bufs[k % 2]
    if k >= 3:
      out_dma[k - 3].wait()
    ob = out_bufs[k % 3]
    _, c = unit_coords(k)
    if 1 <= k <= 3:
      sec_dma[k - 1].wait()

    @plsc.parallel_loop(0, TIME // 16, unroll=8)
    def _(g):
      t0 = pl.multiple_of(g * 16, 16)
      tt = g // 8
      tl0 = pl.multiple_of((g % 8) * 16, 16)
      iv = ib[pl.ds(t0, 16)] + c * (BT * TAB_ROWS)
      for d in range(BT):
        val = plsc.load_gather(table_v, [iv + d * TAB_ROWS])
        ob[tt, d, pl.ds(tl0, 16)] = val

    if k + 2 < N_UNIT:
      idx_dma.append(start_idx(k + 2))
    out_dma.append(start_out(k))
  out_dma[N_UNIT - 3].wait()
  out_dma[N_UNIT - 2].wait()
  out_dma[N_UNIT - 1].wait()


@jax.jit
def _run(index_sequence, tab_fmajor):
  mesh = plsc.VectorSubcoreMesh(core_axis_name="c", subcore_axis_name="s")
  fn = pl.kernel(
      _body,
      out_type=jax.ShapeDtypeStruct((BATCH, NUM_CB, TT, BT, 128), jnp.float32),
      mesh=mesh,
      scratch_types=[
          pltpu.VMEM_SHARED((NUM_CB * BT * TAB_ROWS,), jnp.float32),
          pltpu.VMEM((NUM_CB * BT * TAB_ROWS,), jnp.float32),
          pltpu.VMEM((TIME,), jnp.int32),
          pltpu.VMEM((TIME,), jnp.int32),
          pltpu.VMEM((TT, BT, 128), jnp.float32),
          pltpu.VMEM((TT, BT, 128), jnp.float32),
          pltpu.VMEM((TT, BT, 128), jnp.float32),
          pltpu.SemaphoreType.DMA,
          pltpu.SemaphoreType.DMA,
          pltpu.SemaphoreType.DMA,
      ],
      compiler_params=pltpu.CompilerParams(needs_layout_passes=False),
  )
  return fn(index_sequence, tab_fmajor)


def kernel(index_sequence, speaker_embedding, tables, is_inference):
  del speaker_embedding, is_inference
  tab_fmajor = jnp.transpose(tables, (0, 2, 1)).reshape(-1)
  out = _run(index_sequence, tab_fmajor)
  return jnp.transpose(out, (0, 2, 4, 1, 3)).reshape(BATCH, TIME, OUT_F)

# --- scband reference (transcript-rebuilt; emitter-appended) ---
"""Pipeline reference for scband-codec-refinement-transformer-23115513987400 (READ-ONLY COPY).

The authoritative reference and input builder live on the scoring server;
editing this copy changes nothing except your own understanding.
"""

import jax, jax.numpy as jnp
import numpy as np

NUM_CODEBOOKS = 4
CODEBOOK_SIZE = 1024
BT_DIM = 8
PADDING_ID = CODEBOOK_SIZE + 5  # 1029
ATT_DIM = 512
BATCH = 64
TIME = 2048


def setup_inputs(seed: int = 0) -> dict:
    key = jax.random.key(seed)
    k1, k2, k3 = jax.random.split(key, 3)
    index_sequence = jax.random.randint(k1, (BATCH, NUM_CODEBOOKS, TIME), 0, CODEBOOK_SIZE, dtype=jnp.int32)
    speaker_embedding = jax.random.normal(k2, (BATCH, ATT_DIM), dtype=jnp.float32)
    # backtranslation_heads: one embedding table per codebook, init N(0, attention_dimension**-0.5)
    tables = jax.random.normal(k3, (NUM_CODEBOOKS, PADDING_ID + 1, BT_DIM), dtype=jnp.float32) * (ATT_DIM ** -0.5)
    # padding_idx row is zeroed (torch.nn.Embedding padding_idx semantics)
    tables = tables.at[:, PADDING_ID, :].set(0.0)
    return {
        "index_sequence": index_sequence,
        "speaker_embedding": speaker_embedding,
        "tables": tables,
        "is_inference": 1,
    }


def reference(index_sequence, speaker_embedding, tables, is_inference):
    # is_inference=True path: no padding fill applied.
    # indexes_per_codebook_to_stacked_embedding_vector:
    #   transpose to [codebook, batch, time], per-codebook embedding lookup, concat on feature dim.
    seq = jnp.transpose(index_sequence, (1, 0, 2))  # [C, B, T]
    parts = []
    for c in range(NUM_CODEBOOKS):
        parts.append(jnp.take(tables[c], seq[c], axis=0))  # [B, T, BT_DIM]
    stacked_embedding_vector = jnp.concatenate(parts, axis=-1)  # [B, T, C*BT_DIM]
    return stacked_embedding_vector

if __name__ == "__main__":
    import jax
    _d = setup_inputs()
    print(jax.jit(kernel)(*tuple(_d.values())))

</pallas_src>

<mosaic_0001>
#map = affine_map<(d0, d1) -> (0, 0, 0)>
#map1 = affine_map<(d0, d1) -> (0)>
#map2 = affine_map<(d0, d1) -> (0, 0, 0, 0, 0)>
module attributes {stable_mosaic.version = 14 : i64} {
  func.func @_body(%arg0: i32, %arg1: i32, %arg2: memref<64x4x2048xi32, #tpu.memory_space<hbm>>, %arg3: memref<32960xf32, #tpu.memory_space<hbm>>, %arg4: memref<64x4x16x8x128xf32, #tpu.memory_space<hbm>>, %arg5: memref<32960xf32, #tpu.memory_space<vmem_shared>>, %arg6: memref<32960xf32, #tpu.memory_space<vmem>>, %arg7: memref<2048xi32, #tpu.memory_space<vmem>>, %arg8: memref<2048xi32, #tpu.memory_space<vmem>>, %arg9: memref<16x8x128xf32, #tpu.memory_space<vmem>>, %arg10: memref<16x8x128xf32, #tpu.memory_space<vmem>>, %arg11: memref<16x8x128xf32, #tpu.memory_space<vmem>>, %arg12: memref<!tpu.dma_semaphore, #tpu.memory_space<semaphore_mem>>, %arg13: memref<!tpu.dma_semaphore, #tpu.memory_space<semaphore_mem>>, %arg14: memref<!tpu.dma_semaphore, #tpu.memory_space<semaphore_mem>>) attributes {dimension_semantics = [#tpu.dimension_semantics<core_parallel>, #tpu.dimension_semantics<subcore_parallel>], iteration_bounds = array<i64: 2, 16>, scalar_prefetch = 0 : i64, scratch_operands = 10 : i64, tpu.core_type = #tpu.core_type<sc_vector_subcore>, window_params = [{transform_indices = #map}, {transform_indices = #map1}, {transform_indices = #map2}]} {
    %mul3A = arith.constant 2 : i32
    %mul3A_0 = arith.muli %arg1, %mul3A : i32
    %add3A = arith.addi %mul3A_0, %arg0 : i32
    %mul3A_1 = arith.constant 2 : i32
    %mul3A_2 = arith.muli %add3A, %mul3A_1 : i32
    %add3A_3 = arith.constant 0 : i32
    %add3A_4 = arith.addi %mul3A_2, %add3A_3 : i32
    %dma_start3A = arith.constant 0 : i32
    %dma_start3A_5 = arith.constant 0 : i32
    %dma_start3A_6 = tpu.memref_slice %arg2[%add3A_4, %dma_start3A, %dma_start3A_5] : memref<64x4x2048xi32, #tpu.memory_space<hbm>> -> memref<1x1x2048xi32, #tpu.memory_space<hbm>>
    %dma_start3A_7 = tpu.memref_squeeze %dma_start3A_6 : memref<1x1x2048xi32, #tpu.memory_space<hbm>> -> memref<2048xi32, #tpu.memory_space<hbm>>
    %dma_start3A_8 = arith.constant 0 : i32
    %dma_start3A_9 = tpu.memref_slice %arg2[%add3A_4, %dma_start3A, %dma_start3A_8] : memref<64x4x2048xi32, #tpu.memory_space<hbm>> -> memref<1x1x2048xi32, #tpu.memory_space<hbm>>
    %dma_start3A_10 = tpu.memref_squeeze %dma_start3A_9 : memref<1x1x2048xi32, #tpu.memory_space<hbm>> -> memref<2048xi32, #tpu.memory_space<hbm>>
    tpu.enqueue_dma source(%dma_start3A_10 : memref<2048xi32, #tpu.memory_space<hbm>>) target(%arg7 : memref<2048xi32, #tpu.memory_space<vmem>>) target_semaphore(%arg13 : memref<!tpu.dma_semaphore, #tpu.memory_space<semaphore_mem>>)
    %add3A_11 = arith.constant 0 : i32
    %add3A_12 = arith.addi %mul3A_2, %add3A_11 : i32
    %dma_start3A_13 = arith.constant 1 : i32
    %dma_start3A_14 = arith.constant 0 : i32
    %dma_start3A_15 = tpu.memref_slice %arg2[%add3A_12, %dma_start3A_13, %dma_start3A_14] : memref<64x4x2048xi32, #tpu.memory_space<hbm>> -> memref<1x1x2048xi32, #tpu.memory_space<hbm>>
    %dma_start3A_16 = tpu.memref_squeeze %dma_start3A_15 : memref<1x1x2048xi32, #tpu.memory_space<hbm>> -> memref<2048xi32, #tpu.memory_space<hbm>>
    %dma_start3A_17 = arith.constant 0 : i32
    %dma_start3A_18 = tpu.memref_slice %arg2[%add3A_12, %dma_start3A_13, %dma_start3A_17] : memref<64x4x2048xi32, #tpu.memory_space<hbm>> -> memref<1x1x2048xi32, #tpu.memory_space<hbm>>
    %dma_start3A_19 = tpu.memref_squeeze %dma_start3A_18 : memref<1x1x2048xi32, #tpu.memory_space<hbm>> -> memref<2048xi32, #tpu.memory_space<hbm>>
    tpu.enqueue_dma source(%dma_start3A_19 : memref<2048xi32, #tpu.memory_space<hbm>>) target(%arg8 : memref<2048xi32, #tpu.memory_space<vmem>>) target_semaphore(%arg13 : memref<!tpu.dma_semaphore, #tpu.memory_space<semaphore_mem>>)
    %eq3A = arith.constant 0 : i32
    %eq3A_20 = arith.cmpi eq, %arg1, %eq3A : i32
    %convert_element_type3A = arith.extui %eq3A_20 : i1 to i32
    %cond3A = arith.constant 0 : i32
    %cond3A_21 = arith.cmpi ne, %convert_element_type3A, %cond3A : i32
    scf.if %cond3A_21 {
      tpu.enqueue_dma source(%arg3 : memref<32960xf32, #tpu.memory_space<hbm>>) target(%arg5 : memref<32960xf32, #tpu.memory_space<vmem_shared>>) target_semaphore(%arg12 : memref<!tpu.dma_semaphore, #tpu.memory_space<semaphore_mem>>)
      tpu.wait_dma2 semaphore(%arg12 : memref<!tpu.dma_semaphore, #tpu.memory_space<semaphore_mem>>) src(%arg3 : memref<32960xf32, #tpu.memory_space<hbm>>) dst(%arg5 : memref<32960xf32, #tpu.memory_space<vmem_shared>>)
    } else {
    }
    %barrier3A = arith.constant 0 : index
    tpu.barrier barrier_id(%barrier3A)
    "tpu.region"() ({
      %run_scoped3A = tpu.sem_alloc : memref<!tpu.dma_semaphore, #tpu.memory_space<semaphore_mem>>
      %dma_start3A_410 = arith.constant 0 : i32
      %dma_start3A_411 = tpu.memref_slice %arg6[%dma_start3A_410] : memref<32960xf32, #tpu.memory_space<vmem>> -> memref<8240xf32, #tpu.memory_space<vmem>>
      %dma_start3A_412 = arith.constant 0 : i32
      %dma_start3A_413 = tpu.memref_slice %arg5[%dma_start3A_412] : memref<32960xf32, #tpu.memory_space<vmem_shared>> -> memref<8240xf32, #tpu.memory_space<vmem_shared>>
      %dma_start3A_414 = arith.constant 0 : i32
      %dma_start3A_415 = tpu.memref_slice %arg6[%dma_start3A_414] : memref<32960xf32, #tpu.memory_space<vmem>> -> memref<8240xf32, #tpu.memory_space<vmem>>
      %dma_start3A_416 = arith.constant 0 : i32
      %dma_start3A_417 = tpu.memref_slice %arg5[%dma_start3A_416] : memref<32960xf32, #tpu.memory_space<vmem_shared>> -> memref<8240xf32, #tpu.memory_space<vmem_shared>>
      tpu.enqueue_dma source(%dma_start3A_417 : memref<8240xf32, #tpu.memory_space<vmem_shared>>) target(%dma_start3A_415 : memref<8240xf32, #tpu.memory_space<vmem>>) target_semaphore(%run_scoped3A : memref<!tpu.dma_semaphore, #tpu.memory_space<semaphore_mem>>)
      %dma_wait3A_418 = arith.constant 0 : i32
      %dma_wait3A_419 = tpu.memref_slice %arg6[%dma_wait3A_418] : memref<32960xf32, #tpu.memory_space<vmem>> -> memref<8240xf32, #tpu.memory_space<vmem>>
      %dma_wait3A_420 = arith.constant 0 : i32
      %dma_wait3A_421 = tpu.memref_slice %arg5[%dma_wait3A_420] : memref<32960xf32, #tpu.memory_space<vmem_shared>> -> memref<8240xf32, #tpu.memory_space<vmem_shared>>
      %dma_wait3A_422 = arith.constant 0 : i32
      %dma_wait3A_423 = tpu.memref_slice %arg6[%dma_wait3A_422] : memref<32960xf32, #tpu.memory_space<vmem>> -> memref<8240xf32, #tpu.memory_space<vmem>>
      %dma_wait3A_424 = arith.constant 0 : i32
      %dma_wait3A_425 = tpu.memref_slice %arg5[%dma_wait3A_424] : memref<32960xf32, #tpu.memory_space<vmem_shared>> -> memref<8240xf32, #tpu.memory_space<vmem_shared>>
      tpu.wait_dma2 semaphore(%run_scoped3A : memref<!tpu.dma_semaphore, #tpu.memory_space<semaphore_mem>>) src(%dma_wait3A_425 : memref<8240xf32, #tpu.memory_space<vmem_shared>>) dst(%dma_wait3A_423 : memref<8240xf32, #tpu.memory_space<vmem>>)
      tpu.yield
    }) : () -> ()
    %dma_start3A_22 = arith.constant 8240 : i32
    %dma_start3A_23 = tpu.memref_slice %arg6[%dma_start3A_22] : memref<32960xf32, #tpu.memory_space<vmem>> -> memref<8240xf32, #tpu.memory_space<vmem>>
    %dma_start3A_24 = arith.constant 8240 : i32
    %dma_start3A_25 = tpu.memref_slice %arg5[%dma_start3A_24] : memref<32960xf32, #tpu.memory_space<vmem_shared>> -> memref<8240xf32, #tpu.memory_space<vmem_shared>>
    %dma_start3A_26 = arith.constant 8240 : i32
    %dma_start3A_27 = tpu.memref_slice %arg6[%dma_start3A_26] : memref<32960xf32, #tpu.memory_space<vmem>> -> memref<8240xf32, #tpu.memory_space<vmem>>
    %dma_start3A_28 = arith.constant 8240 : i32
    %dma_start3A_29 = tpu.memref_slice %arg5[%dma_start3A_28] : memref<32960xf32, #tpu.memory_space<vmem_shared>> -> memref<8240xf32, #tpu.memory_space<vmem_shared>>
    tpu.enqueue_dma source(%dma_start3A_29 : memref<8240xf32, #tpu.memory_space<vmem_shared>>) target(%dma_start3A_27 : memref<8240xf32, #tpu.memory_space<vmem>>) target_semaphore(%arg12 : memref<!tpu.dma_semaphore, #tpu.memory_space<semaphore_mem>>)
    %dma_start3A_30 = arith.constant 16480 : i32
    %dma_start3A_31 = tpu.memref_slice %arg6[%dma_start3A_30] : memref<32960xf32, #tpu.memory_space<vmem>> -> memref<8240xf32, #tpu.memory_space<vmem>>
    %dma_start3A_32 = arith.constant 16480 : i32
    %dma_start3A_33 = tpu.memref_slice %arg5[%dma_start3A_32] : memref<32960xf32, #tpu.memory_space<vmem_shared>> -> memref<8240xf32, #tpu.memory_space<vmem_shared>>
    %dma_start3A_34 = arith.constant 16480 : i32
    %dma_start3A_35 = tpu.memref_slice %arg6[%dma_start3A_34] : memref<32960xf32, #tpu.memory_space<vmem>> -> memref<8240xf32, #tpu.memory_space<vmem>>
    %dma_start3A_36 = arith.constant 16480 : i32
    %dma_start3A_37 = tpu.memref_slice %arg5[%dma_start3A_36] : memref<32960xf32, #tpu.memory_space<vmem_shared>> -> memref<8240xf32, #tpu.memory_space<vmem_shared>>
    tpu.enqueue_dma source(%dma_start3A_37 : memref<8240xf32, #tpu.memory_space<vmem_shared>>) target(%dma_start3A_35 : memref<8240xf32, #tpu.memory_space<vmem>>) target_semaphore(%arg12 : memref<!tpu.dma_semaphore, #tpu.memory_space<semaphore_mem>>)
    %dma_start3A_38 = arith.constant 24720 : i32
    %dma_start3A_39 = tpu.memref_slice %arg6[%dma_start3A_38] : memref<32960xf32, #tpu.memory_space<vmem>> -> memref<8240xf32, #tpu.memory_space<vmem>>
    %dma_start3A_40 = arith.constant 24720 : i32
    %dma_start3A_41 = tpu.memref_slice %arg5[%dma_start3A_40] : memref<32960xf32, #tpu.memory_space<vmem_shared>> -> memref<8240xf32, #tpu.memory_space<vmem_shared>>
    %dma_start3A_42 = arith.constant 24720 : i32
    %dma_start3A_43 = tpu.memref_slice %arg6[%dma_start3A_42] : memref<32960xf32, #tpu.memory_space<vmem>> -> memref<8240xf32, #tpu.memory_space<vmem>>
    %dma_start3A_44 = arith.constant 24720 : i32
    %dma_start3A_45 = tpu.memref_slice %arg5[%dma_start3A_44] : memref<32960xf32, #tpu.memory_space<vmem_shared>> -> memref<8240xf32, #tpu.memory_space<vmem_shared>>
    tpu.enqueue_dma source(%dma_start3A_45 : memref<8240xf32, #tpu.memory_space<vmem_shared>>) target(%dma_start3A_43 : memref<8240xf32, #tpu.memory_space<vmem>>) target_semaphore(%arg12 : memref<!tpu.dma_semaphore, #tpu.memory_space<semaphore_mem>>)
    %dma_wait3A = arith.constant 0 : i32
    %dma_wait3A_46 = arith.constant 0 : i32
    %dma_wait3A_47 = tpu.memref_slice %arg2[%add3A_4, %dma_wait3A, %dma_wait3A_46] : memref<64x4x2048xi32, #tpu.memory_space<hbm>> -> memref<1x1x2048xi32, #tpu.memory_space<hbm>>
    %dma_wait3A_48 = tpu.memref_squeeze %dma_wait3A_47 : memref<1x1x2048xi32, #tpu.memory_space<hbm>> -> memref<2048xi32, #tpu.memory_space<hbm>>
    %dma_wait3A_49 = arith.constant 0 : i32
    %dma_wait3A_50 = tpu.memref_slice %arg2[%add3A_4, %dma_wait3A, %dma_wait3A_49] : memref<64x4x2048xi32, #tpu.memory_space<hbm>> -> memref<1x1x2048xi32, #tpu.memory_space<hbm>>
    %dma_wait3A_51 = tpu.memref_squeeze %dma_wait3A_50 : memref<1x1x2048xi32, #tpu.memory_space<hbm>> -> memref<2048xi32, #tpu.memory_space<hbm>>
    tpu.wait_dma2 semaphore(%arg13 : memref<!tpu.dma_semaphore, #tpu.memory_space<semaphore_mem>>) src(%dma_wait3A_51 : memref<2048xi32, #tpu.memory_space<hbm>>) dst(%arg7 : memref<2048xi32, #tpu.memory_space<vmem>>)
    %add3A_52 = arith.constant 0 : i32
    %add3A_53 = arith.addi %mul3A_2, %add3A_52 : i32
    %parallel_loop3A = arith.constant 0 : i32
    %parallel_loop3A_54 = arith.constant 128 : i32
    %parallel_loop3A_55 = arith.constant 1 : i32
    scf.for %parallel_loop3A_410 = %parallel_loop3A to %parallel_loop3A_54 step %parallel_loop3A_55  : i32 {
      %parallel_loop3A_411 = arith.constant 16 : i32
      %parallel_loop3A_412 = arith.muli %parallel_loop3A_410, %parallel_loop3A_411 : i32
      %parallel_loop3A_413 = tpu.assume_multiple %parallel_loop3A_412, 16 : i32
      %parallel_loop3A_414 = arith.constant 8 : i32
      %parallel_loop3A_415 = arith.divsi %parallel_loop3A_410, %parallel_loop3A_414 : i32
      %parallel_loop3A_416 = arith.constant 0 : i32
      %parallel_loop3A_417 = arith.cmpi sgt, %parallel_loop3A_410, %parallel_loop3A_416 : i32
      %parallel_loop3A_418 = arith.extui %parallel_loop3A_417 : i1 to i32
      %parallel_loop3A_419 = arith.constant 0 : i32
      %parallel_loop3A_420 = arith.cmpi slt, %parallel_loop3A_410, %parallel_loop3A_419 : i32
      %parallel_loop3A_421 = arith.extui %parallel_loop3A_420 : i1 to i32
      %parallel_loop3A_422 = arith.subi %parallel_loop3A_418, %parallel_loop3A_421 : i32
      %parallel_loop3A_423 = arith.constant 0 : i32
      %parallel_loop3A_424 = arith.cmpi sgt, %parallel_loop3A_414, %parallel_loop3A_423 : i32
      %parallel_loop3A_425 = arith.extui %parallel_loop3A_424 : i1 to i32
      %parallel_loop3A_426 = arith.constant 0 : i32
      %parallel_loop3A_427 = arith.cmpi slt, %parallel_loop3A_414, %parallel_loop3A_426 : i32
      %parallel_loop3A_428 = arith.extui %parallel_loop3A_427 : i1 to i32
      %parallel_loop3A_429 = arith.subi %parallel_loop3A_425, %parallel_loop3A_428 : i32
      %parallel_loop3A_430 = arith.cmpi ne, %parallel_loop3A_422, %parallel_loop3A_429 : i32
      %parallel_loop3A_431 = arith.remsi %parallel_loop3A_410, %parallel_loop3A_414 : i32
      %parallel_loop3A_432 = arith.constant 0 : i32
      %parallel_loop3A_433 = arith.cmpi ne, %parallel_loop3A_431, %parallel_loop3A_432 : i32
      %parallel_loop3A_434 = arith.andi %parallel_loop3A_430, %parallel_loop3A_433 : i1
      %parallel_loop3A_435 = arith.constant 1 : i32
      %parallel_loop3A_436 = arith.subi %parallel_loop3A_415, %parallel_loop3A_435 : i32
      %parallel_loop3A_437 = arith.select %parallel_loop3A_434, %parallel_loop3A_436, %parallel_loop3A_415 : i32
      %parallel_loop3A_438 = arith.constant 8 : i32
      %parallel_loop3A_439 = arith.constant 0 : i32
      %parallel_loop3A_440 = arith.cmpi eq, %parallel_loop3A_438, %parallel_loop3A_439 : i32
      %parallel_loop3A_441 = arith.constant 1 : i32
      %parallel_loop3A_442 = arith.select %parallel_loop3A_440, %parallel_loop3A_441, %parallel_loop3A_438 : i32
      %parallel_loop3A_443 = arith.remsi %parallel_loop3A_410, %parallel_loop3A_442 : i32
      %parallel_loop3A_444 = arith.constant 0 : i32
      %parallel_loop3A_445 = arith.cmpi ne, %parallel_loop3A_443, %parallel_loop3A_444 : i32
      %parallel_loop3A_446 = arith.constant 0 : i32
      %parallel_loop3A_447 = arith.cmpi slt, %parallel_loop3A_443, %parallel_loop3A_446 : i32
      %parallel_loop3A_448 = arith.constant 0 : i32
      %parallel_loop3A_449 = arith.cmpi slt, %parallel_loop3A_442, %parallel_loop3A_448 : i32
      %parallel_loop3A_450 = arith.xori %parallel_loop3A_447, %parallel_loop3A_449 : i1
      %parallel_loop3A_451 = arith.andi %parallel_loop3A_450, %parallel_loop3A_445 : i1
      %parallel_loop3A_452 = arith.addi %parallel_loop3A_443, %parallel_loop3A_442 : i32
      %parallel_loop3A_453 = arith.select %parallel_loop3A_451, %parallel_loop3A_452, %parallel_loop3A_443 : i32
      %parallel_loop3A_454 = arith.constant 16 : i32
      %parallel_loop3A_455 = arith.muli %parallel_loop3A_453, %parallel_loop3A_454 : i32
      %parallel_loop3A_456 = tpu.assume_multiple %parallel_loop3A_455, 16 : i32
      %parallel_loop3A_457 = arith.index_cast %parallel_loop3A_413 : i32 to index
      %parallel_loop3A_458 = tpu.vector_load %arg7[%parallel_loop3A_457] {strides = array<i32>} : memref<2048xi32, #tpu.memory_space<vmem>>, vector<16xi32>,
      %parallel_loop3A_459 = arith.constant 0 : i32
      %parallel_loop3A_460 = vector.broadcast %parallel_loop3A_459 : i32 to vector<16xi32>
      %parallel_loop3A_461 = arith.addi %parallel_loop3A_458, %parallel_loop3A_460 : vector<16xi32>
      %parallel_loop3A_462 = arith.constant 0 : i32
      %parallel_loop3A_463 = vector.broadcast %parallel_loop3A_462 : i32 to vector<16xi32>
      %parallel_loop3A_464 = arith.addi %parallel_loop3A_461, %parallel_loop3A_463 : vector<16xi32>
      %parallel_loop3A_465 = tpu.vector_load_idx %arg6[%parallel_loop3A_464] : memref<32960xf32, #tpu.memory_space<vmem>>[vector<16xi32>], vector<16xf32>,
      %parallel_loop3A_466 = arith.constant 0 : i32
      %parallel_loop3A_467 = arith.index_cast %parallel_loop3A_437 : i32 to index
      %parallel_loop3A_468 = arith.index_cast %parallel_loop3A_466 : i32 to index
      %parallel_loop3A_469 = arith.index_cast %parallel_loop3A_456 : i32 to index
      %parallel_loop3A_470 = tpu.vector_load %arg9[%parallel_loop3A_467, %parallel_loop3A_468, %parallel_loop3A_469] {strides = array<i32>} : memref<16x8x128xf32, #tpu.memory_space<vmem>>, vector<16xf32>,
      tpu.vector_store %arg9[%parallel_loop3A_467, %parallel_loop3A_468, %parallel_loop3A_469], %parallel_loop3A_465 {strides = array<i32>} : memref<16x8x128xf32, #tpu.memory_space<vmem>>, vector<16xf32>,
      %parallel_loop3A_471 = arith.constant 1030 : i32
      %parallel_loop3A_472 = vector.broadcast %parallel_loop3A_471 : i32 to vector<16xi32>
      %parallel_loop3A_473 = arith.addi %parallel_loop3A_461, %parallel_loop3A_472 : vector<16xi32>
      %parallel_loop3A_474 = tpu.vector_load_idx %arg6[%parallel_loop3A_473] : memref<32960xf32, #tpu.memory_space<vmem>>[vector<16xi32>], vector<16xf32>,
      %parallel_loop3A_475 = arith.constant 1 : i32
      %parallel_loop3A_476 = arith.index_cast %parallel_loop3A_437 : i32 to index
      %parallel_loop3A_477 = arith.index_cast %parallel_loop3A_475 : i32 to index
      %parallel_loop3A_478 = arith.index_cast %parallel_loop3A_456 : i32 to index
      %parallel_loop3A_479 = tpu.vector_load %arg9[%parallel_loop3A_476, %parallel_loop3A_477, %parallel_loop3A_478] {strides = array<i32>} : memref<16x8x128xf32, #tpu.memory_space<vmem>>, vector<16xf32>,
      tpu.vector_store %arg9[%parallel_loop3A_476, %parallel_loop3A_477, %parallel_loop3A_478], %parallel_loop3A_474 {strides = array<i32>} : memref<16x8x128xf32, #tpu.memory_space<vmem>>, vector<16xf32>,
      %parallel_loop3A_480 = arith.constant 2060 : i32
      %parallel_loop3A_481 = vector.broadcast %parallel_loop3A_480 : i32 to vector<16xi32>
      %parallel_loop3A_482 = arith.addi %parallel_loop3A_461, %parallel_loop3A_481 : vector<16xi32>
      %parallel_loop3A_483 = tpu.vector_load_idx %arg6[%parallel_loop3A_482] : memref<32960xf32, #tpu.memory_space<vmem>>[vector<16xi32>], vector<16xf32>,
      %parallel_loop3A_484 = arith.constant 2 : i32
      %parallel_loop3A_485 = arith.index_cast %parallel_loop3A_437 : i32 to index
      %parallel_loop3A_486 = arith.index_cast %parallel_loop3A_484 : i32 to index
      %parallel_loop3A_487 = arith.index_cast %parallel_loop3A_456 : i32 to index
      %parallel_loop3A_488 = tpu.vector_load %arg9[%parallel_loop3A_485, %parallel_loop3A_486, %parallel_loop3A_487] {strides = array<i32>} : memref<16x8x128xf32, #tpu.memory_space<vmem>>, vector<16xf32>,
      tpu.vector_store %arg9[%parallel_loop3A_485, %parallel_loop3A_486, %parallel_loop3A_487], %parallel_loop3A_483 {strides = array<i32>} : memref<16x8x128xf32, #tpu.memory_space<vmem>>, vector<16xf32>,
      %parallel_loop3A_489 = arith.constant 3090 : i32
      %parallel_loop3A_490 = vector.broadcast %parallel_loop3A_489 : i32 to vector<16xi32>
      %parallel_loop3A_491 = arith.addi %parallel_loop3A_461, %parallel_loop3A_490 : vector<16xi32>
      %parallel_loop3A_492 = tpu.vector_load_idx %arg6[%parallel_loop3A_491] : memref<32960xf32, #tpu.memory_space<vmem>>[vector<16xi32>], vector<16xf32>,
      %parallel_loop3A_493 = arith.constant 3 : i32
      %parallel_loop3A_494 = arith.index_cast %parallel_loop3A_437 : i32 to index
      %parallel_loop3A_495 = arith.index_cast %parallel_loop3A_493 : i32 to index
      %parallel_loop3A_496 = arith.index_cast %parallel_loop3A_456 : i32 to index
      %parallel_loop3A_497 = tpu.vector_load %arg9[%parallel_loop3A_494, %parallel_loop3A_495, %parallel_loop3A_496] {strides = array<i32>} : memref<16x8x128xf32, #tpu.memory_space<vmem>>, vector<16xf32>,
      tpu.vector_store %arg9[%parallel_loop3A_494, %parallel_loop3A_495, %parallel_loop3A_496], %parallel_loop3A_492 {strides = array<i32>} : memref<16x8x128xf32, #tpu.memory_space<vmem>>, vector<16xf32>,
      %parallel_loop3A_498 = arith.constant 4120 : i32
      %parallel_loop3A_499 = vector.broadcast %parallel_loop3A_498 : i32 to vector<16xi32>
      %parallel_loop3A_500 = arith.addi %parallel_loop3A_461, %parallel_loop3A_499 : vector<16xi32>
      %parallel_loop3A_501 = tpu.vector_load_idx %arg6[%parallel_loop3A_500] : memref<32960xf32, #tpu.memory_space<vmem>>[vector<16xi32>], vector<16xf32>,
      %parallel_loop3A_502 = arith.constant 4 : i32
      %parallel_loop3A_503 = arith.index_cast %parallel_loop3A_437 : i32 to index
      %parallel_loop3A_504 = arith.index_cast %parallel_loop3A_502 : i32 to index
      %parallel_loop3A_505 = arith.index_cast %parallel_loop3A_456 : i32 to index
      %parallel_loop3A_506 = tpu.vector_load %arg9[%parallel_loop3A_503, %parallel_loop3A_504, %parallel_loop3A_505] {strides = array<i32>} : memref<16x8x128xf32, #tpu.memory_space<vmem>>, vector<16xf32>,
      tpu.vector_store %arg9[%parallel_loop3A_503, %parallel_loop3A_504, %parallel_loop3A_505], %parallel_loop3A_501 {strides = array<i32>} : memref<16x8x128xf32, #tpu.memory_space<vmem>>, vector<16xf32>,
      %parallel_loop3A_507 = arith.constant 5150 : i32
      %parallel_loop3A_508 = vector.broadcast %parallel_loop3A_507 : i32 to vector<16xi32>
      %parallel_loop3A_509 = arith.addi %parallel_loop3A_461, %parallel_loop3A_508 : vector<16xi32>
      %parallel_loop3A_510 = tpu.vector_load_idx %arg6[%parallel_loop3A_509] : memref<32960xf32, #tpu.memory_space<vmem>>[vector<16xi32>], vector<16xf32>,
      %parallel_loop3A_511 = arith.constant 5 : i32
      %parallel_loop3A_512 = arith.index_cast %parallel_loop3A_437 : i32 to index
      %parallel_loop3A_513 = arith.index_cast %parallel_loop3A_511 : i32 to index
      %parallel_loop3A_514 = arith.index_cast %parallel_loop3A_456 : i32 to index
      %parallel_loop3A_515 = tpu.vector_load %arg9[%parallel_loop3A_512, %parallel_loop3A_513, %parallel_loop3A_514] {strides = array<i32>} : memref<16x8x128xf32, #tpu.memory_space<vmem>>, vector<16xf32>,
      tpu.vector_store %arg9[%parallel_loop3A_512, %parallel_loop3A_513, %parallel_loop3A_514], %parallel_loop3A_510 {strides = array<i32>} : memref<16x8x128xf32, #tpu.memory_space<vmem>>, vector<16xf32>,
      %parallel_loop3A_516 = arith.constant 6180 : i32
      %parallel_loop3A_517 = vector.broadcast %parallel_loop3A_516 : i32 to vector<16xi32>
      %parallel_loop3A_518 = arith.addi %parallel_loop3A_461, %parallel_loop3A_517 : vector<16xi32>
      %parallel_loop3A_519 = tpu.vector_load_idx %arg6[%parallel_loop3A_518] : memref<32960xf32, #tpu.memory_space<vmem>>[vector<16xi32>], vector<16xf32>,
      %parallel_loop3A_520 = arith.constant 6 : i32
      %parallel_loop3A_521 = arith.index_cast %parallel_loop3A_437 : i32 to index
      %parallel_loop3A_522 = arith.index_cast %parallel_loop3A_520 : i32 to index
      %parallel_loop3A_523 = arith.index_cast %parallel_loop3A_456 : i32 to index
      %parallel_loop3A_524 = tpu.vector_load %arg9[%parallel_loop3A_521, %parallel_loop3A_522, %parallel_loop3A_523] {strides = array<i32>} : memref<16x8x128xf32, #tpu.memory_space<vmem>>, vector<16xf32>,
      tpu.vector_store %arg9[%parallel_loop3A_521, %parallel_loop3A_522, %parallel_loop3A_523], %parallel_loop3A_519 {strides = array<i32>} : memref<16x8x128xf32, #tpu.memory_space<vmem>>, vector<16xf32>,
      %parallel_loop3A_525 = arith.constant 7210 : i32
      %parallel_loop3A_526 = vector.broadcast %parallel_loop3A_525 : i32 to vector<16xi32>
      %parallel_loop3A_527 = arith.addi %parallel_loop3A_461, %parallel_loop3A_526 : vector<16xi32>
      %parallel_loop3A_528 = tpu.vector_load_idx %arg6[%parallel_loop3A_527] : memref<32960xf32, #tpu.memory_space<vmem>>[vector<16xi32>], vector<16xf32>,
      %parallel_loop3A_529 = arith.constant 7 : i32
      %parallel_loop3A_530 = arith.index_cast %parallel_loop3A_437 : i32 to index
      %parallel_loop3A_531 = arith.index_cast %parallel_loop3A_529 : i32 to index
      %parallel_loop3A_532 = arith.index_cast %parallel_loop3A_456 : i32 to index
      %parallel_loop3A_533 = tpu.vector_load %arg9[%parallel_loop3A_530, %parallel_loop3A_531, %parallel_loop3A_532] {strides = array<i32>} : memref<16x8x128xf32, #tpu.memory_space<vmem>>, vector<16xf32>,
      tpu.vector_store %arg9[%parallel_loop3A_530, %parallel_loop3A_531, %parallel_loop3A_532], %parallel_loop3A_528 {strides = array<i32>} : memref<16x8x128xf32, #tpu.memory_space<vmem>>, vector<16xf32>,
    } {sc.loop_unroll_factor = 8 : i64, sc.parallel_access}
    %add3A_56 = arith.constant 0 : i32
    %add3A_57 = arith.addi %mul3A_2, %add3A_56 : i32
    %dma_start3A_58 = arith.constant 2 : i32
    %dma_start3A_59 = arith.constant 0 : i32
    %dma_start3A_60 = tpu.memref_slice %arg2[%add3A_57, %dma_start3A_58, %dma_start3A_59] : memref<64x4x2048xi32, #tpu.memory_space<hbm>> -> memref<1x1x2048xi32, #tpu.memory_space<hbm>>
    %dma_start3A_61 = tpu.memref_squeeze %dma_start3A_60 : memref<1x1x2048xi32, #tpu.memory_space<hbm>> -> memref<2048xi32, #tpu.memory_space<hbm>>
    %dma_start3A_62 = arith.constant 0 : i32
    %dma_start3A_63 = tpu.memref_slice %arg2[%add3A_57, %dma_start3A_58, %dma_start3A_62] : memref<64x4x2048xi32, #tpu.memory_space<hbm>> -> memref<1x1x2048xi32, #tpu.memory_space<hbm>>
    %dma_start3A_64 = tpu.memref_squeeze %dma_start3A_63 : memref<1x1x2048xi32, #tpu.memory_space<hbm>> -> memref<2048xi32, #tpu.memory_space<hbm>>
    tpu.enqueue_dma source(%dma_start3A_64 : memref<2048xi32, #tpu.memory_space<hbm>>) target(%arg7 : memref<2048xi32, #tpu.memory_space<vmem>>) target_semaphore(%arg13 : memref<!tpu.dma_semaphore, #tpu.memory_space<semaphore_mem>>)
    %add3A_65 = arith.constant 0 : i32
    %add3A_66 = arith.addi %mul3A_2, %add3A_65 : i32
    %dma_start3A_67 = arith.constant 0 : i32
    %dma_start3A_68 = arith.constant 0 : i32
    %dma_start3A_69 = arith.constant 0 : i32
    %dma_start3A_70 = arith.constant 0 : i32
    %dma_start3A_71 = tpu.memref_slice %arg4[%add3A_66, %dma_start3A_67, %dma_start3A_68, %dma_start3A_69, %dma_start3A_70] : memref<64x4x16x8x128xf32, #tpu.memory_space<hbm>> -> memref<1x1x16x8x128xf32, #tpu.memory_space<hbm>>
    %dma_start3A_72 = tpu.memref_squeeze %dma_start3A_71 : memref<1x1x16x8x128xf32, #tpu.memory_space<hbm>> -> memref<16x8x128xf32, #tpu.memory_space<hbm>>
    %dma_start3A_73 = arith.constant 0 : i32
    %dma_start3A_74 = arith.constant 0 : i32
    %dma_start3A_75 = arith.constant 0 : i32
    %dma_start3A_76 = tpu.memref_slice %arg4[%add3A_66, %dma_start3A_67, %dma_start3A_73, %dma_start3A_74, %dma_start3A_75] : memref<64x4x16x8x128xf32, #tpu.memory_space<hbm>> -> memref<1x1x16x8x128xf32, #tpu.memory_space<hbm>>
    %dma_start3A_77 = tpu.memref_squeeze %dma_start3A_76 : memref<1x1x16x8x128xf32, #tpu.memory_space<hbm>> -> memref<16x8x128xf32, #tpu.memory_space<hbm>>
    tpu.enqueue_dma source(%arg9 : memref<16x8x128xf32, #tpu.memory_space<vmem>>) target(%dma_start3A_77 : memref<16x8x128xf32, #tpu.memory_space<hbm>>) target_semaphore(%arg14 : memref<!tpu.dma_semaphore, #tpu.memory_space<semaphore_mem>>)
    %dma_wait3A_78 = arith.constant 1 : i32
    %dma_wait3A_79 = arith.constant 0 : i32
    %dma_wait3A_80 = tpu.memref_slice %arg2[%add3A_12, %dma_wait3A_78, %dma_wait3A_79] : memref<64x4x2048xi32, #tpu.memory_space<hbm>> -> memref<1x1x2048xi32, #tpu.memory_space<hbm>>
    %dma_wait3A_81 = tpu.memref_squeeze %dma_wait3A_80 : memref<1x1x2048xi32, #tpu.memory_space<hbm>> -> memref<2048xi32, #tpu.memory_space<hbm>>
    %dma_wait3A_82 = arith.constant 0 : i32
    %dma_wait3A_83 = tpu.memref_slice %arg2[%add3A_12, %dma_wait3A_78, %dma_wait3A_82] : memref<64x4x2048xi32, #tpu.memory_space<hbm>> -> memref<1x1x2048xi32, #tpu.memory_space<hbm>>
    %dma_wait3A_84 = tpu.memref_squeeze %dma_wait3A_83 : memref<1x1x2048xi32, #tpu.memory_space<hbm>> -> memref<2048xi32, #tpu.memory_space<hbm>>
    tpu.wait_dma2 semaphore(%arg13 : memref<!tpu.dma_semaphore, #tpu.memory_space<semaphore_mem>>) src(%dma_wait3A_84 : memref<2048xi32, #tpu.memory_space<hbm>>) dst(%arg8 : memref<2048xi32, #tpu.memory_space<vmem>>)
    %add3A_85 = arith.constant 0 : i32
    %add3A_86 = arith.addi %mul3A_2, %add3A_85 : i32
    %dma_wait3A_87 = arith.constant 8240 : i32
    %dma_wait3A_88 = tpu.memref_slice %arg6[%dma_wait3A_87] : memref<32960xf32, #tpu.memory_space<vmem>> -> memref<8240xf32, #tpu.memory_space<vmem>>
    %dma_wait3A_89 = arith.constant 8240 : i32
    %dma_wait3A_90 = tpu.memref_slice %arg5[%dma_wait3A_89] : memref<32960xf32, #tpu.memory_space<vmem_shared>> -> memref<8240xf32, #tpu.memory_space<vmem_shared>>
    %dma_wait3A_91 = arith.constant 8240 : i32
    %dma_wait3A_92 = tpu.memref_slice %arg6[%dma_wait3A_91] : memref<32960xf32, #tpu.memory_space<vmem>> -> memref<8240xf32, #tpu.memory_space<vmem>>
    %dma_wait3A_93 = arith.constant 8240 : i32
    %dma_wait3A_94 = tpu.memref_slice %arg5[%dma_wait3A_93] : memref<32960xf32, #tpu.memory_space<vmem_shared>> -> memref<8240xf32, #tpu.memory_space<vmem_shared>>
    tpu.wait_dma2 semaphore(%arg12 : memref<!tpu.dma_semaphore, #tpu.memory_space<semaphore_mem>>) src(%dma_wait3A_94 : memref<8240xf32, #tpu.memory_space<vmem_shared>>) dst(%dma_wait3A_92 : memref<8240xf32, #tpu.memory_space<vmem>>)
    %parallel_loop3A_95 = arith.constant 0 : i32
    %parallel_loop3A_96 = arith.constant 128 : i32
    %parallel_loop3A_97 = arith.constant 1 : i32
    scf.for %parallel_loop3A_410 = %parallel_loop3A_95 to %parallel_loop3A_96 step %parallel_loop3A_97  : i32 {
      %parallel_loop3A_411 = arith.constant 16 : i32
      %parallel_loop3A_412 = arith.muli %parallel_loop3A_410, %parallel_loop3A_411 : i32
      %parallel_loop3A_413 = tpu.assume_multiple %parallel_loop3A_412, 16 : i32
      %parallel_loop3A_414 = arith.constant 8 : i32
      %parallel_loop3A_415 = arith.divsi %parallel_loop3A_410, %parallel_loop3A_414 : i32
      %parallel_loop3A_416 = arith.constant 0 : i32
      %parallel_loop3A_417 = arith.cmpi sgt, %parallel_loop3A_410, %parallel_loop3A_416 : i32
      %parallel_loop3A_418 = arith.extui %parallel_loop3A_417 : i1 to i32
      %parallel_loop3A_419 = arith.constant 0 : i32
      %parallel_loop3A_420 = arith.cmpi slt, %parallel_loop3A_410, %parallel_loop3A_419 : i32
      %parallel_loop3A_421 = arith.extui %parallel_loop3A_420 : i1 to i32
      %parallel_loop3A_422 = arith.subi %parallel_loop3A_418, %parallel_loop3A_421 : i32
      %parallel_loop3A_423 = arith.constant 0 : i32
      %parallel_loop3A_424 = arith.cmpi sgt, %parallel_loop3A_414, %parallel_loop3A_423 : i32
      %parallel_loop3A_425 = arith.extui %parallel_loop3A_424 : i1 to i32
      %parallel_loop3A_426 = arith.constant 0 : i32
      %parallel_loop3A_427 = arith.cmpi slt, %parallel_loop3A_414, %parallel_loop3A_426 : i32
      %parallel_loop3A_428 = arith.extui %parallel_loop3A_427 : i1 to i32
      %parallel_loop3A_429 = arith.subi %parallel_loop3A_425, %parallel_loop3A_428 : i32
      %parallel_loop3A_430 = arith.cmpi ne, %parallel_loop3A_422, %parallel_loop3A_429 : i32
      %parallel_loop3A_431 = arith.remsi %parallel_loop3A_410, %parallel_loop3A_414 : i32
      %parallel_loop3A_432 = arith.constant 0 : i32
      %parallel_loop3A_433 = arith.cmpi ne, %parallel_loop3A_431, %parallel_loop3A_432 : i32
      %parallel_loop3A_434 = arith.andi %parallel_loop3A_430, %parallel_loop3A_433 : i1
      %parallel_loop3A_435 = arith.constant 1 : i32
      %parallel_loop3A_436 = arith.subi %parallel_loop3A_415, %parallel_loop3A_435 : i32
      %parallel_loop3A_437 = arith.select %parallel_loop3A_434, %parallel_loop3A_436, %parallel_loop3A_415 : i32
      %parallel_loop3A_438 = arith.constant 8 : i32
      %parallel_loop3A_439 = arith.constant 0 : i32
      %parallel_loop3A_440 = arith.cmpi eq, %parallel_loop3A_438, %parallel_loop3A_439 : i32
      %parallel_loop3A_441 = arith.constant 1 : i32
      %parallel_loop3A_442 = arith.select %parallel_loop3A_440, %parallel_loop3A_441, %parallel_loop3A_438 : i32
      %parallel_loop3A_443 = arith.remsi %parallel_loop3A_410, %parallel_loop3A_442 : i32
      %parallel_loop3A_444 = arith.constant 0 : i32
      %parallel_loop3A_445 = arith.cmpi ne, %parallel_loop3A_443, %parallel_loop3A_444 : i32
      %parallel_loop3A_446 = arith.constant 0 : i32
      %parallel_loop3A_447 = arith.cmpi slt, %parallel_loop3A_443, %parallel_loop3A_446 : i32
      %parallel_loop3A_448 = arith.constant 0 : i32
      %parallel_loop3A_449 = arith.cmpi slt, %parallel_loop3A_442, %parallel_loop3A_448 : i32
      %parallel_loop3A_450 = arith.xori %parallel_loop3A_447, %parallel_loop3A_449 : i1
      %parallel_loop3A_451 = arith.andi %parallel_loop3A_450, %parallel_loop3A_445 : i1
      %parallel_loop3A_452 = arith.addi %parallel_loop3A_443, %parallel_loop3A_442 : i32
      %parallel_loop3A_453 = arith.select %parallel_loop3A_451, %parallel_loop3A_452, %parallel_loop3A_443 : i32
      %parallel_loop3A_454 = arith.constant 16 : i32
      %parallel_loop3A_455 = arith.muli %parallel_loop3A_453, %parallel_loop3A_454 : i32
      %parallel_loop3A_456 = tpu.assume_multiple %parallel_loop3A_455, 16 : i32
      %parallel_loop3A_457 = arith.index_cast %parallel_loop3A_413 : i32 to index
      %parallel_loop3A_458 = tpu.vector_load %arg8[%parallel_loop3A_457] {strides = array<i32>} : memref<2048xi32, #tpu.memory_space<vmem>>, vector<16xi32>,
      %parallel_loop3A_459 = arith.constant 8240 : i32
      %parallel_loop3A_460 = vector.broadcast %parallel_loop3A_459 : i32 to vector<16xi32>
      %parallel_loop3A_461 = arith.addi %parallel_loop3A_458, %parallel_loop3A_460 : vector<16xi32>
      %parallel_loop3A_462 = arith.constant 0 : i32
      %parallel_loop3A_463 = vector.broadcast %parallel_loop3A_462 : i32 to vector<16xi32>
      %parallel_loop3A_464 = arith.addi %parallel_loop3A_461, %parallel_loop3A_463 : vector<16xi32>
      %parallel_loop3A_465 = tpu.vector_load_idx %arg6[%parallel_loop3A_464] : memref<32960xf32, #tpu.memory_space<vmem>>[vector<16xi32>], vector<16xf32>,
      %parallel_loop3A_466 = arith.constant 0 : i32
      %parallel_loop3A_467 = arith.index_cast %parallel_loop3A_437 : i32 to index
      %parallel_loop3A_468 = arith.index_cast %parallel_loop3A_466 : i32 to index
      %parallel_loop3A_469 = arith.index_cast %parallel_loop3A_456 : i32 to index
      %parallel_loop3A_470 = tpu.vector_load %arg10[%parallel_loop3A_467, %parallel_loop3A_468, %parallel_loop3A_469] {strides = array<i32>} : memref<16x8x128xf32, #tpu.memory_space<vmem>>, vector<16xf32>,
      tpu.vector_store %arg10[%parallel_loop3A_467, %parallel_loop3A_468, %parallel_loop3A_469], %parallel_loop3A_465 {strides = array<i32>} : memref<16x8x128xf32, #tpu.memory_space<vmem>>, vector<16xf32>,
      %parallel_loop3A_471 = arith.constant 1030 : i32
      %parallel_loop3A_472 = vector.broadcast %parallel_loop3A_471 : i32 to vector<16xi32>
      %parallel_loop3A_473 = arith.addi %parallel_loop3A_461, %parallel_loop3A_472 : vector<16xi32>
      %parallel_loop3A_474 = tpu.vector_load_idx %arg6[%parallel_loop3A_473] : memref<32960xf32, #tpu.memory_space<vmem>>[vector<16xi32>], vector<16xf32>,
      %parallel_loop3A_475 = arith.constant 1 : i32
      %parallel_loop3A_476 = arith.index_cast %parallel_loop3A_437 : i32 to index
      %parallel_loop3A_477 = arith.index_cast %parallel_loop3A_475 : i32 to index
      %parallel_loop3A_478 = arith.index_cast %parallel_loop3A_456 : i32 to index
      %parallel_loop3A_479 = tpu.vector_load %arg10[%parallel_loop3A_476, %parallel_loop3A_477, %parallel_loop3A_478] {strides = array<i32>} : memref<16x8x128xf32, #tpu.memory_space<vmem>>, vector<16xf32>,
      tpu.vector_store %arg10[%parallel_loop3A_476, %parallel_loop3A_477, %parallel_loop3A_478], %parallel_loop3A_474 {strides = array<i32>} : memref<16x8x128xf32, #tpu.memory_space<vmem>>, vector<16xf32>,
      %parallel_loop3A_480 = arith.constant 2060 : i32
      %parallel_loop3A_481 = vector.broadcast %parallel_loop3A_480 : i32 to vector<16xi32>
      %parallel_loop3A_482 = arith.addi %parallel_loop3A_461, %parallel_loop3A_481 : vector<16xi32>
      %parallel_loop3A_483 = tpu.vector_load_idx %arg6[%parallel_loop3A_482] : memref<32960xf32, #tpu.memory_space<vmem>>[vector<16xi32>], vector<16xf32>,
      %parallel_loop3A_484 = arith.constant 2 : i32
      %parallel_loop3A_485 = arith.index_cast %parallel_loop3A_437 : i32 to index
      %parallel_loop3A_486 = arith.index_cast %parallel_loop3A_484 : i32 to index
      %parallel_loop3A_487 = arith.index_cast %parallel_loop3A_456 : i32 to index
      %parallel_loop3A_488 = tpu.vector_load %arg10[%parallel_loop3A_485, %parallel_loop3A_486, %parallel_loop3A_487] {strides = array<i32>} : memref<16x8x128xf32, #tpu.memory_space<vmem>>, vector<16xf32>,
      tpu.vector_store %arg10[%parallel_loop3A_485, %parallel_loop3A_486, %parallel_loop3A_487], %parallel_loop3A_483 {strides = array<i32>} : memref<16x8x128xf32, #tpu.memory_space<vmem>>, vector<16xf32>,
      %parallel_loop3A_489 = arith.constant 3090 : i32
      %parallel_loop3A_490 = vector.broadcast %parallel_loop3A_489 : i32 to vector<16xi32>
      %parallel_loop3A_491 = arith.addi %parallel_loop3A_461, %parallel_loop3A_490 : vector<16xi32>
      %parallel_loop3A_492 = tpu.vector_load_idx %arg6[%parallel_loop3A_491] : memref<32960xf32, #tpu.memory_space<vmem>>[vector<16xi32>], vector<16xf32>,
      %parallel_loop3A_493 = arith.constant 3 : i32
      %parallel_loop3A_494 = arith.index_cast %parallel_loop3A_437 : i32 to index
      %parallel_loop3A_495 = arith.index_cast %parallel_loop3A_493 : i32 to index
      %parallel_loop3A_496 = arith.index_cast %parallel_loop3A_456 : i32 to index
      %parallel_loop3A_497 = tpu.vector_load %arg10[%parallel_loop3A_494, %parallel_loop3A_495, %parallel_loop3A_496] {strides = array<i32>} : memref<16x8x128xf32, #tpu.memory_space<vmem>>, vector<16xf32>,
      tpu.vector_store %arg10[%parallel_loop3A_494, %parallel_loop3A_495, %parallel_loop3A_496], %parallel_loop3A_492 {strides = array<i32>} : memref<16x8x128xf32, #tpu.memory_space<vmem>>, vector<16xf32>,
      %parallel_loop3A_498 = arith.constant 4120 : i32
      %parallel_loop3A_499 = vector.broadcast %parallel_loop3A_498 : i32 to vector<16xi32>
      %parallel_loop3A_500 = arith.addi %parallel_loop3A_461, %parallel_loop3A_499 : vector<16xi32>
      %parallel_loop3A_501 = tpu.vector_load_idx %arg6[%parallel_loop3A_500] : memref<32960xf32, #tpu.memory_space<vmem>>[vector<16xi32>], vector<16xf32>,
      %parallel_loop3A_502 = arith.constant 4 : i32
      %parallel_loop3A_503 = arith.index_cast %parallel_loop3A_437 : i32 to index
      %parallel_loop3A_504 = arith.index_cast %parallel_loop3A_502 : i32 to index
      %parallel_loop3A_505 = arith.index_cast %parallel_loop3A_456 : i32 to index
      %parallel_loop3A_506 = tpu.vector_load %arg10[%parallel_loop3A_503, %parallel_loop3A_504, %parallel_loop3A_505] {strides = array<i32>} : memref<16x8x128xf32, #tpu.memory_space<vmem>>, vector<16xf32>,
      tpu.vector_store %arg10[%parallel_loop3A_503, %parallel_loop3A_504, %parallel_loop3A_505], %parallel_loop3A_501 {strides = array<i32>} : memref<16x8x128xf32, #tpu.memory_space<vmem>>, vector<16xf32>,
      %parallel_loop3A_507 = arith.constant 5150 : i32
      %parallel_loop3A_508 = vector.broadcast %parallel_loop3A_507 : i32 to vector<16xi32>
      %parallel_loop3A_509 = arith.addi %parallel_loop3A_461, %parallel_loop3A_508 : vector<16xi32>
      %parallel_loop3A_510 = tpu.vector_load_idx %arg6[%parallel_loop3A_509] : memref<32960xf32, #tpu.memory_space<vmem>>[vector<16xi32>], vector<16xf32>,
      %parallel_loop3A_511 = arith.constant 5 : i32
      %parallel_loop3A_512 = arith.index_cast %parallel_loop3A_437 : i32 to index
      %parallel_loop3A_513 = arith.index_cast %parallel_loop3A_511 : i32 to index
      %parallel_loop3A_514 = arith.index_cast %parallel_loop3A_456 : i32 to index
      %parallel_loop3A_515 = tpu.vector_load %arg10[%parallel_loop3A_512, %parallel_loop3A_513, %parallel_loop3A_514] {strides = array<i32>} : memref<16x8x128xf32, #tpu.memory_space<vmem>>, vector<16xf32>,
      tpu.vector_store %arg10[%parallel_loop3A_512, %parallel_loop3A_513, %parallel_loop3A_514], %parallel_loop3A_510 {strides = array<i32>} : memref<16x8x128xf32, #tpu.memory_space<vmem>>, vector<16xf32>,
      %parallel_loop3A_516 = arith.constant 6180 : i32
      %parallel_loop3A_517 = vector.broadcast %parallel_loop3A_516 : i32 to vector<16xi32>
      %parallel_loop3A_518 = arith.addi %parallel_loop3A_461, %parallel_loop3A_517 : vector<16xi32>
      %parallel_loop3A_519 = tpu.vector_load_idx %arg6[%parallel_loop3A_518] : memref<32960xf32, #tpu.memory_space<vmem>>[vector<16xi32>], vector<16xf32>,
      %parallel_loop3A_520 = arith.constant 6 : i32
      %parallel_loop3A_521 = arith.index_cast %parallel_loop3A_437 : i32 to index
      %parallel_loop3A_522 = arith.index_cast %parallel_loop3A_520 : i32 to index
      %parallel_loop3A_523 = arith.index_cast %parallel_loop3A_456 : i32 to index
      %parallel_loop3A_524 = tpu.vector_load %arg10[%parallel_loop3A_521, %parallel_loop3A_522, %parallel_loop3A_523] {strides = array<i32>} : memref<16x8x128xf32, #tpu.memory_space<vmem>>, vector<16xf32>,
      tpu.vector_store %arg10[%parallel_loop3A_521, %parallel_loop3A_522, %parallel_loop3A_523], %parallel_loop3A_519 {strides = array<i32>} : memref<16x8x128xf32, #tpu.memory_space<vmem>>, vector<16xf32>,
      %parallel_loop3A_525 = arith.constant 7210 : i32
      %parallel_loop3A_526 = vector.broadcast %parallel_loop3A_525 : i32 to vector<16xi32>
      %parallel_loop3A_527 = arith.addi %parallel_loop3A_461, %parallel_loop3A_526 : vector<16xi32>
      %parallel_loop3A_528 = tpu.vector_load_idx %arg6[%parallel_loop3A_527] : memref<32960xf32, #tpu.memory_space<vmem>>[vector<16xi32>], vector<16xf32>,
      %parallel_loop3A_529 = arith.constant 7 : i32
      %parallel_loop3A_530 = arith.index_cast %parallel_loop3A_437 : i32 to index
      %parallel_loop3A_531 = arith.index_cast %parallel_loop3A_529 : i32 to index
      %parallel_loop3A_532 = arith.index_cast %parallel_loop3A_456 : i32 to index
      %parallel_loop3A_533 = tpu.vector_load %arg10[%parallel_loop3A_530, %parallel_loop3A_531, %parallel_loop3A_532] {strides = array<i32>} : memref<16x8x128xf32, #tpu.memory_space<vmem>>, vector<16xf32>,
      tpu.vector_store %arg10[%parallel_loop3A_530, %parallel_loop3A_531, %parallel_loop3A_532], %parallel_loop3A_528 {strides = array<i32>} : memref<16x8x128xf32, #tpu.memory_space<vmem>>, vector<16xf32>,
    } {sc.loop_unroll_factor = 8 : i64, sc.parallel_access}
    %add3A_98 = arith.constant 0 : i32
    %add3A_99 = arith.addi %mul3A_2, %add3A_98 : i32
    %dma_start3A_100 = arith.constant 3 : i32
    %dma_start3A_101 = arith.constant 0 : i32
    %dma_start3A_102 = tpu.memref_slice %arg2[%add3A_99, %dma_start3A_100, %dma_start3A_101] : memref<64x4x2048xi32, #tpu.memory_space<hbm>> -> memref<1x1x2048xi32, #tpu.memory_space<hbm>>
    %dma_start3A_103 = tpu.memref_squeeze %dma_start3A_102 : memref<1x1x2048xi32, #tpu.memory_space<hbm>> -> memref<2048xi32, #tpu.memory_space<hbm>>
    %dma_start3A_104 = arith.constant 0 : i32
    %dma_start3A_105 = tpu.memref_slice %arg2[%add3A_99, %dma_start3A_100, %dma_start3A_104] : memref<64x4x2048xi32, #tpu.memory_space<hbm>> -> memref<1x1x2048xi32, #tpu.memory_space<hbm>>
    %dma_start3A_106 = tpu.memref_squeeze %dma_start3A_105 : memref<1x1x2048xi32, #tpu.memory_space<hbm>> -> memref<2048xi32, #tpu.memory_space<hbm>>
    tpu.enqueue_dma source(%dma_start3A_106 : memref<2048xi32, #tpu.memory_space<hbm>>) target(%arg8 : memref<2048xi32, #tpu.memory_space<vmem>>) target_semaphore(%arg13 : memref<!tpu.dma_semaphore, #tpu.memory_space<semaphore_mem>>)
    %add3A_107 = arith.constant 0 : i32
    %add3A_108 = arith.addi %mul3A_2, %add3A_107 : i32
    %dma_start3A_109 = arith.constant 1 : i32
    %dma_start3A_110 = arith.constant 0 : i32
    %dma_start3A_111 = arith.constant 0 : i32
    %dma_start3A_112 = arith.constant 0 : i32
    %dma_start3A_113 = tpu.memref_slice %arg4[%add3A_108, %dma_start3A_109, %dma_start3A_110, %dma_start3A_111, %dma_start3A_112] : memref<64x4x16x8x128xf32, #tpu.memory_space<hbm>> -> memref<1x1x16x8x128xf32, #tpu.memory_space<hbm>>
    %dma_start3A_114 = tpu.memref_squeeze %dma_start3A_113 : memref<1x1x16x8x128xf32, #tpu.memory_space<hbm>> -> memref<16x8x128xf32, #tpu.memory_space<hbm>>
    %dma_start3A_115 = arith.constant 0 : i32
    %dma_start3A_116 = arith.constant 0 : i32
    %dma_start3A_117 = arith.constant 0 : i32
    %dma_start3A_118 = tpu.memref_slice %arg4[%add3A_108, %dma_start3A_109, %dma_start3A_115, %dma_start3A_116, %dma_start3A_117] : memref<64x4x16x8x128xf32, #tpu.memory_space<hbm>> -> memref<1x1x16x8x128xf32, #tpu.memory_space<hbm>>
    %dma_start3A_119 = tpu.memref_squeeze %dma_start3A_118 : memref<1x1x16x8x128xf32, #tpu.memory_space<hbm>> -> memref<16x8x128xf32, #tpu.memory_space<hbm>>
    tpu.enqueue_dma source(%arg10 : memref<16x8x128xf32, #tpu.memory_space<vmem>>) target(%dma_start3A_119 : memref<16x8x128xf32, #tpu.memory_space<hbm>>) target_semaphore(%arg14 : memref<!tpu.dma_semaphore, #tpu.memory_space<semaphore_mem>>)
    %dma_wait3A_120 = arith.constant 2 : i32
    %dma_wait3A_121 = arith.constant 0 : i32
    %dma_wait3A_122 = tpu.memref_slice %arg2[%add3A_57, %dma_wait3A_120, %dma_wait3A_121] : memref<64x4x2048xi32, #tpu.memory_space<hbm>> -> memref<1x1x2048xi32, #tpu.memory_space<hbm>>
    %dma_wait3A_123 = tpu.memref_squeeze %dma_wait3A_122 : memref<1x1x2048xi32, #tpu.memory_space<hbm>> -> memref<2048xi32, #tpu.memory_space<hbm>>
    %dma_wait3A_124 = arith.constant 0 : i32
    %dma_wait3A_125 = tpu.memref_slice %arg2[%add3A_57, %dma_wait3A_120, %dma_wait3A_124] : memref<64x4x2048xi32, #tpu.memory_space<hbm>> -> memref<1x1x2048xi32, #tpu.memory_space<hbm>>
    %dma_wait3A_126 = tpu.memref_squeeze %dma_wait3A_125 : memref<1x1x2048xi32, #tpu.memory_space<hbm>> -> memref<2048xi32, #tpu.memory_space<hbm>>
    tpu.wait_dma2 semaphore(%arg13 : memref<!tpu.dma_semaphore, #tpu.memory_space<semaphore_mem>>) src(%dma_wait3A_126 : memref<2048xi32, #tpu.memory_space<hbm>>) dst(%arg7 : memref<2048xi32, #tpu.memory_space<vmem>>)
    %add3A_127 = arith.constant 0 : i32
    %add3A_128 = arith.addi %mul3A_2, %add3A_127 : i32
    %dma_wait3A_129 = arith.constant 16480 : i32
    %dma_wait3A_130 = tpu.memref_slice %arg6[%dma_wait3A_129] : memref<32960xf32, #tpu.memory_space<vmem>> -> memref<8240xf32, #tpu.memory_space<vmem>>
    %dma_wait3A_131 = arith.constant 16480 : i32
    %dma_wait3A_132 = tpu.memref_slice %arg5[%dma_wait3A_131] : memref<32960xf32, #tpu.memory_space<vmem_shared>> -> memref<8240xf32, #tpu.memory_space<vmem_shared>>
    %dma_wait3A_133 = arith.constant 16480 : i32
    %dma_wait3A_134 = tpu.memref_slice %arg6[%dma_wait3A_133] : memref<32960xf32, #tpu.memory_space<vmem>> -> memref<8240xf32, #tpu.memory_space<vmem>>
    %dma_wait3A_135 = arith.constant 16480 : i32
    %dma_wait3A_136 = tpu.memref_slice %arg5[%dma_wait3A_135] : memref<32960xf32, #tpu.memory_space<vmem_shared>> -> memref<8240xf32, #tpu.memory_space<vmem_shared>>
    tpu.wait_dma2 semaphore(%arg12 : memref<!tpu.dma_semaphore, #tpu.memory_space<semaphore_mem>>) src(%dma_wait3A_136 : memref<8240xf32, #tpu.memory_space<vmem_shared>>) dst(%dma_wait3A_134 : memref<8240xf32, #tpu.memory_space<vmem>>)
    %parallel_loop3A_137 = arith.constant 0 : i32
    %parallel_loop3A_138 = arith.constant 128 : i32
    %parallel_loop3A_139 = arith.constant 1 : i32
    scf.for %parallel_loop3A_410 = %parallel_loop3A_137 to %parallel_loop3A_138 step %parallel_loop3A_139  : i32 {
      %parallel_loop3A_411 = arith.constant 16 : i32
      %parallel_loop3A_412 = arith.muli %parallel_loop3A_410, %parallel_loop3A_411 : i32
      %parallel_loop3A_413 = tpu.assume_multiple %parallel_loop3A_412, 16 : i32
      %parallel_loop3A_414 = arith.constant 8 : i32
      %parallel_loop3A_415 = arith.divsi %parallel_loop3A_410, %parallel_loop3A_414 : i32
      %parallel_loop3A_416 = arith.constant 0 : i32
      %parallel_loop3A_417 = arith.cmpi sgt, %parallel_loop3A_410, %parallel_loop3A_416 : i32
      %parallel_loop3A_418 = arith.extui %parallel_loop3A_417 : i1 to i32
      %parallel_loop3A_419 = arith.constant 0 : i32
      %parallel_loop3A_420 = arith.cmpi slt, %parallel_loop3A_410, %parallel_loop3A_419 : i32
      %parallel_loop3A_421 = arith.extui %parallel_loop3A_420 : i1 to i32
      %parallel_loop3A_422 = arith.subi %parallel_loop3A_418, %parallel_loop3A_421 : i32
      %parallel_loop3A_423 = arith.constant 0 : i32
      %parallel_loop3A_424 = arith.cmpi sgt, %parallel_loop3A_414, %parallel_loop3A_423 : i32
      %parallel_loop3A_425 = arith.extui %parallel_loop3A_424 : i1 to i32
      %parallel_loop3A_426 = arith.constant 0 : i32
      %parallel_loop3A_427 = arith.cmpi slt, %parallel_loop3A_414, %parallel_loop3A_426 : i32
      %parallel_loop3A_428 = arith.extui %parallel_loop3A_427 : i1 to i32
      %parallel_loop3A_429 = arith.subi %parallel_loop3A_425, %parallel_loop3A_428 : i32
      %parallel_loop3A_430 = arith.cmpi ne, %parallel_loop3A_422, %parallel_loop3A_429 : i32
      %parallel_loop3A_431 = arith.remsi %parallel_loop3A_410, %parallel_loop3A_414 : i32
      %parallel_loop3A_432 = arith.constant 0 : i32
      %parallel_loop3A_433 = arith.cmpi ne, %parallel_loop3A_431, %parallel_loop3A_432 : i32
      %parallel_loop3A_434 = arith.andi %parallel_loop3A_430, %parallel_loop3A_433 : i1
      %parallel_loop3A_435 = arith.constant 1 : i32
      %parallel_loop3A_436 = arith.subi %parallel_loop3A_415, %parallel_loop3A_435 : i32
      %parallel_loop3A_437 = arith.select %parallel_loop3A_434, %parallel_loop3A_436, %parallel_loop3A_415 : i32
      %parallel_loop3A_438 = arith.constant 8 : i32
      %parallel_loop3A_439 = arith.constant 0 : i32
      %parallel_loop3A_440 = arith.cmpi eq, %parallel_loop3A_438, %parallel_loop3A_439 : i32
      %parallel_loop3A_441 = arith.constant 1 : i32
      %parallel_loop3A_442 = arith.select %parallel_loop3A_440, %parallel_loop3A_441, %parallel_loop3A_438 : i32
      %parallel_loop3A_443 = arith.remsi %parallel_loop3A_410, %parallel_loop3A_442 : i32
      %parallel_loop3A_444 = arith.constant 0 : i32
      %parallel_loop3A_445 = arith.cmpi ne, %parallel_loop3A_443, %parallel_loop3A_444 : i32
      %parallel_loop3A_446 = arith.constant 0 : i32
      %parallel_loop3A_447 = arith.cmpi slt, %parallel_loop3A_443, %parallel_loop3A_446 : i32
      %parallel_loop3A_448 = arith.constant 0 : i32
      %parallel_loop3A_449 = arith.cmpi slt, %parallel_loop3A_442, %parallel_loop3A_448 : i32
      %parallel_loop3A_450 = arith.xori %parallel_loop3A_447, %parallel_loop3A_449 : i1
      %parallel_loop3A_451 = arith.andi %parallel_loop3A_450, %parallel_loop3A_445 : i1
      %parallel_loop3A_452 = arith.addi %parallel_loop3A_443, %parallel_loop3A_442 : i32
      %parallel_loop3A_453 = arith.select %parallel_loop3A_451, %parallel_loop3A_452, %parallel_loop3A_443 : i32
      %parallel_loop3A_454 = arith.constant 16 : i32
      %parallel_loop3A_455 = arith.muli %parallel_loop3A_453, %parallel_loop3A_454 : i32
      %parallel_loop3A_456 = tpu.assume_multiple %parallel_loop3A_455, 16 : i32
      %parallel_loop3A_457 = arith.index_cast %parallel_loop3A_413 : i32 to index
      %parallel_loop3A_458 = tpu.vector_load %arg7[%parallel_loop3A_457] {strides = array<i32>} : memref<2048xi32, #tpu.memory_space<vmem>>, vector<16xi32>,
      %parallel_loop3A_459 = arith.constant 16480 : i32
      %parallel_loop3A_460 = vector.broadcast %parallel_loop3A_459 : i32 to vector<16xi32>
      %parallel_loop3A_461 = arith.addi %parallel_loop3A_458, %parallel_loop3A_460 : vector<16xi32>
      %parallel_loop3A_462 = arith.constant 0 : i32
      %parallel_loop3A_463 = vector.broadcast %parallel_loop3A_462 : i32 to vector<16xi32>
      %parallel_loop3A_464 = arith.addi %parallel_loop3A_461, %parallel_loop3A_463 : vector<16xi32>
      %parallel_loop3A_465 = tpu.vector_load_idx %arg6[%parallel_loop3A_464] : memref<32960xf32, #tpu.memory_space<vmem>>[vector<16xi32>], vector<16xf32>,
      %parallel_loop3A_466 = arith.constant 0 : i32
      %parallel_loop3A_467 = arith.index_cast %parallel_loop3A_437 : i32 to index
      %parallel_loop3A_468 = arith.index_cast %parallel_loop3A_466 : i32 to index
      %parallel_loop3A_469 = arith.index_cast %parallel_loop3A_456 : i32 to index
      %parallel_loop3A_470 = tpu.vector_load %arg11[%parallel_loop3A_467, %parallel_loop3A_468, %parallel_loop3A_469] {strides = array<i32>} : memref<16x8x128xf32, #tpu.memory_space<vmem>>, vector<16xf32>,
      tpu.vector_store %arg11[%parallel_loop3A_467, %parallel_loop3A_468, %parallel_loop3A_469], %parallel_loop3A_465 {strides = array<i32>} : memref<16x8x128xf32, #tpu.memory_space<vmem>>, vector<16xf32>,
      %parallel_loop3A_471 = arith.constant 1030 : i32
      %parallel_loop3A_472 = vector.broadcast %parallel_loop3A_471 : i32 to vector<16xi32>
      %parallel_loop3A_473 = arith.addi %parallel_loop3A_461, %parallel_loop3A_472 : vector<16xi32>
      %parallel_loop3A_474 = tpu.vector_load_idx %arg6[%parallel_loop3A_473] : memref<32960xf32, #tpu.memory_space<vmem>>[vector<16xi32>], vector<16xf32>,
      %parallel_loop3A_475 = arith.constant 1 : i32
      %parallel_loop3A_476 = arith.index_cast %parallel_loop3A_437 : i32 to index
      %parallel_loop3A_477 = arith.index_cast %parallel_loop3A_475 : i32 to index
      %parallel_loop3A_478 = arith.index_cast %parallel_loop3A_456 : i32 to index
      %parallel_loop3A_479 = tpu.vector_load %arg11[%parallel_loop3A_476, %parallel_loop3A_477, %parallel_loop3A_478] {strides = array<i32>} : memref<16x8x128xf32, #tpu.memory_space<vmem>>, vector<16xf32>,
      tpu.vector_store %arg11[%parallel_loop3A_476, %parallel_loop3A_477, %parallel_loop3A_478], %parallel_loop3A_474 {strides = array<i32>} : memref<16x8x128xf32, #tpu.memory_space<vmem>>, vector<16xf32>,
      %parallel_loop3A_480 = arith.constant 2060 : i32
      %parallel_loop3A_481 = vector.broadcast %parallel_loop3A_480 : i32 to vector<16xi32>
      %parallel_loop3A_482 = arith.addi %parallel_loop3A_461, %parallel_loop3A_481 : vector<16xi32>
      %parallel_loop3A_483 = tpu.vector_load_idx %arg6[%parallel_loop3A_482] : memref<32960xf32, #tpu.memory_space<vmem>>[vector<16xi32>], vector<16xf32>,
      %parallel_loop3A_484 = arith.constant 2 : i32
      %parallel_loop3A_485 = arith.index_cast %parallel_loop3A_437 : i32 to index
      %parallel_loop3A_486 = arith.index_cast %parallel_loop3A_484 : i32 to index
      %parallel_loop3A_487 = arith.index_cast %parallel_loop3A_456 : i32 to index
      %parallel_loop3A_488 = tpu.vector_load %arg11[%parallel_loop3A_485, %parallel_loop3A_486, %parallel_loop3A_487] {strides = array<i32>} : memref<16x8x128xf32, #tpu.memory_space<vmem>>, vector<16xf32>,
      tpu.vector_store %arg11[%parallel_loop3A_485, %parallel_loop3A_486, %parallel_loop3A_487], %parallel_loop3A_483 {strides = array<i32>} : memref<16x8x128xf32, #tpu.memory_space<vmem>>, vector<16xf32>,
      %parallel_loop3A_489 = arith.constant 3090 : i32
      %parallel_loop3A_490 = vector.broadcast %parallel_loop3A_489 : i32 to vector<16xi32>
      %parallel_loop3A_491 = arith.addi %parallel_loop3A_461, %parallel_loop3A_490 : vector<16xi32>
      %parallel_loop3A_492 = tpu.vector_load_idx %arg6[%parallel_loop3A_491] : memref<32960xf32, #tpu.memory_space<vmem>>[vector<16xi32>], vector<16xf32>,
      %parallel_loop3A_493 = arith.constant 3 : i32
      %parallel_loop3A_494 = arith.index_cast %parallel_loop3A_437 : i32 to index
      %parallel_loop3A_495 = arith.index_cast %parallel_loop3A_493 : i32 to index
      %parallel_loop3A_496 = arith.index_cast %parallel_loop3A_456 : i32 to index
      %parallel_loop3A_497 = tpu.vector_load %arg11[%parallel_loop3A_494, %parallel_loop3A_495, %parallel_loop3A_496] {strides = array<i32>} : memref<16x8x128xf32, #tpu.memory_space<vmem>>, vector<16xf32>,
      tpu.vector_store %arg11[%parallel_loop3A_494, %parallel_loop3A_495, %parallel_loop3A_496], %parallel_loop3A_492 {strides = array<i32>} : memref<16x8x128xf32, #tpu.memory_space<vmem>>, vector<16xf32>,
      %parallel_loop3A_498 = arith.constant 4120 : i32
      %parallel_loop3A_499 = vector.broadcast %parallel_loop3A_498 : i32 to vector<16xi32>
      %parallel_loop3A_500 = arith.addi %parallel_loop3A_461, %parallel_loop3A_499 : vector<16xi32>
      %parallel_loop3A_501 = tpu.vector_load_idx %arg6[%parallel_loop3A_500] : memref<32960xf32, #tpu.memory_space<vmem>>[vector<16xi32>], vector<16xf32>,
      %parallel_loop3A_502 = arith.constant 4 : i32
      %parallel_loop3A_503 = arith.index_cast %parallel_loop3A_437 : i32 to index
      %parallel_loop3A_504 = arith.index_cast %parallel_loop3A_502 : i32 to index
      %parallel_loop3A_505 = arith.index_cast %parallel_loop3A_456 : i32 to index
      %parallel_loop3A_506 = tpu.vector_load %arg11[%parallel_loop3A_503, %parallel_loop3A_504, %parallel_loop3A_505] {strides = array<i32>} : memref<16x8x128xf32, #tpu.memory_space<vmem>>, vector<16xf32>,
      tpu.vector_store %arg11[%parallel_loop3A_503, %parallel_loop3A_504, %parallel_loop3A_505], %parallel_loop3A_501 {strides = array<i32>} : memref<16x8x128xf32, #tpu.memory_space<vmem>>, vector<16xf32>,
      %parallel_loop3A_507 = arith.constant 5150 : i32
      %parallel_loop3A_508 = vector.broadcast %parallel_loop3A_507 : i32 to vector<16xi32>
      %parallel_loop3A_509 = arith.addi %parallel_loop3A_461, %parallel_loop3A_508 : vector<16xi32>
      %parallel_loop3A_510 = tpu.vector_load_idx %arg6[%parallel_loop3A_509] : memref<32960xf32, #tpu.memory_space<vmem>>[vector<16xi32>], vector<16xf32>,
      %parallel_loop3A_511 = arith.constant 5 : i32
      %parallel_loop3A_512 = arith.index_cast %parallel_loop3A_437 : i32 to index
      %parallel_loop3A_513 = arith.index_cast %parallel_loop3A_511 : i32 to index
      %parallel_loop3A_514 = arith.index_cast %parallel_loop3A_456 : i32 to index
      %parallel_loop3A_515 = tpu.vector_load %arg11[%parallel_loop3A_512, %parallel_loop3A_513, %parallel_loop3A_514] {strides = array<i32>} : memref<16x8x128xf32, #tpu.memory_space<vmem>>, vector<16xf32>,
      tpu.vector_store %arg11[%parallel_loop3A_512, %parallel_loop3A_513, %parallel_loop3A_514], %parallel_loop3A_510 {strides = array<i32>} : memref<16x8x128xf32, #tpu.memory_space<vmem>>, vector<16xf32>,
      %parallel_loop3A_516 = arith.constant 6180 : i32
      %parallel_loop3A_517 = vector.broadcast %parallel_loop3A_516 : i32 to vector<16xi32>
      %parallel_loop3A_518 = arith.addi %parallel_loop3A_461, %parallel_loop3A_517 : vector<16xi32>
      %parallel_loop3A_519 = tpu.vector_load_idx %arg6[%parallel_loop3A_518] : memref<32960xf32, #tpu.memory_space<vmem>>[vector<16xi32>], vector<16xf32>,
      %parallel_loop3A_520 = arith.constant 6 : i32
      %parallel_loop3A_521 = arith.index_cast %parallel_loop3A_437 : i32 to index
      %parallel_loop3A_522 = arith.index_cast %parallel_loop3A_520 : i32 to index
      %parallel_loop3A_523 = arith.index_cast %parallel_loop3A_456 : i32 to index
      %parallel_loop3A_524 = tpu.vector_load %arg11[%parallel_loop3A_521, %parallel_loop3A_522, %parallel_loop3A_523] {strides = array<i32>} : memref<16x8x128xf32, #tpu.memory_space<vmem>>, vector<16xf32>,
      tpu.vector_store %arg11[%parallel_loop3A_521, %parallel_loop3A_522, %parallel_loop3A_523], %parallel_loop3A_519 {strides = array<i32>} : memref<16x8x128xf32, #tpu.memory_space<vmem>>, vector<16xf32>,
      %parallel_loop3A_525 = arith.constant 7210 : i32
      %parallel_loop3A_526 = vector.broadcast %parallel_loop3A_525 : i32 to vector<16xi32>
      %parallel_loop3A_527 = arith.addi %parallel_loop3A_461, %parallel_loop3A_526 : vector<16xi32>
      %parallel_loop3A_528 = tpu.vector_load_idx %arg6[%parallel_loop3A_527] : memref<32960xf32, #tpu.memory_space<vmem>>[vector<16xi32>], vector<16xf32>,
      %parallel_loop3A_529 = arith.constant 7 : i32
      %parallel_loop3A_530 = arith.index_cast %parallel_loop3A_437 : i32 to index
      %parallel_loop3A_531 = arith.index_cast %parallel_loop3A_529 : i32 to index
      %parallel_loop3A_532 = arith.index_cast %parallel_loop3A_456 : i32 to index
      %parallel_loop3A_533 = tpu.vector_load %arg11[%parallel_loop3A_530, %parallel_loop3A_531, %parallel_loop3A_532] {strides = array<i32>} : memref<16x8x128xf32, #tpu.memory_space<vmem>>, vector<16xf32>,
      tpu.vector_store %arg11[%parallel_loop3A_530, %parallel_loop3A_531, %parallel_loop3A_532], %parallel_loop3A_528 {strides = array<i32>} : memref<16x8x128xf32, #tpu.memory_space<vmem>>, vector<16xf32>,
    } {sc.loop_unroll_factor = 8 : i64, sc.parallel_access}
    %add3A_140 = arith.constant 1 : i32
    %add3A_141 = arith.addi %mul3A_2, %add3A_140 : i32
    %dma_start3A_142 = arith.constant 0 : i32
    %dma_start3A_143 = arith.constant 0 : i32
    %dma_start3A_144 = tpu.memref_slice %arg2[%add3A_141, %dma_start3A_142, %dma_start3A_143] : memref<64x4x2048xi32, #tpu.memory_space<hbm>> -> memref<1x1x2048xi32, #tpu.memory_space<hbm>>
    %dma_start3A_145 = tpu.memref_squeeze %dma_start3A_144 : memref<1x1x2048xi32, #tpu.memory_space<hbm>> -> memref<2048xi32, #tpu.memory_space<hbm>>
    %dma_start3A_146 = arith.constant 0 : i32
    %dma_start3A_147 = tpu.memref_slice %arg2[%add3A_141, %dma_start3A_142, %dma_start3A_146] : memref<64x4x2048xi32, #tpu.memory_space<hbm>> -> memref<1x1x2048xi32, #tpu.memory_space<hbm>>
    %dma_start3A_148 = tpu.memref_squeeze %dma_start3A_147 : memref<1x1x2048xi32, #tpu.memory_space<hbm>> -> memref<2048xi32, #tpu.memory_space<hbm>>
    tpu.enqueue_dma source(%dma_start3A_148 : memref<2048xi32, #tpu.memory_space<hbm>>) target(%arg7 : memref<2048xi32, #tpu.memory_space<vmem>>) target_semaphore(%arg13 : memref<!tpu.dma_semaphore, #tpu.memory_space<semaphore_mem>>)
    %add3A_149 = arith.constant 0 : i32
    %add3A_150 = arith.addi %mul3A_2, %add3A_149 : i32
    %dma_start3A_151 = arith.constant 2 : i32
    %dma_start3A_152 = arith.constant 0 : i32
    %dma_start3A_153 = arith.constant 0 : i32
    %dma_start3A_154 = arith.constant 0 : i32
    %dma_start3A_155 = tpu.memref_slice %arg4[%add3A_150, %dma_start3A_151, %dma_start3A_152, %dma_start3A_153, %dma_start3A_154] : memref<64x4x16x8x128xf32, #tpu.memory_space<hbm>> -> memref<1x1x16x8x128xf32, #tpu.memory_space<hbm>>
    %dma_start3A_156 = tpu.memref_squeeze %dma_start3A_155 : memref<1x1x16x8x128xf32, #tpu.memory_space<hbm>> -> memref<16x8x128xf32, #tpu.memory_space<hbm>>
    %dma_start3A_157 = arith.constant 0 : i32
    %dma_start3A_158 = arith.constant 0 : i32
    %dma_start3A_159 = arith.constant 0 : i32
    %dma_start3A_160 = tpu.memref_slice %arg4[%add3A_150, %dma_start3A_151, %dma_start3A_157, %dma_start3A_158, %dma_start3A_159] : memref<64x4x16x8x128xf32, #tpu.memory_space<hbm>> -> memref<1x1x16x8x128xf32, #tpu.memory_space<hbm>>
    %dma_start3A_161 = tpu.memref_squeeze %dma_start3A_160 : memref<1x1x16x8x128xf32, #tpu.memory_space<hbm>> -> memref<16x8x128xf32, #tpu.memory_space<hbm>>
    tpu.enqueue_dma source(%arg11 : memref<16x8x128xf32, #tpu.memory_space<vmem>>) target(%dma_start3A_161 : memref<16x8x128xf32, #tpu.memory_space<hbm>>) target_semaphore(%arg14 : memref<!tpu.dma_semaphore, #tpu.memory_space<semaphore_mem>>)
    %dma_wait3A_162 = arith.constant 3 : i32
    %dma_wait3A_163 = arith.constant 0 : i32
    %dma_wait3A_164 = tpu.memref_slice %arg2[%add3A_99, %dma_wait3A_162, %dma_wait3A_163] : memref<64x4x2048xi32, #tpu.memory_space<hbm>> -> memref<1x1x2048xi32, #tpu.memory_space<hbm>>
    %dma_wait3A_165 = tpu.memref_squeeze %dma_wait3A_164 : memref<1x1x2048xi32, #tpu.memory_space<hbm>> -> memref<2048xi32, #tpu.memory_space<hbm>>
    %dma_wait3A_166 = arith.constant 0 : i32
    %dma_wait3A_167 = tpu.memref_slice %arg2[%add3A_99, %dma_wait3A_162, %dma_wait3A_166] : memref<64x4x2048xi32, #tpu.memory_space<hbm>> -> memref<1x1x2048xi32, #tpu.memory_space<hbm>>
    %dma_wait3A_168 = tpu.memref_squeeze %dma_wait3A_167 : memref<1x1x2048xi32, #tpu.memory_space<hbm>> -> memref<2048xi32, #tpu.memory_space<hbm>>
    tpu.wait_dma2 semaphore(%arg13 : memref<!tpu.dma_semaphore, #tpu.memory_space<semaphore_mem>>) src(%dma_wait3A_168 : memref<2048xi32, #tpu.memory_space<hbm>>) dst(%arg8 : memref<2048xi32, #tpu.memory_space<vmem>>)
    %dma_wait3A_169 = arith.constant 0 : i32
    %dma_wait3A_170 = arith.constant 0 : i32
    %dma_wait3A_171 = arith.constant 0 : i32
    %dma_wait3A_172 = arith.constant 0 : i32
    %dma_wait3A_173 = tpu.memref_slice %arg4[%add3A_66, %dma_wait3A_169, %dma_wait3A_170, %dma_wait3A_171, %dma_wait3A_172] : memref<64x4x16x8x128xf32, #tpu.memory_space<hbm>> -> memref<1x1x16x8x128xf32, #tpu.memory_space<hbm>>
    %dma_wait3A_174 = tpu.memref_squeeze %dma_wait3A_173 : memref<1x1x16x8x128xf32, #tpu.memory_space<hbm>> -> memref<16x8x128xf32, #tpu.memory_space<hbm>>
    %dma_wait3A_175 = arith.constant 0 : i32
    %dma_wait3A_176 = arith.constant 0 : i32
    %dma_wait3A_177 = arith.constant 0 : i32
    %dma_wait3A_178 = tpu.memref_slice %arg4[%add3A_66, %dma_wait3A_169, %dma_wait3A_175, %dma_wait3A_176, %dma_wait3A_177] : memref<64x4x16x8x128xf32, #tpu.memory_space<hbm>> -> memref<1x1x16x8x128xf32, #tpu.memory_space<hbm>>
    %dma_wait3A_179 = tpu.memref_squeeze %dma_wait3A_178 : memref<1x1x16x8x128xf32, #tpu.memory_space<hbm>> -> memref<16x8x128xf32, #tpu.memory_space<hbm>>
    tpu.wait_dma2 semaphore(%arg14 : memref<!tpu.dma_semaphore, #tpu.memory_space<semaphore_mem>>) src(%arg9 : memref<16x8x128xf32, #tpu.memory_space<vmem>>) dst(%dma_wait3A_179 : memref<16x8x128xf32, #tpu.memory_space<hbm>>)
    %add3A_180 = arith.constant 0 : i32
    %add3A_181 = arith.addi %mul3A_2, %add3A_180 : i32
    %dma_wait3A_182 = arith.constant 24720 : i32
    %dma_wait3A_183 = tpu.memref_slice %arg6[%dma_wait3A_182] : memref<32960xf32, #tpu.memory_space<vmem>> -> memref<8240xf32, #tpu.memory_space<vmem>>
    %dma_wait3A_184 = arith.constant 24720 : i32
    %dma_wait3A_185 = tpu.memref_slice %arg5[%dma_wait3A_184] : memref<32960xf32, #tpu.memory_space<vmem_shared>> -> memref<8240xf32, #tpu.memory_space<vmem_shared>>
    %dma_wait3A_186 = arith.constant 24720 : i32
    %dma_wait3A_187 = tpu.memref_slice %arg6[%dma_wait3A_186] : memref<32960xf32, #tpu.memory_space<vmem>> -> memref<8240xf32, #tpu.memory_space<vmem>>
    %dma_wait3A_188 = arith.constant 24720 : i32
    %dma_wait3A_189 = tpu.memref_slice %arg5[%dma_wait3A_188] : memref<32960xf32, #tpu.memory_space<vmem_shared>> -> memref<8240xf32, #tpu.memory_space<vmem_shared>>
    tpu.wait_dma2 semaphore(%arg12 : memref<!tpu.dma_semaphore, #tpu.memory_space<semaphore_mem>>) src(%dma_wait3A_189 : memref<8240xf32, #tpu.memory_space<vmem_shared>>) dst(%dma_wait3A_187 : memref<8240xf32, #tpu.memory_space<vmem>>)
    %parallel_loop3A_190 = arith.constant 0 : i32
    %parallel_loop3A_191 = arith.constant 128 : i32
    %parallel_loop3A_192 = arith.constant 1 : i32
    scf.for %parallel_loop3A_410 = %parallel_loop3A_190 to %parallel_loop3A_191 step %parallel_loop3A_192  : i32 {
      %parallel_loop3A_411 = arith.constant 16 : i32
      %parallel_loop3A_412 = arith.muli %parallel_loop3A_410, %parallel_loop3A_411 : i32
      %parallel_loop3A_413 = tpu.assume_multiple %parallel_loop3A_412, 16 : i32
      %parallel_loop3A_414 = arith.constant 8 : i32
      %parallel_loop3A_415 = arith.divsi %parallel_loop3A_410, %parallel_loop3A_414 : i32
      %parallel_loop3A_416 = arith.constant 0 : i32
      %parallel_loop3A_417 = arith.cmpi sgt, %parallel_loop3A_410, %parallel_loop3A_416 : i32
      %parallel_loop3A_418 = arith.extui %parallel_loop3A_417 : i1 to i32
      %parallel_loop3A_419 = arith.constant 0 : i32
      %parallel_loop3A_420 = arith.cmpi slt, %parallel_loop3A_410, %parallel_loop3A_419 : i32
      %parallel_loop3A_421 = arith.extui %parallel_loop3A_420 : i1 to i32
      %parallel_loop3A_422 = arith.subi %parallel_loop3A_418, %parallel_loop3A_421 : i32
      %parallel_loop3A_423 = arith.constant 0 : i32
      %parallel_loop3A_424 = arith.cmpi sgt, %parallel_loop3A_414, %parallel_loop3A_423 : i32
      %parallel_loop3A_425 = arith.extui %parallel_loop3A_424 : i1 to i32
      %parallel_loop3A_426 = arith.constant 0 : i32
      %parallel_loop3A_427 = arith.cmpi slt, %parallel_loop3A_414, %parallel_loop3A_426 : i32
      %parallel_loop3A_428 = arith.extui %parallel_loop3A_427 : i1 to i32
      %parallel_loop3A_429 = arith.subi %parallel_loop3A_425, %parallel_loop3A_428 : i32
      %parallel_loop3A_430 = arith.cmpi ne, %parallel_loop3A_422, %parallel_loop3A_429 : i32
      %parallel_loop3A_431 = arith.remsi %parallel_loop3A_410, %parallel_loop3A_414 : i32
      %parallel_loop3A_432 = arith.constant 0 : i32
      %parallel_loop3A_433 = arith.cmpi ne, %parallel_loop3A_431, %parallel_loop3A_432 : i32
      %parallel_loop3A_434 = arith.andi %parallel_loop3A_430, %parallel_loop3A_433 : i1
      %parallel_loop3A_435 = arith.constant 1 : i32
      %parallel_loop3A_436 = arith.subi %parallel_loop3A_415, %parallel_loop3A_435 : i32
      %parallel_loop3A_437 = arith.select %parallel_loop3A_434, %parallel_loop3A_436, %parallel_loop3A_415 : i32
      %parallel_loop3A_438 = arith.constant 8 : i32
      %parallel_loop3A_439 = arith.constant 0 : i32
      %parallel_loop3A_440 = arith.cmpi eq, %parallel_loop3A_438, %parallel_loop3A_439 : i32
      %parallel_loop3A_441 = arith.constant 1 : i32
      %parallel_loop3A_442 = arith.select %parallel_loop3A_440, %parallel_loop3A_441, %parallel_loop3A_438 : i32
      %parallel_loop3A_443 = arith.remsi %parallel_loop3A_410, %parallel_loop3A_442 : i32
      %parallel_loop3A_444 = arith.constant 0 : i32
      %parallel_loop3A_445 = arith.cmpi ne, %parallel_loop3A_443, %parallel_loop3A_444 : i32
      %parallel_loop3A_446 = arith.constant 0 : i32
      %parallel_loop3A_447 = arith.cmpi slt, %parallel_loop3A_443, %parallel_loop3A_446 : i32
      %parallel_loop3A_448 = arith.constant 0 : i32
      %parallel_loop3A_449 = arith.cmpi slt, %parallel_loop3A_442, %parallel_loop3A_448 : i32
      %parallel_loop3A_450 = arith.xori %parallel_loop3A_447, %parallel_loop3A_449 : i1
      %parallel_loop3A_451 = arith.andi %parallel_loop3A_450, %parallel_loop3A_445 : i1
      %parallel_loop3A_452 = arith.addi %parallel_loop3A_443, %parallel_loop3A_442 : i32
      %parallel_loop3A_453 = arith.select %parallel_loop3A_451, %parallel_loop3A_452, %parallel_loop3A_443 : i32
      %parallel_loop3A_454 = arith.constant 16 : i32
      %parallel_loop3A_455 = arith.muli %parallel_loop3A_453, %parallel_loop3A_454 : i32
      %parallel_loop3A_456 = tpu.assume_multiple %parallel_loop3A_455, 16 : i32
      %parallel_loop3A_457 = arith.index_cast %parallel_loop3A_413 : i32 to index
      %parallel_loop3A_458 = tpu.vector_load %arg8[%parallel_loop3A_457] {strides = array<i32>} : memref<2048xi32, #tpu.memory_space<vmem>>, vector<16xi32>,
      %parallel_loop3A_459 = arith.constant 24720 : i32
      %parallel_loop3A_460 = vector.broadcast %parallel_loop3A_459 : i32 to vector<16xi32>
      %parallel_loop3A_461 = arith.addi %parallel_loop3A_458, %parallel_loop3A_460 : vector<16xi32>
      %parallel_loop3A_462 = arith.constant 0 : i32
      %parallel_loop3A_463 = vector.broadcast %parallel_loop3A_462 : i32 to vector<16xi32>
      %parallel_loop3A_464 = arith.addi %parallel_loop3A_461, %parallel_loop3A_463 : vector<16xi32>
      %parallel_loop3A_465 = tpu.vector_load_idx %arg6[%parallel_loop3A_464] : memref<32960xf32, #tpu.memory_space<vmem>>[vector<16xi32>], vector<16xf32>,
      %parallel_loop3A_466 = arith.constant 0 : i32
      %parallel_loop3A_467 = arith.index_cast %parallel_loop3A_437 : i32 to index
      %parallel_loop3A_468 = arith.index_cast %parallel_loop3A_466 : i32 to index
      %parallel_loop3A_469 = arith.index_cast %parallel_loop3A_456 : i32 to index
      %parallel_loop3A_470 = tpu.vector_load %arg9[%parallel_loop3A_467, %parallel_loop3A_468, %parallel_loop3A_469] {strides = array<i32>} : memref<16x8x128xf32, #tpu.memory_space<vmem>>, vector<16xf32>,
      tpu.vector_store %arg9[%parallel_loop3A_467, %parallel_loop3A_468, %parallel_loop3A_469], %parallel_loop3A_465 {strides = array<i32>} : memref<16x8x128xf32, #tpu.memory_space<vmem>>, vector<16xf32>,
      %parallel_loop3A_471 = arith.constant 1030 : i32
      %parallel_loop3A_472 = vector.broadcast %parallel_loop3A_471 : i32 to vector<16xi32>
      %parallel_loop3A_473 = arith.addi %parallel_loop3A_461, %parallel_loop3A_472 : vector<16xi32>
      %parallel_loop3A_474 = tpu.vector_load_idx %arg6[%parallel_loop3A_473] : memref<32960xf32, #tpu.memory_space<vmem>>[vector<16xi32>], vector<16xf32>,
      %parallel_loop3A_475 = arith.constant 1 : i32
      %parallel_loop3A_476 = arith.index_cast %parallel_loop3A_437 : i32 to index
      %parallel_loop3A_477 = arith.index_cast %parallel_loop3A_475 : i32 to index
      %parallel_loop3A_478 = arith.index_cast %parallel_loop3A_456 : i32 to index
      %parallel_loop3A_479 = tpu.vector_load %arg9[%parallel_loop3A_476, %parallel_loop3A_477, %parallel_loop3A_478] {strides = array<i32>} : memref<16x8x128xf32, #tpu.memory_space<vmem>>, vector<16xf32>,
      tpu.vector_store %arg9[%parallel_loop3A_476, %parallel_loop3A_477, %parallel_loop3A_478], %parallel_loop3A_474 {strides = array<i32>} : memref<16x8x128xf32, #tpu.memory_space<vmem>>, vector<16xf32>,
      %parallel_loop3A_480 = arith.constant 2060 : i32
      %parallel_loop3A_481 = vector.broadcast %parallel_loop3A_480 : i32 to vector<16xi32>
      %parallel_loop3A_482 = arith.addi %parallel_loop3A_461, %parallel_loop3A_481 : vector<16xi32>
      %parallel_loop3A_483 = tpu.vector_load_idx %arg6[%parallel_loop3A_482] : memref<32960xf32, #tpu.memory_space<vmem>>[vector<16xi32>], vector<16xf32>,
      %parallel_loop3A_484 = arith.constant 2 : i32
      %parallel_loop3A_485 = arith.index_cast %parallel_loop3A_437 : i32 to index
      %parallel_loop3A_486 = arith.index_cast %parallel_loop3A_484 : i32 to index
      %parallel_loop3A_487 = arith.index_cast %parallel_loop3A_456 : i32 to index
      %parallel_loop3A_488 = tpu.vector_load %arg9[%parallel_loop3A_485, %parallel_loop3A_486, %parallel_loop3A_487] {strides = array<i32>} : memref<16x8x128xf32, #tpu.memory_space<vmem>>, vector<16xf32>,
      tpu.vector_store %arg9[%parallel_loop3A_485, %parallel_loop3A_486, %parallel_loop3A_487], %parallel_loop3A_483 {strides = array<i32>} : memref<16x8x128xf32, #tpu.memory_space<vmem>>, vector<16xf32>,
      %parallel_loop3A_489 = arith.constant 3090 : i32
      %parallel_loop3A_490 = vector.broadcast %parallel_loop3A_489 : i32 to vector<16xi32>
      %parallel_loop3A_491 = arith.addi %parallel_loop3A_461, %parallel_loop3A_490 : vector<16xi32>
      %parallel_loop3A_492 = tpu.vector_load_idx %arg6[%parallel_loop3A_491] : memref<32960xf32, #tpu.memory_space<vmem>>[vector<16xi32>], vector<16xf32>,
      %parallel_loop3A_493 = arith.constant 3 : i32
      %parallel_loop3A_494 = arith.index_cast %parallel_loop3A_437 : i32 to index
      %parallel_loop3A_495 = arith.index_cast %parallel_loop3A_493 : i32 to index
      %parallel_loop3A_496 = arith.index_cast %parallel_loop3A_456 : i32 to index
      %parallel_loop3A_497 = tpu.vector_load %arg9[%parallel_loop3A_494, %parallel_loop3A_495, %parallel_loop3A_496] {strides = array<i32>} : memref<16x8x128xf32, #tpu.memory_space<vmem>>, vector<16xf32>,
      tpu.vector_store %arg9[%parallel_loop3A_494, %parallel_loop3A_495, %parallel_loop3A_496], %parallel_loop3A_492 {strides = array<i32>} : memref<16x8x128xf32, #tpu.memory_space<vmem>>, vector<16xf32>,
      %parallel_loop3A_498 = arith.constant 4120 : i32
      %parallel_loop3A_499 = vector.broadcast %parallel_loop3A_498 : i32 to vector<16xi32>
      %parallel_loop3A_500 = arith.addi %parallel_loop3A_461, %parallel_loop3A_499 : vector<16xi32>
      %parallel_loop3A_501 = tpu.vector_load_idx %arg6[%parallel_loop3A_500] : memref<32960xf32, #tpu.memory_space<vmem>>[vector<16xi32>], vector<16xf32>,
      %parallel_loop3A_502 = arith.constant 4 : i32
      %parallel_loop3A_503 = arith.index_cast %parallel_loop3A_437 : i32 to index
      %parallel_loop3A_504 = arith.index_cast %parallel_loop3A_502 : i32 to index
      %parallel_loop3A_505 = arith.index_cast %parallel_loop3A_456 : i32 to index
      %parallel_loop3A_506 = tpu.vector_load %arg9[%parallel_loop3A_503, %parallel_loop3A_504, %parallel_loop3A_505] {strides = array<i32>} : memref<16x8x128xf32, #tpu.memory_space<vmem>>, vector<16xf32>,
      tpu.vector_store %arg9[%parallel_loop3A_503, %parallel_loop3A_504, %parallel_loop3A_505], %parallel_loop3A_501 {strides = array<i32>} : memref<16x8x128xf32, #tpu.memory_space<vmem>>, vector<16xf32>,
      %parallel_loop3A_507 = arith.constant 5150 : i32
      %parallel_loop3A_508 = vector.broadcast %parallel_loop3A_507 : i32 to vector<16xi32>
      %parallel_loop3A_509 = arith.addi %parallel_loop3A_461, %parallel_loop3A_508 : vector<16xi32>
      %parallel_loop3A_510 = tpu.vector_load_idx %arg6[%parallel_loop3A_509] : memref<32960xf32, #tpu.memory_space<vmem>>[vector<16xi32>], vector<16xf32>,
      %parallel_loop3A_511 = arith.constant 5 : i32
      %parallel_loop3A_512 = arith.index_cast %parallel_loop3A_437 : i32 to index
      %parallel_loop3A_513 = arith.index_cast %parallel_loop3A_511 : i32 to index
      %parallel_loop3A_514 = arith.index_cast %parallel_loop3A_456 : i32 to index
      %parallel_loop3A_515 = tpu.vector_load %arg9[%parallel_loop3A_512, %parallel_loop3A_513, %parallel_loop3A_514] {strides = array<i32>} : memref<16x8x128xf32, #tpu.memory_space<vmem>>, vector<16xf32>,
      tpu.vector_store %arg9[%parallel_loop3A_512, %parallel_loop3A_513, %parallel_loop3A_514], %parallel_loop3A_510 {strides = array<i32>} : memref<16x8x128xf32, #tpu.memory_space<vmem>>, vector<16xf32>,
      %parallel_loop3A_516 = arith.constant 6180 : i32
      %parallel_loop3A_517 = vector.broadcast %parallel_loop3A_516 : i32 to vector<16xi32>
      %parallel_loop3A_518 = arith.addi %parallel_loop3A_461, %parallel_loop3A_517 : vector<16xi32>
      %parallel_loop3A_519 = tpu.vector_load_idx %arg6[%parallel_loop3A_518] : memref<32960xf32, #tpu.memory_space<vmem>>[vector<16xi32>], vector<16xf32>,
      %parallel_loop3A_520 = arith.constant 6 : i32
      %parallel_loop3A_521 = arith.index_cast %parallel_loop3A_437 : i32 to index
      %parallel_loop3A_522 = arith.index_cast %parallel_loop3A_520 : i32 to index
      %parallel_loop3A_523 = arith.index_cast %parallel_loop3A_456 : i32 to index
      %parallel_loop3A_524 = tpu.vector_load %arg9[%parallel_loop3A_521, %parallel_loop3A_522, %parallel_loop3A_523] {strides = array<i32>} : memref<16x8x128xf32, #tpu.memory_space<vmem>>, vector<16xf32>,
      tpu.vector_store %arg9[%parallel_loop3A_521, %parallel_loop3A_522, %parallel_loop3A_523], %parallel_loop3A_519 {strides = array<i32>} : memref<16x8x128xf32, #tpu.memory_space<vmem>>, vector<16xf32>,
      %parallel_loop3A_525 = arith.constant 7210 : i32
      %parallel_loop3A_526 = vector.broadcast %parallel_loop3A_525 : i32 to vector<16xi32>
      %parallel_loop3A_527 = arith.addi %parallel_loop3A_461, %parallel_loop3A_526 : vector<16xi32>
      %parallel_loop3A_528 = tpu.vector_load_idx %arg6[%parallel_loop3A_527] : memref<32960xf32, #tpu.memory_space<vmem>>[vector<16xi32>], vector<16xf32>,
      %parallel_loop3A_529 = arith.constant 7 : i32
      %parallel_loop3A_530 = arith.index_cast %parallel_loop3A_437 : i32 to index
      %parallel_loop3A_531 = arith.index_cast %parallel_loop3A_529 : i32 to index
      %parallel_loop3A_532 = arith.index_cast %parallel_loop3A_456 : i32 to index
      %parallel_loop3A_533 = tpu.vector_load %arg9[%parallel_loop3A_530, %parallel_loop3A_531, %parallel_loop3A_532] {strides = array<i32>} : memref<16x8x128xf32, #tpu.memory_space<vmem>>, vector<16xf32>,
      tpu.vector_store %arg9[%parallel_loop3A_530, %parallel_loop3A_531, %parallel_loop3A_532], %parallel_loop3A_528 {strides = array<i32>} : memref<16x8x128xf32, #tpu.memory_space<vmem>>, vector<16xf32>,
    } {sc.loop_unroll_factor = 8 : i64, sc.parallel_access}
    %add3A_193 = arith.constant 1 : i32
    %add3A_194 = arith.addi %mul3A_2, %add3A_193 : i32
    %dma_start3A_195 = arith.constant 1 : i32
    %dma_start3A_196 = arith.constant 0 : i32
    %dma_start3A_197 = tpu.memref_slice %arg2[%add3A_194, %dma_start3A_195, %dma_start3A_196] : memref<64x4x2048xi32, #tpu.memory_space<hbm>> -> memref<1x1x2048xi32, #tpu.memory_space<hbm>>
    %dma_start3A_198 = tpu.memref_squeeze %dma_start3A_197 : memref<1x1x2048xi32, #tpu.memory_space<hbm>> -> memref<2048xi32, #tpu.memory_space<hbm>>
    %dma_start3A_199 = arith.constant 0 : i32
    %dma_start3A_200 = tpu.memref_slice %arg2[%add3A_194, %dma_start3A_195, %dma_start3A_199] : memref<64x4x2048xi32, #tpu.memory_space<hbm>> -> memref<1x1x2048xi32, #tpu.memory_space<hbm>>
    %dma_start3A_201 = tpu.memref_squeeze %dma_start3A_200 : memref<1x1x2048xi32, #tpu.memory_space<hbm>> -> memref<2048xi32, #tpu.memory_space<hbm>>
    tpu.enqueue_dma source(%dma_start3A_201 : memref<2048xi32, #tpu.memory_space<hbm>>) target(%arg8 : memref<2048xi32, #tpu.memory_space<vmem>>) target_semaphore(%arg13 : memref<!tpu.dma_semaphore, #tpu.memory_space<semaphore_mem>>)
    %add3A_202 = arith.constant 0 : i32
    %add3A_203 = arith.addi %mul3A_2, %add3A_202 : i32
    %dma_start3A_204 = arith.constant 3 : i32
    %dma_start3A_205 = arith.constant 0 : i32
    %dma_start3A_206 = arith.constant 0 : i32
    %dma_start3A_207 = arith.constant 0 : i32
    %dma_start3A_208 = tpu.memref_slice %arg4[%add3A_203, %dma_start3A_204, %dma_start3A_205, %dma_start3A_206, %dma_start3A_207] : memref<64x4x16x8x128xf32, #tpu.memory_space<hbm>> -> memref<1x1x16x8x128xf32, #tpu.memory_space<hbm>>
    %dma_start3A_209 = tpu.memref_squeeze %dma_start3A_208 : memref<1x1x16x8x128xf32, #tpu.memory_space<hbm>> -> memref<16x8x128xf32, #tpu.memory_space<hbm>>
    %dma_start3A_210 = arith.constant 0 : i32
    %dma_start3A_211 = arith.constant 0 : i32
    %dma_start3A_212 = arith.constant 0 : i32
    %dma_start3A_213 = tpu.memref_slice %arg4[%add3A_203, %dma_start3A_204, %dma_start3A_210, %dma_start3A_211, %dma_start3A_212] : memref<64x4x16x8x128xf32, #tpu.memory_space<hbm>> -> memref<1x1x16x8x128xf32, #tpu.memory_space<hbm>>
    %dma_start3A_214 = tpu.memref_squeeze %dma_start3A_213 : memref<1x1x16x8x128xf32, #tpu.memory_space<hbm>> -> memref<16x8x128xf32, #tpu.memory_space<hbm>>
    tpu.enqueue_dma source(%arg9 : memref<16x8x128xf32, #tpu.memory_space<vmem>>) target(%dma_start3A_214 : memref<16x8x128xf32, #tpu.memory_space<hbm>>) target_semaphore(%arg14 : memref<!tpu.dma_semaphore, #tpu.memory_space<semaphore_mem>>)
    %dma_wait3A_215 = arith.constant 0 : i32
    %dma_wait3A_216 = arith.constant 0 : i32
    %dma_wait3A_217 = tpu.memref_slice %arg2[%add3A_141, %dma_wait3A_215, %dma_wait3A_216] : memref<64x4x2048xi32, #tpu.memory_space<hbm>> -> memref<1x1x2048xi32, #tpu.memory_space<hbm>>
    %dma_wait3A_218 = tpu.memref_squeeze %dma_wait3A_217 : memref<1x1x2048xi32, #tpu.memory_space<hbm>> -> memref<2048xi32, #tpu.memory_space<hbm>>
    %dma_wait3A_219 = arith.constant 0 : i32
    %dma_wait3A_220 = tpu.memref_slice %arg2[%add3A_141, %dma_wait3A_215, %dma_wait3A_219] : memref<64x4x2048xi32, #tpu.memory_space<hbm>> -> memref<1x1x2048xi32, #tpu.memory_space<hbm>>
    %dma_wait3A_221 = tpu.memref_squeeze %dma_wait3A_220 : memref<1x1x2048xi32, #tpu.memory_space<hbm>> -> memref<2048xi32, #tpu.memory_space<hbm>>
    tpu.wait_dma2 semaphore(%arg13 : memref<!tpu.dma_semaphore, #tpu.memory_space<semaphore_mem>>) src(%dma_wait3A_221 : memref<2048xi32, #tpu.memory_space<hbm>>) dst(%arg7 : memref<2048xi32, #tpu.memory_space<vmem>>)
    %dma_wait3A_222 = arith.constant 1 : i32
    %dma_wait3A_223 = arith.constant 0 : i32
    %dma_wait3A_224 = arith.constant 0 : i32
    %dma_wait3A_225 = arith.constant 0 : i32
    %dma_wait3A_226 = tpu.memref_slice %arg4[%add3A_108, %dma_wait3A_222, %dma_wait3A_223, %dma_wait3A_224, %dma_wait3A_225] : memref<64x4x16x8x128xf32, #tpu.memory_space<hbm>> -> memref<1x1x16x8x128xf32, #tpu.memory_space<hbm>>
    %dma_wait3A_227 = tpu.memref_squeeze %dma_wait3A_226 : memref<1x1x16x8x128xf32, #tpu.memory_space<hbm>> -> memref<16x8x128xf32, #tpu.memory_space<hbm>>
    %dma_wait3A_228 = arith.constant 0 : i32
    %dma_wait3A_229 = arith.constant 0 : i32
    %dma_wait3A_230 = arith.constant 0 : i32
    %dma_wait3A_231 = tpu.memref_slice %arg4[%add3A_108, %dma_wait3A_222, %dma_wait3A_228, %dma_wait3A_229, %dma_wait3A_230] : memref<64x4x16x8x128xf32, #tpu.memory_space<hbm>> -> memref<1x1x16x8x128xf32, #tpu.memory_space<hbm>>
    %dma_wait3A_232 = tpu.memref_squeeze %dma_wait3A_231 : memref<1x1x16x8x128xf32, #tpu.memory_space<hbm>> -> memref<16x8x128xf32, #tpu.memory_space<hbm>>
    tpu.wait_dma2 semaphore(%arg14 : memref<!tpu.dma_semaphore, #tpu.memory_space<semaphore_mem>>) src(%arg10 : memref<16x8x128xf32, #tpu.memory_space<vmem>>) dst(%dma_wait3A_232 : memref<16x8x128xf32, #tpu.memory_space<hbm>>)
    %add3A_233 = arith.constant 1 : i32
    %add3A_234 = arith.addi %mul3A_2, %add3A_233 : i32
    %parallel_loop3A_235 = arith.constant 0 : i32
    %parallel_loop3A_236 = arith.constant 128 : i32
    %parallel_loop3A_237 = arith.constant 1 : i32
    scf.for %parallel_loop3A_410 = %parallel_loop3A_235 to %parallel_loop3A_236 step %parallel_loop3A_237  : i32 {
      %parallel_loop3A_411 = arith.constant 16 : i32
      %parallel_loop3A_412 = arith.muli %parallel_loop3A_410, %parallel_loop3A_411 : i32
      %parallel_loop3A_413 = tpu.assume_multiple %parallel_loop3A_412, 16 : i32
      %parallel_loop3A_414 = arith.constant 8 : i32
      %parallel_loop3A_415 = arith.divsi %parallel_loop3A_410, %parallel_loop3A_414 : i32
      %parallel_loop3A_416 = arith.constant 0 : i32
      %parallel_loop3A_417 = arith.cmpi sgt, %parallel_loop3A_410, %parallel_loop3A_416 : i32
      %parallel_loop3A_418 = arith.extui %parallel_loop3A_417 : i1 to i32
      %parallel_loop3A_419 = arith.constant 0 : i32
      %parallel_loop3A_420 = arith.cmpi slt, %parallel_loop3A_410, %parallel_loop3A_419 : i32
      %parallel_loop3A_421 = arith.extui %parallel_loop3A_420 : i1 to i32
      %parallel_loop3A_422 = arith.subi %parallel_loop3A_418, %parallel_loop3A_421 : i32
      %parallel_loop3A_423 = arith.constant 0 : i32
      %parallel_loop3A_424 = arith.cmpi sgt, %parallel_loop3A_414, %parallel_loop3A_423 : i32
      %parallel_loop3A_425 = arith.extui %parallel_loop3A_424 : i1 to i32
      %parallel_loop3A_426 = arith.constant 0 : i32
      %parallel_loop3A_427 = arith.cmpi slt, %parallel_loop3A_414, %parallel_loop3A_426 : i32
      %parallel_loop3A_428 = arith.extui %parallel_loop3A_427 : i1 to i32
      %parallel_loop3A_429 = arith.subi %parallel_loop3A_425, %parallel_loop3A_428 : i32
      %parallel_loop3A_430 = arith.cmpi ne, %parallel_loop3A_422, %parallel_loop3A_429 : i32
      %parallel_loop3A_431 = arith.remsi %parallel_loop3A_410, %parallel_loop3A_414 : i32
      %parallel_loop3A_432 = arith.constant 0 : i32
      %parallel_loop3A_433 = arith.cmpi ne, %parallel_loop3A_431, %parallel_loop3A_432 : i32
      %parallel_loop3A_434 = arith.andi %parallel_loop3A_430, %parallel_loop3A_433 : i1
      %parallel_loop3A_435 = arith.constant 1 : i32
      %parallel_loop3A_436 = arith.subi %parallel_loop3A_415, %parallel_loop3A_435 : i32
      %parallel_loop3A_437 = arith.select %parallel_loop3A_434, %parallel_loop3A_436, %parallel_loop3A_415 : i32
      %parallel_loop3A_438 = arith.constant 8 : i32
      %parallel_loop3A_439 = arith.constant 0 : i32
      %parallel_loop3A_440 = arith.cmpi eq, %parallel_loop3A_438, %parallel_loop3A_439 : i32
      %parallel_loop3A_441 = arith.constant 1 : i32
      %parallel_loop3A_442 = arith.select %parallel_loop3A_440, %parallel_loop3A_441, %parallel_loop3A_438 : i32
      %parallel_loop3A_443 = arith.remsi %parallel_loop3A_410, %parallel_loop3A_442 : i32
      %parallel_loop3A_444 = arith.constant 0 : i32
      %parallel_loop3A_445 = arith.cmpi ne, %parallel_loop3A_443, %parallel_loop3A_444 : i32
      %parallel_loop3A_446 = arith.constant 0 : i32
      %parallel_loop3A_447 = arith.cmpi slt, %parallel_loop3A_443, %parallel_loop3A_446 : i32
      %parallel_loop3A_448 = arith.constant 0 : i32
      %parallel_loop3A_449 = arith.cmpi slt, %parallel_loop3A_442, %parallel_loop3A_448 : i32
      %parallel_loop3A_450 = arith.xori %parallel_loop3A_447, %parallel_loop3A_449 : i1
      %parallel_loop3A_451 = arith.andi %parallel_loop3A_450, %parallel_loop3A_445 : i1
      %parallel_loop3A_452 = arith.addi %parallel_loop3A_443, %parallel_loop3A_442 : i32
      %parallel_loop3A_453 = arith.select %parallel_loop3A_451, %parallel_loop3A_452, %parallel_loop3A_443 : i32
      %parallel_loop3A_454 = arith.constant 16 : i32
      %parallel_loop3A_455 = arith.muli %parallel_loop3A_453, %parallel_loop3A_454 : i32
      %parallel_loop3A_456 = tpu.assume_multiple %parallel_loop3A_455, 16 : i32
      %parallel_loop3A_457 = arith.index_cast %parallel_loop3A_413 : i32 to index
      %parallel_loop3A_458 = tpu.vector_load %arg7[%parallel_loop3A_457] {strides = array<i32>} : memref<2048xi32, #tpu.memory_space<vmem>>, vector<16xi32>,
      %parallel_loop3A_459 = arith.constant 0 : i32
      %parallel_loop3A_460 = vector.broadcast %parallel_loop3A_459 : i32 to vector<16xi32>
      %parallel_loop3A_461 = arith.addi %parallel_loop3A_458, %parallel_loop3A_460 : vector<16xi32>
      %parallel_loop3A_462 = arith.constant 0 : i32
      %parallel_loop3A_463 = vector.broadcast %parallel_loop3A_462 : i32 to vector<16xi32>
      %parallel_loop3A_464 = arith.addi %parallel_loop3A_461, %parallel_loop3A_463 : vector<16xi32>
      %parallel_loop3A_465 = tpu.vector_load_idx %arg6[%parallel_loop3A_464] : memref<32960xf32, #tpu.memory_space<vmem>>[vector<16xi32>], vector<16xf32>,
      %parallel_loop3A_466 = arith.constant 0 : i32
      %parallel_loop3A_467 = arith.index_cast %parallel_loop3A_437 : i32 to index
      %parallel_loop3A_468 = arith.index_cast %parallel_loop3A_466 : i32 to index
      %parallel_loop3A_469 = arith.index_cast %parallel_loop3A_456 : i32 to index
      %parallel_loop3A_470 = tpu.vector_load %arg10[%parallel_loop3A_467, %parallel_loop3A_468, %parallel_loop3A_469] {strides = array<i32>} : memref<16x8x128xf32, #tpu.memory_space<vmem>>, vector<16xf32>,
      tpu.vector_store %arg10[%parallel_loop3A_467, %parallel_loop3A_468, %parallel_loop3A_469], %parallel_loop3A_465 {strides = array<i32>} : memref<16x8x128xf32, #tpu.memory_space<vmem>>, vector<16xf32>,
      %parallel_loop3A_471 = arith.constant 1030 : i32
      %parallel_loop3A_472 = vector.broadcast %parallel_loop3A_471 : i32 to vector<16xi32>
      %parallel_loop3A_473 = arith.addi %parallel_loop3A_461, %parallel_loop3A_472 : vector<16xi32>
      %parallel_loop3A_474 = tpu.vector_load_idx %arg6[%parallel_loop3A_473] : memref<32960xf32, #tpu.memory_space<vmem>>[vector<16xi32>], vector<16xf32>,
      %parallel_loop3A_475 = arith.constant 1 : i32
      %parallel_loop3A_476 = arith.index_cast %parallel_loop3A_437 : i32 to index
      %parallel_loop3A_477 = arith.index_cast %parallel_loop3A_475 : i32 to index
      %parallel_loop3A_478 = arith.index_cast %parallel_loop3A_456 : i32 to index
      %parallel_loop3A_479 = tpu.vector_load %arg10[%parallel_loop3A_476, %parallel_loop3A_477, %parallel_loop3A_478] {strides = array<i32>} : memref<16x8x128xf32, #tpu.memory_space<vmem>>, vector<16xf32>,
      tpu.vector_store %arg10[%parallel_loop3A_476, %parallel_loop3A_477, %parallel_loop3A_478], %parallel_loop3A_474 {strides = array<i32>} : memref<16x8x128xf32, #tpu.memory_space<vmem>>, vector<16xf32>,
      %parallel_loop3A_480 = arith.constant 2060 : i32
      %parallel_loop3A_481 = vector.broadcast %parallel_loop3A_480 : i32 to vector<16xi32>
      %parallel_loop3A_482 = arith.addi %parallel_loop3A_461, %parallel_loop3A_481 : vector<16xi32>
      %parallel_loop3A_483 = tpu.vector_load_idx %arg6[%parallel_loop3A_482] : memref<32960xf32, #tpu.memory_space<vmem>>[vector<16xi32>], vector<16xf32>,
      %parallel_loop3A_484 = arith.constant 2 : i32
      %parallel_loop3A_485 = arith.index_cast %parallel_loop3A_437 : i32 to index
      %parallel_loop3A_486 = arith.index_cast %parallel_loop3A_484 : i32 to index
      %parallel_loop3A_487 = arith.index_cast %parallel_loop3A_456 : i32 to index
      %parallel_loop3A_488 = tpu.vector_load %arg10[%parallel_loop3A_485, %parallel_loop3A_486, %parallel_loop3A_487] {strides = array<i32>} : memref<16x8x128xf32, #tpu.memory_space<vmem>>, vector<16xf32>,
      tpu.vector_store %arg10[%parallel_loop3A_485, %parallel_loop3A_486, %parallel_loop3A_487], %parallel_loop3A_483 {strides = array<i32>} : memref<16x8x128xf32, #tpu.memory_space<vmem>>, vector<16xf32>,
      %parallel_loop3A_489 = arith.constant 3090 : i32
      %parallel_loop3A_490 = vector.broadcast %parallel_loop3A_489 : i32 to vector<16xi32>
      %parallel_loop3A_491 = arith.addi %parallel_loop3A_461, %parallel_loop3A_490 : vector<16xi32>
      %parallel_loop3A_492 = tpu.vector_load_idx %arg6[%parallel_loop3A_491] : memref<32960xf32, #tpu.memory_space<vmem>>[vector<16xi32>], vector<16xf32>,
      %parallel_loop3A_493 = arith.constant 3 : i32
      %parallel_loop3A_494 = arith.index_cast %parallel_loop3A_437 : i32 to index
      %parallel_loop3A_495 = arith.index_cast %parallel_loop3A_493 : i32 to index
      %parallel_loop3A_496 = arith.index_cast %parallel_loop3A_456 : i32 to index
      %parallel_loop3A_497 = tpu.vector_load %arg10[%parallel_loop3A_494, %parallel_loop3A_495, %parallel_loop3A_496] {strides = array<i32>} : memref<16x8x128xf32, #tpu.memory_space<vmem>>, vector<16xf32>,
      tpu.vector_store %arg10[%parallel_loop3A_494, %parallel_loop3A_495, %parallel_loop3A_496], %parallel_loop3A_492 {strides = array<i32>} : memref<16x8x128xf32, #tpu.memory_space<vmem>>, vector<16xf32>,
      %parallel_loop3A_498 = arith.constant 4120 : i32
      %parallel_loop3A_499 = vector.broadcast %parallel_loop3A_498 : i32 to vector<16xi32>
      %parallel_loop3A_500 = arith.addi %parallel_loop3A_461, %parallel_loop3A_499 : vector<16xi32>
      %parallel_loop3A_501 = tpu.vector_load_idx %arg6[%parallel_loop3A_500] : memref<32960xf32, #tpu.memory_space<vmem>>[vector<16xi32>], vector<16xf32>,
      %parallel_loop3A_502 = arith.constant 4 : i32
      %parallel_loop3A_503 = arith.index_cast %parallel_loop3A_437 : i32 to index
      %parallel_loop3A_504 = arith.index_cast %parallel_loop3A_502 : i32 to index
      %parallel_loop3A_505 = arith.index_cast %parallel_loop3A_456 : i32 to index
      %parallel_loop3A_506 = tpu.vector_load %arg10[%parallel_loop3A_503, %parallel_loop3A_504, %parallel_loop3A_505] {strides = array<i32>} : memref<16x8x128xf32, #tpu.memory_space<vmem>>, vector<16xf32>,
      tpu.vector_store %arg10[%parallel_loop3A_503, %parallel_loop3A_504, %parallel_loop3A_505], %parallel_loop3A_501 {strides = array<i32>} : memref<16x8x128xf32, #tpu.memory_space<vmem>>, vector<16xf32>,
      %parallel_loop3A_507 = arith.constant 5150 : i32
      %parallel_loop3A_508 = vector.broadcast %parallel_loop3A_507 : i32 to vector<16xi32>
      %parallel_loop3A_509 = arith.addi %parallel_loop3A_461, %parallel_loop3A_508 : vector<16xi32>
      %parallel_loop3A_510 = tpu.vector_load_idx %arg6[%parallel_loop3A_509] : memref<32960xf32, #tpu.memory_space<vmem>>[vector<16xi32>], vector<16xf32>,
      %parallel_loop3A_511 = arith.constant 5 : i32
      %parallel_loop3A_512 = arith.index_cast %parallel_loop3A_437 : i32 to index
      %parallel_loop3A_513 = arith.index_cast %parallel_loop3A_511 : i32 to index
      %parallel_loop3A_514 = arith.index_cast %parallel_loop3A_456 : i32 to index
      %parallel_loop3A_515 = tpu.vector_load %arg10[%parallel_loop3A_512, %parallel_loop3A_513, %parallel_loop3A_514] {strides = array<i32>} : memref<16x8x128xf32, #tpu.memory_space<vmem>>, vector<16xf32>,
      tpu.vector_store %arg10[%parallel_loop3A_512, %parallel_loop3A_513, %parallel_loop3A_514], %parallel_loop3A_510 {strides = array<i32>} : memref<16x8x128xf32, #tpu.memory_space<vmem>>, vector<16xf32>,
      %parallel_loop3A_516 = arith.constant 6180 : i32
      %parallel_loop3A_517 = vector.broadcast %parallel_loop3A_516 : i32 to vector<16xi32>
      %parallel_loop3A_518 = arith.addi %parallel_loop3A_461, %parallel_loop3A_517 : vector<16xi32>
      %parallel_loop3A_519 = tpu.vector_load_idx %arg6[%parallel_loop3A_518] : memref<32960xf32, #tpu.memory_space<vmem>>[vector<16xi32>], vector<16xf32>,
      %parallel_loop3A_520 = arith.constant 6 : i32
      %parallel_loop3A_521 = arith.index_cast %parallel_loop3A_437 : i32 to index
      %parallel_loop3A_522 = arith.index_cast %parallel_loop3A_520 : i32 to index
      %parallel_loop3A_523 = arith.index_cast %parallel_loop3A_456 : i32 to index
      %parallel_loop3A_524 = tpu.vector_load %arg10[%parallel_loop3A_521, %parallel_loop3A_522, %parallel_loop3A_523] {strides = array<i32>} : memref<16x8x128xf32, #tpu.memory_space<vmem>>, vector<16xf32>,
      tpu.vector_store %arg10[%parallel_loop3A_521, %parallel_loop3A_522, %parallel_loop3A_523], %parallel_loop3A_519 {strides = array<i32>} : memref<16x8x128xf32, #tpu.memory_space<vmem>>, vector<16xf32>,
      %parallel_loop3A_525 = arith.constant 7210 : i32
      %parallel_loop3A_526 = vector.broadcast %parallel_loop3A_525 : i32 to vector<16xi32>
      %parallel_loop3A_527 = arith.addi %parallel_loop3A_461, %parallel_loop3A_526 : vector<16xi32>
      %parallel_loop3A_528 = tpu.vector_load_idx %arg6[%parallel_loop3A_527] : memref<32960xf32, #tpu.memory_space<vmem>>[vector<16xi32>], vector<16xf32>,
      %parallel_loop3A_529 = arith.constant 7 : i32
      %parallel_loop3A_530 = arith.index_cast %parallel_loop3A_437 : i32 to index
      %parallel_loop3A_531 = arith.index_cast %parallel_loop3A_529 : i32 to index
      %parallel_loop3A_532 = arith.index_cast %parallel_loop3A_456 : i32 to index
      %parallel_loop3A_533 = tpu.vector_load %arg10[%parallel_loop3A_530, %parallel_loop3A_531, %parallel_loop3A_532] {strides = array<i32>} : memref<16x8x128xf32, #tpu.memory_space<vmem>>, vector<16xf32>,
      tpu.vector_store %arg10[%parallel_loop3A_530, %parallel_loop3A_531, %parallel_loop3A_532], %parallel_loop3A_528 {strides = array<i32>} : memref<16x8x128xf32, #tpu.memory_space<vmem>>, vector<16xf32>,
    } {sc.loop_unroll_factor = 8 : i64, sc.parallel_access}
    %add3A_238 = arith.constant 1 : i32
    %add3A_239 = arith.addi %mul3A_2, %add3A_238 : i32
    %dma_start3A_240 = arith.constant 2 : i32
    %dma_start3A_241 = arith.constant 0 : i32
    %dma_start3A_242 = tpu.memref_slice %arg2[%add3A_239, %dma_start3A_240, %dma_start3A_241] : memref<64x4x2048xi32, #tpu.memory_space<hbm>> -> memref<1x1x2048xi32, #tpu.memory_space<hbm>>
    %dma_start3A_243 = tpu.memref_squeeze %dma_start3A_242 : memref<1x1x2048xi32, #tpu.memory_space<hbm>> -> memref<2048xi32, #tpu.memory_space<hbm>>
    %dma_start3A_244 = arith.constant 0 : i32
    %dma_start3A_245 = tpu.memref_slice %arg2[%add3A_239, %dma_start3A_240, %dma_start3A_244] : memref<64x4x2048xi32, #tpu.memory_space<hbm>> -> memref<1x1x2048xi32, #tpu.memory_space<hbm>>
    %dma_start3A_246 = tpu.memref_squeeze %dma_start3A_245 : memref<1x1x2048xi32, #tpu.memory_space<hbm>> -> memref<2048xi32, #tpu.memory_space<hbm>>
    tpu.enqueue_dma source(%dma_start3A_246 : memref<2048xi32, #tpu.memory_space<hbm>>) target(%arg7 : memref<2048xi32, #tpu.memory_space<vmem>>) target_semaphore(%arg13 : memref<!tpu.dma_semaphore, #tpu.memory_space<semaphore_mem>>)
    %add3A_247 = arith.constant 1 : i32
    %add3A_248 = arith.addi %mul3A_2, %add3A_247 : i32
    %dma_start3A_249 = arith.constant 0 : i32
    %dma_start3A_250 = arith.constant 0 : i32
    %dma_start3A_251 = arith.constant 0 : i32
    %dma_start3A_252 = arith.constant 0 : i32
    %dma_start3A_253 = tpu.memref_slice %arg4[%add3A_248, %dma_start3A_249, %dma_start3A_250, %dma_start3A_251, %dma_start3A_252] : memref<64x4x16x8x128xf32, #tpu.memory_space<hbm>> -> memref<1x1x16x8x128xf32, #tpu.memory_space<hbm>>
    %dma_start3A_254 = tpu.memref_squeeze %dma_start3A_253 : memref<1x1x16x8x128xf32, #tpu.memory_space<hbm>> -> memref<16x8x128xf32, #tpu.memory_space<hbm>>
    %dma_start3A_255 = arith.constant 0 : i32
    %dma_start3A_256 = arith.constant 0 : i32
    %dma_start3A_257 = arith.constant 0 : i32
    %dma_start3A_258 = tpu.memref_slice %arg4[%add3A_248, %dma_start3A_249, %dma_start3A_255, %dma_start3A_256, %dma_start3A_257] : memref<64x4x16x8x128xf32, #tpu.memory_space<hbm>> -> memref<1x1x16x8x128xf32, #tpu.memory_space<hbm>>
    %dma_start3A_259 = tpu.memref_squeeze %dma_start3A_258 : memref<1x1x16x8x128xf32, #tpu.memory_space<hbm>> -> memref<16x8x128xf32, #tpu.memory_space<hbm>>
    tpu.enqueue_dma source(%arg10 : memref<16x8x128xf32, #tpu.memory_space<vmem>>) target(%dma_start3A_259 : memref<16x8x128xf32, #tpu.memory_space<hbm>>) target_semaphore(%arg14 : memref<!tpu.dma_semaphore, #tpu.memory_space<semaphore_mem>>)
    %dma_wait3A_260 = arith.constant 1 : i32
    %dma_wait3A_261 = arith.constant 0 : i32
    %dma_wait3A_262 = tpu.memref_slice %arg2[%add3A_194, %dma_wait3A_260, %dma_wait3A_261] : memref<64x4x2048xi32, #tpu.memory_space<hbm>> -> memref<1x1x2048xi32, #tpu.memory_space<hbm>>
    %dma_wait3A_263 = tpu.memref_squeeze %dma_wait3A_262 : memref<1x1x2048xi32, #tpu.memory_space<hbm>> -> memref<2048xi32, #tpu.memory_space<hbm>>
    %dma_wait3A_264 = arith.constant 0 : i32
    %dma_wait3A_265 = tpu.memref_slice %arg2[%add3A_194, %dma_wait3A_260, %dma_wait3A_264] : memref<64x4x2048xi32, #tpu.memory_space<hbm>> -> memref<1x1x2048xi32, #tpu.memory_space<hbm>>
    %dma_wait3A_266 = tpu.memref_squeeze %dma_wait3A_265 : memref<1x1x2048xi32, #tpu.memory_space<hbm>> -> memref<2048xi32, #tpu.memory_space<hbm>>
    tpu.wait_dma2 semaphore(%arg13 : memref<!tpu.dma_semaphore, #tpu.memory_space<semaphore_mem>>) src(%dma_wait3A_266 : memref<2048xi32, #tpu.memory_space<hbm>>) dst(%arg8 : memref<2048xi32, #tpu.memory_space<vmem>>)
    %dma_wait3A_267 = arith.constant 2 : i32
    %dma_wait3A_268 = arith.constant 0 : i32
    %dma_wait3A_269 = arith.constant 0 : i32
    %dma_wait3A_270 = arith.constant 0 : i32
    %dma_wait3A_271 = tpu.memref_slice %arg4[%add3A_150, %dma_wait3A_267, %dma_wait3A_268, %dma_wait3A_269, %dma_wait3A_270] : memref<64x4x16x8x128xf32, #tpu.memory_space<hbm>> -> memref<1x1x16x8x128xf32, #tpu.memory_space<hbm>>
    %dma_wait3A_272 = tpu.memref_squeeze %dma_wait3A_271 : memref<1x1x16x8x128xf32, #tpu.memory_space<hbm>> -> memref<16x8x128xf32, #tpu.memory_space<hbm>>
    %dma_wait3A_273 = arith.constant 0 : i32
    %dma_wait3A_274 = arith.constant 0 : i32
    %dma_wait3A_275 = arith.constant 0 : i32
    %dma_wait3A_276 = tpu.memref_slice %arg4[%add3A_150, %dma_wait3A_267, %dma_wait3A_273, %dma_wait3A_274, %dma_wait3A_275] : memref<64x4x16x8x128xf32, #tpu.memory_space<hbm>> -> memref<1x1x16x8x128xf32, #tpu.memory_space<hbm>>
    %dma_wait3A_277 = tpu.memref_squeeze %dma_wait3A_276 : memref<1x1x16x8x128xf32, #tpu.memory_space<hbm>> -> memref<16x8x128xf32, #tpu.memory_space<hbm>>
    tpu.wait_dma2 semaphore(%arg14 : memref<!tpu.dma_semaphore, #tpu.memory_space<semaphore_mem>>) src(%arg11 : memref<16x8x128xf32, #tpu.memory_space<vmem>>) dst(%dma_wait3A_277 : memref<16x8x128xf32, #tpu.memory_space<hbm>>)
    %add3A_278 = arith.constant 1 : i32
    %add3A_279 = arith.addi %mul3A_2, %add3A_278 : i32
    %parallel_loop3A_280 = arith.constant 0 : i32
    %parallel_loop3A_281 = arith.constant 128 : i32
    %parallel_loop3A_282 = arith.constant 1 : i32
    scf.for %parallel_loop3A_410 = %parallel_loop3A_280 to %parallel_loop3A_281 step %parallel_loop3A_282  : i32 {
      %parallel_loop3A_411 = arith.constant 16 : i32
      %parallel_loop3A_412 = arith.muli %parallel_loop3A_410, %parallel_loop3A_411 : i32
      %parallel_loop3A_413 = tpu.assume_multiple %parallel_loop3A_412, 16 : i32
      %parallel_loop3A_414 = arith.constant 8 : i32
      %parallel_loop3A_415 = arith.divsi %parallel_loop3A_410, %parallel_loop3A_414 : i32
      %parallel_loop3A_416 = arith.constant 0 : i32
      %parallel_loop3A_417 = arith.cmpi sgt, %parallel_loop3A_410, %parallel_loop3A_416 : i32
      %parallel_loop3A_418 = arith.extui %parallel_loop3A_417 : i1 to i32
      %parallel_loop3A_419 = arith.constant 0 : i32
      %parallel_loop3A_420 = arith.cmpi slt, %parallel_loop3A_410, %parallel_loop3A_419 : i32
      %parallel_loop3A_421 = arith.extui %parallel_loop3A_420 : i1 to i32
      %parallel_loop3A_422 = arith.subi %parallel_loop3A_418, %parallel_loop3A_421 : i32
      %parallel_loop3A_423 = arith.constant 0 : i32
      %parallel_loop3A_424 = arith.cmpi sgt, %parallel_loop3A_414, %parallel_loop3A_423 : i32
      %parallel_loop3A_425 = arith.extui %parallel_loop3A_424 : i1 to i32
      %parallel_loop3A_426 = arith.constant 0 : i32
      %parallel_loop3A_427 = arith.cmpi slt, %parallel_loop3A_414, %parallel_loop3A_426 : i32
      %parallel_loop3A_428 = arith.extui %parallel_loop3A_427 : i1 to i32
      %parallel_loop3A_429 = arith.subi %parallel_loop3A_425, %parallel_loop3A_428 : i32
      %parallel_loop3A_430 = arith.cmpi ne, %parallel_loop3A_422, %parallel_loop3A_429 : i32
      %parallel_loop3A_431 = arith.remsi %parallel_loop3A_410, %parallel_loop3A_414 : i32
      %parallel_loop3A_432 = arith.constant 0 : i32
      %parallel_loop3A_433 = arith.cmpi ne, %parallel_loop3A_431, %parallel_loop3A_432 : i32
      %parallel_loop3A_434 = arith.andi %parallel_loop3A_430, %parallel_loop3A_433 : i1
      %parallel_loop3A_435 = arith.constant 1 : i32
      %parallel_loop3A_436 = arith.subi %parallel_loop3A_415, %parallel_loop3A_435 : i32
      %parallel_loop3A_437 = arith.select %parallel_loop3A_434, %parallel_loop3A_436, %parallel_loop3A_415 : i32
      %parallel_loop3A_438 = arith.constant 8 : i32
      %parallel_loop3A_439 = arith.constant 0 : i32
      %parallel_loop3A_440 = arith.cmpi eq, %parallel_loop3A_438, %parallel_loop3A_439 : i32
      %parallel_loop3A_441 = arith.constant 1 : i32
      %parallel_loop3A_442 = arith.select %parallel_loop3A_440, %parallel_loop3A_441, %parallel_loop3A_438 : i32
      %parallel_loop3A_443 = arith.remsi %parallel_loop3A_410, %parallel_loop3A_442 : i32
      %parallel_loop3A_444 = arith.constant 0 : i32
      %parallel_loop3A_445 = arith.cmpi ne, %parallel_loop3A_443, %parallel_loop3A_444 : i32
      %parallel_loop3A_446 = arith.constant 0 : i32
      %parallel_loop3A_447 = arith.cmpi slt, %parallel_loop3A_443, %parallel_loop3A_446 : i32
      %parallel_loop3A_448 = arith.constant 0 : i32
      %parallel_loop3A_449 = arith.cmpi slt, %parallel_loop3A_442, %parallel_loop3A_448 : i32
      %parallel_loop3A_450 = arith.xori %parallel_loop3A_447, %parallel_loop3A_449 : i1
      %parallel_loop3A_451 = arith.andi %parallel_loop3A_450, %parallel_loop3A_445 : i1
      %parallel_loop3A_452 = arith.addi %parallel_loop3A_443, %parallel_loop3A_442 : i32
      %parallel_loop3A_453 = arith.select %parallel_loop3A_451, %parallel_loop3A_452, %parallel_loop3A_443 : i32
      %parallel_loop3A_454 = arith.constant 16 : i32
      %parallel_loop3A_455 = arith.muli %parallel_loop3A_453, %parallel_loop3A_454 : i32
      %parallel_loop3A_456 = tpu.assume_multiple %parallel_loop3A_455, 16 : i32
      %parallel_loop3A_457 = arith.index_cast %parallel_loop3A_413 : i32 to index
      %parallel_loop3A_458 = tpu.vector_load %arg8[%parallel_loop3A_457] {strides = array<i32>} : memref<2048xi32, #tpu.memory_space<vmem>>, vector<16xi32>,
      %parallel_loop3A_459 = arith.constant 8240 : i32
      %parallel_loop3A_460 = vector.broadcast %parallel_loop3A_459 : i32 to vector<16xi32>
      %parallel_loop3A_461 = arith.addi %parallel_loop3A_458, %parallel_loop3A_460 : vector<16xi32>
      %parallel_loop3A_462 = arith.constant 0 : i32
      %parallel_loop3A_463 = vector.broadcast %parallel_loop3A_462 : i32 to vector<16xi32>
      %parallel_loop3A_464 = arith.addi %parallel_loop3A_461, %parallel_loop3A_463 : vector<16xi32>
      %parallel_loop3A_465 = tpu.vector_load_idx %arg6[%parallel_loop3A_464] : memref<32960xf32, #tpu.memory_space<vmem>>[vector<16xi32>], vector<16xf32>,
      %parallel_loop3A_466 = arith.constant 0 : i32
      %parallel_loop3A_467 = arith.index_cast %parallel_loop3A_437 : i32 to index
      %parallel_loop3A_468 = arith.index_cast %parallel_loop3A_466 : i32 to index
      %parallel_loop3A_469 = arith.index_cast %parallel_loop3A_456 : i32 to index
      %parallel_loop3A_470 = tpu.vector_load %arg11[%parallel_loop3A_467, %parallel_loop3A_468, %parallel_loop3A_469] {strides = array<i32>} : memref<16x8x128xf32, #tpu.memory_space<vmem>>, vector<16xf32>,
      tpu.vector_store %arg11[%parallel_loop3A_467, %parallel_loop3A_468, %parallel_loop3A_469], %parallel_loop3A_465 {strides = array<i32>} : memref<16x8x128xf32, #tpu.memory_space<vmem>>, vector<16xf32>,
      %parallel_loop3A_471 = arith.constant 1030 : i32
      %parallel_loop3A_472 = vector.broadcast %parallel_loop3A_471 : i32 to vector<16xi32>
      %parallel_loop3A_473 = arith.addi %parallel_loop3A_461, %parallel_loop3A_472 : vector<16xi32>
      %parallel_loop3A_474 = tpu.vector_load_idx %arg6[%parallel_loop3A_473] : memref<32960xf32, #tpu.memory_space<vmem>>[vector<16xi32>], vector<16xf32>,
      %parallel_loop3A_475 = arith.constant 1 : i32
      %parallel_loop3A_476 = arith.index_cast %parallel_loop3A_437 : i32 to index
      %parallel_loop3A_477 = arith.index_cast %parallel_loop3A_475 : i32 to index
      %parallel_loop3A_478 = arith.index_cast %parallel_loop3A_456 : i32 to index
      %parallel_loop3A_479 = tpu.vector_load %arg11[%parallel_loop3A_476, %parallel_loop3A_477, %parallel_loop3A_478] {strides = array<i32>} : memref<16x8x128xf32, #tpu.memory_space<vmem>>, vector<16xf32>,
      tpu.vector_store %arg11[%parallel_loop3A_476, %parallel_loop3A_477, %parallel_loop3A_478], %parallel_loop3A_474 {strides = array<i32>} : memref<16x8x128xf32, #tpu.memory_space<vmem>>, vector<16xf32>,
      %parallel_loop3A_480 = arith.constant 2060 : i32
      %parallel_loop3A_481 = vector.broadcast %parallel_loop3A_480 : i32 to vector<16xi32>
      %parallel_loop3A_482 = arith.addi %parallel_loop3A_461, %parallel_loop3A_481 : vector<16xi32>
      %parallel_loop3A_483 = tpu.vector_load_idx %arg6[%parallel_loop3A_482] : memref<32960xf32, #tpu.memory_space<vmem>>[vector<16xi32>], vector<16xf32>,
      %parallel_loop3A_484 = arith.constant 2 : i32
      %parallel_loop3A_485 = arith.index_cast %parallel_loop3A_437 : i32 to index
      %parallel_loop3A_486 = arith.index_cast %parallel_loop3A_484 : i32 to index
      %parallel_loop3A_487 = arith.index_cast %parallel_loop3A_456 : i32 to index
      %parallel_loop3A_488 = tpu.vector_load %arg11[%parallel_loop3A_485, %parallel_loop3A_486, %parallel_loop3A_487] {strides = array<i32>} : memref<16x8x128xf32, #tpu.memory_space<vmem>>, vector<16xf32>,
      tpu.vector_store %arg11[%parallel_loop3A_485, %parallel_loop3A_486, %parallel_loop3A_487], %parallel_loop3A_483 {strides = array<i32>} : memref<16x8x128xf32, #tpu.memory_space<vmem>>, vector<16xf32>,
      %parallel_loop3A_489 = arith.constant 3090 : i32
      %parallel_loop3A_490 = vector.broadcast %parallel_loop3A_489 : i32 to vector<16xi32>
      %parallel_loop3A_491 = arith.addi %parallel_loop3A_461, %parallel_loop3A_490 : vector<16xi32>
      %parallel_loop3A_492 = tpu.vector_load_idx %arg6[%parallel_loop3A_491] : memref<32960xf32, #tpu.memory_space<vmem>>[vector<16xi32>], vector<16xf32>,
      %parallel_loop3A_493 = arith.constant 3 : i32
      %parallel_loop3A_494 = arith.index_cast %parallel_loop3A_437 : i32 to index
      %parallel_loop3A_495 = arith.index_cast %parallel_loop3A_493 : i32 to index
      %parallel_loop3A_496 = arith.index_cast %parallel_loop3A_456 : i32 to index
      %parallel_loop3A_497 = tpu.vector_load %arg11[%parallel_loop3A_494, %parallel_loop3A_495, %parallel_loop3A_496] {strides = array<i32>} : memref<16x8x128xf32, #tpu.memory_space<vmem>>, vector<16xf32>,
      tpu.vector_store %arg11[%parallel_loop3A_494, %parallel_loop3A_495, %parallel_loop3A_496], %parallel_loop3A_492 {strides = array<i32>} : memref<16x8x128xf32, #tpu.memory_space<vmem>>, vector<16xf32>,
      %parallel_loop3A_498 = arith.constant 4120 : i32
      %parallel_loop3A_499 = vector.broadcast %parallel_loop3A_498 : i32 to vector<16xi32>
      %parallel_loop3A_500 = arith.addi %parallel_loop3A_461, %parallel_loop3A_499 : vector<16xi32>
      %parallel_loop3A_501 = tpu.vector_load_idx %arg6[%parallel_loop3A_500] : memref<32960xf32, #tpu.memory_space<vmem>>[vector<16xi32>], vector<16xf32>,
      %parallel_loop3A_502 = arith.constant 4 : i32
      %parallel_loop3A_503 = arith.index_cast %parallel_loop3A_437 : i32 to index
      %parallel_loop3A_504 = arith.index_cast %parallel_loop3A_502 : i32 to index
      %parallel_loop3A_505 = arith.index_cast %parallel_loop3A_456 : i32 to index
      %parallel_loop3A_506 = tpu.vector_load %arg11[%parallel_loop3A_503, %parallel_loop3A_504, %parallel_loop3A_505] {strides = array<i32>} : memref<16x8x128xf32, #tpu.memory_space<vmem>>, vector<16xf32>,
      tpu.vector_store %arg11[%parallel_loop3A_503, %parallel_loop3A_504, %parallel_loop3A_505], %parallel_loop3A_501 {strides = array<i32>} : memref<16x8x128xf32, #tpu.memory_space<vmem>>, vector<16xf32>,
      %parallel_loop3A_507 = arith.constant 5150 : i32
      %parallel_loop3A_508 = vector.broadcast %parallel_loop3A_507 : i32 to vector<16xi32>
      %parallel_loop3A_509 = arith.addi %parallel_loop3A_461, %parallel_loop3A_508 : vector<16xi32>
      %parallel_loop3A_510 = tpu.vector_load_idx %arg6[%parallel_loop3A_509] : memref<32960xf32, #tpu.memory_space<vmem>>[vector<16xi32>], vector<16xf32>,
      %parallel_loop3A_511 = arith.constant 5 : i32
      %parallel_loop3A_512 = arith.index_cast %parallel_loop3A_437 : i32 to index
      %parallel_loop3A_513 = arith.index_cast %parallel_loop3A_511 : i32 to index
      %parallel_loop3A_514 = arith.index_cast %parallel_loop3A_456 : i32 to index
      %parallel_loop3A_515 = tpu.vector_load %arg11[%parallel_loop3A_512, %parallel_loop3A_513, %parallel_loop3A_514] {strides = array<i32>} : memref<16x8x128xf32, #tpu.memory_space<vmem>>, vector<16xf32>,
      tpu.vector_store %arg11[%parallel_loop3A_512, %parallel_loop3A_513, %parallel_loop3A_514], %parallel_loop3A_510 {strides = array<i32>} : memref<16x8x128xf32, #tpu.memory_space<vmem>>, vector<16xf32>,
      %parallel_loop3A_516 = arith.constant 6180 : i32
      %parallel_loop3A_517 = vector.broadcast %parallel_loop3A_516 : i32 to vector<16xi32>
      %parallel_loop3A_518 = arith.addi %parallel_loop3A_461, %parallel_loop3A_517 : vector<16xi32>
      %parallel_loop3A_519 = tpu.vector_load_idx %arg6[%parallel_loop3A_518] : memref<32960xf32, #tpu.memory_space<vmem>>[vector<16xi32>], vector<16xf32>,
      %parallel_loop3A_520 = arith.constant 6 : i32
      %parallel_loop3A_521 = arith.index_cast %parallel_loop3A_437 : i32 to index
      %parallel_loop3A_522 = arith.index_cast %parallel_loop3A_520 : i32 to index
      %parallel_loop3A_523 = arith.index_cast %parallel_loop3A_456 : i32 to index
      %parallel_loop3A_524 = tpu.vector_load %arg11[%parallel_loop3A_521, %parallel_loop3A_522, %parallel_loop3A_523] {strides = array<i32>} : memref<16x8x128xf32, #tpu.memory_space<vmem>>, vector<16xf32>,
      tpu.vector_store %arg11[%parallel_loop3A_521, %parallel_loop3A_522, %parallel_loop3A_523], %parallel_loop3A_519 {strides = array<i32>} : memref<16x8x128xf32, #tpu.memory_space<vmem>>, vector<16xf32>,
      %parallel_loop3A_525 = arith.constant 7210 : i32
      %parallel_loop3A_526 = vector.broadcast %parallel_loop3A_525 : i32 to vector<16xi32>
      %parallel_loop3A_527 = arith.addi %parallel_loop3A_461, %parallel_loop3A_526 : vector<16xi32>
      %parallel_loop3A_528 = tpu.vector_load_idx %arg6[%parallel_loop3A_527] : memref<32960xf32, #tpu.memory_space<vmem>>[vector<16xi32>], vector<16xf32>,
      %parallel_loop3A_529 = arith.constant 7 : i32
      %parallel_loop3A_530 = arith.index_cast %parallel_loop3A_437 : i32 to index
      %parallel_loop3A_531 = arith.index_cast %parallel_loop3A_529 : i32 to index
      %parallel_loop3A_532 = arith.index_cast %parallel_loop3A_456 : i32 to index
      %parallel_loop3A_533 = tpu.vector_load %arg11[%parallel_loop3A_530, %parallel_loop3A_531, %parallel_loop3A_532] {strides = array<i32>} : memref<16x8x128xf32, #tpu.memory_space<vmem>>, vector<16xf32>,
      tpu.vector_store %arg11[%parallel_loop3A_530, %parallel_loop3A_531, %parallel_loop3A_532], %parallel_loop3A_528 {strides = array<i32>} : memref<16x8x128xf32, #tpu.memory_space<vmem>>, vector<16xf32>,
    } {sc.loop_unroll_factor = 8 : i64, sc.parallel_access}
    %add3A_283 = arith.constant 1 : i32
    %add3A_284 = arith.addi %mul3A_2, %add3A_283 : i32
    %dma_start3A_285 = arith.constant 3 : i32
    %dma_start3A_286 = arith.constant 0 : i32
    %dma_start3A_287 = tpu.memref_slice %arg2[%add3A_284, %dma_start3A_285, %dma_start3A_286] : memref<64x4x2048xi32, #tpu.memory_space<hbm>> -> memref<1x1x2048xi32, #tpu.memory_space<hbm>>
    %dma_start3A_288 = tpu.memref_squeeze %dma_start3A_287 : memref<1x1x2048xi32, #tpu.memory_space<hbm>> -> memref<2048xi32, #tpu.memory_space<hbm>>
    %dma_start3A_289 = arith.constant 0 : i32
    %dma_start3A_290 = tpu.memref_slice %arg2[%add3A_284, %dma_start3A_285, %dma_start3A_289] : memref<64x4x2048xi32, #tpu.memory_space<hbm>> -> memref<1x1x2048xi32, #tpu.memory_space<hbm>>
    %dma_start3A_291 = tpu.memref_squeeze %dma_start3A_290 : memref<1x1x2048xi32, #tpu.memory_space<hbm>> -> memref<2048xi32, #tpu.memory_space<hbm>>
    tpu.enqueue_dma source(%dma_start3A_291 : memref<2048xi32, #tpu.memory_space<hbm>>) target(%arg8 : memref<2048xi32, #tpu.memory_space<vmem>>) target_semaphore(%arg13 : memref<!tpu.dma_semaphore, #tpu.memory_space<semaphore_mem>>)
    %add3A_292 = arith.constant 1 : i32
    %add3A_293 = arith.addi %mul3A_2, %add3A_292 : i32
    %dma_start3A_294 = arith.constant 1 : i32
    %dma_start3A_295 = arith.constant 0 : i32
    %dma_start3A_296 = arith.constant 0 : i32
    %dma_start3A_297 = arith.constant 0 : i32
    %dma_start3A_298 = tpu.memref_slice %arg4[%add3A_293, %dma_start3A_294, %dma_start3A_295, %dma_start3A_296, %dma_start3A_297] : memref<64x4x16x8x128xf32, #tpu.memory_space<hbm>> -> memref<1x1x16x8x128xf32, #tpu.memory_space<hbm>>
    %dma_start3A_299 = tpu.memref_squeeze %dma_start3A_298 : memref<1x1x16x8x128xf32, #tpu.memory_space<hbm>> -> memref<16x8x128xf32, #tpu.memory_space<hbm>>
    %dma_start3A_300 = arith.constant 0 : i32
    %dma_start3A_301 = arith.constant 0 : i32
    %dma_start3A_302 = arith.constant 0 : i32
    %dma_start3A_303 = tpu.memref_slice %arg4[%add3A_293, %dma_start3A_294, %dma_start3A_300, %dma_start3A_301, %dma_start3A_302] : memref<64x4x16x8x128xf32, #tpu.memory_space<hbm>> -> memref<1x1x16x8x128xf32, #tpu.memory_space<hbm>>
    %dma_start3A_304 = tpu.memref_squeeze %dma_start3A_303 : memref<1x1x16x8x128xf32, #tpu.memory_space<hbm>> -> memref<16x8x128xf32, #tpu.memory_space<hbm>>
    tpu.enqueue_dma source(%arg11 : memref<16x8x128xf32, #tpu.memory_space<vmem>>) target(%dma_start3A_304 : memref<16x8x128xf32, #tpu.memory_space<hbm>>) target_semaphore(%arg14 : memref<!tpu.dma_semaphore, #tpu.memory_space<semaphore_mem>>)
    %dma_wait3A_305 = arith.constant 2 : i32
    %dma_wait3A_306 = arith.constant 0 : i32
    %dma_wait3A_307 = tpu.memref_slice %arg2[%add3A_239, %dma_wait3A_305, %dma_wait3A_306] : memref<64x4x2048xi32, #tpu.memory_space<hbm>> -> memref<1x1x2048xi32, #tpu.memory_space<hbm>>
    %dma_wait3A_308 = tpu.memref_squeeze %dma_wait3A_307 : memref<1x1x2048xi32, #tpu.memory_space<hbm>> -> memref<2048xi32, #tpu.memory_space<hbm>>
    %dma_wait3A_309 = arith.constant 0 : i32
    %dma_wait3A_310 = tpu.memref_slice %arg2[%add3A_239, %dma_wait3A_305, %dma_wait3A_309] : memref<64x4x2048xi32, #tpu.memory_space<hbm>> -> memref<1x1x2048xi32, #tpu.memory_space<hbm>>
    %dma_wait3A_311 = tpu.memref_squeeze %dma_wait3A_310 : memref<1x1x2048xi32, #tpu.memory_space<hbm>> -> memref<2048xi32, #tpu.memory_space<hbm>>
    tpu.wait_dma2 semaphore(%arg13 : memref<!tpu.dma_semaphore, #tpu.memory_space<semaphore_mem>>) src(%dma_wait3A_311 : memref<2048xi32, #tpu.memory_space<hbm>>) dst(%arg7 : memref<2048xi32, #tpu.memory_space<vmem>>)
    %dma_wait3A_312 = arith.constant 3 : i32
    %dma_wait3A_313 = arith.constant 0 : i32
    %dma_wait3A_314 = arith.constant 0 : i32
    %dma_wait3A_315 = arith.constant 0 : i32
    %dma_wait3A_316 = tpu.memref_slice %arg4[%add3A_203, %dma_wait3A_312, %dma_wait3A_313, %dma_wait3A_314, %dma_wait3A_315] : memref<64x4x16x8x128xf32, #tpu.memory_space<hbm>> -> memref<1x1x16x8x128xf32, #tpu.memory_space<hbm>>
    %dma_wait3A_317 = tpu.memref_squeeze %dma_wait3A_316 : memref<1x1x16x8x128xf32, #tpu.memory_space<hbm>> -> memref<16x8x128xf32, #tpu.memory_space<hbm>>
    %dma_wait3A_318 = arith.constant 0 : i32
    %dma_wait3A_319 = arith.constant 0 : i32
    %dma_wait3A_320 = arith.constant 0 : i32
    %dma_wait3A_321 = tpu.memref_slice %arg4[%add3A_203, %dma_wait3A_312, %dma_wait3A_318, %dma_wait3A_319, %dma_wait3A_320] : memref<64x4x16x8x128xf32, #tpu.memory_space<hbm>> -> memref<1x1x16x8x128xf32, #tpu.memory_space<hbm>>
    %dma_wait3A_322 = tpu.memref_squeeze %dma_wait3A_321 : memref<1x1x16x8x128xf32, #tpu.memory_space<hbm>> -> memref<16x8x128xf32, #tpu.memory_space<hbm>>
    tpu.wait_dma2 semaphore(%arg14 : memref<!tpu.dma_semaphore, #tpu.memory_space<semaphore_mem>>) src(%arg9 : memref<16x8x128xf32, #tpu.memory_space<vmem>>) dst(%dma_wait3A_322 : memref<16x8x128xf32, #tpu.memory_space<hbm>>)
    %add3A_323 = arith.constant 1 : i32
    %add3A_324 = arith.addi %mul3A_2, %add3A_323 : i32
    %parallel_loop3A_325 = arith.constant 0 : i32
    %parallel_loop3A_326 = arith.constant 128 : i32
    %parallel_loop3A_327 = arith.constant 1 : i32
    scf.for %parallel_loop3A_410 = %parallel_loop3A_325 to %parallel_loop3A_326 step %parallel_loop3A_327  : i32 {
      %parallel_loop3A_411 = arith.constant 16 : i32
      %parallel_loop3A_412 = arith.muli %parallel_loop3A_410, %parallel_loop3A_411 : i32
      %parallel_loop3A_413 = tpu.assume_multiple %parallel_loop3A_412, 16 : i32
      %parallel_loop3A_414 = arith.constant 8 : i32
      %parallel_loop3A_415 = arith.divsi %parallel_loop3A_410, %parallel_loop3A_414 : i32
      %parallel_loop3A_416 = arith.constant 0 : i32
      %parallel_loop3A_417 = arith.cmpi sgt, %parallel_loop3A_410, %parallel_loop3A_416 : i32
      %parallel_loop3A_418 = arith.extui %parallel_loop3A_417 : i1 to i32
      %parallel_loop3A_419 = arith.constant 0 : i32
      %parallel_loop3A_420 = arith.cmpi slt, %parallel_loop3A_410, %parallel_loop3A_419 : i32
      %parallel_loop3A_421 = arith.extui %parallel_loop3A_420 : i1 to i32
      %parallel_loop3A_422 = arith.subi %parallel_loop3A_418, %parallel_loop3A_421 : i32
      %parallel_loop3A_423 = arith.constant 0 : i32
      %parallel_loop3A_424 = arith.cmpi sgt, %parallel_loop3A_414, %parallel_loop3A_423 : i32
      %parallel_loop3A_425 = arith.extui %parallel_loop3A_424 : i1 to i32
      %parallel_loop3A_426 = arith.constant 0 : i32
      %parallel_loop3A_427 = arith.cmpi slt, %parallel_loop3A_414, %parallel_loop3A_426 : i32
      %parallel_loop3A_428 = arith.extui %parallel_loop3A_427 : i1 to i32
      %parallel_loop3A_429 = arith.subi %parallel_loop3A_425, %parallel_loop3A_428 : i32
      %parallel_loop3A_430 = arith.cmpi ne, %parallel_loop3A_422, %parallel_loop3A_429 : i32
      %parallel_loop3A_431 = arith.remsi %parallel_loop3A_410, %parallel_loop3A_414 : i32
      %parallel_loop3A_432 = arith.constant 0 : i32
      %parallel_loop3A_433 = arith.cmpi ne, %parallel_loop3A_431, %parallel_loop3A_432 : i32
      %parallel_loop3A_434 = arith.andi %parallel_loop3A_430, %parallel_loop3A_433 : i1
      %parallel_loop3A_435 = arith.constant 1 : i32
      %parallel_loop3A_436 = arith.subi %parallel_loop3A_415, %parallel_loop3A_435 : i32
      %parallel_loop3A_437 = arith.select %parallel_loop3A_434, %parallel_loop3A_436, %parallel_loop3A_415 : i32
      %parallel_loop3A_438 = arith.constant 8 : i32
      %parallel_loop3A_439 = arith.constant 0 : i32
      %parallel_loop3A_440 = arith.cmpi eq, %parallel_loop3A_438, %parallel_loop3A_439 : i32
      %parallel_loop3A_441 = arith.constant 1 : i32
      %parallel_loop3A_442 = arith.select %parallel_loop3A_440, %parallel_loop3A_441, %parallel_loop3A_438 : i32
      %parallel_loop3A_443 = arith.remsi %parallel_loop3A_410, %parallel_loop3A_442 : i32
      %parallel_loop3A_444 = arith.constant 0 : i32
      %parallel_loop3A_445 = arith.cmpi ne, %parallel_loop3A_443, %parallel_loop3A_444 : i32
      %parallel_loop3A_446 = arith.constant 0 : i32
      %parallel_loop3A_447 = arith.cmpi slt, %parallel_loop3A_443, %parallel_loop3A_446 : i32
      %parallel_loop3A_448 = arith.constant 0 : i32
      %parallel_loop3A_449 = arith.cmpi slt, %parallel_loop3A_442, %parallel_loop3A_448 : i32
      %parallel_loop3A_450 = arith.xori %parallel_loop3A_447, %parallel_loop3A_449 : i1
      %parallel_loop3A_451 = arith.andi %parallel_loop3A_450, %parallel_loop3A_445 : i1
      %parallel_loop3A_452 = arith.addi %parallel_loop3A_443, %parallel_loop3A_442 : i32
      %parallel_loop3A_453 = arith.select %parallel_loop3A_451, %parallel_loop3A_452, %parallel_loop3A_443 : i32
      %parallel_loop3A_454 = arith.constant 16 : i32
      %parallel_loop3A_455 = arith.muli %parallel_loop3A_453, %parallel_loop3A_454 : i32
      %parallel_loop3A_456 = tpu.assume_multiple %parallel_loop3A_455, 16 : i32
      %parallel_loop3A_457 = arith.index_cast %parallel_loop3A_413 : i32 to index
      %parallel_loop3A_458 = tpu.vector_load %arg7[%parallel_loop3A_457] {strides = array<i32>} : memref<2048xi32, #tpu.memory_space<vmem>>, vector<16xi32>,
      %parallel_loop3A_459 = arith.constant 16480 : i32
      %parallel_loop3A_460 = vector.broadcast %parallel_loop3A_459 : i32 to vector<16xi32>
      %parallel_loop3A_461 = arith.addi %parallel_loop3A_458, %parallel_loop3A_460 : vector<16xi32>
      %parallel_loop3A_462 = arith.constant 0 : i32
      %parallel_loop3A_463 = vector.broadcast %parallel_loop3A_462 : i32 to vector<16xi32>
      %parallel_loop3A_464 = arith.addi %parallel_loop3A_461, %parallel_loop3A_463 : vector<16xi32>
      %parallel_loop3A_465 = tpu.vector_load_idx %arg6[%parallel_loop3A_464] : memref<32960xf32, #tpu.memory_space<vmem>>[vector<16xi32>], vector<16xf32>,
      %parallel_loop3A_466 = arith.constant 0 : i32
      %parallel_loop3A_467 = arith.index_cast %parallel_loop3A_437 : i32 to index
      %parallel_loop3A_468 = arith.index_cast %parallel_loop3A_466 : i32 to index
      %parallel_loop3A_469 = arith.index_cast %parallel_loop3A_456 : i32 to index
      %parallel_loop3A_470 = tpu.vector_load %arg9[%parallel_loop3A_467, %parallel_loop3A_468, %parallel_loop3A_469] {strides = array<i32>} : memref<16x8x128xf32, #tpu.memory_space<vmem>>, vector<16xf32>,
      tpu.vector_store %arg9[%parallel_loop3A_467, %parallel_loop3A_468, %parallel_loop3A_469], %parallel_loop3A_465 {strides = array<i32>} : memref<16x8x128xf32, #tpu.memory_space<vmem>>, vector<16xf32>,
      %parallel_loop3A_471 = arith.constant 1030 : i32
      %parallel_loop3A_472 = vector.broadcast %parallel_loop3A_471 : i32 to vector<16xi32>
      %parallel_loop3A_473 = arith.addi %parallel_loop3A_461, %parallel_loop3A_472 : vector<16xi32>
      %parallel_loop3A_474 = tpu.vector_load_idx %arg6[%parallel_loop3A_473] : memref<32960xf32, #tpu.memory_space<vmem>>[vector<16xi32>], vector<16xf32>,
      %parallel_loop3A_475 = arith.constant 1 : i32
      %parallel_loop3A_476 = arith.index_cast %parallel_loop3A_437 : i32 to index
      %parallel_loop3A_477 = arith.index_cast %parallel_loop3A_475 : i32 to index
      %parallel_loop3A_478 = arith.index_cast %parallel_loop3A_456 : i32 to index
      %parallel_loop3A_479 = tpu.vector_load %arg9[%parallel_loop3A_476, %parallel_loop3A_477, %parallel_loop3A_478] {strides = array<i32>} : memref<16x8x128xf32, #tpu.memory_space<vmem>>, vector<16xf32>,
      tpu.vector_store %arg9[%parallel_loop3A_476, %parallel_loop3A_477, %parallel_loop3A_478], %parallel_loop3A_474 {strides = array<i32>} : memref<16x8x128xf32, #tpu.memory_space<vmem>>, vector<16xf32>,
      %parallel_loop3A_480 = arith.constant 2060 : i32
      %parallel_loop3A_481 = vector.broadcast %parallel_loop3A_480 : i32 to vector<16xi32>
      %parallel_loop3A_482 = arith.addi %parallel_loop3A_461, %parallel_loop3A_481 : vector<16xi32>
      %parallel_loop3A_483 = tpu.vector_load_idx %arg6[%parallel_loop3A_482] : memref<32960xf32, #tpu.memory_space<vmem>>[vector<16xi32>], vector<16xf32>,
      %parallel_loop3A_484 = arith.constant 2 : i32
      %parallel_loop3A_485 = arith.index_cast %parallel_loop3A_437 : i32 to index
      %parallel_loop3A_486 = arith.index_cast %parallel_loop3A_484 : i32 to index
      %parallel_loop3A_487 = arith.index_cast %parallel_loop3A_456 : i32 to index
      %parallel_loop3A_488 = tpu.vector_load %arg9[%parallel_loop3A_485, %parallel_loop3A_486, %parallel_loop3A_487] {strides = array<i32>} : memref<16x8x128xf32, #tpu.memory_space<vmem>>, vector<16xf32>,
      tpu.vector_store %arg9[%parallel_loop3A_485, %parallel_loop3A_486, %parallel_loop3A_487], %parallel_loop3A_483 {strides = array<i32>} : memref<16x8x128xf32, #tpu.memory_space<vmem>>, vector<16xf32>,
      %parallel_loop3A_489 = arith.constant 3090 : i32
      %parallel_loop3A_490 = vector.broadcast %parallel_loop3A_489 : i32 to vector<16xi32>
      %parallel_loop3A_491 = arith.addi %parallel_loop3A_461, %parallel_loop3A_490 : vector<16xi32>
      %parallel_loop3A_492 = tpu.vector_load_idx %arg6[%parallel_loop3A_491] : memref<32960xf32, #tpu.memory_space<vmem>>[vector<16xi32>], vector<16xf32>,
      %parallel_loop3A_493 = arith.constant 3 : i32
      %parallel_loop3A_494 = arith.index_cast %parallel_loop3A_437 : i32 to index
      %parallel_loop3A_495 = arith.index_cast %parallel_loop3A_493 : i32 to index
      %parallel_loop3A_496 = arith.index_cast %parallel_loop3A_456 : i32 to index
      %parallel_loop3A_497 = tpu.vector_load %arg9[%parallel_loop3A_494, %parallel_loop3A_495, %parallel_loop3A_496] {strides = array<i32>} : memref<16x8x128xf32, #tpu.memory_space<vmem>>, vector<16xf32>,
      tpu.vector_store %arg9[%parallel_loop3A_494, %parallel_loop3A_495, %parallel_loop3A_496], %parallel_loop3A_492 {strides = array<i32>} : memref<16x8x128xf32, #tpu.memory_space<vmem>>, vector<16xf32>,
      %parallel_loop3A_498 = arith.constant 4120 : i32
      %parallel_loop3A_499 = vector.broadcast %parallel_loop3A_498 : i32 to vector<16xi32>
      %parallel_loop3A_500 = arith.addi %parallel_loop3A_461, %parallel_loop3A_499 : vector<16xi32>
      %parallel_loop3A_501 = tpu.vector_load_idx %arg6[%parallel_loop3A_500] : memref<32960xf32, #tpu.memory_space<vmem>>[vector<16xi32>], vector<16xf32>,
      %parallel_loop3A_502 = arith.constant 4 : i32
      %parallel_loop3A_503 = arith.index_cast %parallel_loop3A_437 : i32 to index
      %parallel_loop3A_504 = arith.index_cast %parallel_loop3A_502 : i32 to index
      %parallel_loop3A_505 = arith.index_cast %parallel_loop3A_456 : i32 to index
      %parallel_loop3A_506 = tpu.vector_load %arg9[%parallel_loop3A_503, %parallel_loop3A_504, %parallel_loop3A_505] {strides = array<i32>} : memref<16x8x128xf32, #tpu.memory_space<vmem>>, vector<16xf32>,
      tpu.vector_store %arg9[%parallel_loop3A_503, %parallel_loop3A_504, %parallel_loop3A_505], %parallel_loop3A_501 {strides = array<i32>} : memref<16x8x128xf32, #tpu.memory_space<vmem>>, vector<16xf32>,
      %parallel_loop3A_507 = arith.constant 5150 : i32
      %parallel_loop3A_508 = vector.broadcast %parallel_loop3A_507 : i32 to vector<16xi32>
      %parallel_loop3A_509 = arith.addi %parallel_loop3A_461, %parallel_loop3A_508 : vector<16xi32>
      %parallel_loop3A_510 = tpu.vector_load_idx %arg6[%parallel_loop3A_509] : memref<32960xf32, #tpu.memory_space<vmem>>[vector<16xi32>], vector<16xf32>,
      %parallel_loop3A_511 = arith.constant 5 : i32
      %parallel_loop3A_512 = arith.index_cast %parallel_loop3A_437 : i32 to index
      %parallel_loop3A_513 = arith.index_cast %parallel_loop3A_511 : i32 to index
      %parallel_loop3A_514 = arith.index_cast %parallel_loop3A_456 : i32 to index
      %parallel_loop3A_515 = tpu.vector_load %arg9[%parallel_loop3A_512, %parallel_loop3A_513, %parallel_loop3A_514] {strides = array<i32>} : memref<16x8x128xf32, #tpu.memory_space<vmem>>, vector<16xf32>,
      tpu.vector_store %arg9[%parallel_loop3A_512, %parallel_loop3A_513, %parallel_loop3A_514], %parallel_loop3A_510 {strides = array<i32>} : memref<16x8x128xf32, #tpu.memory_space<vmem>>, vector<16xf32>,
      %parallel_loop3A_516 = arith.constant 6180 : i32
      %parallel_loop3A_517 = vector.broadcast %parallel_loop3A_516 : i32 to vector<16xi32>
      %parallel_loop3A_518 = arith.addi %parallel_loop3A_461, %parallel_loop3A_517 : vector<16xi32>
      %parallel_loop3A_519 = tpu.vector_load_idx %arg6[%parallel_loop3A_518] : memref<32960xf32, #tpu.memory_space<vmem>>[vector<16xi32>], vector<16xf32>,
      %parallel_loop3A_520 = arith.constant 6 : i32
      %parallel_loop3A_521 = arith.index_cast %parallel_loop3A_437 : i32 to index
      %parallel_loop3A_522 = arith.index_cast %parallel_loop3A_520 : i32 to index
      %parallel_loop3A_523 = arith.index_cast %parallel_loop3A_456 : i32 to index
      %parallel_loop3A_524 = tpu.vector_load %arg9[%parallel_loop3A_521, %parallel_loop3A_522, %parallel_loop3A_523] {strides = array<i32>} : memref<16x8x128xf32, #tpu.memory_space<vmem>>, vector<16xf32>,
      tpu.vector_store %arg9[%parallel_loop3A_521, %parallel_loop3A_522, %parallel_loop3A_523], %parallel_loop3A_519 {strides = array<i32>} : memref<16x8x128xf32, #tpu.memory_space<vmem>>, vector<16xf32>,
      %parallel_loop3A_525 = arith.constant 7210 : i32
      %parallel_loop3A_526 = vector.broadcast %parallel_loop3A_525 : i32 to vector<16xi32>
      %parallel_loop3A_527 = arith.addi %parallel_loop3A_461, %parallel_loop3A_526 : vector<16xi32>
      %parallel_loop3A_528 = tpu.vector_load_idx %arg6[%parallel_loop3A_527] : memref<32960xf32, #tpu.memory_space<vmem>>[vector<16xi32>], vector<16xf32>,
      %parallel_loop3A_529 = arith.constant 7 : i32
      %parallel_loop3A_530 = arith.index_cast %parallel_loop3A_437 : i32 to index
      %parallel_loop3A_531 = arith.index_cast %parallel_loop3A_529 : i32 to index
      %parallel_loop3A_532 = arith.index_cast %parallel_loop3A_456 : i32 to index
      %parallel_loop3A_533 = tpu.vector_load %arg9[%parallel_loop3A_530, %parallel_loop3A_531, %parallel_loop3A_532] {strides = array<i32>} : memref<16x8x128xf32, #tpu.memory_space<vmem>>, vector<16xf32>,
      tpu.vector_store %arg9[%parallel_loop3A_530, %parallel_loop3A_531, %parallel_loop3A_532], %parallel_loop3A_528 {strides = array<i32>} : memref<16x8x128xf32, #tpu.memory_space<vmem>>, vector<16xf32>,
    } {sc.loop_unroll_factor = 8 : i64, sc.parallel_access}
    %add3A_328 = arith.constant 1 : i32
    %add3A_329 = arith.addi %mul3A_2, %add3A_328 : i32
    %dma_start3A_330 = arith.constant 2 : i32
    %dma_start3A_331 = arith.constant 0 : i32
    %dma_start3A_332 = arith.constant 0 : i32
    %dma_start3A_333 = arith.constant 0 : i32
    %dma_start3A_334 = tpu.memref_slice %arg4[%add3A_329, %dma_start3A_330, %dma_start3A_331, %dma_start3A_332, %dma_start3A_333] : memref<64x4x16x8x128xf32, #tpu.memory_space<hbm>> -> memref<1x1x16x8x128xf32, #tpu.memory_space<hbm>>
    %dma_start3A_335 = tpu.memref_squeeze %dma_start3A_334 : memref<1x1x16x8x128xf32, #tpu.memory_space<hbm>> -> memref<16x8x128xf32, #tpu.memory_space<hbm>>
    %dma_start3A_336 = arith.constant 0 : i32
    %dma_start3A_337 = arith.constant 0 : i32
    %dma_start3A_338 = arith.constant 0 : i32
    %dma_start3A_339 = tpu.memref_slice %arg4[%add3A_329, %dma_start3A_330, %dma_start3A_336, %dma_start3A_337, %dma_start3A_338] : memref<64x4x16x8x128xf32, #tpu.memory_space<hbm>> -> memref<1x1x16x8x128xf32, #tpu.memory_space<hbm>>
    %dma_start3A_340 = tpu.memref_squeeze %dma_start3A_339 : memref<1x1x16x8x128xf32, #tpu.memory_space<hbm>> -> memref<16x8x128xf32, #tpu.memory_space<hbm>>
    tpu.enqueue_dma source(%arg9 : memref<16x8x128xf32, #tpu.memory_space<vmem>>) target(%dma_start3A_340 : memref<16x8x128xf32, #tpu.memory_space<hbm>>) target_semaphore(%arg14 : memref<!tpu.dma_semaphore, #tpu.memory_space<semaphore_mem>>)
    %dma_wait3A_341 = arith.constant 3 : i32
    %dma_wait3A_342 = arith.constant 0 : i32
    %dma_wait3A_343 = tpu.memref_slice %arg2[%add3A_284, %dma_wait3A_341, %dma_wait3A_342] : memref<64x4x2048xi32, #tpu.memory_space<hbm>> -> memref<1x1x2048xi32, #tpu.memory_space<hbm>>
    %dma_wait3A_344 = tpu.memref_squeeze %dma_wait3A_343 : memref<1x1x2048xi32, #tpu.memory_space<hbm>> -> memref<2048xi32, #tpu.memory_space<hbm>>
    %dma_wait3A_345 = arith.constant 0 : i32
    %dma_wait3A_346 = tpu.memref_slice %arg2[%add3A_284, %dma_wait3A_341, %dma_wait3A_345] : memref<64x4x2048xi32, #tpu.memory_space<hbm>> -> memref<1x1x2048xi32, #tpu.memory_space<hbm>>
    %dma_wait3A_347 = tpu.memref_squeeze %dma_wait3A_346 : memref<1x1x2048xi32, #tpu.memory_space<hbm>> -> memref<2048xi32, #tpu.memory_space<hbm>>
    tpu.wait_dma2 semaphore(%arg13 : memref<!tpu.dma_semaphore, #tpu.memory_space<semaphore_mem>>) src(%dma_wait3A_347 : memref<2048xi32, #tpu.memory_space<hbm>>) dst(%arg8 : memref<2048xi32, #tpu.memory_space<vmem>>)
    %dma_wait3A_348 = arith.constant 0 : i32
    %dma_wait3A_349 = arith.constant 0 : i32
    %dma_wait3A_350 = arith.constant 0 : i32
    %dma_wait3A_351 = arith.constant 0 : i32
    %dma_wait3A_352 = tpu.memref_slice %arg4[%add3A_248, %dma_wait3A_348, %dma_wait3A_349, %dma_wait3A_350, %dma_wait3A_351] : memref<64x4x16x8x128xf32, #tpu.memory_space<hbm>> -> memref<1x1x16x8x128xf32, #tpu.memory_space<hbm>>
    %dma_wait3A_353 = tpu.memref_squeeze %dma_wait3A_352 : memref<1x1x16x8x128xf32, #tpu.memory_space<hbm>> -> memref<16x8x128xf32, #tpu.memory_space<hbm>>
    %dma_wait3A_354 = arith.constant 0 : i32
    %dma_wait3A_355 = arith.constant 0 : i32
    %dma_wait3A_356 = arith.constant 0 : i32
    %dma_wait3A_357 = tpu.memref_slice %arg4[%add3A_248, %dma_wait3A_348, %dma_wait3A_354, %dma_wait3A_355, %dma_wait3A_356] : memref<64x4x16x8x128xf32, #tpu.memory_space<hbm>> -> memref<1x1x16x8x128xf32, #tpu.memory_space<hbm>>
    %dma_wait3A_358 = tpu.memref_squeeze %dma_wait3A_357 : memref<1x1x16x8x128xf32, #tpu.memory_space<hbm>> -> memref<16x8x128xf32, #tpu.memory_space<hbm>>
    tpu.wait_dma2 semaphore(%arg14 : memref<!tpu.dma_semaphore, #tpu.memory_space<semaphore_mem>>) src(%arg10 : memref<16x8x128xf32, #tpu.memory_space<vmem>>) dst(%dma_wait3A_358 : memref<16x8x128xf32, #tpu.memory_space<hbm>>)
    %add3A_359 = arith.constant 1 : i32
    %add3A_360 = arith.addi %mul3A_2, %add3A_359 : i32
    %parallel_loop3A_361 = arith.constant 0 : i32
    %parallel_loop3A_362 = arith.constant 128 : i32
    %parallel_loop3A_363 = arith.constant 1 : i32
    scf.for %parallel_loop3A_410 = %parallel_loop3A_361 to %parallel_loop3A_362 step %parallel_loop3A_363  : i32 {
      %parallel_loop3A_411 = arith.constant 16 : i32
      %parallel_loop3A_412 = arith.muli %parallel_loop3A_410, %parallel_loop3A_411 : i32
      %parallel_loop3A_413 = tpu.assume_multiple %parallel_loop3A_412, 16 : i32
      %parallel_loop3A_414 = arith.constant 8 : i32
      %parallel_loop3A_415 = arith.divsi %parallel_loop3A_410, %parallel_loop3A_414 : i32
      %parallel_loop3A_416 = arith.constant 0 : i32
      %parallel_loop3A_417 = arith.cmpi sgt, %parallel_loop3A_410, %parallel_loop3A_416 : i32
      %parallel_loop3A_418 = arith.extui %parallel_loop3A_417 : i1 to i32
      %parallel_loop3A_419 = arith.constant 0 : i32
      %parallel_loop3A_420 = arith.cmpi slt, %parallel_loop3A_410, %parallel_loop3A_419 : i32
      %parallel_loop3A_421 = arith.extui %parallel_loop3A_420 : i1 to i32
      %parallel_loop3A_422 = arith.subi %parallel_loop3A_418, %parallel_loop3A_421 : i32
      %parallel_loop3A_423 = arith.constant 0 : i32
      %parallel_loop3A_424 = arith.cmpi sgt, %parallel_loop3A_414, %parallel_loop3A_423 : i32
      %parallel_loop3A_425 = arith.extui %parallel_loop3A_424 : i1 to i32
      %parallel_loop3A_426 = arith.constant 0 : i32
      %parallel_loop3A_427 = arith.cmpi slt, %parallel_loop3A_414, %parallel_loop3A_426 : i32
      %parallel_loop3A_428 = arith.extui %parallel_loop3A_427 : i1 to i32
      %parallel_loop3A_429 = arith.subi %parallel_loop3A_425, %parallel_loop3A_428 : i32
      %parallel_loop3A_430 = arith.cmpi ne, %parallel_loop3A_422, %parallel_loop3A_429 : i32
      %parallel_loop3A_431 = arith.remsi %parallel_loop3A_410, %parallel_loop3A_414 : i32
      %parallel_loop3A_432 = arith.constant 0 : i32
      %parallel_loop3A_433 = arith.cmpi ne, %parallel_loop3A_431, %parallel_loop3A_432 : i32
      %parallel_loop3A_434 = arith.andi %parallel_loop3A_430, %parallel_loop3A_433 : i1
      %parallel_loop3A_435 = arith.constant 1 : i32
      %parallel_loop3A_436 = arith.subi %parallel_loop3A_415, %parallel_loop3A_435 : i32
      %parallel_loop3A_437 = arith.select %parallel_loop3A_434, %parallel_loop3A_436, %parallel_loop3A_415 : i32
      %parallel_loop3A_438 = arith.constant 8 : i32
      %parallel_loop3A_439 = arith.constant 0 : i32
      %parallel_loop3A_440 = arith.cmpi eq, %parallel_loop3A_438, %parallel_loop3A_439 : i32
      %parallel_loop3A_441 = arith.constant 1 : i32
      %parallel_loop3A_442 = arith.select %parallel_loop3A_440, %parallel_loop3A_441, %parallel_loop3A_438 : i32
      %parallel_loop3A_443 = arith.remsi %parallel_loop3A_410, %parallel_loop3A_442 : i32
      %parallel_loop3A_444 = arith.constant 0 : i32
      %parallel_loop3A_445 = arith.cmpi ne, %parallel_loop3A_443, %parallel_loop3A_444 : i32
      %parallel_loop3A_446 = arith.constant 0 : i32
      %parallel_loop3A_447 = arith.cmpi slt, %parallel_loop3A_443, %parallel_loop3A_446 : i32
      %parallel_loop3A_448 = arith.constant 0 : i32
      %parallel_loop3A_449 = arith.cmpi slt, %parallel_loop3A_442, %parallel_loop3A_448 : i32
      %parallel_loop3A_450 = arith.xori %parallel_loop3A_447, %parallel_loop3A_449 : i1
      %parallel_loop3A_451 = arith.andi %parallel_loop3A_450, %parallel_loop3A_445 : i1
      %parallel_loop3A_452 = arith.addi %parallel_loop3A_443, %parallel_loop3A_442 : i32
      %parallel_loop3A_453 = arith.select %parallel_loop3A_451, %parallel_loop3A_452, %parallel_loop3A_443 : i32
      %parallel_loop3A_454 = arith.constant 16 : i32
      %parallel_loop3A_455 = arith.muli %parallel_loop3A_453, %parallel_loop3A_454 : i32
      %parallel_loop3A_456 = tpu.assume_multiple %parallel_loop3A_455, 16 : i32
      %parallel_loop3A_457 = arith.index_cast %parallel_loop3A_413 : i32 to index
      %parallel_loop3A_458 = tpu.vector_load %arg8[%parallel_loop3A_457] {strides = array<i32>} : memref<2048xi32, #tpu.memory_space<vmem>>, vector<16xi32>,
      %parallel_loop3A_459 = arith.constant 24720 : i32
      %parallel_loop3A_460 = vector.broadcast %parallel_loop3A_459 : i32 to vector<16xi32>
      %parallel_loop3A_461 = arith.addi %parallel_loop3A_458, %parallel_loop3A_460 : vector<16xi32>
      %parallel_loop3A_462 = arith.constant 0 : i32
      %parallel_loop3A_463 = vector.broadcast %parallel_loop3A_462 : i32 to vector<16xi32>
      %parallel_loop3A_464 = arith.addi %parallel_loop3A_461, %parallel_loop3A_463 : vector<16xi32>
      %parallel_loop3A_465 = tpu.vector_load_idx %arg6[%parallel_loop3A_464] : memref<32960xf32, #tpu.memory_space<vmem>>[vector<16xi32>], vector<16xf32>,
      %parallel_loop3A_466 = arith.constant 0 : i32
      %parallel_loop3A_467 = arith.index_cast %parallel_loop3A_437 : i32 to index
      %parallel_loop3A_468 = arith.index_cast %parallel_loop3A_466 : i32 to index
      %parallel_loop3A_469 = arith.index_cast %parallel_loop3A_456 : i32 to index
      %parallel_loop3A_470 = tpu.vector_load %arg10[%parallel_loop3A_467, %parallel_loop3A_468, %parallel_loop3A_469] {strides = array<i32>} : memref<16x8x128xf32, #tpu.memory_space<vmem>>, vector<16xf32>,
      tpu.vector_store %arg10[%parallel_loop3A_467, %parallel_loop3A_468, %parallel_loop3A_469], %parallel_loop3A_465 {strides = array<i32>} : memref<16x8x128xf32, #tpu.memory_space<vmem>>, vector<16xf32>,
      %parallel_loop3A_471 = arith.constant 1030 : i32
      %parallel_loop3A_472 = vector.broadcast %parallel_loop3A_471 : i32 to vector<16xi32>
      %parallel_loop3A_473 = arith.addi %parallel_loop3A_461, %parallel_loop3A_472 : vector<16xi32>
      %parallel_loop3A_474 = tpu.vector_load_idx %arg6[%parallel_loop3A_473] : memref<32960xf32, #tpu.memory_space<vmem>>[vector<16xi32>], vector<16xf32>,
      %parallel_loop3A_475 = arith.constant 1 : i32
      %parallel_loop3A_476 = arith.index_cast %parallel_loop3A_437 : i32 to index
      %parallel_loop3A_477 = arith.index_cast %parallel_loop3A_475 : i32 to index
      %parallel_loop3A_478 = arith.index_cast %parallel_loop3A_456 : i32 to index
      %parallel_loop3A_479 = tpu.vector_load %arg10[%parallel_loop3A_476, %parallel_loop3A_477, %parallel_loop3A_478] {strides = array<i32>} : memref<16x8x128xf32, #tpu.memory_space<vmem>>, vector<16xf32>,
      tpu.vector_store %arg10[%parallel_loop3A_476, %parallel_loop3A_477, %parallel_loop3A_478], %parallel_loop3A_474 {strides = array<i32>} : memref<16x8x128xf32, #tpu.memory_space<vmem>>, vector<16xf32>,
      %parallel_loop3A_480 = arith.constant 2060 : i32
      %parallel_loop3A_481 = vector.broadcast %parallel_loop3A_480 : i32 to vector<16xi32>
      %parallel_loop3A_482 = arith.addi %parallel_loop3A_461, %parallel_loop3A_481 : vector<16xi32>
      %parallel_loop3A_483 = tpu.vector_load_idx %arg6[%parallel_loop3A_482] : memref<32960xf32, #tpu.memory_space<vmem>>[vector<16xi32>], vector<16xf32>,
      %parallel_loop3A_484 = arith.constant 2 : i32
      %parallel_loop3A_485 = arith.index_cast %parallel_loop3A_437 : i32 to index
      %parallel_loop3A_486 = arith.index_cast %parallel_loop3A_484 : i32 to index
      %parallel_loop3A_487 = arith.index_cast %parallel_loop3A_456 : i32 to index
      %parallel_loop3A_488 = tpu.vector_load %arg10[%parallel_loop3A_485, %parallel_loop3A_486, %parallel_loop3A_487] {strides = array<i32>} : memref<16x8x128xf32, #tpu.memory_space<vmem>>, vector<16xf32>,
      tpu.vector_store %arg10[%parallel_loop3A_485, %parallel_loop3A_486, %parallel_loop3A_487], %parallel_loop3A_483 {strides = array<i32>} : memref<16x8x128xf32, #tpu.memory_space<vmem>>, vector<16xf32>,
      %parallel_loop3A_489 = arith.constant 3090 : i32
      %parallel_loop3A_490 = vector.broadcast %parallel_loop3A_489 : i32 to vector<16xi32>
      %parallel_loop3A_491 = arith.addi %parallel_loop3A_461, %parallel_loop3A_490 : vector<16xi32>
      %parallel_loop3A_492 = tpu.vector_load_idx %arg6[%parallel_loop3A_491] : memref<32960xf32, #tpu.memory_space<vmem>>[vector<16xi32>], vector<16xf32>,
      %parallel_loop3A_493 = arith.constant 3 : i32
      %parallel_loop3A_494 = arith.index_cast %parallel_loop3A_437 : i32 to index
      %parallel_loop3A_495 = arith.index_cast %parallel_loop3A_493 : i32 to index
      %parallel_loop3A_496 = arith.index_cast %parallel_loop3A_456 : i32 to index
      %parallel_loop3A_497 = tpu.vector_load %arg10[%parallel_loop3A_494, %parallel_loop3A_495, %parallel_loop3A_496] {strides = array<i32>} : memref<16x8x128xf32, #tpu.memory_space<vmem>>, vector<16xf32>,
      tpu.vector_store %arg10[%parallel_loop3A_494, %parallel_loop3A_495, %parallel_loop3A_496], %parallel_loop3A_492 {strides = array<i32>} : memref<16x8x128xf32, #tpu.memory_space<vmem>>, vector<16xf32>,
      %parallel_loop3A_498 = arith.constant 4120 : i32
      %parallel_loop3A_499 = vector.broadcast %parallel_loop3A_498 : i32 to vector<16xi32>
      %parallel_loop3A_500 = arith.addi %parallel_loop3A_461, %parallel_loop3A_499 : vector<16xi32>
      %parallel_loop3A_501 = tpu.vector_load_idx %arg6[%parallel_loop3A_500] : memref<32960xf32, #tpu.memory_space<vmem>>[vector<16xi32>], vector<16xf32>,
      %parallel_loop3A_502 = arith.constant 4 : i32
      %parallel_loop3A_503 = arith.index_cast %parallel_loop3A_437 : i32 to index
      %parallel_loop3A_504 = arith.index_cast %parallel_loop3A_502 : i32 to index
      %parallel_loop3A_505 = arith.index_cast %parallel_loop3A_456 : i32 to index
      %parallel_loop3A_506 = tpu.vector_load %arg10[%parallel_loop3A_503, %parallel_loop3A_504, %parallel_loop3A_505] {strides = array<i32>} : memref<16x8x128xf32, #tpu.memory_space<vmem>>, vector<16xf32>,
      tpu.vector_store %arg10[%parallel_loop3A_503, %parallel_loop3A_504, %parallel_loop3A_505], %parallel_loop3A_501 {strides = array<i32>} : memref<16x8x128xf32, #tpu.memory_space<vmem>>, vector<16xf32>,
      %parallel_loop3A_507 = arith.constant 5150 : i32
      %parallel_loop3A_508 = vector.broadcast %parallel_loop3A_507 : i32 to vector<16xi32>
      %parallel_loop3A_509 = arith.addi %parallel_loop3A_461, %parallel_loop3A_508 : vector<16xi32>
      %parallel_loop3A_510 = tpu.vector_load_idx %arg6[%parallel_loop3A_509] : memref<32960xf32, #tpu.memory_space<vmem>>[vector<16xi32>], vector<16xf32>,
      %parallel_loop3A_511 = arith.constant 5 : i32
      %parallel_loop3A_512 = arith.index_cast %parallel_loop3A_437 : i32 to index
      %parallel_loop3A_513 = arith.index_cast %parallel_loop3A_511 : i32 to index
      %parallel_loop3A_514 = arith.index_cast %parallel_loop3A_456 : i32 to index
      %parallel_loop3A_515 = tpu.vector_load %arg10[%parallel_loop3A_512, %parallel_loop3A_513, %parallel_loop3A_514] {strides = array<i32>} : memref<16x8x128xf32, #tpu.memory_space<vmem>>, vector<16xf32>,
      tpu.vector_store %arg10[%parallel_loop3A_512, %parallel_loop3A_513, %parallel_loop3A_514], %parallel_loop3A_510 {strides = array<i32>} : memref<16x8x128xf32, #tpu.memory_space<vmem>>, vector<16xf32>,
      %parallel_loop3A_516 = arith.constant 6180 : i32
      %parallel_loop3A_517 = vector.broadcast %parallel_loop3A_516 : i32 to vector<16xi32>
      %parallel_loop3A_518 = arith.addi %parallel_loop3A_461, %parallel_loop3A_517 : vector<16xi32>
      %parallel_loop3A_519 = tpu.vector_load_idx %arg6[%parallel_loop3A_518] : memref<32960xf32, #tpu.memory_space<vmem>>[vector<16xi32>], vector<16xf32>,
      %parallel_loop3A_520 = arith.constant 6 : i32
      %parallel_loop3A_521 = arith.index_cast %parallel_loop3A_437 : i32 to index
      %parallel_loop3A_522 = arith.index_cast %parallel_loop3A_520 : i32 to index
      %parallel_loop3A_523 = arith.index_cast %parallel_loop3A_456 : i32 to index
      %parallel_loop3A_524 = tpu.vector_load %arg10[%parallel_loop3A_521, %parallel_loop3A_522, %parallel_loop3A_523] {strides = array<i32>} : memref<16x8x128xf32, #tpu.memory_space<vmem>>, vector<16xf32>,
      tpu.vector_store %arg10[%parallel_loop3A_521, %parallel_loop3A_522, %parallel_loop3A_523], %parallel_loop3A_519 {strides = array<i32>} : memref<16x8x128xf32, #tpu.memory_space<vmem>>, vector<16xf32>,
      %parallel_loop3A_525 = arith.constant 7210 : i32
      %parallel_loop3A_526 = vector.broadcast %parallel_loop3A_525 : i32 to vector<16xi32>
      %parallel_loop3A_527 = arith.addi %parallel_loop3A_461, %parallel_loop3A_526 : vector<16xi32>
      %parallel_loop3A_528 = tpu.vector_load_idx %arg6[%parallel_loop3A_527] : memref<32960xf32, #tpu.memory_space<vmem>>[vector<16xi32>], vector<16xf32>,
      %parallel_loop3A_529 = arith.constant 7 : i32
      %parallel_loop3A_530 = arith.index_cast %parallel_loop3A_437 : i32 to index
      %parallel_loop3A_531 = arith.index_cast %parallel_loop3A_529 : i32 to index
      %parallel_loop3A_532 = arith.index_cast %parallel_loop3A_456 : i32 to index
      %parallel_loop3A_533 = tpu.vector_load %arg10[%parallel_loop3A_530, %parallel_loop3A_531, %parallel_loop3A_532] {strides = array<i32>} : memref<16x8x128xf32, #tpu.memory_space<vmem>>, vector<16xf32>,
      tpu.vector_store %arg10[%parallel_loop3A_530, %parallel_loop3A_531, %parallel_loop3A_532], %parallel_loop3A_528 {strides = array<i32>} : memref<16x8x128xf32, #tpu.memory_space<vmem>>, vector<16xf32>,
    } {sc.loop_unroll_factor = 8 : i64, sc.parallel_access}
    %add3A_364 = arith.constant 1 : i32
    %add3A_365 = arith.addi %mul3A_2, %add3A_364 : i32
    %dma_start3A_366 = arith.constant 3 : i32
    %dma_start3A_367 = arith.constant 0 : i32
    %dma_start3A_368 = arith.constant 0 : i32
    %dma_start3A_369 = arith.constant 0 : i32
    %dma_start3A_370 = tpu.memref_slice %arg4[%add3A_365, %dma_start3A_366, %dma_start3A_367, %dma_start3A_368, %dma_start3A_369] : memref<64x4x16x8x128xf32, #tpu.memory_space<hbm>> -> memref<1x1x16x8x128xf32, #tpu.memory_space<hbm>>
    %dma_start3A_371 = tpu.memref_squeeze %dma_start3A_370 : memref<1x1x16x8x128xf32, #tpu.memory_space<hbm>> -> memref<16x8x128xf32, #tpu.memory_space<hbm>>
    %dma_start3A_372 = arith.constant 0 : i32
    %dma_start3A_373 = arith.constant 0 : i32
    %dma_start3A_374 = arith.constant 0 : i32
    %dma_start3A_375 = tpu.memref_slice %arg4[%add3A_365, %dma_start3A_366, %dma_start3A_372, %dma_start3A_373, %dma_start3A_374] : memref<64x4x16x8x128xf32, #tpu.memory_space<hbm>> -> memref<1x1x16x8x128xf32, #tpu.memory_space<hbm>>
    %dma_start3A_376 = tpu.memref_squeeze %dma_start3A_375 : memref<1x1x16x8x128xf32, #tpu.memory_space<hbm>> -> memref<16x8x128xf32, #tpu.memory_space<hbm>>
    tpu.enqueue_dma source(%arg10 : memref<16x8x128xf32, #tpu.memory_space<vmem>>) target(%dma_start3A_376 : memref<16x8x128xf32, #tpu.memory_space<hbm>>) target_semaphore(%arg14 : memref<!tpu.dma_semaphore, #tpu.memory_space<semaphore_mem>>)
    %dma_wait3A_377 = arith.constant 1 : i32
    %dma_wait3A_378 = arith.constant 0 : i32
    %dma_wait3A_379 = arith.constant 0 : i32
    %dma_wait3A_380 = arith.constant 0 : i32
    %dma_wait3A_381 = tpu.memref_slice %arg4[%add3A_293, %dma_wait3A_377, %dma_wait3A_378, %dma_wait3A_379, %dma_wait3A_380] : memref<64x4x16x8x128xf32, #tpu.memory_space<hbm>> -> memref<1x1x16x8x128xf32, #tpu.memory_space<hbm>>
    %dma_wait3A_382 = tpu.memref_squeeze %dma_wait3A_381 : memref<1x1x16x8x128xf32, #tpu.memory_space<hbm>> -> memref<16x8x128xf32, #tpu.memory_space<hbm>>
    %dma_wait3A_383 = arith.constant 0 : i32
    %dma_wait3A_384 = arith.constant 0 : i32
    %dma_wait3A_385 = arith.constant 0 : i32
    %dma_wait3A_386 = tpu.memref_slice %arg4[%add3A_293, %dma_wait3A_377, %dma_wait3A_383, %dma_wait3A_384, %dma_wait3A_385] : memref<64x4x16x8x128xf32, #tpu.memory_space<hbm>> -> memref<1x1x16x8x128xf32, #tpu.memory_space<hbm>>
    %dma_wait3A_387 = tpu.memref_squeeze %dma_wait3A_386 : memref<1x1x16x8x128xf32, #tpu.memory_space<hbm>> -> memref<16x8x128xf32, #tpu.memory_space<hbm>>
    tpu.wait_dma2 semaphore(%arg14 : memref<!tpu.dma_semaphore, #tpu.memory_space<semaphore_mem>>) src(%arg11 : memref<16x8x128xf32, #tpu.memory_space<vmem>>) dst(%dma_wait3A_387 : memref<16x8x128xf32, #tpu.memory_space<hbm>>)
    %dma_wait3A_388 = arith.constant 2 : i32
    %dma_wait3A_389 = arith.constant 0 : i32
    %dma_wait3A_390 = arith.constant 0 : i32
    %dma_wait3A_391 = arith.constant 0 : i32
    %dma_wait3A_392 = tpu.memref_slice %arg4[%add3A_329, %dma_wait3A_388, %dma_wait3A_389, %dma_wait3A_390, %dma_wait3A_391] : memref<64x4x16x8x128xf32, #tpu.memory_space<hbm>> -> memref<1x1x16x8x128xf32, #tpu.memory_space<hbm>>
    %dma_wait3A_393 = tpu.memref_squeeze %dma_wait3A_392 : memref<1x1x16x8x128xf32, #tpu.memory_space<hbm>> -> memref<16x8x128xf32, #tpu.memory_space<hbm>>
    %dma_wait3A_394 = arith.constant 0 : i32
    %dma_wait3A_395 = arith.constant 0 : i32
    %dma_wait3A_396 = arith.constant 0 : i32
    %dma_wait3A_397 = tpu.memref_slice %arg4[%add3A_329, %dma_wait3A_388, %dma_wait3A_394, %dma_wait3A_395, %dma_wait3A_396] : memref<64x4x16x8x128xf32, #tpu.memory_space<hbm>> -> memref<1x1x16x8x128xf32, #tpu.memory_space<hbm>>
    %dma_wait3A_398 = tpu.memref_squeeze %dma_wait3A_397 : memref<1x1x16x8x128xf32, #tpu.memory_space<hbm>> -> memref<16x8x128xf32, #tpu.memory_space<hbm>>
    tpu.wait_dma2 semaphore(%arg14 : memref<!tpu.dma_semaphore, #tpu.memory_space<semaphore_mem>>) src(%arg9 : memref<16x8x128xf32, #tpu.memory_space<vmem>>) dst(%dma_wait3A_398 : memref<16x8x128xf32, #tpu.memory_space<hbm>>)
    %dma_wait3A_399 = arith.constant 3 : i32
    %dma_wait3A_400 = arith.constant 0 : i32
    %dma_wait3A_401 = arith.constant 0 : i32
    %dma_wait3A_402 = arith.constant 0 : i32
    %dma_wait3A_403 = tpu.memref_slice %arg4[%add3A_365, %dma_wait3A_399, %dma_wait3A_400, %dma_wait3A_401, %dma_wait3A_402] : memref<64x4x16x8x128xf32, #tpu.memory_space<hbm>> -> memref<1x1x16x8x128xf32, #tpu.memory_space<hbm>>
    %dma_wait3A_404 = tpu.memref_squeeze %dma_wait3A_403 : memref<1x1x16x8x128xf32, #tpu.memory_space<hbm>> -> memref<16x8x128xf32, #tpu.memory_space<hbm>>
    %dma_wait3A_405 = arith.constant 0 : i32
    %dma_wait3A_406 = arith.constant 0 : i32
    %dma_wait3A_407 = arith.constant 0 : i32
    %dma_wait3A_408 = tpu.memref_slice %arg4[%add3A_365, %dma_wait3A_399, %dma_wait3A_405, %dma_wait3A_406, %dma_wait3A_407] : memref<64x4x16x8x128xf32, #tpu.memory_space<hbm>> -> memref<1x1x16x8x128xf32, #tpu.memory_space<hbm>>
    %dma_wait3A_409 = tpu.memref_squeeze %dma_wait3A_408 : memref<1x1x16x8x128xf32, #tpu.memory_space<hbm>> -> memref<16x8x128xf32, #tpu.memory_space<hbm>>
    tpu.wait_dma2 semaphore(%arg14 : memref<!tpu.dma_semaphore, #tpu.memory_space<semaphore_mem>>) src(%arg10 : memref<16x8x128xf32, #tpu.memory_space<vmem>>) dst(%dma_wait3A_409 : memref<16x8x128xf32, #tpu.memory_space<hbm>>)
    return
  }
}

</mosaic_0001>

<sc_bundles>
// kernel: _run.3.cloned.1.call-start
scs
__scs_entry_jumppad:
0x0: {  	(pc) =	sbr.rel $0x88, $3  }
0x1: {  	(tag) =	ssettag $0x0;
	lr =	simm.s32 $0x1  }
0x2: {  	[smem:$0x3F9F] =	sst lr;
	_ =	strace $0xD0000000  }
0x3: {  	_ = 	snop  }
0x4: {  	_ = 	snop  }
0x5: {  	_ = 	snop  }
0x6: {  	_ = 	snop  }
0x7: {  	_ = 	snop  }
__scs_overlays_trampoline_lowered:
0x8: {  	[smem:$0x3FAE] =	sst s0  }
0x9: {  	[smem:$0x3FAF] =	sst s1  }
0xa: {  	[smem:$0x3FB0] =	sst s2  }
0xb: {  	[smem:$0x3FB1] =	sst s3  }
0xc: {  	[smem:$0x3FB2] =	sst s4  }
0xd: {  	[smem:$0x3FB3] =	sst s5  }
0xe: {  	[smem:$0x3FB4] =	sst s6  }
0xf: {  	[smem:$0x3FB5] =	sst s7  }
0x10: {  	[smem:$0x3FB6] =	sst s8  }
0x11: {  	[smem:$0x3FB7] =	sst s9;
	s0 =	simm.s32 @!p0 $0x0  }
0x12: {  	s1 =	sld [smem:$0x3F9D];
	s0 =	simm.s32 @p0 $0x1  }
0x13: {  	[smem:$0x3FB8] =	sst s0;
	s0 =	simm.s32 @!p1 $0x0  }
0x14: {  	s2 =	sld [smem:$0x3F9C];
	s0 =	simm.s32 @p1 $0x1  }
0x15: {  	[smem:$0x3FB9] =	sst s0;
	s0 =	simm.s32 @!p2 $0x0  }
0x16: {  	s3 =	sld [smem:$0x3FDB];
	s0 =	simm.s32 @p2 $0x1  }
0x17: {  	s4 =	simm.s32 $0x1BF5;
	[smem:$0x3FBB] =	sst s0  }
0x18: {  	s0 =	sld [smem:$0x3F9E];
	_ =	swait.ge [sflag:s4], $0x0  }
0x19: {  	s7 =	sld [smem:$0x3F9F]  }
0x1a: {  	s8 =	sadd.s32 $0xFFFFE003, lr  }
0x1b: {  	s9 =	sadd.s32 $0xFFFFFEF7, lr;
	s5 =	simm.s32 $0xFFFFFFFF;
	p2 =	slt.u32 s8, $0xFFFFF086  }
0x1c: {  	p1 =	slt.u32 s9, $0xF7A;
	s5 =	simm.s32 @!p2 $0x0  }
0x1d: {  	s5 =	simm.s32 @p1 $0x1;
	p0 =	seq.s32 s7, s2  }
0x1e: {  	s7 =	smul.u32 @!p0 $0xF7A, s2;
	p2 =	seq.s32 @!p0 s5, $0x0  }
0x1f: {  	s9 =	smul.u32 $0xF7A, s1;
	s8 =	simm.s32 @!p0 $0x1BF5;
	p2 =	por !p2, p0  }
0x20: {  	[sflag:s8] =	ssyncset.s32 @!p0 $0xFFFFF086;
	s6 =	sadd.s32 @!p0 s3, s7;
	s7 =	simm.s32 @!p0 $0x108  }
0x21: {  	s3 =	sadd.s32 s3, s9;
	s6 =	sadd.s32 @!p0 $0x88, s6;
	s7 =	simm.s32 @p2 $0x1082  }
0x22: {  	[simem:s7], [sflag:s8] =	dma.local @!p0 [hbm:s6], $0xF7A  }
0x23: {  	s9 =	sor.u32 $0xD0000000, s2;
	s6 =	simm.s32 $0x108;
	_ =	swait.ge @!p0 [sflag:s8], $0x0  }
0x24: {  	s3 =	sadd.s32 $0x88, s3;
	s6 =	simm.s32 @!p1 $0x1082;
	[sflag:s4] =	ssyncset.s32 $0xFFFFF086  }
0x25: {  	[simem:s6], [sflag:s4] =	dma.local [hbm:s3], $0xF7A  }
0x26: {  	[smem:$0x3F9F] =	sst s1;
	(tag) =	ssettag s2;
	_ =	strace s9  }
0x27: {  	s1 =	sld [smem:$0x3FAF]  }
0x28: {  	s2 =	sld [smem:$0x3FB0]  }
0x29: {  	s4 =	sld [smem:$0x3FB2]  }
0x2a: {  	p0 =	seq.s32 s5, $0x0;
	s5 =	sld [smem:$0x3FB3]  }
0x2b: {  	s6 =	sld [smem:$0x3FB4]  }
0x2c: {  	s7 =	sld [smem:$0x3FB5]  }
0x2d: {  	s3 =	simm.s32 $0x108;
	s8 =	sld [smem:$0x3FB6]  }
0x2e: {  	s3 =	simm.s32 @!p0 $0x1082;
	s9 =	sld [smem:$0x3FB7]  }
0x2f: {  	lr =	sadd.s32 s0, s3;
	s0 =	sld [smem:$0x3FAE]  }
0x30: {  	s3 =	sld [smem:$0x3FB1]  }
0x31: {  	[smem:$0x3FBA] =	sst s10  }
0x32: {  	s10 =	sld [smem:$0x3FB8];
	_ =	sdelay $0x3  }
0x33: {  	p0 =	seq.s32 s10, $0x1;
	s10 =	sld [smem:$0x3FBA];
	_ =	sdelay $0x3  }
0x34: {  	[smem:$0x3FBA] =	sst s10  }
0x35: {  	s10 =	sld [smem:$0x3FB9];
	_ =	sdelay $0x3  }
0x36: {  	p1 =	seq.s32 s10, $0x1;
	s10 =	sld [smem:$0x3FBA];
	_ =	sdelay $0x3  }
0x37: {  	[smem:$0x3FBA] =	sst s10  }
0x38: {  	s10 =	sld [smem:$0x3FBB]  }
0x39: {  	_ = 	snop;
	(pc) =	sbr.ind lr, $3  }
0x3a: {  	_ = 	snop  }
0x3b: {  	_ = 	snop  }
0x3c: {  	p2 =	seq.s32 s10, $0x1;
	s10 =	sld [smem:$0x3FBA]  }
0x3d: {  	_ =	shalt  }
0x3e: {  	_ =	shalt  }
0x3f: {  	_ =	shalt  }
0x40: {  	_ =	shalt  }
0x41: {  	_ =	shalt  }
0x42: {  	_ =	shalt  }
0x43: {  	_ =	shalt  }
0x44: {  	_ =	shalt  }
0x45: {  	_ =	shalt  }
0x46: {  	_ =	shalt  }
0x47: {  	_ =	shalt  }
0x48: {  	_ =	shalt  }
0x49: {  	_ =	shalt  }
0x4a: {  	_ =	shalt  }
0x4b: {  	_ =	shalt  }
0x4c: {  	_ =	shalt  }
0x4d: {  	_ =	shalt  }
0x4e: {  	_ =	shalt  }
0x4f: {  	_ =	shalt  }
0x50: {  	_ =	shalt  }
0x51: {  	_ =	shalt  }
0x52: {  	_ =	shalt  }
0x53: {  	_ =	shalt  }
0x54: {  	_ =	shalt  }
0x55: {  	_ =	shalt  }
0x56: {  	_ =	shalt  }
0x57: {  	_ =	shalt  }
0x58: {  	_ =	shalt  }
0x59: {  	_ =	shalt  }
0x5a: {  	_ =	shalt  }
0x5b: {  	_ =	shalt  }
0x5c: {  	_ =	shalt  }
0x5d: {  	_ =	shalt  }
0x5e: {  	_ =	shalt  }
0x5f: {  	_ =	shalt  }
0x60: {  	_ =	shalt  }
0x61: {  	_ =	shalt  }
0x62: {  	_ =	shalt  }
0x63: {  	_ =	shalt  }
0x64: {  	_ =	shalt  }
0x65: {  	_ =	shalt  }
0x66: {  	_ =	shalt  }
0x67: {  	_ =	shalt  }
0x68: {  	_ =	shalt  }
0x69: {  	_ =	shalt  }
0x6a: {  	_ =	shalt  }
0x6b: {  	_ =	shalt  }
0x6c: {  	_ =	shalt  }
0x6d: {  	_ =	shalt  }
0x6e: {  	_ =	shalt  }
0x6f: {  	_ =	shalt  }
0x70: {  	_ =	shalt  }
0x71: {  	_ =	shalt  }
0x72: {  	_ =	shalt  }
0x73: {  	_ =	shalt  }
0x74: {  	_ =	shalt  }
0x75: {  	_ =	shalt  }
0x76: {  	_ =	shalt  }
0x77: {  	_ =	shalt  }
0x78: {  	_ =	shalt  }
0x79: {  	_ =	shalt  }
0x7a: {  	_ =	shalt  }
0x7b: {  	_ =	shalt  }
0x7c: {  	_ =	shalt  }
0x7d: {  	_ =	shalt  }
0x7e: {  	_ =	shalt  }
0x7f: {  	_ =	shalt  }
0x80: {  	_ =	shalt  }
0x81: {  	_ =	shalt  }
0x82: {  	_ =	shalt  }
0x83: {  	_ =	shalt  }
0x84: {  	_ =	shalt  }
0x85: {  	_ =	shalt  }
0x86: {  	_ =	shalt  }
0x87: {  	_ =	shalt  }
.Lfunc_end0:
.L_simem_size_0:
called_computation_lowered:
.L_overlay_start_0:
0x88: {  	s2 =	sld [smem:$0x3FD9]  }
0x89: {  	s3 =	sld [smem:$0x3FFE];
	_ =	sdelay $0x1  }
0x8a: {  	s1 =	srdreg.scid  }
0x8b: {  	s0 =	sand.u32 $0x1, s1  }
0x8c: {  	s18 =	sshll.u32 s0, $0xA;
	s2 =	sadd.s32 s3, s2  }
0x8d: {  	s2 =	sadd.s32 s2, s18  }
0x8e: {  	[smem:$0x3FC6] =	sst s2  }
0x8f: {  	_ = 	snop  }
0x90: {  	s2 =	sld [smem:$0x3FC9]  }
0x91: {  	s19 =	sld [smem:$0x3FC8]  }
0x92: {  	s4 =	sld [smem:$0x3FD0];
	(tm) =	ssettm $0x1  }
0x93: {  	s5 =	sld [smem:$0x3FFB];
	_ =	sdelay $0x3  }
0x94: {  	_ =	strace s5  }
0x95: {  	s5 =	sld [smem:$0x3FFC];
	_ =	sdelay $0x3  }
0x96: {  	_ =	strace s5  }
0x97: {  	s5 =	sld [smem:$0x3FFD];
	_ =	sdelay $0x3  }
0x98: {  	_ =	strace s5  }
0x99: {  	_ =	strace $0x8FFFFFFF  }
0x9a: {  	s20 =	sld [smem:$0x3FDB];
	_ =	sdelay $0x1  }
0x9b: {  	s6 =	simm.s32 $_scs_section_size  }
0x9c: {  	s7 =	simm.s32 $_size__tile_overlayer_lowered;
	s8 =	simm.s32 $_tile_overlayer_lowered  }
0x9d: {  	s23 =	simm.s32 $0x1BFF;
	s22 =	sshll.u32 s8, $0x1;
	s5 =	sadd.s32 s6, s20  }
0x9e: {  	s9 =	simm.s32 $0x0;
	s21 =	sshll.u32 s7, $0x1;
	s7 =	sadd.s32 s22, s5  }
0x9f: {  	[timem:s9], [sflag:s23] =	dma.local [hbm:s7], s21  }
0xa0: {  	_ =	swait.ge [sflag:s23], s21  }
0xa1: {  	s6 =	ssub.s32 $0x0, s21;
	[sflag:s23] =	ssyncset.done $0x0  }
0xa2: {  	[sflag:s23] =	ssyncadd.s32 s6;
	_ =	sdelay $0x1  }
0xa3: {  	s24 =	simm.s32 $0x1B8B  }
0xa4: {  	_ =	swait.ge [sflag:s24], $0x1  }
0xa5: {  	[sflag:s24] =	ssyncset.done $0x0  }
0xa6: {  	s25 =	simm.s32 $0x1B8E;
	[sflag:s24] =	ssyncadd.s32 $0xFFFFFFFF  }
0xa7: {  	s26 =	simm.s32 $execute0_lowered;
	[smem:$0x3FD2] =	sst s25  }
0xa8: {  	s6 =	sshll.u32 s26, $0x1;
	_ =	strace $0x80000046;
	[dreg:$0x1] =	wrdreg $0xFFFFFFFF  }
0xa9: {  	s28 =	simm.s32 $_size_execute0_lowered;
	s5 =	sadd.s32 s5, s6;
	[dreg:$0x0] =	wrdreg $0x0  }
0xaa: {  	s6 =	sshll.u32 s28, $0x1;
	[dreg:$0x2] =	wrdreg s5  }
0xab: {  	[dreg:$0x3] =	wrdreg s6  }
0xac: {  	[dreg:$0x4] =	wrdreg $0xC0  }
0xad: {  	_ =	task [dreg:s9], $0x5FFFF  }
0xae: {  	[dreg:$0x1] =	wrdreg $0xFFFFFFFF  }
0xaf: {  	[dreg:$0x0] =	wrdreg $0x60  }
0xb0: {  	[dreg:$0x2] =	wrdreg s2  }
0xb1: {  	[dreg:$0x3] =	wrdreg s19  }
0xb2: {  	[dreg:$0x4] =	wrdreg s4  }
0xb3: {  	[dreg:$0x5] =	wrdreg $0x0  }
0xb4: {  	[dreg:$0x6] =	wrdreg $0x9  }
0xb5: {  	_ =	task.clear_ibuf [dreg:s9], $0x7FFFF;
	_ =	strace $0x90000046  }
0xb6: {  	s29 =	simm.s32 $0x9;
	_ =	strace $0x80000048  }
0xb7: {  	_ =	swait.ge [sflag:s29], $0x1  }
0xb8: {  	[sflag:s29] =	ssyncadd.s32 $0xFFFFFFFF  }
0xb9: {  	_ =	strace $0x90000048  }
0xba: {  	_ =	sfence  }
0xbb: {  	s30 =	sld [smem:$0x0];
	_ =	sdelay $0x2  }
0xbc: {  	s31 =	sshll.u32 s1, $0xD;
	s1 =	sshrl.u32 s1, $0x2  }
0xbd: {  	s3 =	sand.u32 $0x4000, s31;
	s1 =	sadd.s32 s1, s30  }
0xbe: {  	s0 =	sor.u32 s3, s0;
	s1 =	sshll.u32 s1, $0x11  }
0xbf: {  	s0 =	sor.u32 s1, s0  }
0xc0: {  	s0 =	sadd.s32 $0x8F2B, s0  }
0xc1: {  	[sflag:s0] =	ssyncadd.remote.s32 $0x1  }
0xc2: {  	_ =	sfence.sel $0xFFFF  }
0xc3: {  	[dreg:$0x0] =	wrdreg $0xFFFFFFFF;
	(pc) =	sbr.abs _section_cstart, $3  }
0xc4: {  	[dreg:$0x1] =	wrdreg $0xFFFFFFFF  }
0xc5: {  	_ =	task.clear_ibuf [dreg:s9], $0x2FFFF;
	_ =	strace $0x9FFFFFFF  }
0xc6: {  	(tm) =	ssettm $0x7FFFFFFF  }
0xc7: {  	_ =	shalt  }
tec
execute0_lowered:
.L_overlay_start_1:
0x0: {  	(tag) =	ssettag $0x1  }
0x1: {  	s0 =	rddreg [dreg:$0x0]  }
0x2: {  	s1 =	rddreg [dreg:$0x2]  }
0x3: {  	s2 =	rddreg [dreg:$0x3];
	s4 =	srdreg.scid  }
0x4: {  	s5 =	stileid.u32;
	s3 =	simm.s32 $0x0;
	s28 =	simm.s32 $0x9110  }
0x5: {  	s29 =	simm.s32 $0x810;
	s30 =	simm.s32 $0x4;
	s31 =	simm.s32 $0x2  }
0x6: {  	s4 =	sand.u32 $0x1, s4;
	s6 =	sshll.u32 s5, $0x1;
	[smem:$0x7FF] =	sst s3  }
0x7: {  	s19 =	sadd.s32 $0x10, s0;
	s21 =	sadd.s32 $0x2030, s2;
	s22 =	sadd.s32 $0x4060, s2  }
0x8: {  	s23 =	sadd.s32 $0x6090, s2;
	s24 =	sadd.s32 $0x20, s0;
	s16 =	sadd.s32 $0x30, s0  }
0x9: {  	s20 =	sadd.s32 $0x800, s1;
	s25 =	sadd.s32 $0x1000, s1;
	s26 =	sadd.s32 $0x1800, s1  }
0xa: {  	p0 =	sne.s32 s5, $0x0;
	s5 =	simm.s32 $0x3;
	s7 =	ssub.s32 $0x2, s4  }
0xb: {  	s4 =	sor.u32 s4, s6;
	_ =	strace $0x80000047;
	[dreg:$0x7] =	wrdreg s21  }
0xc: {  	[dreg:$0x8] =	wrdreg s22;
	s17 =	sshrl.u32 s7, $0x1;
	s8 =	sshll.u32 s4, $0xB  }
0xd: {  	[dreg:$0x9] =	wrdreg s23;
	s6 =	ssub.s32 s7, s17;
	s18 =	sadd.s32 s0, s8  }
0xe: {  	s9 =	sadd.s32 s8, s19;
	s10 =	sadd.s32 s8, s24;
	[dreg:$0x5] =	wrdreg s18  }
0xf: {  	s11 =	sadd.s32 s8, s16;
	[dreg:$0x6] =	wrdreg s9;
	s18 =	sshll.u32 s4, $0xE  }
0x10: {  	[dreg:$0xa] =	wrdreg s10;
	s4 =	sshllo.u32 s4, $0x1;
	s23 =	smax.u32 s6, $0x1  }
0x11: {  	s6 =	simm.s32 $0x0;
	s10 =	sadd.s32 s1, s18;
	s17 =	sshll.u32 s4, $0xA  }
0x12: {  	s12 =	sadd.s32 s18, s20;
	s4 =	sshll.u32 s4, $0xD;
	s13 =	sadd.s32 s0, s17  }
0x13: {  	s14 =	sadd.s32 s17, s19;
	s15 =	sadd.s32 s17, s24;
	s16 =	sadd.s32 s17, s16  }
0x14: {  	s17 =	sadd.s32 s18, s25;
	s18 =	sadd.s32 s18, s26;
	s19 =	sadd.s32 s1, s4  }
0x15: {  	s20 =	sadd.s32 s4, s20;
	s21 =	sadd.s32 s4, s25;
	s22 =	sadd.s32 s4, s26  }
0x16: {  	s24 =	simm.s32 $0x80;
	s25 =	simm.s32 $0x200;
	s26 =	simm.s32 $0x8910  }
0x17: {  	s0 =	simm.s32 $0x9910;
	s1 =	simm.s32 $0x1;
	s4 =	simm.s32 $0xD910  }
.LBB2_1:
0x18: {  	s7 =	rddreg [dreg:$0x5]  }
0x19: {  	[tilespmem:s26], [sflag:$0x2] =	stream.strided.gather [hbm4b:s7+s24], $0x800, s25, s24, $0x38;
	[tilespmem:$0x15910] =	vst v63  }
0x1a: {  	s9 =	rddreg [dreg:$0x6]  }
0x1b: {  	[tilespmem:s28], [sflag:$0x2] =	stream.strided.gather [hbm4b:s9+s24], $0x800, s25, s24, $0x38;
	[tilespmem:$0x15910] =	vst v63  }
0x1c: {  	s8 =	simm.s32 @!p0 $0x1C01;
	s7 =	sshrl.u32 @!p0 s2, $0x3;
	s9 =	rddreg [dreg:$0x1]  }
0x1d: {  	[spmem:s7], [sflag:s8] =	dma.local @!p0 [hbm:s9], $0x1020  }
0x1e: {  	s7 =	simm.s32 @!p0 $0x1  }
0x1f: {  	_ =	swait.ge @!p0 [sflag:s7], $0x1020  }
0x20: {  	[sflag:s7] =	ssyncset.done @!p0 $0x0  }
0x21: {  	[sflag:s7] =	ssyncadd.s32 @!p0 $0xFFFFEFE0  }
0x22: {  	[bflag:$0x0] =	sbarrier.arrive $0xFFFF  }
0x23: {  	[tilespmem:s29], [sflag:$0x4] =	stream.linear.gather [spmem:s2], $0x2030, $0x38;
	[tilespmem:$0x15910] =	vst v63  }
0x24: {  	_ =	swait.ge [sflag:s30], $0x2030  }
0x25: {  	[sflag:s30] =	ssyncset.done $0x0  }
0x26: {  	s9 =	simm.s32 $0x2840;
	s8 =	rddreg [dreg:$0x7];
	[sflag:s30] =	ssyncadd.s32 $0xFFFFDFD0  }
0x27: {  	[tilespmem:s9], [sflag:$0x1] =	stream.linear.gather [spmem:s8], $0x2030, $0x38;
	[tilespmem:$0x15910] =	vst v63  }
0x28: {  	s8 =	rddreg [dreg:$0x8];
	s9 =	simm.s32 $0x4870  }
0x29: {  	[tilespmem:s9], [sflag:$0x1] =	stream.linear.gather [spmem:s8], $0x2030, $0x38;
	[tilespmem:$0x15910] =	vst v63  }
0x2a: {  	s8 =	rddreg [dreg:$0x9];
	s9 =	simm.s32 $0x68A0  }
0x2b: {  	[tilespmem:s9], [sflag:$0x1] =	stream.linear.gather [spmem:s8], $0x2030, $0x38;
	[tilespmem:$0x15910] =	vst v63  }
0x2c: {  	_ =	swait.ge [sflag:s31], $0x800  }
0x2d: {  	[sflag:s31] =	ssyncset.done $0x0  }
0x2e: {  	s9 =	simm.s32 $0x8950;
	[sflag:s31] =	ssyncadd.s32 $0xFFFFF800  }
0x2f: {  	v7 =	vld [tilespmem:s9+$0x30]  }
0x30: {  	v5 =	vld [tilespmem:s9+$0xFFFFFFD0]  }
0x31: {  	v4 =	vld [tilespmem:s9+$0xFFFFFFE0]  }
0x32: {  	v3 =	vld [tilespmem:s9+$0xFFFFFFF0]  }
0x33: {  	v2 =	vld [tilespmem:s9+$0x0]  }
0x34: {  	v1 =	vld [tilespmem:s9+$0x10]  }
0x35: {  	v0 =	vld [tilespmem:s9+$0x20]  }
0x36: {  	v6 =	vld [tilespmem:s9+$0xFFFFFFC0]  }
0x37: {  	v8 =	vld.idx.msk [tilespmem:v7+s29+$0x0], $0xffff  }
0x38: {  	v9 =	vld.idx.msk [tilespmem:v5+s29+$0x0], $0xffff  }
0x39: {  	v10 =	vld.idx.msk [tilespmem:v4+s29+$0x0], $0xffff  }
0x3a: {  	v11 =	vadd.s32 $0x406, v7;
	v12 =	vld.idx.msk [tilespmem:v3+s29+$0x0], $0xffff  }
0x3b: {  	v13 =	vadd.s32 $0x406, v5;
	v14 =	vld.idx.msk [tilespmem:v2+s29+$0x0], $0xffff  }
0x3c: {  	s7 =	simm.s32 $0x9B10;
	v15 =	vadd.s32 $0x406, v4;
	v16 =	vld.idx.msk [tilespmem:v1+s29+$0x0], $0xffff  }
0x3d: {  	v17 =	vadd.s32 $0x406, v3;
	v18 =	vld.idx.msk [tilespmem:v0+s29+$0x0], $0xffff;
	[tilespmem:s7+$0xFFFFFE70] =	vst v8  }
0x3e: {  	v55 =	vadd.s32 $0x406, v1;
	v19 =	vld.idx.msk [tilespmem:v6+s29+$0x0], $0xffff;
	[tilespmem:s7+$0xFFFFFE10] =	vst v9  }
0x3f: {  	v58 =	vadd.s32 $0x406, v6;
	[tilespmem:s7+$0xFFFFFE20] =	vst v10;
	v54 =	vld.idx.msk [tilespmem:v11+s29+$0x0], $0xffff  }
0x40: {  	v59 =	vadd.s32 $0x406, v0;
	[tilespmem:s7+$0xFFFFFE30] =	vst v12;
	v56 =	vld.idx.msk [tilespmem:v13+s29+$0x0], $0xffff  }
0x41: {  	v8 =	vadd.s32 $0x406, v2;
	[tilespmem:s7+$0xFFFFFE40] =	vst v14;
	v15 =	vld.idx.msk [tilespmem:v15+s29+$0x0], $0xffff  }
0x42: {  	v57 =	vadd.s32 $0x80C, v7;
	[tilespmem:s7+$0xFFFFFE50] =	vst v16;
	v17 =	vld.idx.msk [tilespmem:v17+s29+$0x0], $0xffff  }
0x43: {  	v60 =	vadd.s32 $0x80C, v5;
	[tilespmem:s7+$0xFFFFFE00] =	vst v19;
	v11 =	vld.idx.msk [tilespmem:v55+s29+$0x0], $0xffff  }
0x44: {  	v61 =	vadd.s32 $0x80C, v4;
	[tilespmem:s7+$0xFFFFFE60] =	vst v18;
	v13 =	vld.idx.msk [tilespmem:v58+s29+$0x0], $0xffff  }
0x45: {  	v62 =	vadd.s32 $0x80C, v3;
	v21 =	vld.idx.msk [tilespmem:v59+s29+$0x0], $0xffff;
	[tilespmem:s7+$0xFFFFFEF0] =	vst v54  }
0x46: {  	v23 =	vadd.s32 $0x80C, v6;
	v8 =	vld.idx.msk [tilespmem:v8+s29+$0x0], $0xffff;
	[tilespmem:s7+$0xFFFFFE90] =	vst v56  }
0x47: {  	v24 =	vadd.s32 $0x80C, v1;
	[tilespmem:s7+$0xFFFFFEA0] =	vst v15;
	v12 =	vld.idx.msk [tilespmem:v57+s29+$0x0], $0xffff  }
0x48: {  	v63 =	vadd.s32 $0x80C, v2;
	[tilespmem:s7+$0xFFFFFEB0] =	vst v17;
	v16 =	vld.idx.msk [tilespmem:v60+s29+$0x0], $0xffff  }
0x49: {  	v22 =	vadd.s32 $0xC12, v7;
	[tilespmem:s7+$0xFFFFFED0] =	vst v11;
	v18 =	vld.idx.msk [tilespmem:v61+s29+$0x0], $0xffff  }
0x4a: {  	v25 =	vadd.s32 $0xC12, v5;
	[tilespmem:s7+$0xFFFFFE80] =	vst v13;
	v9 =	vld.idx.msk [tilespmem:v62+s29+$0x0], $0xffff  }
0x4b: {  	v26 =	vadd.s32 $0xC12, v4;
	[tilespmem:s7+$0xFFFFFEE0] =	vst v21;
	v15 =	vld.idx.msk [tilespmem:v23+s29+$0x0], $0xffff  }
0x4c: {  	v28 =	vadd.s32 $0xC12, v3;
	v29 =	vld.idx.msk [tilespmem:v24+s29+$0x0], $0xffff;
	[tilespmem:s7+$0xFFFFFEC0] =	vst v8  }
0x4d: {  	v31 =	vadd.s32 $0xC12, v6;
	v19 =	vld.idx.msk [tilespmem:v63+s29+$0x0], $0xffff;
	[tilespmem:s7+$0xFFFFFF70] =	vst v12  }
0x4e: {  	v33 =	vadd.s32 $0xC12, v1;
	[tilespmem:s7+$0xFFFFFF10] =	vst v16;
	v27 =	vld.idx.msk [tilespmem:v22+s29+$0x0], $0xffff  }
0x4f: {  	v8 =	vadd.s32 $0x80C, v0;
	[tilespmem:s7+$0xFFFFFF20] =	vst v18;
	v11 =	vld.idx.msk [tilespmem:v25+s29+$0x0], $0xffff  }
0x50: {  	v32 =	vadd.s32 $0xC12, v2;
	[tilespmem:s7+$0xFFFFFF30] =	vst v9;
	v12 =	vld.idx.msk [tilespmem:v26+s29+$0x0], $0xffff  }
0x51: {  	v30 =	vadd.s32 $0x1018, v7;
	[tilespmem:s7+$0xFFFFFF00] =	vst v15;
	v14 =	vld.idx.msk [tilespmem:v28+s29+$0x0], $0xffff  }
0x52: {  	v35 =	vadd.s32 $0x1018, v5;
	[tilespmem:s7+$0xFFFFFF50] =	vst v29;
	v17 =	vld.idx.msk [tilespmem:v31+s29+$0x0], $0xffff  }
0x53: {  	v37 =	vadd.s32 $0x1018, v4;
	v9 =	vld.idx.msk [tilespmem:v33+s29+$0x0], $0xffff;
	[tilespmem:s7+$0xFFFFFF40] =	vst v19  }
0x54: {  	v39 =	vadd.s32 $0x1018, v6;
	v8 =	vld.idx.msk [tilespmem:v8+s29+$0x0], $0xffff;
	[tilespmem:s7+$0xFFFFFFF0] =	vst v27  }
0x55: {  	v40 =	vadd.s32 $0x1018, v3;
	v38 =	vld.idx.msk [tilespmem:v32+s29+$0x0], $0xffff;
	[tilespmem:s7+$0xFFFFFF90] =	vst v11  }
0x56: {  	v43 =	vadd.s32 $0x1018, v1;
	[tilespmem:s7+$0xFFFFFFA0] =	vst v12;
	v36 =	vld.idx.msk [tilespmem:v30+s29+$0x0], $0xffff  }
0x57: {  	v34 =	vadd.s32 $0xC12, v0;
	[tilespmem:s7+$0xFFFFFFB0] =	vst v14;
	v13 =	vld.idx.msk [tilespmem:v35+s29+$0x0], $0xffff  }
0x58: {  	v42 =	vadd.s32 $0x1018, v2;
	[tilespmem:s7+$0xFFFFFF80] =	vst v17;
	v16 =	vld.idx.msk [tilespmem:v37+s29+$0x0], $0xffff  }
0x59: {  	v18 =	vld.idx.msk [tilespmem:v39+s29+$0x0], $0xffff;
	[tilespmem:s7+$0xFFFFFF60] =	vst v8;
	v8 =	vadd.s32 $0x141E, v7  }
0x5a: {  	v45 =	vadd.s32 $0x141E, v5;
	[tilespmem:s7+$0xFFFFFFD0] =	vst v9;
	v46 =	vld.idx.msk [tilespmem:v40+s29+$0x0], $0xffff  }
0x5b: {  	v48 =	vadd.s32 $0x141E, v6;
	v50 =	vld.idx.msk [tilespmem:v43+s29+$0x0], $0xffff;
	[tilespmem:s7+$0xFFFFFFC0] =	vst v38  }
0x5c: {  	v49 =	vadd.s32 $0x141E, v4;
	v41 =	vld.idx.msk [tilespmem:v34+s29+$0x0], $0xffff;
	[tilespmem:s7+$0x70] =	vst v36  }
0x5d: {  	v44 =	vadd.s32 $0x1018, v0;
	v19 =	vld.idx.msk [tilespmem:v42+s29+$0x0], $0xffff;
	[tilespmem:s7+$0x10] =	vst v13  }
0x5e: {  	v51 =	vadd.s32 $0x141E, v3;
	[tilespmem:s7+$0x20] =	vst v16;
	v8 =	vld.idx.msk [tilespmem:v8+s29+$0x0], $0xffff  }
0x5f: {  	v47 =	vadd.s32 $0x1824, v7;
	[tilespmem:s7+$0x0] =	vst v18;
	v17 =	vld.idx.msk [tilespmem:v45+s29+$0x0], $0xffff  }
0x60: {  	v52 =	vadd.s32 $0x141E, v2;
	[tilespmem:s7+$0x30] =	vst v46;
	v11 =	vld.idx.msk [tilespmem:v48+s29+$0x0], $0xffff  }
0x61: {  	v55 =	vadd.s32 $0x1824, v6;
	v54 =	vld.idx.msk [tilespmem:v49+s29+$0x0], $0xffff;
	[tilespmem:s7+$0xFFFFFFE0] =	vst v41  }
0x62: {  	v56 =	vadd.s32 $0x1824, v5;
	[tilespmem:s7+$0x50] =	vst v50;
	v15 =	vld.idx.msk [tilespmem:v44+s29+$0x0], $0xffff  }
0x63: {  	v53 =	vadd.s32 $0x141E, v0;
	v14 =	vld.idx.msk [tilespmem:v51+s29+$0x0], $0xffff;
	[tilespmem:s7+$0xF0] =	vst v8  }
0x64: {  	[tilespmem:s7+$0x40] =	vst v19;
	v8 =	vadd.s32 $0x141E, v1;
	v9 =	vld.idx.msk [tilespmem:v47+s29+$0x0], $0xffff  }
0x65: {  	v7 =	vadd.s32 $0x1C2A, v7;
	v16 =	vld.idx.msk [tilespmem:v52+s29+$0x0], $0xffff;
	[tilespmem:s7+$0x80] =	vst v11  }
0x66: {  	v57 =	vadd.s32 $0x1824, v4;
	[tilespmem:s7+$0x90] =	vst v17;
	v12 =	vld.idx.msk [tilespmem:v55+s29+$0x0], $0xffff  }
0x67: {  	v58 =	vadd.s32 $0x1824, v3;
	v13 =	vld.idx.msk [tilespmem:v56+s29+$0x0], $0xffff;
	[tilespmem:s7+$0x60] =	vst v15  }
0x68: {  	v59 =	vadd.s32 $0x1824, v2;
	[tilespmem:s7+$0xA0] =	vst v54;
	v18 =	vld.idx.msk [tilespmem:v53+s29+$0x0], $0xffff  }
0x69: {  	v6 =	vadd.s32 $0x1C2A, v6;
	v8 =	vld.idx.msk [tilespmem:v8+s29+$0x0], $0xffff;
	[tilespmem:s7+$0x170] =	vst v9  }
0x6a: {  	v60 =	vadd.s32 $0x1824, v1;
	[tilespmem:s7+$0xB0] =	vst v14;
	v7 =	vld.idx.msk [tilespmem:v7+s29+$0x0], $0xffff  }
0x6b: {  	v61 =	vadd.s32 $0x1824, v0;
	v62 =	vld.idx.msk [tilespmem:v57+s29+$0x0], $0xffff;
	[tilespmem:s7+$0xC0] =	vst v16  }
0x6c: {  	v5 =	vadd.s32 $0x1C2A, v5;
	v63 =	vld.idx.msk [tilespmem:v58+s29+$0x0], $0xffff;
	[tilespmem:s7+$0x100] =	vst v12  }
0x6d: {  	v3 =	vadd.s32 $0x1C2A, v3;
	v9 =	vld.idx.msk [tilespmem:v59+s29+$0x0], $0xffff;
	[tilespmem:s7+$0xE0] =	vst v18  }
0x6e: {  	v12 =	vld.idx.msk [tilespmem:v6+s29+$0x0], $0xffff;
	[tilespmem:s7+$0xD0] =	vst v8;
	v8 =	vadd.s32 $0x1C2A, v4  }
0x6f: {  	v11 =	vld.idx.msk [tilespmem:v60+s29+$0x0], $0xffff;
	[tilespmem:s7+$0x1F0] =	vst v7;
	v7 =	vadd.s32 $0x1C2A, v2  }
0x70: {  	v1 =	vadd.s32 $0x1C2A, v1;
	[tilespmem:s7+$0x110] =	vst v13;
	v10 =	vld.idx.msk [tilespmem:v61+s29+$0x0], $0xffff  }
0x71: {  	v0 =	vadd.s32 $0x1C2A, v0;
	[tilespmem:s7+$0x130] =	vst v63;
	v4 =	vld.idx.msk [tilespmem:v5+s29+$0x0], $0xffff  }
0x72: {  	[tilespmem:s7+$0x120] =	vst v62;
	v2 =	vld.idx.msk [tilespmem:v3+s29+$0x0], $0xffff  }
0x73: {  	[tilespmem:s7+$0x140] =	vst v9;
	v5 =	vld.idx.msk [tilespmem:v8+s29+$0x0], $0xffff  }
0x74: {  	[tilespmem:s7+$0x150] =	vst v11;
	v6 =	vld.idx.msk [tilespmem:v7+s29+$0x0], $0xffff  }
0x75: {  	[tilespmem:s7+$0x160] =	vst v10;
	v3 =	vld.idx.msk [tilespmem:v1+s29+$0x0], $0xffff  }
0x76: {  	s8 =	simm.s32 $0x0;
	s9 =	simm.s32 $0x89D0;
	[tilespmem:s7+$0x180] =	vst v12;
	v1 =	vld.idx.msk [tilespmem:v0+s29+$0x0], $0xffff  }
.LBB2_2:
0x77: {  	v0 =	vld [tilespmem:s9+$0x30];
	s8 =	sadd.s32 $0x8, s8;
	[tilespmem:s7+$0x190] =	vst v4  }
0x78: {  	v7 =	vld [tilespmem:s9+$0xFFFFFFD0];
	p1 =	slt.u32 s8, $0x78;
	[tilespmem:s7+$0x1A0] =	vst v5  }
0x79: {  	v5 =	vld [tilespmem:s9+$0xFFFFFFE0];
	[tilespmem:s7+$0x1B0] =	vst v2  }
0x7a: {  	v2 =	vld [tilespmem:s9+$0xFFFFFFF0];
	[tilespmem:s7+$0x1C0] =	vst v6  }
0x7b: {  	v6 =	vld [tilespmem:s9+$0x0];
	[tilespmem:s7+$0x1D0] =	vst v3  }
0x7c: {  	v3 =	vld [tilespmem:s9+$0x10];
	[tilespmem:s7+$0x1E0] =	vst v1  }
0x7d: {  	v1 =	vadd.s32 $0x406, v7;
	v21 =	vadd.s32 $0x80C, v7;
	v22 =	vadd.s32 $0xC12, v7;
	v23 =	vld [tilespmem:s9+$0x20]  }
0x7e: {  	v4 =	vld [tilespmem:s9+$0xFFFFFFC0];
	v8 =	vadd.s32 $0x406, v5;
	v24 =	vadd.s32 $0x80C, v5;
	v25 =	vadd.s32 $0xC12, v5  }
0x7f: {  	v9 =	vadd.s32 $0x406, v2;
	v26 =	vadd.s32 $0x80C, v2;
	v27 =	vadd.s32 $0xC12, v2;
	v10 =	vld.idx.msk [tilespmem:v0+s29+$0x0], $0xffff  }
0x80: {  	v11 =	vld.idx.msk [tilespmem:v7+s29+$0x0], $0xffff;
	v12 =	vadd.s32 $0x406, v6;
	v28 =	vadd.s32 $0x80C, v6;
	v29 =	vadd.s32 $0xC12, v6  }
0x81: {  	v14 =	vadd.s32 $0x406, v0;
	v13 =	vld.idx.msk [tilespmem:v5+s29+$0x0], $0xffff;
	v30 =	vadd.s32 $0x406, v3;
	v31 =	vadd.s32 $0x80C, v3  }
0x82: {  	v32 =	vadd.s32 $0xC12, v3;
	v16 =	vld.idx.msk [tilespmem:v2+s29+$0x0], $0xffff;
	v33 =	vadd.s32 $0x406, v23;
	v34 =	vadd.s32 $0x80C, v23  }
0x83: {  	v35 =	vadd.s32 $0x406, v4;
	v36 =	vadd.s32 $0x80C, v4;
	v37 =	vadd.s32 $0xC12, v4;
	v20 =	vld.idx.msk [tilespmem:v6+s29+$0x0], $0xffff  }
0x84: {  	s7 =	sadd.s32 $0x400, s7;
	v39 =	vadd.s32 $0x1018, v7;
	v41 =	vadd.s32 $0xC12, v23;
	v38 =	vadd.s32 $0x1018, v4;
	v40 =	vld.idx.msk [tilespmem:v3+s29+$0x0], $0xffff  }
0x85: {  	v42 =	vadd.s32 $0x1018, v5;
	v43 =	vadd.s32 $0x1018, v2;
	v44 =	vadd.s32 $0x1018, v6;
	v45 =	vld.idx.msk [tilespmem:v23+s29+$0x0], $0xffff;
	[tilespmem:s7+$0xFFFFFE70] =	vst v10  }
0x86: {  	v46 =	vadd.s32 $0x1018, v3;
	v47 =	vadd.s32 $0x1018, v23;
	v15 =	vadd.s32 $0x141E, v4;
	[tilespmem:s7+$0xFFFFFE10] =	vst v11;
	v48 =	vld.idx.msk [tilespmem:v14+s29+$0x0], $0xffff  }
0x87: {  	v50 =	vadd.s32 $0x141E, v7;
	v19 =	vadd.s32 $0x141E, v5;
	v17 =	vadd.s32 $0x141E, v2;
	v49 =	vld.idx.msk [tilespmem:v4+s29+$0x0], $0xffff;
	[tilespmem:s7+$0xFFFFFE20] =	vst v13  }
0x88: {  	v52 =	vadd.s32 $0x80C, v0;
	v18 =	vadd.s32 $0x141E, v6;
	v51 =	vld.idx.msk [tilespmem:v1+s29+$0x0], $0xffff;
	[tilespmem:s7+$0xFFFFFE30] =	vst v16;
	v16 =	vadd.s32 $0x141E, v3  }
0x89: {  	v10 =	vadd.s32 $0x1824, v7;
	v13 =	vadd.s32 $0x1824, v4;
	v53 =	vld.idx.msk [tilespmem:v8+s29+$0x0], $0xffff;
	[tilespmem:s7+$0xFFFFFE40] =	vst v20;
	v20 =	vadd.s32 $0x141E, v23  }
0x8a: {  	v14 =	vadd.s32 $0x1824, v5;
	v11 =	vadd.s32 $0x1824, v2;
	v8 =	vadd.s32 $0x1824, v6;
	v54 =	vld.idx.msk [tilespmem:v9+s29+$0x0], $0xffff;
	[tilespmem:s7+$0xFFFFFE50] =	vst v40  }
0x8b: {  	v4 =	vadd.s32 $0x1C2A, v4;
	v9 =	vadd.s32 $0x1824, v23;
	v40 =	vld.idx.msk [tilespmem:v12+s29+$0x0], $0xffff;
	v12 =	vadd.s32 $0x1824, v3;
	[tilespmem:s7+$0xFFFFFE60] =	vst v45  }
0x8c: {  	v7 =	vadd.s32 $0x1C2A, v7;
	v5 =	vadd.s32 $0x1C2A, v5;
	v2 =	vadd.s32 $0x1C2A, v2;
	v30 =	vld.idx.msk [tilespmem:v30+s29+$0x0], $0xffff;
	[tilespmem:s7+$0xFFFFFEF0] =	vst v48  }
0x8d: {  	v1 =	vadd.s32 $0x1C2A, v23;
	v6 =	vadd.s32 $0x1C2A, v6;
	v3 =	vadd.s32 $0x1C2A, v3;
	[tilespmem:s7+$0xFFFFFE00] =	vst v49;
	v23 =	vld.idx.msk [tilespmem:v52+s29+$0x0], $0xffff  }
0x8e: {  	v35 =	vld.idx.msk [tilespmem:v35+s29+$0x0], $0xffff;
	[tilespmem:s7+$0xFFFFFE90] =	vst v51  }
0x8f: {  	v45 =	vadd.s32 $0xC12, v0;
	[tilespmem:s7+$0xFFFFFEA0] =	vst v53;
	v33 =	vld.idx.msk [tilespmem:v33+s29+$0x0], $0xffff  }
0x90: {  	v21 =	vld.idx.msk [tilespmem:v21+s29+$0x0], $0xffff;
	[tilespmem:s7+$0xFFFFFEB0] =	vst v54  }
0x91: {  	v24 =	vld.idx.msk [tilespmem:v24+s29+$0x0], $0xffff;
	[tilespmem:s7+$0xFFFFFEC0] =	vst v40  }
0x92: {  	v26 =	vld.idx.msk [tilespmem:v26+s29+$0x0], $0xffff;
	[tilespmem:s7+$0xFFFFFED0] =	vst v30  }
0x93: {  	v28 =	vld.idx.msk [tilespmem:v28+s29+$0x0], $0xffff;
	[tilespmem:s7+$0xFFFFFF70] =	vst v23  }
0x94: {  	[tilespmem:s7+$0xFFFFFE80] =	vst v35;
	v23 =	vld.idx.msk [tilespmem:v45+s29+$0x0], $0xffff  }
0x95: {  	v30 =	vld.idx.msk [tilespmem:v36+s29+$0x0], $0xffff;
	[tilespmem:s7+$0xFFFFFEE0] =	vst v33  }
0x96: {  	[tilespmem:s7+$0xFFFFFF10] =	vst v21;
	v21 =	vld.idx.msk [tilespmem:v31+s29+$0x0], $0xffff;
	v31 =	vadd.s32 $0x1018, v0  }
0x97: {  	[tilespmem:s7+$0xFFFFFF20] =	vst v24;
	v24 =	vld.idx.msk [tilespmem:v34+s29+$0x0], $0xffff  }
0x98: {  	v22 =	vld.idx.msk [tilespmem:v22+s29+$0x0], $0xffff;
	[tilespmem:s7+$0xFFFFFF30] =	vst v26  }
0x99: {  	v25 =	vld.idx.msk [tilespmem:v25+s29+$0x0], $0xffff;
	[tilespmem:s7+$0xFFFFFF40] =	vst v28  }
0x9a: {  	v26 =	vld.idx.msk [tilespmem:v27+s29+$0x0], $0xffff;
	[tilespmem:s7+$0xFFFFFFF0] =	vst v23  }
0x9b: {  	[tilespmem:s7+$0xFFFFFF00] =	vst v30;
	v23 =	vld.idx.msk [tilespmem:v31+s29+$0x0], $0xffff  }
0x9c: {  	v27 =	vld.idx.msk [tilespmem:v37+s29+$0x0], $0xffff;
	[tilespmem:s7+$0xFFFFFF50] =	vst v21  }
0x9d: {  	v21 =	vld.idx.msk [tilespmem:v29+s29+$0x0], $0xffff;
	[tilespmem:s7+$0xFFFFFF60] =	vst v24;
	v24 =	vadd.s32 $0x141E, v0  }
0x9e: {  	[tilespmem:s7+$0xFFFFFF90] =	vst v22;
	v22 =	vld.idx.msk [tilespmem:v32+s29+$0x0], $0xffff  }
0x9f: {  	[tilespmem:s7+$0xFFFFFFA0] =	vst v25;
	v25 =	vld.idx.msk [tilespmem:v41+s29+$0x0], $0xffff  }
0xa0: {  	v28 =	vld.idx.msk [tilespmem:v39+s29+$0x0], $0xffff;
	[tilespmem:s7+$0xFFFFFFB0] =	vst v26  }
0xa1: {  	v26 =	vld.idx.msk [tilespmem:v42+s29+$0x0], $0xffff;
	[tilespmem:s7+$0x70] =	vst v23  }
0xa2: {  	[tilespmem:s7+$0xFFFFFF80] =	vst v27;
	v23 =	vld.idx.msk [tilespmem:v24+s29+$0x0], $0xffff  }
0xa3: {  	v24 =	vld.idx.msk [tilespmem:v38+s29+$0x0], $0xffff;
	[tilespmem:s7+$0xFFFFFFC0] =	vst v21  }
0xa4: {  	v21 =	vld.idx.msk [tilespmem:v43+s29+$0x0], $0xffff;
	[tilespmem:s7+$0xFFFFFFD0] =	vst v22;
	v22 =	vadd.s32 $0x1824, v0  }
0xa5: {  	v27 =	vld.idx.msk [tilespmem:v44+s29+$0x0], $0xffff;
	[tilespmem:s7+$0xFFFFFFE0] =	vst v25  }
0xa6: {  	[tilespmem:s7+$0x10] =	vst v28;
	v25 =	vld.idx.msk [tilespmem:v46+s29+$0x0], $0xffff  }
0xa7: {  	[tilespmem:s7+$0x20] =	vst v26;
	v26 =	vld.idx.msk [tilespmem:v47+s29+$0x0], $0xffff  }
0xa8: {  	v28 =	vld.idx.msk [tilespmem:v50+s29+$0x0], $0xffff;
	[tilespmem:s7+$0xF0] =	vst v23  }
0xa9: {  	[tilespmem:s7+$0x0] =	vst v24;
	v22 =	vld.idx.msk [tilespmem:v22+s29+$0x0], $0xffff  }
0xaa: {  	v15 =	vld.idx.msk [tilespmem:v15+s29+$0x0], $0xffff;
	[tilespmem:s7+$0x30] =	vst v21  }
0xab: {  	v0 =	vadd.s32 $0x1C2A, v0;
	v19 =	vld.idx.msk [tilespmem:v19+s29+$0x0], $0xffff;
	[tilespmem:s7+$0x40] =	vst v27  }
0xac: {  	v17 =	vld.idx.msk [tilespmem:v17+s29+$0x0], $0xffff;
	[tilespmem:s7+$0x50] =	vst v25  }
0xad: {  	v18 =	vld.idx.msk [tilespmem:v18+s29+$0x0], $0xffff;
	[tilespmem:s7+$0x60] =	vst v26  }
0xae: {  	[tilespmem:s7+$0x90] =	vst v28;
	v16 =	vld.idx.msk [tilespmem:v16+s29+$0x0], $0xffff  }
0xaf: {  	v20 =	vld.idx.msk [tilespmem:v20+s29+$0x0], $0xffff;
	[tilespmem:s7+$0x170] =	vst v22  }
0xb0: {  	[tilespmem:s7+$0x80] =	vst v15;
	v0 =	vld.idx.msk [tilespmem:v0+s29+$0x0], $0xffff  }
0xb1: {  	v13 =	vld.idx.msk [tilespmem:v13+s29+$0x0], $0xffff;
	[tilespmem:s7+$0xA0] =	vst v19  }
0xb2: {  	v10 =	vld.idx.msk [tilespmem:v10+s29+$0x0], $0xffff;
	[tilespmem:s7+$0xB0] =	vst v17  }
0xb3: {  	v14 =	vld.idx.msk [tilespmem:v14+s29+$0x0], $0xffff;
	[tilespmem:s7+$0xC0] =	vst v18  }
0xb4: {  	v11 =	vld.idx.msk [tilespmem:v11+s29+$0x0], $0xffff;
	[tilespmem:s7+$0xD0] =	vst v16  }
0xb5: {  	v8 =	vld.idx.msk [tilespmem:v8+s29+$0x0], $0xffff;
	[tilespmem:s7+$0xE0] =	vst v20  }
0xb6: {  	v12 =	vld.idx.msk [tilespmem:v12+s29+$0x0], $0xffff;
	[tilespmem:s7+$0x1F0] =	vst v0  }
0xb7: {  	[tilespmem:s7+$0x100] =	vst v13;
	v0 =	vld.idx.msk [tilespmem:v9+s29+$0x0], $0xffff  }
0xb8: {  	v9 =	vld.idx.msk [tilespmem:v4+s29+$0x0], $0xffff;
	[tilespmem:s7+$0x110] =	vst v10  }
0xb9: {  	v4 =	vld.idx.msk [tilespmem:v7+s29+$0x0], $0xffff;
	[tilespmem:s7+$0x120] =	vst v14  }
.Ltmp0:
0xba: {  	v5 =	vld.idx.msk [tilespmem:v5+s29+$0x0], $0xffff;
	[tilespmem:s7+$0x130] =	vst v11;
	(pc) =	sbr.rel @p1 .LBB2_2-.Ltmp0, $4  }
0xbb: {  	v2 =	vld.idx.msk [tilespmem:v2+s29+$0x0], $0xffff;
	[tilespmem:s7+$0x140] =	vst v8  }
0xbc: {  	v6 =	vld.idx.msk [tilespmem:v6+s29+$0x0], $0xffff;
	[tilespmem:s7+$0x150] =	vst v12  }
0xbd: {  	v3 =	vld.idx.msk [tilespmem:v3+s29+$0x0], $0xffff;
	[tilespmem:s7+$0x160] =	vst v0  }
0xbe: {  	s9 =	sadd.s32 $0x80, s9;
	[tilespmem:s7+$0x180] =	vst v9;
	v1 =	vld.idx.msk [tilespmem:v1+s29+$0x0], $0xffff  }
0xbf: {  	[tilespmem:s7+$0x190] =	vst v4  }
0xc0: {  	[tilespmem:s7+$0x1A0] =	vst v5  }
0xc1: {  	[tilespmem:s7+$0x1B0] =	vst v2  }
0xc2: {  	[tilespmem:s7+$0x1C0] =	vst v6  }
0xc3: {  	[tilespmem:s7+$0x1D0] =	vst v3  }
0xc4: {  	[tilespmem:s7+$0x1E0] =	vst v1  }
0xc5: {  	s7 =	rddreg [dreg:$0xa]  }
0xc6: {  	[tilespmem:s26], [sflag:$0x2] =	stream.strided.gather [hbm4b:s7+s24], $0x800, s25, s24, $0x38;
	[tilespmem:$0x15910] =	vst v63  }
0xc7: {  	_ = 	snop  }
0xc8: {  	[hbm4b:s10+s3] =	stream.linear.scatter [tilespmem:s0], [sflag:$0x3], $0x4000, $0x38;
	[tilespmem:$0x15910] =	vst v63  }
0xc9: {  	_ =	swait.ge [sflag:s31], $0x800  }
0xca: {  	[sflag:s31] =	ssyncset.done $0x0  }
0xcb: {  	[sflag:s31] =	ssyncadd.s32 $0xFFFFF800  }
0xcc: {  	_ =	swait.ge [sflag:s1], $0x2030  }
0xcd: {  	[sflag:s1] =	ssyncset.done $0x0  }
0xce: {  	s9 =	simm.s32 $0x9150;
	[sflag:s1] =	ssyncadd.s32 $0xFFFFDFD0  }
0xcf: {  	v7 =	vld [tilespmem:s9+$0x30]  }
0xd0: {  	v5 =	vld [tilespmem:s9+$0xFFFFFFD0]  }
0xd1: {  	v4 =	vld [tilespmem:s9+$0xFFFFFFE0]  }
0xd2: {  	v3 =	vld [tilespmem:s9+$0xFFFFFFF0]  }
0xd3: {  	v2 =	vld [tilespmem:s9+$0x0]  }
0xd4: {  	v0 =	vld [tilespmem:s9+$0x10];
	v8 =	vadd.s32 $0x2030, v7  }
0xd5: {  	v1 =	vld [tilespmem:s9+$0x20];
	v9 =	vadd.s32 $0x2030, v5  }
0xd6: {  	v6 =	vld [tilespmem:s9+$0xFFFFFFC0];
	v10 =	vadd.s32 $0x2030, v4  }
0xd7: {  	v11 =	vadd.s32 $0x2030, v3  }
0xd8: {  	v12 =	vadd.s32 $0x2030, v2  }
0xd9: {  	v13 =	vadd.s32 $0x2030, v0;
	v8 =	vld.idx.msk [tilespmem:v8+s29+$0x0], $0xffff  }
0xda: {  	v14 =	vadd.s32 $0x2030, v1;
	v9 =	vld.idx.msk [tilespmem:v9+s29+$0x0], $0xffff  }
0xdb: {  	v16 =	vadd.s32 $0x2030, v6;
	v10 =	vld.idx.msk [tilespmem:v10+s29+$0x0], $0xffff  }
0xdc: {  	v15 =	vadd.s32 $0x2436, v7;
	v11 =	vld.idx.msk [tilespmem:v11+s29+$0x0], $0xffff  }
0xdd: {  	v17 =	vadd.s32 $0x2436, v5;
	v12 =	vld.idx.msk [tilespmem:v12+s29+$0x0], $0xffff  }
0xde: {  	s7 =	simm.s32 $0xDB10;
	v18 =	vadd.s32 $0x2436, v4;
	v13 =	vld.idx.msk [tilespmem:v13+s29+$0x0], $0xffff  }
0xdf: {  	v19 =	vadd.s32 $0x2436, v3;
	v14 =	vld.idx.msk [tilespmem:v14+s29+$0x0], $0xffff;
	[tilespmem:s7+$0xFFFFFE70] =	vst v8  }
0xe0: {  	v28 =	vadd.s32 $0x2436, v0;
	v16 =	vld.idx.msk [tilespmem:v16+s29+$0x0], $0xffff;
	[tilespmem:s7+$0xFFFFFE10] =	vst v9  }
0xe1: {  	v29 =	vadd.s32 $0x2436, v6;
	[tilespmem:s7+$0xFFFFFE20] =	vst v10;
	v9 =	vld.idx.msk [tilespmem:v15+s29+$0x0], $0xffff  }
0xe2: {  	v8 =	vadd.s32 $0x2436, v2;
	[tilespmem:s7+$0xFFFFFE30] =	vst v11;
	v10 =	vld.idx.msk [tilespmem:v17+s29+$0x0], $0xffff  }
0xe3: {  	v30 =	vadd.s32 $0x2436, v1;
	[tilespmem:s7+$0xFFFFFE40] =	vst v12;
	v18 =	vld.idx.msk [tilespmem:v18+s29+$0x0], $0xffff  }
0xe4: {  	v11 =	vadd.s32 $0x283C, v7;
	[tilespmem:s7+$0xFFFFFE50] =	vst v13;
	v19 =	vld.idx.msk [tilespmem:v19+s29+$0x0], $0xffff  }
0xe5: {  	v31 =	vadd.s32 $0x283C, v5;
	[tilespmem:s7+$0xFFFFFE00] =	vst v16;
	v15 =	vld.idx.msk [tilespmem:v28+s29+$0x0], $0xffff  }
0xe6: {  	v32 =	vadd.s32 $0x283C, v4;
	[tilespmem:s7+$0xFFFFFE60] =	vst v14;
	v17 =	vld.idx.msk [tilespmem:v29+s29+$0x0], $0xffff  }
0xe7: {  	v35 =	vadd.s32 $0x283C, v6;
	v8 =	vld.idx.msk [tilespmem:v8+s29+$0x0], $0xffff;
	[tilespmem:s7+$0xFFFFFEF0] =	vst v9  }
0xe8: {  	v9 =	vadd.s32 $0x283C, v3;
	[tilespmem:s7+$0xFFFFFE90] =	vst v10;
	v10 =	vld.idx.msk [tilespmem:v30+s29+$0x0], $0xffff  }
0xe9: {  	v33 =	vadd.s32 $0x283C, v2;
	[tilespmem:s7+$0xFFFFFEA0] =	vst v18;
	v11 =	vld.idx.msk [tilespmem:v11+s29+$0x0], $0xffff  }
0xea: {  	v36 =	vadd.s32 $0x283C, v0;
	[tilespmem:s7+$0xFFFFFEB0] =	vst v19;
	v13 =	vld.idx.msk [tilespmem:v31+s29+$0x0], $0xffff  }
0xeb: {  	v34 =	vadd.s32 $0x2C42, v7;
	[tilespmem:s7+$0xFFFFFE80] =	vst v17;
	v14 =	vld.idx.msk [tilespmem:v32+s29+$0x0], $0xffff  }
0xec: {  	v37 =	vadd.s32 $0x2C42, v5;
	[tilespmem:s7+$0xFFFFFED0] =	vst v15;
	v18 =	vld.idx.msk [tilespmem:v35+s29+$0x0], $0xffff  }
0xed: {  	v40 =	vadd.s32 $0x2C42, v6;
	[tilespmem:s7+$0xFFFFFEC0] =	vst v8;
	v9 =	vld.idx.msk [tilespmem:v9+s29+$0x0], $0xffff  }
0xee: {  	v8 =	vadd.s32 $0x283C, v1;
	v16 =	vld.idx.msk [tilespmem:v33+s29+$0x0], $0xffff;
	[tilespmem:s7+$0xFFFFFEE0] =	vst v10  }
0xef: {  	v10 =	vld.idx.msk [tilespmem:v36+s29+$0x0], $0xffff;
	[tilespmem:s7+$0xFFFFFF70] =	vst v11;
	v11 =	vadd.s32 $0x2C42, v4  }
0xf0: {  	v38 =	vadd.s32 $0x2C42, v3;
	[tilespmem:s7+$0xFFFFFF10] =	vst v13;
	v12 =	vld.idx.msk [tilespmem:v34+s29+$0x0], $0xffff  }
0xf1: {  	v41 =	vadd.s32 $0x2C42, v2;
	[tilespmem:s7+$0xFFFFFF00] =	vst v18;
	v15 =	vld.idx.msk [tilespmem:v37+s29+$0x0], $0xffff  }
0xf2: {  	v39 =	vadd.s32 $0x3048, v7;
	[tilespmem:s7+$0xFFFFFF20] =	vst v14;
	v19 =	vld.idx.msk [tilespmem:v40+s29+$0x0], $0xffff  }
0xf3: {  	v43 =	vadd.s32 $0x3048, v5;
	v8 =	vld.idx.msk [tilespmem:v8+s29+$0x0], $0xffff;
	[tilespmem:s7+$0xFFFFFF30] =	vst v9  }
0xf4: {  	v45 =	vadd.s32 $0x3048, v6;
	[tilespmem:s7+$0xFFFFFF40] =	vst v16;
	v11 =	vld.idx.msk [tilespmem:v11+s29+$0x0], $0xffff  }
0xf5: {  	v9 =	vadd.s32 $0x2C42, v0;
	[tilespmem:s7+$0xFFFFFF50] =	vst v10;
	v17 =	vld.idx.msk [tilespmem:v38+s29+$0x0], $0xffff  }
0xf6: {  	v42 =	vadd.s32 $0x2C42, v1;
	v10 =	vld.idx.msk [tilespmem:v41+s29+$0x0], $0xffff;
	[tilespmem:s7+$0xFFFFFFF0] =	vst v12  }
0xf7: {  	v44 =	vadd.s32 $0x3048, v4;
	[tilespmem:s7+$0xFFFFFF90] =	vst v15;
	v13 =	vld.idx.msk [tilespmem:v39+s29+$0x0], $0xffff  }
0xf8: {  	v46 =	vadd.s32 $0x3048, v3;
	[tilespmem:s7+$0xFFFFFF80] =	vst v19;
	v12 =	vld.idx.msk [tilespmem:v43+s29+$0x0], $0xffff  }
0xf9: {  	v47 =	vadd.s32 $0x3048, v2;
	v14 =	vld.idx.msk [tilespmem:v45+s29+$0x0], $0xffff;
	[tilespmem:s7+$0xFFFFFF60] =	vst v8  }
0xfa: {  	v8 =	vadd.s32 $0x344E, v7;
	v9 =	vld.idx.msk [tilespmem:v9+s29+$0x0], $0xffff;
	[tilespmem:s7+$0xFFFFFFA0] =	vst v11  }
0xfb: {  	v50 =	vadd.s32 $0x344E, v5;
	v11 =	vld.idx.msk [tilespmem:v42+s29+$0x0], $0xffff;
	[tilespmem:s7+$0xFFFFFFB0] =	vst v17  }
0xfc: {  	v51 =	vadd.s32 $0x344E, v6;
	[tilespmem:s7+$0xFFFFFFC0] =	vst v10;
	v18 =	vld.idx.msk [tilespmem:v44+s29+$0x0], $0xffff  }
0xfd: {  	v48 =	vadd.s32 $0x3048, v0;
	v10 =	vld.idx.msk [tilespmem:v46+s29+$0x0], $0xffff;
	[tilespmem:s7+$0x70] =	vst v13  }
0xfe: {  	v49 =	vadd.s32 $0x3048, v1;
	v16 =	vld.idx.msk [tilespmem:v47+s29+$0x0], $0xffff;
	[tilespmem:s7+$0x10] =	vst v12  }
0xff: {  	v53 =	vadd.s32 $0x344E, v3;
	[tilespmem:s7+$0x0] =	vst v14;
	v8 =	vld.idx.msk [tilespmem:v8+s29+$0x0], $0xffff  }
0x100: {  	v54 =	vadd.s32 $0x344E, v2;
	v19 =	vld.idx.msk [tilespmem:v50+s29+$0x0], $0xffff;
	[tilespmem:s7+$0xFFFFFFD0] =	vst v9  }
0x101: {  	v15 =	vld.idx.msk [tilespmem:v51+s29+$0x0], $0xffff;
	v9 =	vadd.s32 $0x3854, v7;
	[tilespmem:s7+$0xFFFFFFE0] =	vst v11  }
0x102: {  	v57 =	vadd.s32 $0x3854, v5;
	v52 =	vld.idx.msk [tilespmem:v48+s29+$0x0], $0xffff;
	[tilespmem:s7+$0x20] =	vst v18  }
0x103: {  	v11 =	vadd.s32 $0x344E, v4;
	v13 =	vld.idx.msk [tilespmem:v49+s29+$0x0], $0xffff;
	[tilespmem:s7+$0x30] =	vst v10  }
0x104: {  	v55 =	vadd.s32 $0x344E, v1;
	[tilespmem:s7+$0x40] =	vst v16;
	v56 =	vld.idx.msk [tilespmem:v53+s29+$0x0], $0xffff  }
0x105: {  	v58 =	vld.idx.msk [tilespmem:v54+s29+$0x0], $0xffff;
	[tilespmem:s7+$0xF0] =	vst v8;
	v8 =	vadd.s32 $0x344E, v0  }
0x106: {  	v60 =	vadd.s32 $0x3854, v3;
	[tilespmem:s7+$0x90] =	vst v19;
	v9 =	vld.idx.msk [tilespmem:v9+s29+$0x0], $0xffff  }
0x107: {  	v7 =	vadd.s32 $0x3C5A, v7;
	[tilespmem:s7+$0x80] =	vst v15;
	v12 =	vld.idx.msk [tilespmem:v57+s29+$0x0], $0xffff  }
0x108: {  	v10 =	vld.idx.msk [tilespmem:v11+s29+$0x0], $0xffff;
	v11 =	vadd.s32 $0x3854, v6;
	[tilespmem:s7+$0x60] =	vst v13  }
0x109: {  	v5 =	vadd.s32 $0x3C5A, v5;
	[tilespmem:s7+$0x50] =	vst v52;
	v14 =	vld.idx.msk [tilespmem:v55+s29+$0x0], $0xffff  }
0x10a: {  	v59 =	vadd.s32 $0x3854, v4;
	[tilespmem:s7+$0xB0] =	vst v56;
	v8 =	vld.idx.msk [tilespmem:v8+s29+$0x0], $0xffff  }
0x10b: {  	v16 =	vld.idx.msk [tilespmem:v60+s29+$0x0], $0xffff;
	[tilespmem:s7+$0x170] =	vst v9;
	v9 =	vadd.s32 $0x3854, v2  }
0x10c: {  	v61 =	vadd.s32 $0x3854, v0;
	[tilespmem:s7+$0x110] =	vst v12;
	v7 =	vld.idx.msk [tilespmem:v7+s29+$0x0], $0xffff  }
0x10d: {  	v11 =	vld.idx.msk [tilespmem:v11+s29+$0x0], $0xffff;
	[tilespmem:s7+$0xA0] =	vst v10;
	v10 =	vadd.s32 $0x3854, v1  }
0x10e: {  	v6 =	vadd.s32 $0x3C5A, v6;
	[tilespmem:s7+$0xC0] =	vst v58;
	v5 =	vld.idx.msk [tilespmem:v5+s29+$0x0], $0xffff  }
0x10f: {  	v62 =	vadd.s32 $0x3C5A, v3;
	v13 =	vld.idx.msk [tilespmem:v59+s29+$0x0], $0xffff;
	[tilespmem:s7+$0xE0] =	vst v14  }
0x110: {  	v4 =	vadd.s32 $0x3C5A, v4;
	[tilespmem:s7+$0xD0] =	vst v8;
	v9 =	vld.idx.msk [tilespmem:v9+s29+$0x0], $0xffff  }
0x111: {  	v63 =	vadd.s32 $0x3C5A, v2;
	[tilespmem:s7+$0x130] =	vst v16;
	v15 =	vld.idx.msk [tilespmem:v61+s29+$0x0], $0xffff  }
0x112: {  	[tilespmem:s7+$0x100] =	vst v11;
	v8 =	vld.idx.msk [tilespmem:v10+s29+$0x0], $0xffff  }
0x113: {  	[tilespmem:s7+$0x1F0] =	vst v7;
	v7 =	vld.idx.msk [tilespmem:v6+s29+$0x0], $0xffff  }
0x114: {  	[tilespmem:s7+$0x120] =	vst v13;
	v6 =	vld.idx.msk [tilespmem:v62+s29+$0x0], $0xffff  }
0x115: {  	v3 =	vld.idx.msk [tilespmem:v4+s29+$0x0], $0xffff;
	[tilespmem:s7+$0x140] =	vst v9  }
0x116: {  	s8 =	simm.s32 $0x0;
	s9 =	simm.s32 $0x91D0;
	v2 =	vadd.s32 $0x3C5A, v0;
	v1 =	vadd.s32 $0x3C5A, v1;
	[tilespmem:s7+$0x150] =	vst v15;
	v4 =	vld.idx.msk [tilespmem:v63+s29+$0x0], $0xffff  }
.LBB2_4:
0x117: {  	v0 =	vld [tilespmem:s9+$0x30];
	s8 =	sadd.s32 $0x8, s8;
	[tilespmem:s7+$0x160] =	vst v8  }
0x118: {  	v21 =	vld [tilespmem:s9+$0xFFFFFFD0];
	p1 =	slt.u32 s8, $0x78;
	[tilespmem:s7+$0x180] =	vst v7  }
0x119: {  	v22 =	vld [tilespmem:s9+$0xFFFFFFE0];
	[tilespmem:s7+$0x190] =	vst v5  }
0x11a: {  	v23 =	vld [tilespmem:s9+$0xFFFFFFF0];
	[tilespmem:s7+$0x1A0] =	vst v3  }
0x11b: {  	v24 =	vld [tilespmem:s9+$0x0];
	[tilespmem:s7+$0x1B0] =	vst v6  }
0x11c: {  	v25 =	vld [tilespmem:s9+$0x10];
	v3 =	vadd.s32 $0x2030, v0;
	[tilespmem:s7+$0x1C0] =	vst v4  }
0x11d: {  	v4 =	vadd.s32 $0x2030, v21;
	v5 =	vadd.s32 $0x2436, v21;
	v26 =	vadd.s32 $0x283C, v21;
	v27 =	vld [tilespmem:s9+$0x20]  }
0x11e: {  	v6 =	vld [tilespmem:s9+$0xFFFFFFC0];
	v7 =	vadd.s32 $0x2030, v22;
	v8 =	vadd.s32 $0x2436, v22;
	v28 =	vadd.s32 $0x283C, v22  }
0x11f: {  	v9 =	vadd.s32 $0x2030, v23;
	v11 =	vadd.s32 $0x2436, v23;
	v29 =	vadd.s32 $0x283C, v23;
	v2 =	vld.idx.msk [tilespmem:v2+s29+$0x0], $0xffff  }
0x120: {  	v10 =	vadd.s32 $0x2030, v24;
	v13 =	vadd.s32 $0x2436, v24;
	v30 =	vadd.s32 $0x283C, v24;
	v1 =	vld.idx.msk [tilespmem:v1+s29+$0x0], $0xffff  }
0x121: {  	v12 =	vadd.s32 $0x2030, v25;
	v31 =	vadd.s32 $0x2436, v25;
	v32 =	vadd.s32 $0x283C, v25;
	v3 =	vld.idx.msk [tilespmem:v3+s29+$0x0], $0xffff  }
0x122: {  	v4 =	vld.idx.msk [tilespmem:v4+s29+$0x0], $0xffff;
	v14 =	vadd.s32 $0x2030, v27;
	v33 =	vadd.s32 $0x2436, v27;
	v34 =	vadd.s32 $0x283C, v27  }
0x123: {  	v16 =	vadd.s32 $0x2436, v0;
	v15 =	vadd.s32 $0x2030, v6;
	v35 =	vadd.s32 $0x2436, v6;
	v7 =	vld.idx.msk [tilespmem:v7+s29+$0x0], $0xffff  }
0x124: {  	v38 =	vadd.s32 $0x2C42, v21;
	v36 =	vadd.s32 $0x283C, v6;
	v37 =	vadd.s32 $0x2C42, v6;
	v9 =	vld.idx.msk [tilespmem:v9+s29+$0x0], $0xffff  }
0x125: {  	v39 =	vadd.s32 $0x2C42, v22;
	v40 =	vadd.s32 $0x2C42, v23;
	v41 =	vadd.s32 $0x2C42, v24;
	v20 =	vld.idx.msk [tilespmem:v10+s29+$0x0], $0xffff;
	[tilespmem:s7+$0x1D0] =	vst v2  }
0x126: {  	v43 =	vadd.s32 $0x2C42, v25;
	v44 =	vadd.s32 $0x2C42, v27;
	v42 =	vadd.s32 $0x3048, v6;
	v2 =	vld.idx.msk [tilespmem:v12+s29+$0x0], $0xffff;
	[tilespmem:s7+$0x1E0] =	vst v1;
	s7 =	sadd.s32 $0x400, s7  }
0x127: {  	v45 =	vadd.s32 $0x3048, v21;
	v46 =	vadd.s32 $0x3048, v22;
	v47 =	vadd.s32 $0x3048, v23;
	v1 =	vld.idx.msk [tilespmem:v14+s29+$0x0], $0xffff;
	[tilespmem:s7+$0xFFFFFE70] =	vst v3  }
0x128: {  	v48 =	vadd.s32 $0x3048, v24;
	v49 =	vadd.s32 $0x3048, v25;
	v50 =	vadd.s32 $0x3048, v27;
	[tilespmem:s7+$0xFFFFFE10] =	vst v4;
	v4 =	vld.idx.msk [tilespmem:v16+s29+$0x0], $0xffff  }
0x129: {  	v52 =	vadd.s32 $0x344E, v21;
	v18 =	vadd.s32 $0x344E, v22;
	v17 =	vadd.s32 $0x344E, v6;
	v51 =	vld.idx.msk [tilespmem:v15+s29+$0x0], $0xffff;
	[tilespmem:s7+$0xFFFFFE20] =	vst v7  }
0x12a: {  	v54 =	vadd.s32 $0x283C, v0;
	v19 =	vadd.s32 $0x344E, v23;
	v15 =	vadd.s32 $0x344E, v24;
	v53 =	vld.idx.msk [tilespmem:v5+s29+$0x0], $0xffff;
	[tilespmem:s7+$0xFFFFFE30] =	vst v9  }
0x12b: {  	v10 =	vadd.s32 $0x3854, v6;
	v16 =	vadd.s32 $0x344E, v27;
	v55 =	vld.idx.msk [tilespmem:v8+s29+$0x0], $0xffff;
	[tilespmem:s7+$0xFFFFFE40] =	vst v20;
	v20 =	vadd.s32 $0x344E, v25  }
0x12c: {  	v12 =	vadd.s32 $0x3854, v22;
	v14 =	vadd.s32 $0x3854, v21;
	v56 =	vld.idx.msk [tilespmem:v11+s29+$0x0], $0xffff;
	v11 =	vadd.s32 $0x3854, v23;
	[tilespmem:s7+$0xFFFFFE50] =	vst v2  }
0x12d: {  	v9 =	vadd.s32 $0x3854, v25;
	v8 =	vadd.s32 $0x3854, v27;
	v57 =	vld.idx.msk [tilespmem:v13+s29+$0x0], $0xffff;
	v13 =	vadd.s32 $0x3854, v24;
	[tilespmem:s7+$0xFFFFFE60] =	vst v1  }
0x12e: {  	v3 =	vadd.s32 $0x3C5A, v22;
	v7 =	vadd.s32 $0x3C5A, v6;
	v5 =	vadd.s32 $0x3C5A, v21;
	v21 =	vld.idx.msk [tilespmem:v31+s29+$0x0], $0xffff;
	[tilespmem:s7+$0xFFFFFEF0] =	vst v4  }
0x12f: {  	v6 =	vadd.s32 $0x3C5A, v23;
	v2 =	vadd.s32 $0x3C5A, v25;
	v4 =	vadd.s32 $0x3C5A, v24;
	[tilespmem:s7+$0xFFFFFE00] =	vst v51;
	v22 =	vld.idx.msk [tilespmem:v54+s29+$0x0], $0xffff  }
0x130: {  	v1 =	vadd.s32 $0x3C5A, v27;
	v23 =	vld.idx.msk [tilespmem:v35+s29+$0x0], $0xffff;
	[tilespmem:s7+$0xFFFFFE90] =	vst v53  }
0x131: {  	v25 =	vadd.s32 $0x2C42, v0;
	[tilespmem:s7+$0xFFFFFEA0] =	vst v55;
	v24 =	vld.idx.msk [tilespmem:v33+s29+$0x0], $0xffff  }
0x132: {  	v26 =	vld.idx.msk [tilespmem:v26+s29+$0x0], $0xffff;
	[tilespmem:s7+$0xFFFFFEB0] =	vst v56  }
0x133: {  	v27 =	vld.idx.msk [tilespmem:v28+s29+$0x0], $0xffff;
	[tilespmem:s7+$0xFFFFFEC0] =	vst v57  }
0x134: {  	v28 =	vld.idx.msk [tilespmem:v29+s29+$0x0], $0xffff;
	[tilespmem:s7+$0xFFFFFED0] =	vst v21  }
0x135: {  	v21 =	vld.idx.msk [tilespmem:v30+s29+$0x0], $0xffff;
	[tilespmem:s7+$0xFFFFFF70] =	vst v22  }
0x136: {  	[tilespmem:s7+$0xFFFFFE80] =	vst v23;
	v22 =	vld.idx.msk [tilespmem:v25+s29+$0x0], $0xffff  }
0x137: {  	v23 =	vld.idx.msk [tilespmem:v36+s29+$0x0], $0xffff;
	[tilespmem:s7+$0xFFFFFEE0] =	vst v24  }
0x138: {  	v25 =	vadd.s32 $0x3048, v0;
	[tilespmem:s7+$0xFFFFFF10] =	vst v26;
	v24 =	vld.idx.msk [tilespmem:v32+s29+$0x0], $0xffff  }
0x139: {  	[tilespmem:s7+$0xFFFFFF20] =	vst v27;
	v26 =	vld.idx.msk [tilespmem:v34+s29+$0x0], $0xffff  }
0x13a: {  	v27 =	vld.idx.msk [tilespmem:v38+s29+$0x0], $0xffff;
	[tilespmem:s7+$0xFFFFFF30] =	vst v28  }
0x13b: {  	v28 =	vld.idx.msk [tilespmem:v39+s29+$0x0], $0xffff;
	[tilespmem:s7+$0xFFFFFF40] =	vst v21  }
0x13c: {  	v21 =	vld.idx.msk [tilespmem:v40+s29+$0x0], $0xffff;
	[tilespmem:s7+$0xFFFFFFF0] =	vst v22  }
0x13d: {  	[tilespmem:s7+$0xFFFFFF00] =	vst v23;
	v22 =	vld.idx.msk [tilespmem:v25+s29+$0x0], $0xffff  }
0x13e: {  	v23 =	vld.idx.msk [tilespmem:v37+s29+$0x0], $0xffff;
	[tilespmem:s7+$0xFFFFFF50] =	vst v24  }
0x13f: {  	v25 =	vadd.s32 $0x344E, v0;
	v24 =	vld.idx.msk [tilespmem:v41+s29+$0x0], $0xffff;
	[tilespmem:s7+$0xFFFFFF60] =	vst v26  }
0x140: {  	[tilespmem:s7+$0xFFFFFF90] =	vst v27;
	v26 =	vld.idx.msk [tilespmem:v43+s29+$0x0], $0xffff  }
0x141: {  	[tilespmem:s7+$0xFFFFFFA0] =	vst v28;
	v27 =	vld.idx.msk [tilespmem:v44+s29+$0x0], $0xffff  }
0x142: {  	v28 =	vld.idx.msk [tilespmem:v45+s29+$0x0], $0xffff;
	[tilespmem:s7+$0xFFFFFFB0] =	vst v21  }
0x143: {  	v21 =	vld.idx.msk [tilespmem:v46+s29+$0x0], $0xffff;
	[tilespmem:s7+$0x70] =	vst v22  }
0x144: {  	[tilespmem:s7+$0xFFFFFF80] =	vst v23;
	v22 =	vld.idx.msk [tilespmem:v25+s29+$0x0], $0xffff  }
0x145: {  	v23 =	vld.idx.msk [tilespmem:v42+s29+$0x0], $0xffff;
	[tilespmem:s7+$0xFFFFFFC0] =	vst v24  }
0x146: {  	v25 =	vadd.s32 $0x3854, v0;
	v24 =	vld.idx.msk [tilespmem:v47+s29+$0x0], $0xffff;
	[tilespmem:s7+$0xFFFFFFD0] =	vst v26  }
0x147: {  	v26 =	vld.idx.msk [tilespmem:v48+s29+$0x0], $0xffff;
	[tilespmem:s7+$0xFFFFFFE0] =	vst v27  }
0x148: {  	[tilespmem:s7+$0x10] =	vst v28;
	v27 =	vld.idx.msk [tilespmem:v49+s29+$0x0], $0xffff  }
0x149: {  	[tilespmem:s7+$0x20] =	vst v21;
	v21 =	vld.idx.msk [tilespmem:v50+s29+$0x0], $0xffff  }
0x14a: {  	v28 =	vld.idx.msk [tilespmem:v52+s29+$0x0], $0xffff;
	[tilespmem:s7+$0xF0] =	vst v22  }
0x14b: {  	[tilespmem:s7+$0x0] =	vst v23;
	v22 =	vld.idx.msk [tilespmem:v25+s29+$0x0], $0xffff  }
0x14c: {  	v17 =	vld.idx.msk [tilespmem:v17+s29+$0x0], $0xffff;
	[tilespmem:s7+$0x30] =	vst v24  }
0x14d: {  	v0 =	vadd.s32 $0x3C5A, v0;
	v18 =	vld.idx.msk [tilespmem:v18+s29+$0x0], $0xffff;
	[tilespmem:s7+$0x40] =	vst v26  }
0x14e: {  	v19 =	vld.idx.msk [tilespmem:v19+s29+$0x0], $0xffff;
	[tilespmem:s7+$0x50] =	vst v27  }
0x14f: {  	v15 =	vld.idx.msk [tilespmem:v15+s29+$0x0], $0xffff;
	[tilespmem:s7+$0x60] =	vst v21  }
0x150: {  	[tilespmem:s7+$0x90] =	vst v28;
	v20 =	vld.idx.msk [tilespmem:v20+s29+$0x0], $0xffff  }
0x151: {  	v16 =	vld.idx.msk [tilespmem:v16+s29+$0x0], $0xffff;
	[tilespmem:s7+$0x170] =	vst v22  }
0x152: {  	[tilespmem:s7+$0x80] =	vst v17;
	v0 =	vld.idx.msk [tilespmem:v0+s29+$0x0], $0xffff  }
0x153: {  	v10 =	vld.idx.msk [tilespmem:v10+s29+$0x0], $0xffff;
	[tilespmem:s7+$0xA0] =	vst v18  }
0x154: {  	v14 =	vld.idx.msk [tilespmem:v14+s29+$0x0], $0xffff;
	[tilespmem:s7+$0xB0] =	vst v19  }
0x155: {  	v12 =	vld.idx.msk [tilespmem:v12+s29+$0x0], $0xffff;
	[tilespmem:s7+$0xC0] =	vst v15  }
0x156: {  	v11 =	vld.idx.msk [tilespmem:v11+s29+$0x0], $0xffff;
	[tilespmem:s7+$0xD0] =	vst v20  }
0x157: {  	v13 =	vld.idx.msk [tilespmem:v13+s29+$0x0], $0xffff;
	[tilespmem:s7+$0xE0] =	vst v16  }
0x158: {  	v9 =	vld.idx.msk [tilespmem:v9+s29+$0x0], $0xffff;
	[tilespmem:s7+$0x1F0] =	vst v0  }
0x159: {  	[tilespmem:s7+$0x100] =	vst v10;
	v8 =	vld.idx.msk [tilespmem:v8+s29+$0x0], $0xffff  }
.Ltmp1:
0x15a: {  	v7 =	vld.idx.msk [tilespmem:v7+s29+$0x0], $0xffff;
	[tilespmem:s7+$0x110] =	vst v14;
	(pc) =	sbr.rel @p1 .LBB2_4-.Ltmp1, $4  }
0x15b: {  	v5 =	vld.idx.msk [tilespmem:v5+s29+$0x0], $0xffff;
	[tilespmem:s7+$0x120] =	vst v12  }
0x15c: {  	v3 =	vld.idx.msk [tilespmem:v3+s29+$0x0], $0xffff;
	[tilespmem:s7+$0x130] =	vst v11  }
0x15d: {  	v6 =	vld.idx.msk [tilespmem:v6+s29+$0x0], $0xffff;
	[tilespmem:s7+$0x140] =	vst v13  }
0x15e: {  	s9 =	sadd.s32 $0x80, s9;
	v4 =	vld.idx.msk [tilespmem:v4+s29+$0x0], $0xffff;
	[tilespmem:s7+$0x150] =	vst v9  }
0x15f: {  	_ =	sdelay $0x2  }
0x160: {  	[tilespmem:s7+$0x160] =	vst v8  }
0x161: {  	[tilespmem:s7+$0x180] =	vst v7;
	v0 =	vld.idx.msk [tilespmem:v2+s29+$0x0], $0xffff  }
0x162: {  	[tilespmem:s7+$0x190] =	vst v5;
	v1 =	vld.idx.msk [tilespmem:v1+s29+$0x0], $0xffff  }
0x163: {  	[tilespmem:s7+$0x1A0] =	vst v3  }
0x164: {  	[tilespmem:s7+$0x1B0] =	vst v6  }
0x165: {  	[tilespmem:s7+$0x1C0] =	vst v4  }
0x166: {  	[tilespmem:s7+$0x1D0] =	vst v0  }
0x167: {  	[tilespmem:s7+$0x1E0] =	vst v1  }
0x168: {  	[tilespmem:s28], [sflag:$0x2] =	stream.strided.gather [hbm4b:s11+s24], $0x800, s25, s24, $0x38;
	[tilespmem:$0x15910] =	vst v63  }
0x169: {  	_ = 	snop  }
0x16a: {  	[hbm4b:s12+s3] =	stream.linear.scatter [tilespmem:s4], [sflag:$0x3], $0x4000, $0x38;
	[tilespmem:$0x15910] =	vst v63  }
0x16b: {  	_ =	swait.ge [sflag:s31], $0x800  }
0x16c: {  	[sflag:s31] =	ssyncset.done $0x0  }
0x16d: {  	[sflag:s31] =	ssyncadd.s32 $0xFFFFF800  }
0x16e: {  	_ =	swait.ge [sflag:s1], $0x2030  }
0x16f: {  	[sflag:s1] =	ssyncset.done $0x0  }
0x170: {  	s9 =	simm.s32 $0x8950;
	[sflag:s1] =	ssyncadd.s32 $0xFFFFDFD0  }
0x171: {  	v7 =	vld [tilespmem:s9+$0x30]  }
0x172: {  	v5 =	vld [tilespmem:s9+$0xFFFFFFD0]  }
0x173: {  	v4 =	vld [tilespmem:s9+$0xFFFFFFE0]  }
0x174: {  	v3 =	vld [tilespmem:s9+$0xFFFFFFF0]  }
0x175: {  	v2 =	vld [tilespmem:s9+$0x0]  }
0x176: {  	v0 =	vld [tilespmem:s9+$0x10];
	v8 =	vadd.s32 $0x4060, v7  }
0x177: {  	v1 =	vld [tilespmem:s9+$0x20];
	v9 =	vadd.s32 $0x4060, v5  }
0x178: {  	v6 =	vld [tilespmem:s9+$0xFFFFFFC0];
	v10 =	vadd.s32 $0x4060, v4  }
0x179: {  	v11 =	vadd.s32 $0x4060, v3  }
0x17a: {  	v12 =	vadd.s32 $0x4060, v2  }
0x17b: {  	v13 =	vadd.s32 $0x4060, v0;
	v8 =	vld.idx.msk [tilespmem:v8+s29+$0x0], $0xffff  }
0x17c: {  	v14 =	vadd.s32 $0x4060, v1;
	v9 =	vld.idx.msk [tilespmem:v9+s29+$0x0], $0xffff  }
0x17d: {  	v16 =	vadd.s32 $0x4060, v6;
	v10 =	vld.idx.msk [tilespmem:v10+s29+$0x0], $0xffff  }
0x17e: {  	v15 =	vadd.s32 $0x4466, v7;
	v11 =	vld.idx.msk [tilespmem:v11+s29+$0x0], $0xffff  }
0x17f: {  	v17 =	vadd.s32 $0x4466, v5;
	v12 =	vld.idx.msk [tilespmem:v12+s29+$0x0], $0xffff  }
0x180: {  	s7 =	simm.s32 $0x11B10;
	v18 =	vadd.s32 $0x4466, v4;
	v13 =	vld.idx.msk [tilespmem:v13+s29+$0x0], $0xffff  }
0x181: {  	v19 =	vadd.s32 $0x4466, v3;
	v14 =	vld.idx.msk [tilespmem:v14+s29+$0x0], $0xffff;
	[tilespmem:s7+$0xFFFFFE70] =	vst v8  }
0x182: {  	v28 =	vadd.s32 $0x4466, v0;
	v16 =	vld.idx.msk [tilespmem:v16+s29+$0x0], $0xffff;
	[tilespmem:s7+$0xFFFFFE10] =	vst v9  }
0x183: {  	v29 =	vadd.s32 $0x4466, v6;
	[tilespmem:s7+$0xFFFFFE20] =	vst v10;
	v9 =	vld.idx.msk [tilespmem:v15+s29+$0x0], $0xffff  }
0x184: {  	v8 =	vadd.s32 $0x4466, v2;
	[tilespmem:s7+$0xFFFFFE30] =	vst v11;
	v10 =	vld.idx.msk [tilespmem:v17+s29+$0x0], $0xffff  }
0x185: {  	v30 =	vadd.s32 $0x4466, v1;
	[tilespmem:s7+$0xFFFFFE40] =	vst v12;
	v18 =	vld.idx.msk [tilespmem:v18+s29+$0x0], $0xffff  }
0x186: {  	v11 =	vadd.s32 $0x486C, v7;
	[tilespmem:s7+$0xFFFFFE50] =	vst v13;
	v19 =	vld.idx.msk [tilespmem:v19+s29+$0x0], $0xffff  }
0x187: {  	v31 =	vadd.s32 $0x486C, v5;
	[tilespmem:s7+$0xFFFFFE00] =	vst v16;
	v15 =	vld.idx.msk [tilespmem:v28+s29+$0x0], $0xffff  }
0x188: {  	v32 =	vadd.s32 $0x486C, v4;
	[tilespmem:s7+$0xFFFFFE60] =	vst v14;
	v17 =	vld.idx.msk [tilespmem:v29+s29+$0x0], $0xffff  }
0x189: {  	v35 =	vadd.s32 $0x486C, v6;
	v8 =	vld.idx.msk [tilespmem:v8+s29+$0x0], $0xffff;
	[tilespmem:s7+$0xFFFFFEF0] =	vst v9  }
0x18a: {  	v9 =	vadd.s32 $0x486C, v3;
	[tilespmem:s7+$0xFFFFFE90] =	vst v10;
	v10 =	vld.idx.msk [tilespmem:v30+s29+$0x0], $0xffff  }
0x18b: {  	v33 =	vadd.s32 $0x486C, v2;
	[tilespmem:s7+$0xFFFFFEA0] =	vst v18;
	v11 =	vld.idx.msk [tilespmem:v11+s29+$0x0], $0xffff  }
0x18c: {  	v36 =	vadd.s32 $0x486C, v0;
	[tilespmem:s7+$0xFFFFFEB0] =	vst v19;
	v13 =	vld.idx.msk [tilespmem:v31+s29+$0x0], $0xffff  }
0x18d: {  	v34 =	vadd.s32 $0x4C72, v7;
	[tilespmem:s7+$0xFFFFFE80] =	vst v17;
	v14 =	vld.idx.msk [tilespmem:v32+s29+$0x0], $0xffff  }
0x18e: {  	v37 =	vadd.s32 $0x4C72, v5;
	[tilespmem:s7+$0xFFFFFED0] =	vst v15;
	v18 =	vld.idx.msk [tilespmem:v35+s29+$0x0], $0xffff  }
0x18f: {  	v40 =	vadd.s32 $0x4C72, v6;
	[tilespmem:s7+$0xFFFFFEC0] =	vst v8;
	v9 =	vld.idx.msk [tilespmem:v9+s29+$0x0], $0xffff  }
0x190: {  	v8 =	vadd.s32 $0x486C, v1;
	v16 =	vld.idx.msk [tilespmem:v33+s29+$0x0], $0xffff;
	[tilespmem:s7+$0xFFFFFEE0] =	vst v10  }
0x191: {  	v10 =	vld.idx.msk [tilespmem:v36+s29+$0x0], $0xffff;
	[tilespmem:s7+$0xFFFFFF70] =	vst v11;
	v11 =	vadd.s32 $0x4C72, v4  }
0x192: {  	v38 =	vadd.s32 $0x4C72, v3;
	[tilespmem:s7+$0xFFFFFF10] =	vst v13;
	v12 =	vld.idx.msk [tilespmem:v34+s29+$0x0], $0xffff  }
0x193: {  	v41 =	vadd.s32 $0x4C72, v2;
	[tilespmem:s7+$0xFFFFFF00] =	vst v18;
	v15 =	vld.idx.msk [tilespmem:v37+s29+$0x0], $0xffff  }
0x194: {  	v39 =	vadd.s32 $0x5078, v7;
	[tilespmem:s7+$0xFFFFFF20] =	vst v14;
	v19 =	vld.idx.msk [tilespmem:v40+s29+$0x0], $0xffff  }
0x195: {  	v43 =	vadd.s32 $0x5078, v5;
	v8 =	vld.idx.msk [tilespmem:v8+s29+$0x0], $0xffff;
	[tilespmem:s7+$0xFFFFFF30] =	vst v9  }
0x196: {  	v45 =	vadd.s32 $0x5078, v6;
	[tilespmem:s7+$0xFFFFFF40] =	vst v16;
	v11 =	vld.idx.msk [tilespmem:v11+s29+$0x0], $0xffff  }
0x197: {  	v9 =	vadd.s32 $0x4C72, v0;
	[tilespmem:s7+$0xFFFFFF50] =	vst v10;
	v17 =	vld.idx.msk [tilespmem:v38+s29+$0x0], $0xffff  }
0x198: {  	v42 =	vadd.s32 $0x4C72, v1;
	v10 =	vld.idx.msk [tilespmem:v41+s29+$0x0], $0xffff;
	[tilespmem:s7+$0xFFFFFFF0] =	vst v12  }
0x199: {  	v44 =	vadd.s32 $0x5078, v4;
	[tilespmem:s7+$0xFFFFFF90] =	vst v15;
	v13 =	vld.idx.msk [tilespmem:v39+s29+$0x0], $0xffff  }
0x19a: {  	v46 =	vadd.s32 $0x5078, v3;
	[tilespmem:s7+$0xFFFFFF80] =	vst v19;
	v12 =	vld.idx.msk [tilespmem:v43+s29+$0x0], $0xffff  }
0x19b: {  	v47 =	vadd.s32 $0x5078, v2;
	v14 =	vld.idx.msk [tilespmem:v45+s29+$0x0], $0xffff;
	[tilespmem:s7+$0xFFFFFF60] =	vst v8  }
0x19c: {  	v8 =	vadd.s32 $0x547E, v7;
	v9 =	vld.idx.msk [tilespmem:v9+s29+$0x0], $0xffff;
	[tilespmem:s7+$0xFFFFFFA0] =	vst v11  }
0x19d: {  	v50 =	vadd.s32 $0x547E, v5;
	v11 =	vld.idx.msk [tilespmem:v42+s29+$0x0], $0xffff;
	[tilespmem:s7+$0xFFFFFFB0] =	vst v17  }
0x19e: {  	v51 =	vadd.s32 $0x547E, v6;
	[tilespmem:s7+$0xFFFFFFC0] =	vst v10;
	v18 =	vld.idx.msk [tilespmem:v44+s29+$0x0], $0xffff  }
0x19f: {  	v48 =	vadd.s32 $0x5078, v0;
	v10 =	vld.idx.msk [tilespmem:v46+s29+$0x0], $0xffff;
	[tilespmem:s7+$0x70] =	vst v13  }
0x1a0: {  	v49 =	vadd.s32 $0x5078, v1;
	v16 =	vld.idx.msk [tilespmem:v47+s29+$0x0], $0xffff;
	[tilespmem:s7+$0x10] =	vst v12  }
0x1a1: {  	v53 =	vadd.s32 $0x547E, v3;
	[tilespmem:s7+$0x0] =	vst v14;
	v8 =	vld.idx.msk [tilespmem:v8+s29+$0x0], $0xffff  }
0x1a2: {  	v54 =	vadd.s32 $0x547E, v2;
	v19 =	vld.idx.msk [tilespmem:v50+s29+$0x0], $0xffff;
	[tilespmem:s7+$0xFFFFFFD0] =	vst v9  }
0x1a3: {  	v15 =	vld.idx.msk [tilespmem:v51+s29+$0x0], $0xffff;
	v9 =	vadd.s32 $0x5884, v7;
	[tilespmem:s7+$0xFFFFFFE0] =	vst v11  }
0x1a4: {  	v57 =	vadd.s32 $0x5884, v5;
	v52 =	vld.idx.msk [tilespmem:v48+s29+$0x0], $0xffff;
	[tilespmem:s7+$0x20] =	vst v18  }
0x1a5: {  	v11 =	vadd.s32 $0x547E, v4;
	v13 =	vld.idx.msk [tilespmem:v49+s29+$0x0], $0xffff;
	[tilespmem:s7+$0x30] =	vst v10  }
0x1a6: {  	v55 =	vadd.s32 $0x547E, v1;
	[tilespmem:s7+$0x40] =	vst v16;
	v56 =	vld.idx.msk [tilespmem:v53+s29+$0x0], $0xffff  }
0x1a7: {  	v58 =	vld.idx.msk [tilespmem:v54+s29+$0x0], $0xffff;
	[tilespmem:s7+$0xF0] =	vst v8;
	v8 =	vadd.s32 $0x547E, v0  }
0x1a8: {  	v60 =	vadd.s32 $0x5884, v3;
	[tilespmem:s7+$0x90] =	vst v19;
	v9 =	vld.idx.msk [tilespmem:v9+s29+$0x0], $0xffff  }
0x1a9: {  	v7 =	vadd.s32 $0x5C8A, v7;
	[tilespmem:s7+$0x80] =	vst v15;
	v12 =	vld.idx.msk [tilespmem:v57+s29+$0x0], $0xffff  }
0x1aa: {  	v10 =	vld.idx.msk [tilespmem:v11+s29+$0x0], $0xffff;
	v11 =	vadd.s32 $0x5884, v6;
	[tilespmem:s7+$0x60] =	vst v13  }
0x1ab: {  	v5 =	vadd.s32 $0x5C8A, v5;
	[tilespmem:s7+$0x50] =	vst v52;
	v14 =	vld.idx.msk [tilespmem:v55+s29+$0x0], $0xffff  }
0x1ac: {  	v59 =	vadd.s32 $0x5884, v4;
	[tilespmem:s7+$0xB0] =	vst v56;
	v8 =	vld.idx.msk [tilespmem:v8+s29+$0x0], $0xffff  }
0x1ad: {  	v16 =	vld.idx.msk [tilespmem:v60+s29+$0x0], $0xffff;
	[tilespmem:s7+$0x170] =	vst v9;
	v9 =	vadd.s32 $0x5884, v2  }
0x1ae: {  	v61 =	vadd.s32 $0x5884, v0;
	[tilespmem:s7+$0x110] =	vst v12;
	v7 =	vld.idx.msk [tilespmem:v7+s29+$0x0], $0xffff  }
0x1af: {  	v11 =	vld.idx.msk [tilespmem:v11+s29+$0x0], $0xffff;
	[tilespmem:s7+$0xA0] =	vst v10;
	v10 =	vadd.s32 $0x5884, v1  }
0x1b0: {  	v6 =	vadd.s32 $0x5C8A, v6;
	[tilespmem:s7+$0xC0] =	vst v58;
	v5 =	vld.idx.msk [tilespmem:v5+s29+$0x0], $0xffff  }
0x1b1: {  	v62 =	vadd.s32 $0x5C8A, v3;
	v13 =	vld.idx.msk [tilespmem:v59+s29+$0x0], $0xffff;
	[tilespmem:s7+$0xE0] =	vst v14  }
0x1b2: {  	v4 =	vadd.s32 $0x5C8A, v4;
	[tilespmem:s7+$0xD0] =	vst v8;
	v9 =	vld.idx.msk [tilespmem:v9+s29+$0x0], $0xffff  }
0x1b3: {  	v63 =	vadd.s32 $0x5C8A, v2;
	[tilespmem:s7+$0x130] =	vst v16;
	v15 =	vld.idx.msk [tilespmem:v61+s29+$0x0], $0xffff  }
0x1b4: {  	[tilespmem:s7+$0x100] =	vst v11;
	v8 =	vld.idx.msk [tilespmem:v10+s29+$0x0], $0xffff  }
0x1b5: {  	[tilespmem:s7+$0x1F0] =	vst v7;
	v7 =	vld.idx.msk [tilespmem:v6+s29+$0x0], $0xffff  }
0x1b6: {  	[tilespmem:s7+$0x120] =	vst v13;
	v6 =	vld.idx.msk [tilespmem:v62+s29+$0x0], $0xffff  }
0x1b7: {  	v3 =	vld.idx.msk [tilespmem:v4+s29+$0x0], $0xffff;
	[tilespmem:s7+$0x140] =	vst v9  }
0x1b8: {  	s8 =	simm.s32 $0x0;
	s9 =	simm.s32 $0x89D0;
	v2 =	vadd.s32 $0x5C8A, v0;
	v1 =	vadd.s32 $0x5C8A, v1;
	[tilespmem:s7+$0x150] =	vst v15;
	v4 =	vld.idx.msk [tilespmem:v63+s29+$0x0], $0xffff  }
.LBB2_6:
0x1b9: {  	v0 =	vld [tilespmem:s9+$0x30];
	s8 =	sadd.s32 $0x8, s8;
	[tilespmem:s7+$0x160] =	vst v8  }
0x1ba: {  	v21 =	vld [tilespmem:s9+$0xFFFFFFD0];
	p1 =	slt.u32 s8, $0x78;
	[tilespmem:s7+$0x180] =	vst v7  }
0x1bb: {  	v22 =	vld [tilespmem:s9+$0xFFFFFFE0];
	[tilespmem:s7+$0x190] =	vst v5  }
0x1bc: {  	v23 =	vld [tilespmem:s9+$0xFFFFFFF0];
	[tilespmem:s7+$0x1A0] =	vst v3  }
0x1bd: {  	v24 =	vld [tilespmem:s9+$0x0];
	[tilespmem:s7+$0x1B0] =	vst v6  }
0x1be: {  	v25 =	vld [tilespmem:s9+$0x10];
	v3 =	vadd.s32 $0x4060, v0;
	[tilespmem:s7+$0x1C0] =	vst v4  }
0x1bf: {  	v4 =	vadd.s32 $0x4060, v21;
	v5 =	vadd.s32 $0x4466, v21;
	v26 =	vadd.s32 $0x486C, v21;
	v27 =	vld [tilespmem:s9+$0x20]  }
0x1c0: {  	v6 =	vld [tilespmem:s9+$0xFFFFFFC0];
	v7 =	vadd.s32 $0x4060, v22;
	v8 =	vadd.s32 $0x4466, v22;
	v28 =	vadd.s32 $0x486C, v22  }
0x1c1: {  	v9 =	vadd.s32 $0x4060, v23;
	v11 =	vadd.s32 $0x4466, v23;
	v29 =	vadd.s32 $0x486C, v23;
	v2 =	vld.idx.msk [tilespmem:v2+s29+$0x0], $0xffff  }
0x1c2: {  	v10 =	vadd.s32 $0x4060, v24;
	v13 =	vadd.s32 $0x4466, v24;
	v30 =	vadd.s32 $0x486C, v24;
	v1 =	vld.idx.msk [tilespmem:v1+s29+$0x0], $0xffff  }
0x1c3: {  	v12 =	vadd.s32 $0x4060, v25;
	v31 =	vadd.s32 $0x4466, v25;
	v32 =	vadd.s32 $0x486C, v25;
	v3 =	vld.idx.msk [tilespmem:v3+s29+$0x0], $0xffff  }
0x1c4: {  	v4 =	vld.idx.msk [tilespmem:v4+s29+$0x0], $0xffff;
	v14 =	vadd.s32 $0x4060, v27;
	v33 =	vadd.s32 $0x4466, v27;
	v34 =	vadd.s32 $0x486C, v27  }
0x1c5: {  	v16 =	vadd.s32 $0x4466, v0;
	v15 =	vadd.s32 $0x4060, v6;
	v35 =	vadd.s32 $0x4466, v6;
	v7 =	vld.idx.msk [tilespmem:v7+s29+$0x0], $0xffff  }
0x1c6: {  	v38 =	vadd.s32 $0x4C72, v21;
	v36 =	vadd.s32 $0x486C, v6;
	v37 =	vadd.s32 $0x4C72, v6;
	v9 =	vld.idx.msk [tilespmem:v9+s29+$0x0], $0xffff  }
0x1c7: {  	v39 =	vadd.s32 $0x4C72, v22;
	v40 =	vadd.s32 $0x4C72, v23;
	v41 =	vadd.s32 $0x4C72, v24;
	v20 =	vld.idx.msk [tilespmem:v10+s29+$0x0], $0xffff;
	[tilespmem:s7+$0x1D0] =	vst v2  }
0x1c8: {  	v43 =	vadd.s32 $0x4C72, v25;
	v44 =	vadd.s32 $0x4C72, v27;
	v42 =	vadd.s32 $0x5078, v6;
	v2 =	vld.idx.msk [tilespmem:v12+s29+$0x0], $0xffff;
	[tilespmem:s7+$0x1E0] =	vst v1;
	s7 =	sadd.s32 $0x400, s7  }
0x1c9: {  	v45 =	vadd.s32 $0x5078, v21;
	v46 =	vadd.s32 $0x5078, v22;
	v47 =	vadd.s32 $0x5078, v23;
	v1 =	vld.idx.msk [tilespmem:v14+s29+$0x0], $0xffff;
	[tilespmem:s7+$0xFFFFFE70] =	vst v3  }
0x1ca: {  	v48 =	vadd.s32 $0x5078, v24;
	v49 =	vadd.s32 $0x5078, v25;
	v50 =	vadd.s32 $0x5078, v27;
	[tilespmem:s7+$0xFFFFFE10] =	vst v4;
	v4 =	vld.idx.msk [tilespmem:v16+s29+$0x0], $0xffff  }
0x1cb: {  	v52 =	vadd.s32 $0x547E, v21;
	v18 =	vadd.s32 $0x547E, v22;
	v17 =	vadd.s32 $0x547E, v6;
	v51 =	vld.idx.msk [tilespmem:v15+s29+$0x0], $0xffff;
	[tilespmem:s7+$0xFFFFFE20] =	vst v7  }
0x1cc: {  	v54 =	vadd.s32 $0x486C, v0;
	v19 =	vadd.s32 $0x547E, v23;
	v15 =	vadd.s32 $0x547E, v24;
	v53 =	vld.idx.msk [tilespmem:v5+s29+$0x0], $0xffff;
	[tilespmem:s7+$0xFFFFFE30] =	vst v9  }
0x1cd: {  	v10 =	vadd.s32 $0x5884, v6;
	v16 =	vadd.s32 $0x547E, v27;
	v55 =	vld.idx.msk [tilespmem:v8+s29+$0x0], $0xffff;
	[tilespmem:s7+$0xFFFFFE40] =	vst v20;
	v20 =	vadd.s32 $0x547E, v25  }
0x1ce: {  	v12 =	vadd.s32 $0x5884, v22;
	v14 =	vadd.s32 $0x5884, v21;
	v56 =	vld.idx.msk [tilespmem:v11+s29+$0x0], $0xffff;
	v11 =	vadd.s32 $0x5884, v23;
	[tilespmem:s7+$0xFFFFFE50] =	vst v2  }
0x1cf: {  	v9 =	vadd.s32 $0x5884, v25;
	v8 =	vadd.s32 $0x5884, v27;
	v57 =	vld.idx.msk [tilespmem:v13+s29+$0x0], $0xffff;
	v13 =	vadd.s32 $0x5884, v24;
	[tilespmem:s7+$0xFFFFFE60] =	vst v1  }
0x1d0: {  	v3 =	vadd.s32 $0x5C8A, v22;
	v7 =	vadd.s32 $0x5C8A, v6;
	v5 =	vadd.s32 $0x5C8A, v21;
	v21 =	vld.idx.msk [tilespmem:v31+s29+$0x0], $0xffff;
	[tilespmem:s7+$0xFFFFFEF0] =	vst v4  }
0x1d1: {  	v6 =	vadd.s32 $0x5C8A, v23;
	v2 =	vadd.s32 $0x5C8A, v25;
	v4 =	vadd.s32 $0x5C8A, v24;
	[tilespmem:s7+$0xFFFFFE00] =	vst v51;
	v22 =	vld.idx.msk [tilespmem:v54+s29+$0x0], $0xffff  }
0x1d2: {  	v1 =	vadd.s32 $0x5C8A, v27;
	v23 =	vld.idx.msk [tilespmem:v35+s29+$0x0], $0xffff;
	[tilespmem:s7+$0xFFFFFE90] =	vst v53  }
0x1d3: {  	v25 =	vadd.s32 $0x4C72, v0;
	[tilespmem:s7+$0xFFFFFEA0] =	vst v55;
	v24 =	vld.idx.msk [tilespmem:v33+s29+$0x0], $0xffff  }
0x1d4: {  	v26 =	vld.idx.msk [tilespmem:v26+s29+$0x0], $0xffff;
	[tilespmem:s7+$0xFFFFFEB0] =	vst v56  }
0x1d5: {  	v27 =	vld.idx.msk [tilespmem:v28+s29+$0x0], $0xffff;
	[tilespmem:s7+$0xFFFFFEC0] =	vst v57  }
0x1d6: {  	v28 =	vld.idx.msk [tilespmem:v29+s29+$0x0], $0xffff;
	[tilespmem:s7+$0xFFFFFED0] =	vst v21  }
0x1d7: {  	v21 =	vld.idx.msk [tilespmem:v30+s29+$0x0], $0xffff;
	[tilespmem:s7+$0xFFFFFF70] =	vst v22  }
0x1d8: {  	[tilespmem:s7+$0xFFFFFE80] =	vst v23;
	v22 =	vld.idx.msk [tilespmem:v25+s29+$0x0], $0xffff  }
0x1d9: {  	v23 =	vld.idx.msk [tilespmem:v36+s29+$0x0], $0xffff;
	[tilespmem:s7+$0xFFFFFEE0] =	vst v24  }
0x1da: {  	v25 =	vadd.s32 $0x5078, v0;
	[tilespmem:s7+$0xFFFFFF10] =	vst v26;
	v24 =	vld.idx.msk [tilespmem:v32+s29+$0x0], $0xffff  }
0x1db: {  	[tilespmem:s7+$0xFFFFFF20] =	vst v27;
	v26 =	vld.idx.msk [tilespmem:v34+s29+$0x0], $0xffff  }
0x1dc: {  	v27 =	vld.idx.msk [tilespmem:v38+s29+$0x0], $0xffff;
	[tilespmem:s7+$0xFFFFFF30] =	vst v28  }
0x1dd: {  	v28 =	vld.idx.msk [tilespmem:v39+s29+$0x0], $0xffff;
	[tilespmem:s7+$0xFFFFFF40] =	vst v21  }
0x1de: {  	v21 =	vld.idx.msk [tilespmem:v40+s29+$0x0], $0xffff;
	[tilespmem:s7+$0xFFFFFFF0] =	vst v22  }
0x1df: {  	[tilespmem:s7+$0xFFFFFF00] =	vst v23;
	v22 =	vld.idx.msk [tilespmem:v25+s29+$0x0], $0xffff  }
0x1e0: {  	v23 =	vld.idx.msk [tilespmem:v37+s29+$0x0], $0xffff;
	[tilespmem:s7+$0xFFFFFF50] =	vst v24  }
0x1e1: {  	v25 =	vadd.s32 $0x547E, v0;
	v24 =	vld.idx.msk [tilespmem:v41+s29+$0x0], $0xffff;
	[tilespmem:s7+$0xFFFFFF60] =	vst v26  }
0x1e2: {  	[tilespmem:s7+$0xFFFFFF90] =	vst v27;
	v26 =	vld.idx.msk [tilespmem:v43+s29+$0x0], $0xffff  }
0x1e3: {  	[tilespmem:s7+$0xFFFFFFA0] =	vst v28;
	v27 =	vld.idx.msk [tilespmem:v44+s29+$0x0], $0xffff  }
0x1e4: {  	v28 =	vld.idx.msk [tilespmem:v45+s29+$0x0], $0xffff;
	[tilespmem:s7+$0xFFFFFFB0] =	vst v21  }
0x1e5: {  	v21 =	vld.idx.msk [tilespmem:v46+s29+$0x0], $0xffff;
	[tilespmem:s7+$0x70] =	vst v22  }
0x1e6: {  	[tilespmem:s7+$0xFFFFFF80] =	vst v23;
	v22 =	vld.idx.msk [tilespmem:v25+s29+$0x0], $0xffff  }
0x1e7: {  	v23 =	vld.idx.msk [tilespmem:v42+s29+$0x0], $0xffff;
	[tilespmem:s7+$0xFFFFFFC0] =	vst v24  }
0x1e8: {  	v25 =	vadd.s32 $0x5884, v0;
	v24 =	vld.idx.msk [tilespmem:v47+s29+$0x0], $0xffff;
	[tilespmem:s7+$0xFFFFFFD0] =	vst v26  }
0x1e9: {  	v26 =	vld.idx.msk [tilespmem:v48+s29+$0x0], $0xffff;
	[tilespmem:s7+$0xFFFFFFE0] =	vst v27  }
0x1ea: {  	[tilespmem:s7+$0x10] =	vst v28;
	v27 =	vld.idx.msk [tilespmem:v49+s29+$0x0], $0xffff  }
0x1eb: {  	[tilespmem:s7+$0x20] =	vst v21;
	v21 =	vld.idx.msk [tilespmem:v50+s29+$0x0], $0xffff  }
0x1ec: {  	v28 =	vld.idx.msk [tilespmem:v52+s29+$0x0], $0xffff;
	[tilespmem:s7+$0xF0] =	vst v22  }
0x1ed: {  	[tilespmem:s7+$0x0] =	vst v23;
	v22 =	vld.idx.msk [tilespmem:v25+s29+$0x0], $0xffff  }
0x1ee: {  	v17 =	vld.idx.msk [tilespmem:v17+s29+$0x0], $0xffff;
	[tilespmem:s7+$0x30] =	vst v24  }
0x1ef: {  	v0 =	vadd.s32 $0x5C8A, v0;
	v18 =	vld.idx.msk [tilespmem:v18+s29+$0x0], $0xffff;
	[tilespmem:s7+$0x40] =	vst v26  }
0x1f0: {  	v19 =	vld.idx.msk [tilespmem:v19+s29+$0x0], $0xffff;
	[tilespmem:s7+$0x50] =	vst v27  }
0x1f1: {  	v15 =	vld.idx.msk [tilespmem:v15+s29+$0x0], $0xffff;
	[tilespmem:s7+$0x60] =	vst v21  }
0x1f2: {  	[tilespmem:s7+$0x90] =	vst v28;
	v20 =	vld.idx.msk [tilespmem:v20+s29+$0x0], $0xffff  }
0x1f3: {  	v16 =	vld.idx.msk [tilespmem:v16+s29+$0x0], $0xffff;
	[tilespmem:s7+$0x170] =	vst v22  }
0x1f4: {  	[tilespmem:s7+$0x80] =	vst v17;
	v0 =	vld.idx.msk [tilespmem:v0+s29+$0x0], $0xffff  }
0x1f5: {  	v10 =	vld.idx.msk [tilespmem:v10+s29+$0x0], $0xffff;
	[tilespmem:s7+$0xA0] =	vst v18  }
0x1f6: {  	v14 =	vld.idx.msk [tilespmem:v14+s29+$0x0], $0xffff;
	[tilespmem:s7+$0xB0] =	vst v19  }
0x1f7: {  	v12 =	vld.idx.msk [tilespmem:v12+s29+$0x0], $0xffff;
	[tilespmem:s7+$0xC0] =	vst v15  }
0x1f8: {  	v11 =	vld.idx.msk [tilespmem:v11+s29+$0x0], $0xffff;
	[tilespmem:s7+$0xD0] =	vst v20  }
0x1f9: {  	v13 =	vld.idx.msk [tilespmem:v13+s29+$0x0], $0xffff;
	[tilespmem:s7+$0xE0] =	vst v16  }
0x1fa: {  	v9 =	vld.idx.msk [tilespmem:v9+s29+$0x0], $0xffff;
	[tilespmem:s7+$0x1F0] =	vst v0  }
0x1fb: {  	[tilespmem:s7+$0x100] =	vst v10;
	v8 =	vld.idx.msk [tilespmem:v8+s29+$0x0], $0xffff  }
.Ltmp2:
0x1fc: {  	v7 =	vld.idx.msk [tilespmem:v7+s29+$0x0], $0xffff;
	[tilespmem:s7+$0x110] =	vst v14;
	(pc) =	sbr.rel @p1 .LBB2_6-.Ltmp2, $4  }
0x1fd: {  	v5 =	vld.idx.msk [tilespmem:v5+s29+$0x0], $0xffff;
	[tilespmem:s7+$0x120] =	vst v12  }
0x1fe: {  	v3 =	vld.idx.msk [tilespmem:v3+s29+$0x0], $0xffff;
	[tilespmem:s7+$0x130] =	vst v11  }
0x1ff: {  	v6 =	vld.idx.msk [tilespmem:v6+s29+$0x0], $0xffff;
	[tilespmem:s7+$0x140] =	vst v13  }
0x200: {  	s9 =	sadd.s32 $0x80, s9;
	v4 =	vld.idx.msk [tilespmem:v4+s29+$0x0], $0xffff;
	[tilespmem:s7+$0x150] =	vst v9  }
0x201: {  	_ =	sdelay $0x2  }
0x202: {  	[tilespmem:s7+$0x160] =	vst v8  }
0x203: {  	[tilespmem:s7+$0x180] =	vst v7;
	v0 =	vld.idx.msk [tilespmem:v2+s29+$0x0], $0xffff  }
0x204: {  	[tilespmem:s7+$0x190] =	vst v5;
	v1 =	vld.idx.msk [tilespmem:v1+s29+$0x0], $0xffff  }
0x205: {  	[tilespmem:s7+$0x1A0] =	vst v3  }
0x206: {  	[tilespmem:s7+$0x1B0] =	vst v6  }
0x207: {  	[tilespmem:s7+$0x1C0] =	vst v4  }
0x208: {  	[tilespmem:s7+$0x1D0] =	vst v0  }
0x209: {  	[tilespmem:s7+$0x1E0] =	vst v1  }
0x20a: {  	[tilespmem:s26], [sflag:$0x2] =	stream.strided.gather [hbm4b:s13+s24], $0x800, s25, s24, $0x38;
	[tilespmem:$0x15910] =	vst v63  }
0x20b: {  	s8 =	simm.s32 $0x11910  }
0x20c: {  	[hbm4b:s17+s3] =	stream.linear.scatter [tilespmem:s8], [sflag:$0x3], $0x4000, $0x38;
	[tilespmem:$0x15910] =	vst v63  }
0x20d: {  	_ =	swait.ge [sflag:s31], $0x800  }
0x20e: {  	[sflag:s31] =	ssyncset.done $0x0  }
0x20f: {  	[sflag:s31] =	ssyncadd.s32 $0xFFFFF800  }
0x210: {  	_ =	swait.ge [sflag:s5], $0x4000  }
0x211: {  	[sflag:s5] =	ssyncset.done $0x0  }
0x212: {  	[sflag:s5] =	ssyncadd.s32 $0xFFFFC000  }
0x213: {  	_ =	swait.ge [sflag:s1], $0x2030  }
0x214: {  	[sflag:s1] =	ssyncset.done $0x0  }
0x215: {  	s9 =	simm.s32 $0x9150;
	[sflag:s1] =	ssyncadd.s32 $0xFFFFDFD0  }
0x216: {  	v7 =	vld [tilespmem:s9+$0x30]  }
0x217: {  	v5 =	vld [tilespmem:s9+$0xFFFFFFD0]  }
0x218: {  	v4 =	vld [tilespmem:s9+$0xFFFFFFE0]  }
0x219: {  	v3 =	vld [tilespmem:s9+$0xFFFFFFF0]  }
0x21a: {  	v2 =	vld [tilespmem:s9+$0x0]  }
0x21b: {  	v0 =	vld [tilespmem:s9+$0x10];
	v8 =	vadd.s32 $0x6090, v7  }
0x21c: {  	v1 =	vld [tilespmem:s9+$0x20];
	v9 =	vadd.s32 $0x6090, v5  }
0x21d: {  	v6 =	vld [tilespmem:s9+$0xFFFFFFC0];
	v10 =	vadd.s32 $0x6090, v4  }
0x21e: {  	v11 =	vadd.s32 $0x6090, v3  }
0x21f: {  	v12 =	vadd.s32 $0x6090, v2  }
0x220: {  	v13 =	vadd.s32 $0x6090, v0;
	v8 =	vld.idx.msk [tilespmem:v8+s29+$0x0], $0xffff  }
0x221: {  	v14 =	vadd.s32 $0x6090, v1;
	v9 =	vld.idx.msk [tilespmem:v9+s29+$0x0], $0xffff  }
0x222: {  	v16 =	vadd.s32 $0x6090, v6;
	v10 =	vld.idx.msk [tilespmem:v10+s29+$0x0], $0xffff  }
0x223: {  	v15 =	vadd.s32 $0x6496, v7;
	v11 =	vld.idx.msk [tilespmem:v11+s29+$0x0], $0xffff  }
0x224: {  	v17 =	vadd.s32 $0x6496, v5;
	v12 =	vld.idx.msk [tilespmem:v12+s29+$0x0], $0xffff  }
0x225: {  	s7 =	simm.s32 $0x9B10;
	v18 =	vadd.s32 $0x6496, v4;
	v13 =	vld.idx.msk [tilespmem:v13+s29+$0x0], $0xffff  }
0x226: {  	v19 =	vadd.s32 $0x6496, v3;
	v14 =	vld.idx.msk [tilespmem:v14+s29+$0x0], $0xffff;
	[tilespmem:s7+$0xFFFFFE70] =	vst v8  }
0x227: {  	v28 =	vadd.s32 $0x6496, v0;
	v16 =	vld.idx.msk [tilespmem:v16+s29+$0x0], $0xffff;
	[tilespmem:s7+$0xFFFFFE10] =	vst v9  }
0x228: {  	v29 =	vadd.s32 $0x6496, v6;
	[tilespmem:s7+$0xFFFFFE20] =	vst v10;
	v9 =	vld.idx.msk [tilespmem:v15+s29+$0x0], $0xffff  }
0x229: {  	v8 =	vadd.s32 $0x6496, v2;
	[tilespmem:s7+$0xFFFFFE30] =	vst v11;
	v10 =	vld.idx.msk [tilespmem:v17+s29+$0x0], $0xffff  }
0x22a: {  	v30 =	vadd.s32 $0x6496, v1;
	[tilespmem:s7+$0xFFFFFE40] =	vst v12;
	v18 =	vld.idx.msk [tilespmem:v18+s29+$0x0], $0xffff  }
0x22b: {  	v11 =	vadd.s32 $0x689C, v7;
	[tilespmem:s7+$0xFFFFFE50] =	vst v13;
	v19 =	vld.idx.msk [tilespmem:v19+s29+$0x0], $0xffff  }
0x22c: {  	v31 =	vadd.s32 $0x689C, v5;
	[tilespmem:s7+$0xFFFFFE00] =	vst v16;
	v15 =	vld.idx.msk [tilespmem:v28+s29+$0x0], $0xffff  }
0x22d: {  	v32 =	vadd.s32 $0x689C, v4;
	[tilespmem:s7+$0xFFFFFE60] =	vst v14;
	v17 =	vld.idx.msk [tilespmem:v29+s29+$0x0], $0xffff  }
0x22e: {  	v35 =	vadd.s32 $0x689C, v6;
	v8 =	vld.idx.msk [tilespmem:v8+s29+$0x0], $0xffff;
	[tilespmem:s7+$0xFFFFFEF0] =	vst v9  }
0x22f: {  	v9 =	vadd.s32 $0x689C, v3;
	[tilespmem:s7+$0xFFFFFE90] =	vst v10;
	v10 =	vld.idx.msk [tilespmem:v30+s29+$0x0], $0xffff  }
0x230: {  	v33 =	vadd.s32 $0x689C, v2;
	[tilespmem:s7+$0xFFFFFEA0] =	vst v18;
	v11 =	vld.idx.msk [tilespmem:v11+s29+$0x0], $0xffff  }
0x231: {  	v36 =	vadd.s32 $0x689C, v0;
	[tilespmem:s7+$0xFFFFFEB0] =	vst v19;
	v13 =	vld.idx.msk [tilespmem:v31+s29+$0x0], $0xffff  }
0x232: {  	v34 =	vadd.s32 $0x6CA2, v7;
	[tilespmem:s7+$0xFFFFFE80] =	vst v17;
	v14 =	vld.idx.msk [tilespmem:v32+s29+$0x0], $0xffff  }
0x233: {  	v37 =	vadd.s32 $0x6CA2, v5;
	[tilespmem:s7+$0xFFFFFED0] =	vst v15;
	v18 =	vld.idx.msk [tilespmem:v35+s29+$0x0], $0xffff  }
0x234: {  	v40 =	vadd.s32 $0x6CA2, v6;
	[tilespmem:s7+$0xFFFFFEC0] =	vst v8;
	v9 =	vld.idx.msk [tilespmem:v9+s29+$0x0], $0xffff  }
0x235: {  	v8 =	vadd.s32 $0x689C, v1;
	v16 =	vld.idx.msk [tilespmem:v33+s29+$0x0], $0xffff;
	[tilespmem:s7+$0xFFFFFEE0] =	vst v10  }
0x236: {  	v10 =	vld.idx.msk [tilespmem:v36+s29+$0x0], $0xffff;
	[tilespmem:s7+$0xFFFFFF70] =	vst v11;
	v11 =	vadd.s32 $0x6CA2, v4  }
0x237: {  	v38 =	vadd.s32 $0x6CA2, v3;
	[tilespmem:s7+$0xFFFFFF10] =	vst v13;
	v12 =	vld.idx.msk [tilespmem:v34+s29+$0x0], $0xffff  }
0x238: {  	v41 =	vadd.s32 $0x6CA2, v2;
	[tilespmem:s7+$0xFFFFFF00] =	vst v18;
	v15 =	vld.idx.msk [tilespmem:v37+s29+$0x0], $0xffff  }
0x239: {  	v39 =	vadd.s32 $0x70A8, v7;
	[tilespmem:s7+$0xFFFFFF20] =	vst v14;
	v19 =	vld.idx.msk [tilespmem:v40+s29+$0x0], $0xffff  }
0x23a: {  	v43 =	vadd.s32 $0x70A8, v5;
	v8 =	vld.idx.msk [tilespmem:v8+s29+$0x0], $0xffff;
	[tilespmem:s7+$0xFFFFFF30] =	vst v9  }
0x23b: {  	v45 =	vadd.s32 $0x70A8, v6;
	[tilespmem:s7+$0xFFFFFF40] =	vst v16;
	v11 =	vld.idx.msk [tilespmem:v11+s29+$0x0], $0xffff  }
0x23c: {  	v9 =	vadd.s32 $0x6CA2, v0;
	[tilespmem:s7+$0xFFFFFF50] =	vst v10;
	v17 =	vld.idx.msk [tilespmem:v38+s29+$0x0], $0xffff  }
0x23d: {  	v42 =	vadd.s32 $0x6CA2, v1;
	v10 =	vld.idx.msk [tilespmem:v41+s29+$0x0], $0xffff;
	[tilespmem:s7+$0xFFFFFFF0] =	vst v12  }
0x23e: {  	v44 =	vadd.s32 $0x70A8, v4;
	[tilespmem:s7+$0xFFFFFF90] =	vst v15;
	v13 =	vld.idx.msk [tilespmem:v39+s29+$0x0], $0xffff  }
0x23f: {  	v46 =	vadd.s32 $0x70A8, v3;
	[tilespmem:s7+$0xFFFFFF80] =	vst v19;
	v12 =	vld.idx.msk [tilespmem:v43+s29+$0x0], $0xffff  }
0x240: {  	v47 =	vadd.s32 $0x70A8, v2;
	v14 =	vld.idx.msk [tilespmem:v45+s29+$0x0], $0xffff;
	[tilespmem:s7+$0xFFFFFF60] =	vst v8  }
0x241: {  	v8 =	vadd.s32 $0x74AE, v7;
	v9 =	vld.idx.msk [tilespmem:v9+s29+$0x0], $0xffff;
	[tilespmem:s7+$0xFFFFFFA0] =	vst v11  }
0x242: {  	v50 =	vadd.s32 $0x74AE, v5;
	v11 =	vld.idx.msk [tilespmem:v42+s29+$0x0], $0xffff;
	[tilespmem:s7+$0xFFFFFFB0] =	vst v17  }
0x243: {  	v51 =	vadd.s32 $0x74AE, v6;
	[tilespmem:s7+$0xFFFFFFC0] =	vst v10;
	v18 =	vld.idx.msk [tilespmem:v44+s29+$0x0], $0xffff  }
0x244: {  	v48 =	vadd.s32 $0x70A8, v0;
	v10 =	vld.idx.msk [tilespmem:v46+s29+$0x0], $0xffff;
	[tilespmem:s7+$0x70] =	vst v13  }
0x245: {  	v49 =	vadd.s32 $0x70A8, v1;
	v16 =	vld.idx.msk [tilespmem:v47+s29+$0x0], $0xffff;
	[tilespmem:s7+$0x10] =	vst v12  }
0x246: {  	v53 =	vadd.s32 $0x74AE, v3;
	[tilespmem:s7+$0x0] =	vst v14;
	v8 =	vld.idx.msk [tilespmem:v8+s29+$0x0], $0xffff  }
0x247: {  	v54 =	vadd.s32 $0x74AE, v2;
	v19 =	vld.idx.msk [tilespmem:v50+s29+$0x0], $0xffff;
	[tilespmem:s7+$0xFFFFFFD0] =	vst v9  }
0x248: {  	v15 =	vld.idx.msk [tilespmem:v51+s29+$0x0], $0xffff;
	v9 =	vadd.s32 $0x78B4, v7;
	[tilespmem:s7+$0xFFFFFFE0] =	vst v11  }
0x249: {  	v57 =	vadd.s32 $0x78B4, v5;
	v52 =	vld.idx.msk [tilespmem:v48+s29+$0x0], $0xffff;
	[tilespmem:s7+$0x20] =	vst v18  }
0x24a: {  	v11 =	vadd.s32 $0x74AE, v4;
	v13 =	vld.idx.msk [tilespmem:v49+s29+$0x0], $0xffff;
	[tilespmem:s7+$0x30] =	vst v10  }
0x24b: {  	v55 =	vadd.s32 $0x74AE, v1;
	[tilespmem:s7+$0x40] =	vst v16;
	v56 =	vld.idx.msk [tilespmem:v53+s29+$0x0], $0xffff  }
0x24c: {  	v58 =	vld.idx.msk [tilespmem:v54+s29+$0x0], $0xffff;
	[tilespmem:s7+$0xF0] =	vst v8;
	v8 =	vadd.s32 $0x74AE, v0  }
0x24d: {  	v60 =	vadd.s32 $0x78B4, v3;
	[tilespmem:s7+$0x90] =	vst v19;
	v9 =	vld.idx.msk [tilespmem:v9+s29+$0x0], $0xffff  }
0x24e: {  	v7 =	vadd.s32 $0x7CBA, v7;
	[tilespmem:s7+$0x80] =	vst v15;
	v12 =	vld.idx.msk [tilespmem:v57+s29+$0x0], $0xffff  }
0x24f: {  	v10 =	vld.idx.msk [tilespmem:v11+s29+$0x0], $0xffff;
	v11 =	vadd.s32 $0x78B4, v6;
	[tilespmem:s7+$0x60] =	vst v13  }
0x250: {  	v5 =	vadd.s32 $0x7CBA, v5;
	[tilespmem:s7+$0x50] =	vst v52;
	v14 =	vld.idx.msk [tilespmem:v55+s29+$0x0], $0xffff  }
0x251: {  	v59 =	vadd.s32 $0x78B4, v4;
	[tilespmem:s7+$0xB0] =	vst v56;
	v8 =	vld.idx.msk [tilespmem:v8+s29+$0x0], $0xffff  }
0x252: {  	v16 =	vld.idx.msk [tilespmem:v60+s29+$0x0], $0xffff;
	[tilespmem:s7+$0x170] =	vst v9;
	v9 =	vadd.s32 $0x78B4, v2  }
0x253: {  	v61 =	vadd.s32 $0x78B4, v0;
	[tilespmem:s7+$0x110] =	vst v12;
	v7 =	vld.idx.msk [tilespmem:v7+s29+$0x0], $0xffff  }
0x254: {  	v11 =	vld.idx.msk [tilespmem:v11+s29+$0x0], $0xffff;
	[tilespmem:s7+$0xA0] =	vst v10;
	v10 =	vadd.s32 $0x78B4, v1  }
0x255: {  	v6 =	vadd.s32 $0x7CBA, v6;
	[tilespmem:s7+$0xC0] =	vst v58;
	v5 =	vld.idx.msk [tilespmem:v5+s29+$0x0], $0xffff  }
0x256: {  	v62 =	vadd.s32 $0x7CBA, v3;
	v13 =	vld.idx.msk [tilespmem:v59+s29+$0x0], $0xffff;
	[tilespmem:s7+$0xE0] =	vst v14  }
0x257: {  	v4 =	vadd.s32 $0x7CBA, v4;
	[tilespmem:s7+$0xD0] =	vst v8;
	v9 =	vld.idx.msk [tilespmem:v9+s29+$0x0], $0xffff  }
0x258: {  	v63 =	vadd.s32 $0x7CBA, v2;
	[tilespmem:s7+$0x130] =	vst v16;
	v15 =	vld.idx.msk [tilespmem:v61+s29+$0x0], $0xffff  }
0x259: {  	[tilespmem:s7+$0x100] =	vst v11;
	v8 =	vld.idx.msk [tilespmem:v10+s29+$0x0], $0xffff  }
0x25a: {  	[tilespmem:s7+$0x1F0] =	vst v7;
	v7 =	vld.idx.msk [tilespmem:v6+s29+$0x0], $0xffff  }
0x25b: {  	[tilespmem:s7+$0x120] =	vst v13;
	v6 =	vld.idx.msk [tilespmem:v62+s29+$0x0], $0xffff  }
0x25c: {  	v3 =	vld.idx.msk [tilespmem:v4+s29+$0x0], $0xffff;
	[tilespmem:s7+$0x140] =	vst v9  }
0x25d: {  	s8 =	simm.s32 $0x0;
	s9 =	simm.s32 $0x91D0;
	v2 =	vadd.s32 $0x7CBA, v0;
	v1 =	vadd.s32 $0x7CBA, v1;
	[tilespmem:s7+$0x150] =	vst v15;
	v4 =	vld.idx.msk [tilespmem:v63+s29+$0x0], $0xffff  }
.LBB2_8:
0x25e: {  	v0 =	vld [tilespmem:s9+$0x30];
	s8 =	sadd.s32 $0x8, s8;
	[tilespmem:s7+$0x160] =	vst v8  }
0x25f: {  	v21 =	vld [tilespmem:s9+$0xFFFFFFD0];
	p1 =	slt.u32 s8, $0x78;
	[tilespmem:s7+$0x180] =	vst v7  }
0x260: {  	v22 =	vld [tilespmem:s9+$0xFFFFFFE0];
	[tilespmem:s7+$0x190] =	vst v5  }
0x261: {  	v23 =	vld [tilespmem:s9+$0xFFFFFFF0];
	[tilespmem:s7+$0x1A0] =	vst v3  }
0x262: {  	v24 =	vld [tilespmem:s9+$0x0];
	[tilespmem:s7+$0x1B0] =	vst v6  }
0x263: {  	v25 =	vld [tilespmem:s9+$0x10];
	v3 =	vadd.s32 $0x6090, v0;
	[tilespmem:s7+$0x1C0] =	vst v4  }
0x264: {  	v4 =	vadd.s32 $0x6090, v21;
	v5 =	vadd.s32 $0x6496, v21;
	v26 =	vadd.s32 $0x689C, v21;
	v27 =	vld [tilespmem:s9+$0x20]  }
0x265: {  	v6 =	vld [tilespmem:s9+$0xFFFFFFC0];
	v7 =	vadd.s32 $0x6090, v22;
	v8 =	vadd.s32 $0x6496, v22;
	v28 =	vadd.s32 $0x689C, v22  }
0x266: {  	v9 =	vadd.s32 $0x6090, v23;
	v11 =	vadd.s32 $0x6496, v23;
	v29 =	vadd.s32 $0x689C, v23;
	v2 =	vld.idx.msk [tilespmem:v2+s29+$0x0], $0xffff  }
0x267: {  	v10 =	vadd.s32 $0x6090, v24;
	v13 =	vadd.s32 $0x6496, v24;
	v30 =	vadd.s32 $0x689C, v24;
	v1 =	vld.idx.msk [tilespmem:v1+s29+$0x0], $0xffff  }
0x268: {  	v12 =	vadd.s32 $0x6090, v25;
	v31 =	vadd.s32 $0x6496, v25;
	v32 =	vadd.s32 $0x689C, v25;
	v3 =	vld.idx.msk [tilespmem:v3+s29+$0x0], $0xffff  }
0x269: {  	v4 =	vld.idx.msk [tilespmem:v4+s29+$0x0], $0xffff;
	v14 =	vadd.s32 $0x6090, v27;
	v33 =	vadd.s32 $0x6496, v27;
	v34 =	vadd.s32 $0x689C, v27  }
0x26a: {  	v16 =	vadd.s32 $0x6496, v0;
	v15 =	vadd.s32 $0x6090, v6;
	v35 =	vadd.s32 $0x6496, v6;
	v7 =	vld.idx.msk [tilespmem:v7+s29+$0x0], $0xffff  }
0x26b: {  	v38 =	vadd.s32 $0x6CA2, v21;
	v36 =	vadd.s32 $0x689C, v6;
	v37 =	vadd.s32 $0x6CA2, v6;
	v9 =	vld.idx.msk [tilespmem:v9+s29+$0x0], $0xffff  }
0x26c: {  	v39 =	vadd.s32 $0x6CA2, v22;
	v40 =	vadd.s32 $0x6CA2, v23;
	v41 =	vadd.s32 $0x6CA2, v24;
	v20 =	vld.idx.msk [tilespmem:v10+s29+$0x0], $0xffff;
	[tilespmem:s7+$0x1D0] =	vst v2  }
0x26d: {  	v43 =	vadd.s32 $0x6CA2, v25;
	v44 =	vadd.s32 $0x6CA2, v27;
	v42 =	vadd.s32 $0x70A8, v6;
	v2 =	vld.idx.msk [tilespmem:v12+s29+$0x0], $0xffff;
	[tilespmem:s7+$0x1E0] =	vst v1;
	s7 =	sadd.s32 $0x400, s7  }
0x26e: {  	v45 =	vadd.s32 $0x70A8, v21;
	v46 =	vadd.s32 $0x70A8, v22;
	v47 =	vadd.s32 $0x70A8, v23;
	v1 =	vld.idx.msk [tilespmem:v14+s29+$0x0], $0xffff;
	[tilespmem:s7+$0xFFFFFE70] =	vst v3  }
0x26f: {  	v48 =	vadd.s32 $0x70A8, v24;
	v49 =	vadd.s32 $0x70A8, v25;
	v50 =	vadd.s32 $0x70A8, v27;
	[tilespmem:s7+$0xFFFFFE10] =	vst v4;
	v4 =	vld.idx.msk [tilespmem:v16+s29+$0x0], $0xffff  }
0x270: {  	v52 =	vadd.s32 $0x74AE, v21;
	v18 =	vadd.s32 $0x74AE, v22;
	v17 =	vadd.s32 $0x74AE, v6;
	v51 =	vld.idx.msk [tilespmem:v15+s29+$0x0], $0xffff;
	[tilespmem:s7+$0xFFFFFE20] =	vst v7  }
0x271: {  	v54 =	vadd.s32 $0x689C, v0;
	v19 =	vadd.s32 $0x74AE, v23;
	v15 =	vadd.s32 $0x74AE, v24;
	v53 =	vld.idx.msk [tilespmem:v5+s29+$0x0], $0xffff;
	[tilespmem:s7+$0xFFFFFE30] =	vst v9  }
0x272: {  	v10 =	vadd.s32 $0x78B4, v6;
	v16 =	vadd.s32 $0x74AE, v27;
	v55 =	vld.idx.msk [tilespmem:v8+s29+$0x0], $0xffff;
	[tilespmem:s7+$0xFFFFFE40] =	vst v20;
	v20 =	vadd.s32 $0x74AE, v25  }
0x273: {  	v12 =	vadd.s32 $0x78B4, v22;
	v14 =	vadd.s32 $0x78B4, v21;
	v56 =	vld.idx.msk [tilespmem:v11+s29+$0x0], $0xffff;
	v11 =	vadd.s32 $0x78B4, v23;
	[tilespmem:s7+$0xFFFFFE50] =	vst v2  }
0x274: {  	v9 =	vadd.s32 $0x78B4, v25;
	v8 =	vadd.s32 $0x78B4, v27;
	v57 =	vld.idx.msk [tilespmem:v13+s29+$0x0], $0xffff;
	v13 =	vadd.s32 $0x78B4, v24;
	[tilespmem:s7+$0xFFFFFE60] =	vst v1  }
0x275: {  	v3 =	vadd.s32 $0x7CBA, v22;
	v7 =	vadd.s32 $0x7CBA, v6;
	v5 =	vadd.s32 $0x7CBA, v21;
	v21 =	vld.idx.msk [tilespmem:v31+s29+$0x0], $0xffff;
	[tilespmem:s7+$0xFFFFFEF0] =	vst v4  }
0x276: {  	v6 =	vadd.s32 $0x7CBA, v23;
	v2 =	vadd.s32 $0x7CBA, v25;
	v4 =	vadd.s32 $0x7CBA, v24;
	[tilespmem:s7+$0xFFFFFE00] =	vst v51;
	v22 =	vld.idx.msk [tilespmem:v54+s29+$0x0], $0xffff  }
0x277: {  	v1 =	vadd.s32 $0x7CBA, v27;
	v23 =	vld.idx.msk [tilespmem:v35+s29+$0x0], $0xffff;
	[tilespmem:s7+$0xFFFFFE90] =	vst v53  }
0x278: {  	v25 =	vadd.s32 $0x6CA2, v0;
	[tilespmem:s7+$0xFFFFFEA0] =	vst v55;
	v24 =	vld.idx.msk [tilespmem:v33+s29+$0x0], $0xffff  }
0x279: {  	v26 =	vld.idx.msk [tilespmem:v26+s29+$0x0], $0xffff;
	[tilespmem:s7+$0xFFFFFEB0] =	vst v56  }
0x27a: {  	v27 =	vld.idx.msk [tilespmem:v28+s29+$0x0], $0xffff;
	[tilespmem:s7+$0xFFFFFEC0] =	vst v57  }
0x27b: {  	v28 =	vld.idx.msk [tilespmem:v29+s29+$0x0], $0xffff;
	[tilespmem:s7+$0xFFFFFED0] =	vst v21  }
0x27c: {  	v21 =	vld.idx.msk [tilespmem:v30+s29+$0x0], $0xffff;
	[tilespmem:s7+$0xFFFFFF70] =	vst v22  }
0x27d: {  	[tilespmem:s7+$0xFFFFFE80] =	vst v23;
	v22 =	vld.idx.msk [tilespmem:v25+s29+$0x0], $0xffff  }
0x27e: {  	v23 =	vld.idx.msk [tilespmem:v36+s29+$0x0], $0xffff;
	[tilespmem:s7+$0xFFFFFEE0] =	vst v24  }
0x27f: {  	v25 =	vadd.s32 $0x70A8, v0;
	[tilespmem:s7+$0xFFFFFF10] =	vst v26;
	v24 =	vld.idx.msk [tilespmem:v32+s29+$0x0], $0xffff  }
0x280: {  	[tilespmem:s7+$0xFFFFFF20] =	vst v27;
	v26 =	vld.idx.msk [tilespmem:v34+s29+$0x0], $0xffff  }
0x281: {  	v27 =	vld.idx.msk [tilespmem:v38+s29+$0x0], $0xffff;
	[tilespmem:s7+$0xFFFFFF30] =	vst v28  }
0x282: {  	v28 =	vld.idx.msk [tilespmem:v39+s29+$0x0], $0xffff;
	[tilespmem:s7+$0xFFFFFF40] =	vst v21  }
0x283: {  	v21 =	vld.idx.msk [tilespmem:v40+s29+$0x0], $0xffff;
	[tilespmem:s7+$0xFFFFFFF0] =	vst v22  }
0x284: {  	[tilespmem:s7+$0xFFFFFF00] =	vst v23;
	v22 =	vld.idx.msk [tilespmem:v25+s29+$0x0], $0xffff  }
0x285: {  	v23 =	vld.idx.msk [tilespmem:v37+s29+$0x0], $0xffff;
	[tilespmem:s7+$0xFFFFFF50] =	vst v24  }
0x286: {  	v25 =	vadd.s32 $0x74AE, v0;
	v24 =	vld.idx.msk [tilespmem:v41+s29+$0x0], $0xffff;
	[tilespmem:s7+$0xFFFFFF60] =	vst v26  }
0x287: {  	[tilespmem:s7+$0xFFFFFF90] =	vst v27;
	v26 =	vld.idx.msk [tilespmem:v43+s29+$0x0], $0xffff  }
0x288: {  	[tilespmem:s7+$0xFFFFFFA0] =	vst v28;
	v27 =	vld.idx.msk [tilespmem:v44+s29+$0x0], $0xffff  }
0x289: {  	v28 =	vld.idx.msk [tilespmem:v45+s29+$0x0], $0xffff;
	[tilespmem:s7+$0xFFFFFFB0] =	vst v21  }
0x28a: {  	v21 =	vld.idx.msk [tilespmem:v46+s29+$0x0], $0xffff;
	[tilespmem:s7+$0x70] =	vst v22  }
0x28b: {  	[tilespmem:s7+$0xFFFFFF80] =	vst v23;
	v22 =	vld.idx.msk [tilespmem:v25+s29+$0x0], $0xffff  }
0x28c: {  	v23 =	vld.idx.msk [tilespmem:v42+s29+$0x0], $0xffff;
	[tilespmem:s7+$0xFFFFFFC0] =	vst v24  }
0x28d: {  	v25 =	vadd.s32 $0x78B4, v0;
	v24 =	vld.idx.msk [tilespmem:v47+s29+$0x0], $0xffff;
	[tilespmem:s7+$0xFFFFFFD0] =	vst v26  }
0x28e: {  	v26 =	vld.idx.msk [tilespmem:v48+s29+$0x0], $0xffff;
	[tilespmem:s7+$0xFFFFFFE0] =	vst v27  }
0x28f: {  	[tilespmem:s7+$0x10] =	vst v28;
	v27 =	vld.idx.msk [tilespmem:v49+s29+$0x0], $0xffff  }
0x290: {  	[tilespmem:s7+$0x20] =	vst v21;
	v21 =	vld.idx.msk [tilespmem:v50+s29+$0x0], $0xffff  }
0x291: {  	v28 =	vld.idx.msk [tilespmem:v52+s29+$0x0], $0xffff;
	[tilespmem:s7+$0xF0] =	vst v22  }
0x292: {  	[tilespmem:s7+$0x0] =	vst v23;
	v22 =	vld.idx.msk [tilespmem:v25+s29+$0x0], $0xffff  }
0x293: {  	v17 =	vld.idx.msk [tilespmem:v17+s29+$0x0], $0xffff;
	[tilespmem:s7+$0x30] =	vst v24  }
0x294: {  	v0 =	vadd.s32 $0x7CBA, v0;
	v18 =	vld.idx.msk [tilespmem:v18+s29+$0x0], $0xffff;
	[tilespmem:s7+$0x40] =	vst v26  }
0x295: {  	v19 =	vld.idx.msk [tilespmem:v19+s29+$0x0], $0xffff;
	[tilespmem:s7+$0x50] =	vst v27  }
0x296: {  	v15 =	vld.idx.msk [tilespmem:v15+s29+$0x0], $0xffff;
	[tilespmem:s7+$0x60] =	vst v21  }
0x297: {  	[tilespmem:s7+$0x90] =	vst v28;
	v20 =	vld.idx.msk [tilespmem:v20+s29+$0x0], $0xffff  }
0x298: {  	v16 =	vld.idx.msk [tilespmem:v16+s29+$0x0], $0xffff;
	[tilespmem:s7+$0x170] =	vst v22  }
0x299: {  	[tilespmem:s7+$0x80] =	vst v17;
	v0 =	vld.idx.msk [tilespmem:v0+s29+$0x0], $0xffff  }
0x29a: {  	v10 =	vld.idx.msk [tilespmem:v10+s29+$0x0], $0xffff;
	[tilespmem:s7+$0xA0] =	vst v18  }
0x29b: {  	v14 =	vld.idx.msk [tilespmem:v14+s29+$0x0], $0xffff;
	[tilespmem:s7+$0xB0] =	vst v19  }
0x29c: {  	v12 =	vld.idx.msk [tilespmem:v12+s29+$0x0], $0xffff;
	[tilespmem:s7+$0xC0] =	vst v15  }
0x29d: {  	v11 =	vld.idx.msk [tilespmem:v11+s29+$0x0], $0xffff;
	[tilespmem:s7+$0xD0] =	vst v20  }
0x29e: {  	v13 =	vld.idx.msk [tilespmem:v13+s29+$0x0], $0xffff;
	[tilespmem:s7+$0xE0] =	vst v16  }
0x29f: {  	v9 =	vld.idx.msk [tilespmem:v9+s29+$0x0], $0xffff;
	[tilespmem:s7+$0x1F0] =	vst v0  }
0x2a0: {  	[tilespmem:s7+$0x100] =	vst v10;
	v8 =	vld.idx.msk [tilespmem:v8+s29+$0x0], $0xffff  }
.Ltmp3:
0x2a1: {  	v7 =	vld.idx.msk [tilespmem:v7+s29+$0x0], $0xffff;
	[tilespmem:s7+$0x110] =	vst v14;
	(pc) =	sbr.rel @p1 .LBB2_8-.Ltmp3, $4  }
0x2a2: {  	v5 =	vld.idx.msk [tilespmem:v5+s29+$0x0], $0xffff;
	[tilespmem:s7+$0x120] =	vst v12  }
0x2a3: {  	v3 =	vld.idx.msk [tilespmem:v3+s29+$0x0], $0xffff;
	[tilespmem:s7+$0x130] =	vst v11  }
0x2a4: {  	v6 =	vld.idx.msk [tilespmem:v6+s29+$0x0], $0xffff;
	[tilespmem:s7+$0x140] =	vst v13  }
0x2a5: {  	s9 =	sadd.s32 $0x80, s9;
	v4 =	vld.idx.msk [tilespmem:v4+s29+$0x0], $0xffff;
	[tilespmem:s7+$0x150] =	vst v9  }
0x2a6: {  	_ =	sdelay $0x2  }
0x2a7: {  	[tilespmem:s7+$0x160] =	vst v8  }
0x2a8: {  	[tilespmem:s7+$0x180] =	vst v7;
	v0 =	vld.idx.msk [tilespmem:v2+s29+$0x0], $0xffff  }
0x2a9: {  	[tilespmem:s7+$0x190] =	vst v5;
	v1 =	vld.idx.msk [tilespmem:v1+s29+$0x0], $0xffff  }
0x2aa: {  	[tilespmem:s7+$0x1A0] =	vst v3  }
0x2ab: {  	[tilespmem:s7+$0x1B0] =	vst v6  }
0x2ac: {  	[tilespmem:s7+$0x1C0] =	vst v4  }
0x2ad: {  	[tilespmem:s7+$0x1D0] =	vst v0  }
0x2ae: {  	[tilespmem:s7+$0x1E0] =	vst v1  }
0x2af: {  	[tilespmem:s28], [sflag:$0x2] =	stream.strided.gather [hbm4b:s14+s24], $0x800, s25, s24, $0x38;
	[tilespmem:$0x15910] =	vst v63  }
0x2b0: {  	_ = 	snop  }
0x2b1: {  	[hbm4b:s18+s3] =	stream.linear.scatter [tilespmem:s0], [sflag:$0x3], $0x4000, $0x38;
	[tilespmem:$0x15910] =	vst v63  }
0x2b2: {  	_ =	swait.ge [sflag:s31], $0x800  }
0x2b3: {  	[sflag:s31] =	ssyncset.done $0x0  }
0x2b4: {  	[sflag:s31] =	ssyncadd.s32 $0xFFFFF800  }
0x2b5: {  	_ =	swait.ge [sflag:s5], $0x4000  }
0x2b6: {  	[sflag:s5] =	ssyncset.done $0x0  }
0x2b7: {  	s9 =	simm.s32 $0x8950;
	[sflag:s5] =	ssyncadd.s32 $0xFFFFC000  }
0x2b8: {  	v7 =	vld [tilespmem:s9+$0x30]  }
0x2b9: {  	v5 =	vld [tilespmem:s9+$0xFFFFFFD0]  }
0x2ba: {  	v4 =	vld [tilespmem:s9+$0xFFFFFFE0]  }
0x2bb: {  	v3 =	vld [tilespmem:s9+$0xFFFFFFF0]  }
0x2bc: {  	v2 =	vld [tilespmem:s9+$0x0]  }
0x2bd: {  	v1 =	vld [tilespmem:s9+$0x10]  }
0x2be: {  	v0 =	vld [tilespmem:s9+$0x20]  }
0x2bf: {  	v6 =	vld [tilespmem:s9+$0xFFFFFFC0]  }
0x2c0: {  	v8 =	vld.idx.msk [tilespmem:v7+s29+$0x0], $0xffff  }
0x2c1: {  	v9 =	vld.idx.msk [tilespmem:v5+s29+$0x0], $0xffff  }
0x2c2: {  	v10 =	vld.idx.msk [tilespmem:v4+s29+$0x0], $0xffff  }
0x2c3: {  	v11 =	vadd.s32 $0x406, v7;
	v12 =	vld.idx.msk [tilespmem:v3+s29+$0x0], $0xffff  }
0x2c4: {  	v13 =	vadd.s32 $0x406, v5;
	v14 =	vld.idx.msk [tilespmem:v2+s29+$0x0], $0xffff  }
0x2c5: {  	s7 =	simm.s32 $0xDB10;
	v15 =	vadd.s32 $0x406, v4;
	v16 =	vld.idx.msk [tilespmem:v1+s29+$0x0], $0xffff  }
0x2c6: {  	v17 =	vadd.s32 $0x406, v3;
	v18 =	vld.idx.msk [tilespmem:v0+s29+$0x0], $0xffff;
	[tilespmem:s7+$0xFFFFFE70] =	vst v8  }
0x2c7: {  	v55 =	vadd.s32 $0x406, v1;
	v19 =	vld.idx.msk [tilespmem:v6+s29+$0x0], $0xffff;
	[tilespmem:s7+$0xFFFFFE10] =	vst v9  }
0x2c8: {  	v58 =	vadd.s32 $0x406, v6;
	[tilespmem:s7+$0xFFFFFE20] =	vst v10;
	v54 =	vld.idx.msk [tilespmem:v11+s29+$0x0], $0xffff  }
0x2c9: {  	v59 =	vadd.s32 $0x406, v0;
	[tilespmem:s7+$0xFFFFFE30] =	vst v12;
	v56 =	vld.idx.msk [tilespmem:v13+s29+$0x0], $0xffff  }
0x2ca: {  	v8 =	vadd.s32 $0x406, v2;
	[tilespmem:s7+$0xFFFFFE40] =	vst v14;
	v15 =	vld.idx.msk [tilespmem:v15+s29+$0x0], $0xffff  }
0x2cb: {  	v57 =	vadd.s32 $0x80C, v7;
	[tilespmem:s7+$0xFFFFFE50] =	vst v16;
	v17 =	vld.idx.msk [tilespmem:v17+s29+$0x0], $0xffff  }
0x2cc: {  	v60 =	vadd.s32 $0x80C, v5;
	[tilespmem:s7+$0xFFFFFE00] =	vst v19;
	v11 =	vld.idx.msk [tilespmem:v55+s29+$0x0], $0xffff  }
0x2cd: {  	v61 =	vadd.s32 $0x80C, v4;
	[tilespmem:s7+$0xFFFFFE60] =	vst v18;
	v13 =	vld.idx.msk [tilespmem:v58+s29+$0x0], $0xffff  }
0x2ce: {  	v62 =	vadd.s32 $0x80C, v3;
	v21 =	vld.idx.msk [tilespmem:v59+s29+$0x0], $0xffff;
	[tilespmem:s7+$0xFFFFFEF0] =	vst v54  }
0x2cf: {  	v23 =	vadd.s32 $0x80C, v6;
	v8 =	vld.idx.msk [tilespmem:v8+s29+$0x0], $0xffff;
	[tilespmem:s7+$0xFFFFFE90] =	vst v56  }
0x2d0: {  	v24 =	vadd.s32 $0x80C, v1;
	[tilespmem:s7+$0xFFFFFEA0] =	vst v15;
	v12 =	vld.idx.msk [tilespmem:v57+s29+$0x0], $0xffff  }
0x2d1: {  	v63 =	vadd.s32 $0x80C, v2;
	[tilespmem:s7+$0xFFFFFEB0] =	vst v17;
	v16 =	vld.idx.msk [tilespmem:v60+s29+$0x0], $0xffff  }
0x2d2: {  	v22 =	vadd.s32 $0xC12, v7;
	[tilespmem:s7+$0xFFFFFED0] =	vst v11;
	v18 =	vld.idx.msk [tilespmem:v61+s29+$0x0], $0xffff  }
0x2d3: {  	v25 =	vadd.s32 $0xC12, v5;
	[tilespmem:s7+$0xFFFFFE80] =	vst v13;
	v9 =	vld.idx.msk [tilespmem:v62+s29+$0x0], $0xffff  }
0x2d4: {  	v26 =	vadd.s32 $0xC12, v4;
	[tilespmem:s7+$0xFFFFFEE0] =	vst v21;
	v15 =	vld.idx.msk [tilespmem:v23+s29+$0x0], $0xffff  }
0x2d5: {  	v28 =	vadd.s32 $0xC12, v3;
	v29 =	vld.idx.msk [tilespmem:v24+s29+$0x0], $0xffff;
	[tilespmem:s7+$0xFFFFFEC0] =	vst v8  }
0x2d6: {  	v31 =	vadd.s32 $0xC12, v6;
	v19 =	vld.idx.msk [tilespmem:v63+s29+$0x0], $0xffff;
	[tilespmem:s7+$0xFFFFFF70] =	vst v12  }
0x2d7: {  	v33 =	vadd.s32 $0xC12, v1;
	[tilespmem:s7+$0xFFFFFF10] =	vst v16;
	v27 =	vld.idx.msk [tilespmem:v22+s29+$0x0], $0xffff  }
0x2d8: {  	v8 =	vadd.s32 $0x80C, v0;
	[tilespmem:s7+$0xFFFFFF20] =	vst v18;
	v11 =	vld.idx.msk [tilespmem:v25+s29+$0x0], $0xffff  }
0x2d9: {  	v32 =	vadd.s32 $0xC12, v2;
	[tilespmem:s7+$0xFFFFFF30] =	vst v9;
	v12 =	vld.idx.msk [tilespmem:v26+s29+$0x0], $0xffff  }
0x2da: {  	v30 =	vadd.s32 $0x1018, v7;
	[tilespmem:s7+$0xFFFFFF00] =	vst v15;
	v14 =	vld.idx.msk [tilespmem:v28+s29+$0x0], $0xffff  }
0x2db: {  	v35 =	vadd.s32 $0x1018, v5;
	[tilespmem:s7+$0xFFFFFF50] =	vst v29;
	v17 =	vld.idx.msk [tilespmem:v31+s29+$0x0], $0xffff  }
0x2dc: {  	v37 =	vadd.s32 $0x1018, v4;
	v9 =	vld.idx.msk [tilespmem:v33+s29+$0x0], $0xffff;
	[tilespmem:s7+$0xFFFFFF40] =	vst v19  }
0x2dd: {  	v39 =	vadd.s32 $0x1018, v6;
	v8 =	vld.idx.msk [tilespmem:v8+s29+$0x0], $0xffff;
	[tilespmem:s7+$0xFFFFFFF0] =	vst v27  }
0x2de: {  	v40 =	vadd.s32 $0x1018, v3;
	v38 =	vld.idx.msk [tilespmem:v32+s29+$0x0], $0xffff;
	[tilespmem:s7+$0xFFFFFF90] =	vst v11  }
0x2df: {  	v43 =	vadd.s32 $0x1018, v1;
	[tilespmem:s7+$0xFFFFFFA0] =	vst v12;
	v36 =	vld.idx.msk [tilespmem:v30+s29+$0x0], $0xffff  }
0x2e0: {  	v34 =	vadd.s32 $0xC12, v0;
	[tilespmem:s7+$0xFFFFFFB0] =	vst v14;
	v13 =	vld.idx.msk [tilespmem:v35+s29+$0x0], $0xffff  }
0x2e1: {  	v42 =	vadd.s32 $0x1018, v2;
	[tilespmem:s7+$0xFFFFFF80] =	vst v17;
	v16 =	vld.idx.msk [tilespmem:v37+s29+$0x0], $0xffff  }
0x2e2: {  	v18 =	vld.idx.msk [tilespmem:v39+s29+$0x0], $0xffff;
	[tilespmem:s7+$0xFFFFFF60] =	vst v8;
	v8 =	vadd.s32 $0x141E, v7  }
0x2e3: {  	v45 =	vadd.s32 $0x141E, v5;
	[tilespmem:s7+$0xFFFFFFD0] =	vst v9;
	v46 =	vld.idx.msk [tilespmem:v40+s29+$0x0], $0xffff  }
0x2e4: {  	v48 =	vadd.s32 $0x141E, v6;
	v50 =	vld.idx.msk [tilespmem:v43+s29+$0x0], $0xffff;
	[tilespmem:s7+$0xFFFFFFC0] =	vst v38  }
0x2e5: {  	v49 =	vadd.s32 $0x141E, v4;
	v41 =	vld.idx.msk [tilespmem:v34+s29+$0x0], $0xffff;
	[tilespmem:s7+$0x70] =	vst v36  }
0x2e6: {  	v44 =	vadd.s32 $0x1018, v0;
	v19 =	vld.idx.msk [tilespmem:v42+s29+$0x0], $0xffff;
	[tilespmem:s7+$0x10] =	vst v13  }
0x2e7: {  	v51 =	vadd.s32 $0x141E, v3;
	[tilespmem:s7+$0x20] =	vst v16;
	v8 =	vld.idx.msk [tilespmem:v8+s29+$0x0], $0xffff  }
0x2e8: {  	v47 =	vadd.s32 $0x1824, v7;
	[tilespmem:s7+$0x0] =	vst v18;
	v17 =	vld.idx.msk [tilespmem:v45+s29+$0x0], $0xffff  }
0x2e9: {  	v52 =	vadd.s32 $0x141E, v2;
	[tilespmem:s7+$0x30] =	vst v46;
	v11 =	vld.idx.msk [tilespmem:v48+s29+$0x0], $0xffff  }
0x2ea: {  	v55 =	vadd.s32 $0x1824, v6;
	v54 =	vld.idx.msk [tilespmem:v49+s29+$0x0], $0xffff;
	[tilespmem:s7+$0xFFFFFFE0] =	vst v41  }
0x2eb: {  	v56 =	vadd.s32 $0x1824, v5;
	[tilespmem:s7+$0x50] =	vst v50;
	v15 =	vld.idx.msk [tilespmem:v44+s29+$0x0], $0xffff  }
0x2ec: {  	v53 =	vadd.s32 $0x141E, v0;
	v14 =	vld.idx.msk [tilespmem:v51+s29+$0x0], $0xffff;
	[tilespmem:s7+$0xF0] =	vst v8  }
0x2ed: {  	[tilespmem:s7+$0x40] =	vst v19;
	v8 =	vadd.s32 $0x141E, v1;
	v9 =	vld.idx.msk [tilespmem:v47+s29+$0x0], $0xffff  }
0x2ee: {  	v7 =	vadd.s32 $0x1C2A, v7;
	v16 =	vld.idx.msk [tilespmem:v52+s29+$0x0], $0xffff;
	[tilespmem:s7+$0x80] =	vst v11  }
0x2ef: {  	v57 =	vadd.s32 $0x1824, v4;
	[tilespmem:s7+$0x90] =	vst v17;
	v12 =	vld.idx.msk [tilespmem:v55+s29+$0x0], $0xffff  }
0x2f0: {  	v58 =	vadd.s32 $0x1824, v3;
	v13 =	vld.idx.msk [tilespmem:v56+s29+$0x0], $0xffff;
	[tilespmem:s7+$0x60] =	vst v15  }
0x2f1: {  	v59 =	vadd.s32 $0x1824, v2;
	[tilespmem:s7+$0xA0] =	vst v54;
	v18 =	vld.idx.msk [tilespmem:v53+s29+$0x0], $0xffff  }
0x2f2: {  	v6 =	vadd.s32 $0x1C2A, v6;
	v8 =	vld.idx.msk [tilespmem:v8+s29+$0x0], $0xffff;
	[tilespmem:s7+$0x170] =	vst v9  }
0x2f3: {  	v60 =	vadd.s32 $0x1824, v1;
	[tilespmem:s7+$0xB0] =	vst v14;
	v7 =	vld.idx.msk [tilespmem:v7+s29+$0x0], $0xffff  }
0x2f4: {  	v61 =	vadd.s32 $0x1824, v0;
	v62 =	vld.idx.msk [tilespmem:v57+s29+$0x0], $0xffff;
	[tilespmem:s7+$0xC0] =	vst v16  }
0x2f5: {  	v5 =	vadd.s32 $0x1C2A, v5;
	v63 =	vld.idx.msk [tilespmem:v58+s29+$0x0], $0xffff;
	[tilespmem:s7+$0x100] =	vst v12  }
0x2f6: {  	v3 =	vadd.s32 $0x1C2A, v3;
	v9 =	vld.idx.msk [tilespmem:v59+s29+$0x0], $0xffff;
	[tilespmem:s7+$0xE0] =	vst v18  }
0x2f7: {  	v12 =	vld.idx.msk [tilespmem:v6+s29+$0x0], $0xffff;
	[tilespmem:s7+$0xD0] =	vst v8;
	v8 =	vadd.s32 $0x1C2A, v4  }
0x2f8: {  	v11 =	vld.idx.msk [tilespmem:v60+s29+$0x0], $0xffff;
	[tilespmem:s7+$0x1F0] =	vst v7;
	v7 =	vadd.s32 $0x1C2A, v2  }
0x2f9: {  	v1 =	vadd.s32 $0x1C2A, v1;
	[tilespmem:s7+$0x110] =	vst v13;
	v10 =	vld.idx.msk [tilespmem:v61+s29+$0x0], $0xffff  }
0x2fa: {  	v0 =	vadd.s32 $0x1C2A, v0;
	[tilespmem:s7+$0x130] =	vst v63;
	v4 =	vld.idx.msk [tilespmem:v5+s29+$0x0], $0xffff  }
0x2fb: {  	[tilespmem:s7+$0x120] =	vst v62;
	v2 =	vld.idx.msk [tilespmem:v3+s29+$0x0], $0xffff  }
0x2fc: {  	[tilespmem:s7+$0x140] =	vst v9;
	v5 =	vld.idx.msk [tilespmem:v8+s29+$0x0], $0xffff  }
0x2fd: {  	[tilespmem:s7+$0x150] =	vst v11;
	v6 =	vld.idx.msk [tilespmem:v7+s29+$0x0], $0xffff  }
0x2fe: {  	[tilespmem:s7+$0x160] =	vst v10;
	v3 =	vld.idx.msk [tilespmem:v1+s29+$0x0], $0xffff  }
0x2ff: {  	s8 =	simm.s32 $0x0;
	s9 =	simm.s32 $0x89D0;
	[tilespmem:s7+$0x180] =	vst v12;
	v1 =	vld.idx.msk [tilespmem:v0+s29+$0x0], $0xffff  }
.LBB2_10:
0x300: {  	v0 =	vld [tilespmem:s9+$0x30];
	s8 =	sadd.s32 $0x8, s8;
	[tilespmem:s7+$0x190] =	vst v4  }
0x301: {  	v7 =	vld [tilespmem:s9+$0xFFFFFFD0];
	p1 =	slt.u32 s8, $0x78;
	[tilespmem:s7+$0x1A0] =	vst v5  }
0x302: {  	v5 =	vld [tilespmem:s9+$0xFFFFFFE0];
	[tilespmem:s7+$0x1B0] =	vst v2  }
0x303: {  	v2 =	vld [tilespmem:s9+$0xFFFFFFF0];
	[tilespmem:s7+$0x1C0] =	vst v6  }
0x304: {  	v6 =	vld [tilespmem:s9+$0x0];
	[tilespmem:s7+$0x1D0] =	vst v3  }
0x305: {  	v3 =	vld [tilespmem:s9+$0x10];
	[tilespmem:s7+$0x1E0] =	vst v1  }
0x306: {  	v1 =	vadd.s32 $0x406, v7;
	v21 =	vadd.s32 $0x80C, v7;
	v22 =	vadd.s32 $0xC12, v7;
	v23 =	vld [tilespmem:s9+$0x20]  }
0x307: {  	v4 =	vld [tilespmem:s9+$0xFFFFFFC0];
	v8 =	vadd.s32 $0x406, v5;
	v24 =	vadd.s32 $0x80C, v5;
	v25 =	vadd.s32 $0xC12, v5  }
0x308: {  	v9 =	vadd.s32 $0x406, v2;
	v26 =	vadd.s32 $0x80C, v2;
	v27 =	vadd.s32 $0xC12, v2;
	v10 =	vld.idx.msk [tilespmem:v0+s29+$0x0], $0xffff  }
0x309: {  	v11 =	vld.idx.msk [tilespmem:v7+s29+$0x0], $0xffff;
	v12 =	vadd.s32 $0x406, v6;
	v28 =	vadd.s32 $0x80C, v6;
	v29 =	vadd.s32 $0xC12, v6  }
0x30a: {  	v14 =	vadd.s32 $0x406, v0;
	v13 =	vld.idx.msk [tilespmem:v5+s29+$0x0], $0xffff;
	v30 =	vadd.s32 $0x406, v3;
	v31 =	vadd.s32 $0x80C, v3  }
0x30b: {  	v32 =	vadd.s32 $0xC12, v3;
	v16 =	vld.idx.msk [tilespmem:v2+s29+$0x0], $0xffff;
	v33 =	vadd.s32 $0x406, v23;
	v34 =	vadd.s32 $0x80C, v23  }
0x30c: {  	v35 =	vadd.s32 $0x406, v4;
	v36 =	vadd.s32 $0x80C, v4;
	v37 =	vadd.s32 $0xC12, v4;
	v20 =	vld.idx.msk [tilespmem:v6+s29+$0x0], $0xffff  }
0x30d: {  	s7 =	sadd.s32 $0x400, s7;
	v39 =	vadd.s32 $0x1018, v7;
	v41 =	vadd.s32 $0xC12, v23;
	v38 =	vadd.s32 $0x1018, v4;
	v40 =	vld.idx.msk [tilespmem:v3+s29+$0x0], $0xffff  }
0x30e: {  	v42 =	vadd.s32 $0x1018, v5;
	v43 =	vadd.s32 $0x1018, v2;
	v44 =	vadd.s32 $0x1018, v6;
	v45 =	vld.idx.msk [tilespmem:v23+s29+$0x0], $0xffff;
	[tilespmem:s7+$0xFFFFFE70] =	vst v10  }
0x30f: {  	v46 =	vadd.s32 $0x1018, v3;
	v47 =	vadd.s32 $0x1018, v23;
	v15 =	vadd.s32 $0x141E, v4;
	[tilespmem:s7+$0xFFFFFE10] =	vst v11;
	v48 =	vld.idx.msk [tilespmem:v14+s29+$0x0], $0xffff  }
0x310: {  	v50 =	vadd.s32 $0x141E, v7;
	v19 =	vadd.s32 $0x141E, v5;
	v17 =	vadd.s32 $0x141E, v2;
	v49 =	vld.idx.msk [tilespmem:v4+s29+$0x0], $0xffff;
	[tilespmem:s7+$0xFFFFFE20] =	vst v13  }
0x311: {  	v52 =	vadd.s32 $0x80C, v0;
	v18 =	vadd.s32 $0x141E, v6;
	v51 =	vld.idx.msk [tilespmem:v1+s29+$0x0], $0xffff;
	[tilespmem:s7+$0xFFFFFE30] =	vst v16;
	v16 =	vadd.s32 $0x141E, v3  }
0x312: {  	v10 =	vadd.s32 $0x1824, v7;
	v13 =	vadd.s32 $0x1824, v4;
	v53 =	vld.idx.msk [tilespmem:v8+s29+$0x0], $0xffff;
	[tilespmem:s7+$0xFFFFFE40] =	vst v20;
	v20 =	vadd.s32 $0x141E, v23  }
0x313: {  	v14 =	vadd.s32 $0x1824, v5;
	v11 =	vadd.s32 $0x1824, v2;
	v8 =	vadd.s32 $0x1824, v6;
	v54 =	vld.idx.msk [tilespmem:v9+s29+$0x0], $0xffff;
	[tilespmem:s7+$0xFFFFFE50] =	vst v40  }
0x314: {  	v4 =	vadd.s32 $0x1C2A, v4;
	v9 =	vadd.s32 $0x1824, v23;
	v40 =	vld.idx.msk [tilespmem:v12+s29+$0x0], $0xffff;
	v12 =	vadd.s32 $0x1824, v3;
	[tilespmem:s7+$0xFFFFFE60] =	vst v45  }
0x315: {  	v7 =	vadd.s32 $0x1C2A, v7;
	v5 =	vadd.s32 $0x1C2A, v5;
	v2 =	vadd.s32 $0x1C2A, v2;
	v30 =	vld.idx.msk [tilespmem:v30+s29+$0x0], $0xffff;
	[tilespmem:s7+$0xFFFFFEF0] =	vst v48  }
0x316: {  	v1 =	vadd.s32 $0x1C2A, v23;
	v6 =	vadd.s32 $0x1C2A, v6;
	v3 =	vadd.s32 $0x1C2A, v3;
	[tilespmem:s7+$0xFFFFFE00] =	vst v49;
	v23 =	vld.idx.msk [tilespmem:v52+s29+$0x0], $0xffff  }
0x317: {  	v35 =	vld.idx.msk [tilespmem:v35+s29+$0x0], $0xffff;
	[tilespmem:s7+$0xFFFFFE90] =	vst v51  }
0x318: {  	v45 =	vadd.s32 $0xC12, v0;
	[tilespmem:s7+$0xFFFFFEA0] =	vst v53;
	v33 =	vld.idx.msk [tilespmem:v33+s29+$0x0], $0xffff  }
0x319: {  	v21 =	vld.idx.msk [tilespmem:v21+s29+$0x0], $0xffff;
	[tilespmem:s7+$0xFFFFFEB0] =	vst v54  }
0x31a: {  	v24 =	vld.idx.msk [tilespmem:v24+s29+$0x0], $0xffff;
	[tilespmem:s7+$0xFFFFFEC0] =	vst v40  }
0x31b: {  	v26 =	vld.idx.msk [tilespmem:v26+s29+$0x0], $0xffff;
	[tilespmem:s7+$0xFFFFFED0] =	vst v30  }
0x31c: {  	v28 =	vld.idx.msk [tilespmem:v28+s29+$0x0], $0xffff;
	[tilespmem:s7+$0xFFFFFF70] =	vst v23  }
0x31d: {  	[tilespmem:s7+$0xFFFFFE80] =	vst v35;
	v23 =	vld.idx.msk [tilespmem:v45+s29+$0x0], $0xffff  }
0x31e: {  	v30 =	vld.idx.msk [tilespmem:v36+s29+$0x0], $0xffff;
	[tilespmem:s7+$0xFFFFFEE0] =	vst v33  }
0x31f: {  	[tilespmem:s7+$0xFFFFFF10] =	vst v21;
	v21 =	vld.idx.msk [tilespmem:v31+s29+$0x0], $0xffff;
	v31 =	vadd.s32 $0x1018, v0  }
0x320: {  	[tilespmem:s7+$0xFFFFFF20] =	vst v24;
	v24 =	vld.idx.msk [tilespmem:v34+s29+$0x0], $0xffff  }
0x321: {  	v22 =	vld.idx.msk [tilespmem:v22+s29+$0x0], $0xffff;
	[tilespmem:s7+$0xFFFFFF30] =	vst v26  }
0x322: {  	v25 =	vld.idx.msk [tilespmem:v25+s29+$0x0], $0xffff;
	[tilespmem:s7+$0xFFFFFF40] =	vst v28  }
0x323: {  	v26 =	vld.idx.msk [tilespmem:v27+s29+$0x0], $0xffff;
	[tilespmem:s7+$0xFFFFFFF0] =	vst v23  }
0x324: {  	[tilespmem:s7+$0xFFFFFF00] =	vst v30;
	v23 =	vld.idx.msk [tilespmem:v31+s29+$0x0], $0xffff  }
0x325: {  	v27 =	vld.idx.msk [tilespmem:v37+s29+$0x0], $0xffff;
	[tilespmem:s7+$0xFFFFFF50] =	vst v21  }
0x326: {  	v21 =	vld.idx.msk [tilespmem:v29+s29+$0x0], $0xffff;
	[tilespmem:s7+$0xFFFFFF60] =	vst v24;
	v24 =	vadd.s32 $0x141E, v0  }
0x327: {  	[tilespmem:s7+$0xFFFFFF90] =	vst v22;
	v22 =	vld.idx.msk [tilespmem:v32+s29+$0x0], $0xffff  }
0x328: {  	[tilespmem:s7+$0xFFFFFFA0] =	vst v25;
	v25 =	vld.idx.msk [tilespmem:v41+s29+$0x0], $0xffff  }
0x329: {  	v28 =	vld.idx.msk [tilespmem:v39+s29+$0x0], $0xffff;
	[tilespmem:s7+$0xFFFFFFB0] =	vst v26  }
0x32a: {  	v26 =	vld.idx.msk [tilespmem:v42+s29+$0x0], $0xffff;
	[tilespmem:s7+$0x70] =	vst v23  }
0x32b: {  	[tilespmem:s7+$0xFFFFFF80] =	vst v27;
	v23 =	vld.idx.msk [tilespmem:v24+s29+$0x0], $0xffff  }
0x32c: {  	v24 =	vld.idx.msk [tilespmem:v38+s29+$0x0], $0xffff;
	[tilespmem:s7+$0xFFFFFFC0] =	vst v21  }
0x32d: {  	v21 =	vld.idx.msk [tilespmem:v43+s29+$0x0], $0xffff;
	[tilespmem:s7+$0xFFFFFFD0] =	vst v22;
	v22 =	vadd.s32 $0x1824, v0  }
0x32e: {  	v27 =	vld.idx.msk [tilespmem:v44+s29+$0x0], $0xffff;
	[tilespmem:s7+$0xFFFFFFE0] =	vst v25  }
0x32f: {  	[tilespmem:s7+$0x10] =	vst v28;
	v25 =	vld.idx.msk [tilespmem:v46+s29+$0x0], $0xffff  }
0x330: {  	[tilespmem:s7+$0x20] =	vst v26;
	v26 =	vld.idx.msk [tilespmem:v47+s29+$0x0], $0xffff  }
0x331: {  	v28 =	vld.idx.msk [tilespmem:v50+s29+$0x0], $0xffff;
	[tilespmem:s7+$0xF0] =	vst v23  }
0x332: {  	[tilespmem:s7+$0x0] =	vst v24;
	v22 =	vld.idx.msk [tilespmem:v22+s29+$0x0], $0xffff  }
0x333: {  	v15 =	vld.idx.msk [tilespmem:v15+s29+$0x0], $0xffff;
	[tilespmem:s7+$0x30] =	vst v21  }
0x334: {  	v0 =	vadd.s32 $0x1C2A, v0;
	v19 =	vld.idx.msk [tilespmem:v19+s29+$0x0], $0xffff;
	[tilespmem:s7+$0x40] =	vst v27  }
0x335: {  	v17 =	vld.idx.msk [tilespmem:v17+s29+$0x0], $0xffff;
	[tilespmem:s7+$0x50] =	vst v25  }
0x336: {  	v18 =	vld.idx.msk [tilespmem:v18+s29+$0x0], $0xffff;
	[tilespmem:s7+$0x60] =	vst v26  }
0x337: {  	[tilespmem:s7+$0x90] =	vst v28;
	v16 =	vld.idx.msk [tilespmem:v16+s29+$0x0], $0xffff  }
0x338: {  	v20 =	vld.idx.msk [tilespmem:v20+s29+$0x0], $0xffff;
	[tilespmem:s7+$0x170] =	vst v22  }
0x339: {  	[tilespmem:s7+$0x80] =	vst v15;
	v0 =	vld.idx.msk [tilespmem:v0+s29+$0x0], $0xffff  }
0x33a: {  	v13 =	vld.idx.msk [tilespmem:v13+s29+$0x0], $0xffff;
	[tilespmem:s7+$0xA0] =	vst v19  }
0x33b: {  	v10 =	vld.idx.msk [tilespmem:v10+s29+$0x0], $0xffff;
	[tilespmem:s7+$0xB0] =	vst v17  }
0x33c: {  	v14 =	vld.idx.msk [tilespmem:v14+s29+$0x0], $0xffff;
	[tilespmem:s7+$0xC0] =	vst v18  }
0x33d: {  	v11 =	vld.idx.msk [tilespmem:v11+s29+$0x0], $0xffff;
	[tilespmem:s7+$0xD0] =	vst v16  }
0x33e: {  	v8 =	vld.idx.msk [tilespmem:v8+s29+$0x0], $0xffff;
	[tilespmem:s7+$0xE0] =	vst v20  }
0x33f: {  	v12 =	vld.idx.msk [tilespmem:v12+s29+$0x0], $0xffff;
	[tilespmem:s7+$0x1F0] =	vst v0  }
0x340: {  	[tilespmem:s7+$0x100] =	vst v13;
	v0 =	vld.idx.msk [tilespmem:v9+s29+$0x0], $0xffff  }
0x341: {  	v9 =	vld.idx.msk [tilespmem:v4+s29+$0x0], $0xffff;
	[tilespmem:s7+$0x110] =	vst v10  }
0x342: {  	v4 =	vld.idx.msk [tilespmem:v7+s29+$0x0], $0xffff;
	[tilespmem:s7+$0x120] =	vst v14  }
.Ltmp4:
0x343: {  	v5 =	vld.idx.msk [tilespmem:v5+s29+$0x0], $0xffff;
	[tilespmem:s7+$0x130] =	vst v11;
	(pc) =	sbr.rel @p1 .LBB2_10-.Ltmp4, $4  }
0x344: {  	v2 =	vld.idx.msk [tilespmem:v2+s29+$0x0], $0xffff;
	[tilespmem:s7+$0x140] =	vst v8  }
0x345: {  	v6 =	vld.idx.msk [tilespmem:v6+s29+$0x0], $0xffff;
	[tilespmem:s7+$0x150] =	vst v12  }
0x346: {  	v3 =	vld.idx.msk [tilespmem:v3+s29+$0x0], $0xffff;
	[tilespmem:s7+$0x160] =	vst v0  }
0x347: {  	s9 =	sadd.s32 $0x80, s9;
	[tilespmem:s7+$0x180] =	vst v9;
	v1 =	vld.idx.msk [tilespmem:v1+s29+$0x0], $0xffff  }
0x348: {  	[tilespmem:s7+$0x190] =	vst v4  }
0x349: {  	[tilespmem:s7+$0x1A0] =	vst v5  }
0x34a: {  	[tilespmem:s7+$0x1B0] =	vst v2  }
0x34b: {  	[tilespmem:s7+$0x1C0] =	vst v6  }
0x34c: {  	[tilespmem:s7+$0x1D0] =	vst v3  }
0x34d: {  	[tilespmem:s7+$0x1E0] =	vst v1  }
0x34e: {  	[tilespmem:s26], [sflag:$0x2] =	stream.strided.gather [hbm4b:s15+s24], $0x800, s25, s24, $0x38;
	[tilespmem:$0x15910] =	vst v63  }
0x34f: {  	_ = 	snop  }
0x350: {  	[hbm4b:s19+s3] =	stream.linear.scatter [tilespmem:s4], [sflag:$0x3], $0x4000, $0x38;
	[tilespmem:$0x15910] =	vst v63  }
0x351: {  	_ =	swait.ge [sflag:s31], $0x800  }
0x352: {  	[sflag:s31] =	ssyncset.done $0x0  }
0x353: {  	[sflag:s31] =	ssyncadd.s32 $0xFFFFF800  }
0x354: {  	_ =	swait.ge [sflag:s5], $0x4000  }
0x355: {  	[sflag:s5] =	ssyncset.done $0x0  }
0x356: {  	s9 =	simm.s32 $0x9150;
	[sflag:s5] =	ssyncadd.s32 $0xFFFFC000  }
0x357: {  	v7 =	vld [tilespmem:s9+$0x30]  }
0x358: {  	v5 =	vld [tilespmem:s9+$0xFFFFFFD0]  }
0x359: {  	v4 =	vld [tilespmem:s9+$0xFFFFFFE0]  }
0x35a: {  	v3 =	vld [tilespmem:s9+$0xFFFFFFF0]  }
0x35b: {  	v2 =	vld [tilespmem:s9+$0x0]  }
0x35c: {  	v0 =	vld [tilespmem:s9+$0x10];
	v8 =	vadd.s32 $0x2030, v7  }
0x35d: {  	v1 =	vld [tilespmem:s9+$0x20];
	v9 =	vadd.s32 $0x2030, v5  }
0x35e: {  	v6 =	vld [tilespmem:s9+$0xFFFFFFC0];
	v10 =	vadd.s32 $0x2030, v4  }
0x35f: {  	v11 =	vadd.s32 $0x2030, v3  }
0x360: {  	v12 =	vadd.s32 $0x2030, v2  }
0x361: {  	v13 =	vadd.s32 $0x2030, v0;
	v8 =	vld.idx.msk [tilespmem:v8+s29+$0x0], $0xffff  }
0x362: {  	v14 =	vadd.s32 $0x2030, v1;
	v9 =	vld.idx.msk [tilespmem:v9+s29+$0x0], $0xffff  }
0x363: {  	v16 =	vadd.s32 $0x2030, v6;
	v10 =	vld.idx.msk [tilespmem:v10+s29+$0x0], $0xffff  }
0x364: {  	v15 =	vadd.s32 $0x2436, v7;
	v11 =	vld.idx.msk [tilespmem:v11+s29+$0x0], $0xffff  }
0x365: {  	v17 =	vadd.s32 $0x2436, v5;
	v12 =	vld.idx.msk [tilespmem:v12+s29+$0x0], $0xffff  }
0x366: {  	s7 =	simm.s32 $0x11B10;
	v18 =	vadd.s32 $0x2436, v4;
	v13 =	vld.idx.msk [tilespmem:v13+s29+$0x0], $0xffff  }
0x367: {  	v19 =	vadd.s32 $0x2436, v3;
	v14 =	vld.idx.msk [tilespmem:v14+s29+$0x0], $0xffff;
	[tilespmem:s7+$0xFFFFFE70] =	vst v8  }
0x368: {  	v28 =	vadd.s32 $0x2436, v0;
	v16 =	vld.idx.msk [tilespmem:v16+s29+$0x0], $0xffff;
	[tilespmem:s7+$0xFFFFFE10] =	vst v9  }
0x369: {  	v29 =	vadd.s32 $0x2436, v6;
	[tilespmem:s7+$0xFFFFFE20] =	vst v10;
	v9 =	vld.idx.msk [tilespmem:v15+s29+$0x0], $0xffff  }
0x36a: {  	v8 =	vadd.s32 $0x2436, v2;
	[tilespmem:s7+$0xFFFFFE30] =	vst v11;
	v10 =	vld.idx.msk [tilespmem:v17+s29+$0x0], $0xffff  }
0x36b: {  	v30 =	vadd.s32 $0x2436, v1;
	[tilespmem:s7+$0xFFFFFE40] =	vst v12;
	v18 =	vld.idx.msk [tilespmem:v18+s29+$0x0], $0xffff  }
0x36c: {  	v11 =	vadd.s32 $0x283C, v7;
	[tilespmem:s7+$0xFFFFFE50] =	vst v13;
	v19 =	vld.idx.msk [tilespmem:v19+s29+$0x0], $0xffff  }
0x36d: {  	v31 =	vadd.s32 $0x283C, v5;
	[tilespmem:s7+$0xFFFFFE00] =	vst v16;
	v15 =	vld.idx.msk [tilespmem:v28+s29+$0x0], $0xffff  }
0x36e: {  	v32 =	vadd.s32 $0x283C, v4;
	[tilespmem:s7+$0xFFFFFE60] =	vst v14;
	v17 =	vld.idx.msk [tilespmem:v29+s29+$0x0], $0xffff  }
0x36f: {  	v35 =	vadd.s32 $0x283C, v6;
	v8 =	vld.idx.msk [tilespmem:v8+s29+$0x0], $0xffff;
	[tilespmem:s7+$0xFFFFFEF0] =	vst v9  }
0x370: {  	v9 =	vadd.s32 $0x283C, v3;
	[tilespmem:s7+$0xFFFFFE90] =	vst v10;
	v10 =	vld.idx.msk [tilespmem:v30+s29+$0x0], $0xffff  }
0x371: {  	v33 =	vadd.s32 $0x283C, v2;
	[tilespmem:s7+$0xFFFFFEA0] =	vst v18;
	v11 =	vld.idx.msk [tilespmem:v11+s29+$0x0], $0xffff  }
0x372: {  	v36 =	vadd.s32 $0x283C, v0;
	[tilespmem:s7+$0xFFFFFEB0] =	vst v19;
	v13 =	vld.idx.msk [tilespmem:v31+s29+$0x0], $0xffff  }
0x373: {  	v34 =	vadd.s32 $0x2C42, v7;
	[tilespmem:s7+$0xFFFFFE80] =	vst v17;
	v14 =	vld.idx.msk [tilespmem:v32+s29+$0x0], $0xffff  }
0x374: {  	v37 =	vadd.s32 $0x2C42, v5;
	[tilespmem:s7+$0xFFFFFED0] =	vst v15;
	v18 =	vld.idx.msk [tilespmem:v35+s29+$0x0], $0xffff  }
0x375: {  	v40 =	vadd.s32 $0x2C42, v6;
	[tilespmem:s7+$0xFFFFFEC0] =	vst v8;
	v9 =	vld.idx.msk [tilespmem:v9+s29+$0x0], $0xffff  }
0x376: {  	v8 =	vadd.s32 $0x283C, v1;
	v16 =	vld.idx.msk [tilespmem:v33+s29+$0x0], $0xffff;
	[tilespmem:s7+$0xFFFFFEE0] =	vst v10  }
0x377: {  	v10 =	vld.idx.msk [tilespmem:v36+s29+$0x0], $0xffff;
	[tilespmem:s7+$0xFFFFFF70] =	vst v11;
	v11 =	vadd.s32 $0x2C42, v4  }
0x378: {  	v38 =	vadd.s32 $0x2C42, v3;
	[tilespmem:s7+$0xFFFFFF10] =	vst v13;
	v12 =	vld.idx.msk [tilespmem:v34+s29+$0x0], $0xffff  }
0x379: {  	v41 =	vadd.s32 $0x2C42, v2;
	[tilespmem:s7+$0xFFFFFF00] =	vst v18;
	v15 =	vld.idx.msk [tilespmem:v37+s29+$0x0], $0xffff  }
0x37a: {  	v39 =	vadd.s32 $0x3048, v7;
	[tilespmem:s7+$0xFFFFFF20] =	vst v14;
	v19 =	vld.idx.msk [tilespmem:v40+s29+$0x0], $0xffff  }
0x37b: {  	v43 =	vadd.s32 $0x3048, v5;
	v8 =	vld.idx.msk [tilespmem:v8+s29+$0x0], $0xffff;
	[tilespmem:s7+$0xFFFFFF30] =	vst v9  }
0x37c: {  	v45 =	vadd.s32 $0x3048, v6;
	[tilespmem:s7+$0xFFFFFF40] =	vst v16;
	v11 =	vld.idx.msk [tilespmem:v11+s29+$0x0], $0xffff  }
0x37d: {  	v9 =	vadd.s32 $0x2C42, v0;
	[tilespmem:s7+$0xFFFFFF50] =	vst v10;
	v17 =	vld.idx.msk [tilespmem:v38+s29+$0x0], $0xffff  }
0x37e: {  	v42 =	vadd.s32 $0x2C42, v1;
	v10 =	vld.idx.msk [tilespmem:v41+s29+$0x0], $0xffff;
	[tilespmem:s7+$0xFFFFFFF0] =	vst v12  }
0x37f: {  	v44 =	vadd.s32 $0x3048, v4;
	[tilespmem:s7+$0xFFFFFF90] =	vst v15;
	v13 =	vld.idx.msk [tilespmem:v39+s29+$0x0], $0xffff  }
0x380: {  	v46 =	vadd.s32 $0x3048, v3;
	[tilespmem:s7+$0xFFFFFF80] =	vst v19;
	v12 =	vld.idx.msk [tilespmem:v43+s29+$0x0], $0xffff  }
0x381: {  	v47 =	vadd.s32 $0x3048, v2;
	v14 =	vld.idx.msk [tilespmem:v45+s29+$0x0], $0xffff;
	[tilespmem:s7+$0xFFFFFF60] =	vst v8  }
0x382: {  	v8 =	vadd.s32 $0x344E, v7;
	v9 =	vld.idx.msk [tilespmem:v9+s29+$0x0], $0xffff;
	[tilespmem:s7+$0xFFFFFFA0] =	vst v11  }
0x383: {  	v50 =	vadd.s32 $0x344E, v5;
	v11 =	vld.idx.msk [tilespmem:v42+s29+$0x0], $0xffff;
	[tilespmem:s7+$0xFFFFFFB0] =	vst v17  }
0x384: {  	v51 =	vadd.s32 $0x344E, v6;
	[tilespmem:s7+$0xFFFFFFC0] =	vst v10;
	v18 =	vld.idx.msk [tilespmem:v44+s29+$0x0], $0xffff  }
0x385: {  	v48 =	vadd.s32 $0x3048, v0;
	v10 =	vld.idx.msk [tilespmem:v46+s29+$0x0], $0xffff;
	[tilespmem:s7+$0x70] =	vst v13  }
0x386: {  	v49 =	vadd.s32 $0x3048, v1;
	v16 =	vld.idx.msk [tilespmem:v47+s29+$0x0], $0xffff;
	[tilespmem:s7+$0x10] =	vst v12  }
0x387: {  	v53 =	vadd.s32 $0x344E, v3;
	[tilespmem:s7+$0x0] =	vst v14;
	v8 =	vld.idx.msk [tilespmem:v8+s29+$0x0], $0xffff  }
0x388: {  	v54 =	vadd.s32 $0x344E, v2;
	v19 =	vld.idx.msk [tilespmem:v50+s29+$0x0], $0xffff;
	[tilespmem:s7+$0xFFFFFFD0] =	vst v9  }
0x389: {  	v15 =	vld.idx.msk [tilespmem:v51+s29+$0x0], $0xffff;
	v9 =	vadd.s32 $0x3854, v7;
	[tilespmem:s7+$0xFFFFFFE0] =	vst v11  }
0x38a: {  	v57 =	vadd.s32 $0x3854, v5;
	v52 =	vld.idx.msk [tilespmem:v48+s29+$0x0], $0xffff;
	[tilespmem:s7+$0x20] =	vst v18  }
0x38b: {  	v11 =	vadd.s32 $0x344E, v4;
	v13 =	vld.idx.msk [tilespmem:v49+s29+$0x0], $0xffff;
	[tilespmem:s7+$0x30] =	vst v10  }
0x38c: {  	v55 =	vadd.s32 $0x344E, v1;
	[tilespmem:s7+$0x40] =	vst v16;
	v56 =	vld.idx.msk [tilespmem:v53+s29+$0x0], $0xffff  }
0x38d: {  	v58 =	vld.idx.msk [tilespmem:v54+s29+$0x0], $0xffff;
	[tilespmem:s7+$0xF0] =	vst v8;
	v8 =	vadd.s32 $0x344E, v0  }
0x38e: {  	v60 =	vadd.s32 $0x3854, v3;
	[tilespmem:s7+$0x90] =	vst v19;
	v9 =	vld.idx.msk [tilespmem:v9+s29+$0x0], $0xffff  }
0x38f: {  	v7 =	vadd.s32 $0x3C5A, v7;
	[tilespmem:s7+$0x80] =	vst v15;
	v12 =	vld.idx.msk [tilespmem:v57+s29+$0x0], $0xffff  }
0x390: {  	v10 =	vld.idx.msk [tilespmem:v11+s29+$0x0], $0xffff;
	v11 =	vadd.s32 $0x3854, v6;
	[tilespmem:s7+$0x60] =	vst v13  }
0x391: {  	v5 =	vadd.s32 $0x3C5A, v5;
	[tilespmem:s7+$0x50] =	vst v52;
	v14 =	vld.idx.msk [tilespmem:v55+s29+$0x0], $0xffff  }
0x392: {  	v59 =	vadd.s32 $0x3854, v4;
	[tilespmem:s7+$0xB0] =	vst v56;
	v8 =	vld.idx.msk [tilespmem:v8+s29+$0x0], $0xffff  }
0x393: {  	v16 =	vld.idx.msk [tilespmem:v60+s29+$0x0], $0xffff;
	[tilespmem:s7+$0x170] =	vst v9;
	v9 =	vadd.s32 $0x3854, v2  }
0x394: {  	v61 =	vadd.s32 $0x3854, v0;
	[tilespmem:s7+$0x110] =	vst v12;
	v7 =	vld.idx.msk [tilespmem:v7+s29+$0x0], $0xffff  }
0x395: {  	v11 =	vld.idx.msk [tilespmem:v11+s29+$0x0], $0xffff;
	[tilespmem:s7+$0xA0] =	vst v10;
	v10 =	vadd.s32 $0x3854, v1  }
0x396: {  	v6 =	vadd.s32 $0x3C5A, v6;
	[tilespmem:s7+$0xC0] =	vst v58;
	v5 =	vld.idx.msk [tilespmem:v5+s29+$0x0], $0xffff  }
0x397: {  	v62 =	vadd.s32 $0x3C5A, v3;
	v13 =	vld.idx.msk [tilespmem:v59+s29+$0x0], $0xffff;
	[tilespmem:s7+$0xE0] =	vst v14  }
0x398: {  	v4 =	vadd.s32 $0x3C5A, v4;
	[tilespmem:s7+$0xD0] =	vst v8;
	v9 =	vld.idx.msk [tilespmem:v9+s29+$0x0], $0xffff  }
0x399: {  	v63 =	vadd.s32 $0x3C5A, v2;
	[tilespmem:s7+$0x130] =	vst v16;
	v15 =	vld.idx.msk [tilespmem:v61+s29+$0x0], $0xffff  }
0x39a: {  	[tilespmem:s7+$0x100] =	vst v11;
	v8 =	vld.idx.msk [tilespmem:v10+s29+$0x0], $0xffff  }
0x39b: {  	[tilespmem:s7+$0x1F0] =	vst v7;
	v7 =	vld.idx.msk [tilespmem:v6+s29+$0x0], $0xffff  }
0x39c: {  	[tilespmem:s7+$0x120] =	vst v13;
	v6 =	vld.idx.msk [tilespmem:v62+s29+$0x0], $0xffff  }
0x39d: {  	v3 =	vld.idx.msk [tilespmem:v4+s29+$0x0], $0xffff;
	[tilespmem:s7+$0x140] =	vst v9  }
0x39e: {  	s8 =	simm.s32 $0x0;
	s9 =	simm.s32 $0x91D0;
	v2 =	vadd.s32 $0x3C5A, v0;
	v1 =	vadd.s32 $0x3C5A, v1;
	[tilespmem:s7+$0x150] =	vst v15;
	v4 =	vld.idx.msk [tilespmem:v63+s29+$0x0], $0xffff  }
.LBB2_12:
0x39f: {  	v0 =	vld [tilespmem:s9+$0x30];
	s8 =	sadd.s32 $0x8, s8;
	[tilespmem:s7+$0x160] =	vst v8  }
0x3a0: {  	v21 =	vld [tilespmem:s9+$0xFFFFFFD0];
	p1 =	slt.u32 s8, $0x78;
	[tilespmem:s7+$0x180] =	vst v7  }
0x3a1: {  	v22 =	vld [tilespmem:s9+$0xFFFFFFE0];
	[tilespmem:s7+$0x190] =	vst v5  }
0x3a2: {  	v23 =	vld [tilespmem:s9+$0xFFFFFFF0];
	[tilespmem:s7+$0x1A0] =	vst v3  }
0x3a3: {  	v24 =	vld [tilespmem:s9+$0x0];
	[tilespmem:s7+$0x1B0] =	vst v6  }
0x3a4: {  	v25 =	vld [tilespmem:s9+$0x10];
	v3 =	vadd.s32 $0x2030, v0;
	[tilespmem:s7+$0x1C0] =	vst v4  }
0x3a5: {  	v4 =	vadd.s32 $0x2030, v21;
	v5 =	vadd.s32 $0x2436, v21;
	v26 =	vadd.s32 $0x283C, v21;
	v27 =	vld [tilespmem:s9+$0x20]  }
0x3a6: {  	v6 =	vld [tilespmem:s9+$0xFFFFFFC0];
	v7 =	vadd.s32 $0x2030, v22;
	v8 =	vadd.s32 $0x2436, v22;
	v28 =	vadd.s32 $0x283C, v22  }
0x3a7: {  	v9 =	vadd.s32 $0x2030, v23;
	v11 =	vadd.s32 $0x2436, v23;
	v29 =	vadd.s32 $0x283C, v23;
	v2 =	vld.idx.msk [tilespmem:v2+s29+$0x0], $0xffff  }
0x3a8: {  	v10 =	vadd.s32 $0x2030, v24;
	v13 =	vadd.s32 $0x2436, v24;
	v30 =	vadd.s32 $0x283C, v24;
	v1 =	vld.idx.msk [tilespmem:v1+s29+$0x0], $0xffff  }
0x3a9: {  	v12 =	vadd.s32 $0x2030, v25;
	v31 =	vadd.s32 $0x2436, v25;
	v32 =	vadd.s32 $0x283C, v25;
	v3 =	vld.idx.msk [tilespmem:v3+s29+$0x0], $0xffff  }
0x3aa: {  	v4 =	vld.idx.msk [tilespmem:v4+s29+$0x0], $0xffff;
	v14 =	vadd.s32 $0x2030, v27;
	v33 =	vadd.s32 $0x2436, v27;
	v34 =	vadd.s32 $0x283C, v27  }
0x3ab: {  	v16 =	vadd.s32 $0x2436, v0;
	v15 =	vadd.s32 $0x2030, v6;
	v35 =	vadd.s32 $0x2436, v6;
	v7 =	vld.idx.msk [tilespmem:v7+s29+$0x0], $0xffff  }
0x3ac: {  	v38 =	vadd.s32 $0x2C42, v21;
	v36 =	vadd.s32 $0x283C, v6;
	v37 =	vadd.s32 $0x2C42, v6;
	v9 =	vld.idx.msk [tilespmem:v9+s29+$0x0], $0xffff  }
0x3ad: {  	v39 =	vadd.s32 $0x2C42, v22;
	v40 =	vadd.s32 $0x2C42, v23;
	v41 =	vadd.s32 $0x2C42, v24;
	v20 =	vld.idx.msk [tilespmem:v10+s29+$0x0], $0xffff;
	[tilespmem:s7+$0x1D0] =	vst v2  }
0x3ae: {  	v43 =	vadd.s32 $0x2C42, v25;
	v44 =	vadd.s32 $0x2C42, v27;
	v42 =	vadd.s32 $0x3048, v6;
	v2 =	vld.idx.msk [tilespmem:v12+s29+$0x0], $0xffff;
	[tilespmem:s7+$0x1E0] =	vst v1;
	s7 =	sadd.s32 $0x400, s7  }
0x3af: {  	v45 =	vadd.s32 $0x3048, v21;
	v46 =	vadd.s32 $0x3048, v22;
	v47 =	vadd.s32 $0x3048, v23;
	v1 =	vld.idx.msk [tilespmem:v14+s29+$0x0], $0xffff;
	[tilespmem:s7+$0xFFFFFE70] =	vst v3  }
0x3b0: {  	v48 =	vadd.s32 $0x3048, v24;
	v49 =	vadd.s32 $0x3048, v25;
	v50 =	vadd.s32 $0x3048, v27;
	[tilespmem:s7+$0xFFFFFE10] =	vst v4;
	v4 =	vld.idx.msk [tilespmem:v16+s29+$0x0], $0xffff  }
0x3b1: {  	v52 =	vadd.s32 $0x344E, v21;
	v18 =	vadd.s32 $0x344E, v22;
	v17 =	vadd.s32 $0x344E, v6;
	v51 =	vld.idx.msk [tilespmem:v15+s29+$0x0], $0xffff;
	[tilespmem:s7+$0xFFFFFE20] =	vst v7  }
0x3b2: {  	v54 =	vadd.s32 $0x283C, v0;
	v19 =	vadd.s32 $0x344E, v23;
	v15 =	vadd.s32 $0x344E, v24;
	v53 =	vld.idx.msk [tilespmem:v5+s29+$0x0], $0xffff;
	[tilespmem:s7+$0xFFFFFE30] =	vst v9  }
0x3b3: {  	v10 =	vadd.s32 $0x3854, v6;
	v16 =	vadd.s32 $0x344E, v27;
	v55 =	vld.idx.msk [tilespmem:v8+s29+$0x0], $0xffff;
	[tilespmem:s7+$0xFFFFFE40] =	vst v20;
	v20 =	vadd.s32 $0x344E, v25  }
0x3b4: {  	v12 =	vadd.s32 $0x3854, v22;
	v14 =	vadd.s32 $0x3854, v21;
	v56 =	vld.idx.msk [tilespmem:v11+s29+$0x0], $0xffff;
	v11 =	vadd.s32 $0x3854, v23;
	[tilespmem:s7+$0xFFFFFE50] =	vst v2  }
0x3b5: {  	v9 =	vadd.s32 $0x3854, v25;
	v8 =	vadd.s32 $0x3854, v27;
	v57 =	vld.idx.msk [tilespmem:v13+s29+$0x0], $0xffff;
	v13 =	vadd.s32 $0x3854, v24;
	[tilespmem:s7+$0xFFFFFE60] =	vst v1  }
0x3b6: {  	v3 =	vadd.s32 $0x3C5A, v22;
	v7 =	vadd.s32 $0x3C5A, v6;
	v5 =	vadd.s32 $0x3C5A, v21;
	v21 =	vld.idx.msk [tilespmem:v31+s29+$0x0], $0xffff;
	[tilespmem:s7+$0xFFFFFEF0] =	vst v4  }
0x3b7: {  	v6 =	vadd.s32 $0x3C5A, v23;
	v2 =	vadd.s32 $0x3C5A, v25;
	v4 =	vadd.s32 $0x3C5A, v24;
	[tilespmem:s7+$0xFFFFFE00] =	vst v51;
	v22 =	vld.idx.msk [tilespmem:v54+s29+$0x0], $0xffff  }
0x3b8: {  	v1 =	vadd.s32 $0x3C5A, v27;
	v23 =	vld.idx.msk [tilespmem:v35+s29+$0x0], $0xffff;
	[tilespmem:s7+$0xFFFFFE90] =	vst v53  }
0x3b9: {  	v25 =	vadd.s32 $0x2C42, v0;
	[tilespmem:s7+$0xFFFFFEA0] =	vst v55;
	v24 =	vld.idx.msk [tilespmem:v33+s29+$0x0], $0xffff  }
0x3ba: {  	v26 =	vld.idx.msk [tilespmem:v26+s29+$0x0], $0xffff;
	[tilespmem:s7+$0xFFFFFEB0] =	vst v56  }
0x3bb: {  	v27 =	vld.idx.msk [tilespmem:v28+s29+$0x0], $0xffff;
	[tilespmem:s7+$0xFFFFFEC0] =	vst v57  }
0x3bc: {  	v28 =	vld.idx.msk [tilespmem:v29+s29+$0x0], $0xffff;
	[tilespmem:s7+$0xFFFFFED0] =	vst v21  }
0x3bd: {  	v21 =	vld.idx.msk [tilespmem:v30+s29+$0x0], $0xffff;
	[tilespmem:s7+$0xFFFFFF70] =	vst v22  }
0x3be: {  	[tilespmem:s7+$0xFFFFFE80] =	vst v23;
	v22 =	vld.idx.msk [tilespmem:v25+s29+$0x0], $0xffff  }
0x3bf: {  	v23 =	vld.idx.msk [tilespmem:v36+s29+$0x0], $0xffff;
	[tilespmem:s7+$0xFFFFFEE0] =	vst v24  }
0x3c0: {  	v25 =	vadd.s32 $0x3048, v0;
	[tilespmem:s7+$0xFFFFFF10] =	vst v26;
	v24 =	vld.idx.msk [tilespmem:v32+s29+$0x0], $0xffff  }
0x3c1: {  	[tilespmem:s7+$0xFFFFFF20] =	vst v27;
	v26 =	vld.idx.msk [tilespmem:v34+s29+$0x0], $0xffff  }
0x3c2: {  	v27 =	vld.idx.msk [tilespmem:v38+s29+$0x0], $0xffff;
	[tilespmem:s7+$0xFFFFFF30] =	vst v28  }
0x3c3: {  	v28 =	vld.idx.msk [tilespmem:v39+s29+$0x0], $0xffff;
	[tilespmem:s7+$0xFFFFFF40] =	vst v21  }
0x3c4: {  	v21 =	vld.idx.msk [tilespmem:v40+s29+$0x0], $0xffff;
	[tilespmem:s7+$0xFFFFFFF0] =	vst v22  }
0x3c5: {  	[tilespmem:s7+$0xFFFFFF00] =	vst v23;
	v22 =	vld.idx.msk [tilespmem:v25+s29+$0x0], $0xffff  }
0x3c6: {  	v23 =	vld.idx.msk [tilespmem:v37+s29+$0x0], $0xffff;
	[tilespmem:s7+$0xFFFFFF50] =	vst v24  }
0x3c7: {  	v25 =	vadd.s32 $0x344E, v0;
	v24 =	vld.idx.msk [tilespmem:v41+s29+$0x0], $0xffff;
	[tilespmem:s7+$0xFFFFFF60] =	vst v26  }
0x3c8: {  	[tilespmem:s7+$0xFFFFFF90] =	vst v27;
	v26 =	vld.idx.msk [tilespmem:v43+s29+$0x0], $0xffff  }
0x3c9: {  	[tilespmem:s7+$0xFFFFFFA0] =	vst v28;
	v27 =	vld.idx.msk [tilespmem:v44+s29+$0x0], $0xffff  }
0x3ca: {  	v28 =	vld.idx.msk [tilespmem:v45+s29+$0x0], $0xffff;
	[tilespmem:s7+$0xFFFFFFB0] =	vst v21  }
0x3cb: {  	v21 =	vld.idx.msk [tilespmem:v46+s29+$0x0], $0xffff;
	[tilespmem:s7+$0x70] =	vst v22  }
0x3cc: {  	[tilespmem:s7+$0xFFFFFF80] =	vst v23;
	v22 =	vld.idx.msk [tilespmem:v25+s29+$0x0], $0xffff  }
0x3cd: {  	v23 =	vld.idx.msk [tilespmem:v42+s29+$0x0], $0xffff;
	[tilespmem:s7+$0xFFFFFFC0] =	vst v24  }
0x3ce: {  	v25 =	vadd.s32 $0x3854, v0;
	v24 =	vld.idx.msk [tilespmem:v47+s29+$0x0], $0xffff;
	[tilespmem:s7+$0xFFFFFFD0] =	vst v26  }
0x3cf: {  	v26 =	vld.idx.msk [tilespmem:v48+s29+$0x0], $0xffff;
	[tilespmem:s7+$0xFFFFFFE0] =	vst v27  }
0x3d0: {  	[tilespmem:s7+$0x10] =	vst v28;
	v27 =	vld.idx.msk [tilespmem:v49+s29+$0x0], $0xffff  }
0x3d1: {  	[tilespmem:s7+$0x20] =	vst v21;
	v21 =	vld.idx.msk [tilespmem:v50+s29+$0x0], $0xffff  }
0x3d2: {  	v28 =	vld.idx.msk [tilespmem:v52+s29+$0x0], $0xffff;
	[tilespmem:s7+$0xF0] =	vst v22  }
0x3d3: {  	[tilespmem:s7+$0x0] =	vst v23;
	v22 =	vld.idx.msk [tilespmem:v25+s29+$0x0], $0xffff  }
0x3d4: {  	v17 =	vld.idx.msk [tilespmem:v17+s29+$0x0], $0xffff;
	[tilespmem:s7+$0x30] =	vst v24  }
0x3d5: {  	v0 =	vadd.s32 $0x3C5A, v0;
	v18 =	vld.idx.msk [tilespmem:v18+s29+$0x0], $0xffff;
	[tilespmem:s7+$0x40] =	vst v26  }
0x3d6: {  	v19 =	vld.idx.msk [tilespmem:v19+s29+$0x0], $0xffff;
	[tilespmem:s7+$0x50] =	vst v27  }
0x3d7: {  	v15 =	vld.idx.msk [tilespmem:v15+s29+$0x0], $0xffff;
	[tilespmem:s7+$0x60] =	vst v21  }
0x3d8: {  	[tilespmem:s7+$0x90] =	vst v28;
	v20 =	vld.idx.msk [tilespmem:v20+s29+$0x0], $0xffff  }
0x3d9: {  	v16 =	vld.idx.msk [tilespmem:v16+s29+$0x0], $0xffff;
	[tilespmem:s7+$0x170] =	vst v22  }
0x3da: {  	[tilespmem:s7+$0x80] =	vst v17;
	v0 =	vld.idx.msk [tilespmem:v0+s29+$0x0], $0xffff  }
0x3db: {  	v10 =	vld.idx.msk [tilespmem:v10+s29+$0x0], $0xffff;
	[tilespmem:s7+$0xA0] =	vst v18  }
0x3dc: {  	v14 =	vld.idx.msk [tilespmem:v14+s29+$0x0], $0xffff;
	[tilespmem:s7+$0xB0] =	vst v19  }
0x3dd: {  	v12 =	vld.idx.msk [tilespmem:v12+s29+$0x0], $0xffff;
	[tilespmem:s7+$0xC0] =	vst v15  }
0x3de: {  	v11 =	vld.idx.msk [tilespmem:v11+s29+$0x0], $0xffff;
	[tilespmem:s7+$0xD0] =	vst v20  }
0x3df: {  	v13 =	vld.idx.msk [tilespmem:v13+s29+$0x0], $0xffff;
	[tilespmem:s7+$0xE0] =	vst v16  }
0x3e0: {  	v9 =	vld.idx.msk [tilespmem:v9+s29+$0x0], $0xffff;
	[tilespmem:s7+$0x1F0] =	vst v0  }
0x3e1: {  	[tilespmem:s7+$0x100] =	vst v10;
	v8 =	vld.idx.msk [tilespmem:v8+s29+$0x0], $0xffff  }
.Ltmp5:
0x3e2: {  	v7 =	vld.idx.msk [tilespmem:v7+s29+$0x0], $0xffff;
	[tilespmem:s7+$0x110] =	vst v14;
	(pc) =	sbr.rel @p1 .LBB2_12-.Ltmp5, $4  }
0x3e3: {  	v5 =	vld.idx.msk [tilespmem:v5+s29+$0x0], $0xffff;
	[tilespmem:s7+$0x120] =	vst v12  }
0x3e4: {  	v3 =	vld.idx.msk [tilespmem:v3+s29+$0x0], $0xffff;
	[tilespmem:s7+$0x130] =	vst v11  }
0x3e5: {  	v6 =	vld.idx.msk [tilespmem:v6+s29+$0x0], $0xffff;
	[tilespmem:s7+$0x140] =	vst v13  }
0x3e6: {  	s9 =	sadd.s32 $0x80, s9;
	v4 =	vld.idx.msk [tilespmem:v4+s29+$0x0], $0xffff;
	[tilespmem:s7+$0x150] =	vst v9  }
0x3e7: {  	_ =	sdelay $0x2  }
0x3e8: {  	[tilespmem:s7+$0x160] =	vst v8  }
0x3e9: {  	[tilespmem:s7+$0x180] =	vst v7;
	v0 =	vld.idx.msk [tilespmem:v2+s29+$0x0], $0xffff  }
0x3ea: {  	[tilespmem:s7+$0x190] =	vst v5;
	v1 =	vld.idx.msk [tilespmem:v1+s29+$0x0], $0xffff  }
0x3eb: {  	[tilespmem:s7+$0x1A0] =	vst v3  }
0x3ec: {  	[tilespmem:s7+$0x1B0] =	vst v6  }
0x3ed: {  	[tilespmem:s7+$0x1C0] =	vst v4  }
0x3ee: {  	[tilespmem:s7+$0x1D0] =	vst v0  }
0x3ef: {  	[tilespmem:s7+$0x1E0] =	vst v1  }
0x3f0: {  	[tilespmem:s28], [sflag:$0x2] =	stream.strided.gather [hbm4b:s16+s24], $0x800, s25, s24, $0x38;
	[tilespmem:$0x15910] =	vst v63  }
0x3f1: {  	s8 =	simm.s32 $0x11910  }
0x3f2: {  	[hbm4b:s20+s3] =	stream.linear.scatter [tilespmem:s8], [sflag:$0x3], $0x4000, $0x38;
	[tilespmem:$0x15910] =	vst v63  }
0x3f3: {  	_ =	swait.ge [sflag:s31], $0x800  }
0x3f4: {  	[sflag:s31] =	ssyncset.done $0x0  }
0x3f5: {  	[sflag:s31] =	ssyncadd.s32 $0xFFFFF800  }
0x3f6: {  	_ =	swait.ge [sflag:s5], $0x4000  }
0x3f7: {  	[sflag:s5] =	ssyncset.done $0x0  }
0x3f8: {  	s9 =	simm.s32 $0x8950;
	[sflag:s5] =	ssyncadd.s32 $0xFFFFC000  }
0x3f9: {  	v7 =	vld [tilespmem:s9+$0x30]  }
0x3fa: {  	v5 =	vld [tilespmem:s9+$0xFFFFFFD0]  }
0x3fb: {  	v4 =	vld [tilespmem:s9+$0xFFFFFFE0]  }
0x3fc: {  	v3 =	vld [tilespmem:s9+$0xFFFFFFF0]  }
0x3fd: {  	v2 =	vld [tilespmem:s9+$0x0]  }
0x3fe: {  	v0 =	vld [tilespmem:s9+$0x10];
	v8 =	vadd.s32 $0x4060, v7  }
0x3ff: {  	v1 =	vld [tilespmem:s9+$0x20];
	v9 =	vadd.s32 $0x4060, v5  }
0x400: {  	v6 =	vld [tilespmem:s9+$0xFFFFFFC0];
	v10 =	vadd.s32 $0x4060, v4  }
0x401: {  	v11 =	vadd.s32 $0x4060, v3  }
0x402: {  	v12 =	vadd.s32 $0x4060, v2  }
0x403: {  	v13 =	vadd.s32 $0x4060, v0;
	v8 =	vld.idx.msk [tilespmem:v8+s29+$0x0], $0xffff  }
0x404: {  	v14 =	vadd.s32 $0x4060, v1;
	v9 =	vld.idx.msk [tilespmem:v9+s29+$0x0], $0xffff  }
0x405: {  	v16 =	vadd.s32 $0x4060, v6;
	v10 =	vld.idx.msk [tilespmem:v10+s29+$0x0], $0xffff  }
0x406: {  	v15 =	vadd.s32 $0x4466, v7;
	v11 =	vld.idx.msk [tilespmem:v11+s29+$0x0], $0xffff  }
0x407: {  	v17 =	vadd.s32 $0x4466, v5;
	v12 =	vld.idx.msk [tilespmem:v12+s29+$0x0], $0xffff  }
0x408: {  	s7 =	simm.s32 $0x9B10;
	v18 =	vadd.s32 $0x4466, v4;
	v13 =	vld.idx.msk [tilespmem:v13+s29+$0x0], $0xffff  }
0x409: {  	v19 =	vadd.s32 $0x4466, v3;
	v14 =	vld.idx.msk [tilespmem:v14+s29+$0x0], $0xffff;
	[tilespmem:s7+$0xFFFFFE70] =	vst v8  }
0x40a: {  	v28 =	vadd.s32 $0x4466, v0;
	v16 =	vld.idx.msk [tilespmem:v16+s29+$0x0], $0xffff;
	[tilespmem:s7+$0xFFFFFE10] =	vst v9  }
0x40b: {  	v29 =	vadd.s32 $0x4466, v6;
	[tilespmem:s7+$0xFFFFFE20] =	vst v10;
	v9 =	vld.idx.msk [tilespmem:v15+s29+$0x0], $0xffff  }
0x40c: {  	v8 =	vadd.s32 $0x4466, v2;
	[tilespmem:s7+$0xFFFFFE30] =	vst v11;
	v10 =	vld.idx.msk [tilespmem:v17+s29+$0x0], $0xffff  }
0x40d: {  	v30 =	vadd.s32 $0x4466, v1;
	[tilespmem:s7+$0xFFFFFE40] =	vst v12;
	v18 =	vld.idx.msk [tilespmem:v18+s29+$0x0], $0xffff  }
0x40e: {  	v11 =	vadd.s32 $0x486C, v7;
	[tilespmem:s7+$0xFFFFFE50] =	vst v13;
	v19 =	vld.idx.msk [tilespmem:v19+s29+$0x0], $0xffff  }
0x40f: {  	v31 =	vadd.s32 $0x486C, v5;
	[tilespmem:s7+$0xFFFFFE00] =	vst v16;
	v15 =	vld.idx.msk [tilespmem:v28+s29+$0x0], $0xffff  }
0x410: {  	v32 =	vadd.s32 $0x486C, v4;
	[tilespmem:s7+$0xFFFFFE60] =	vst v14;
	v17 =	vld.idx.msk [tilespmem:v29+s29+$0x0], $0xffff  }
0x411: {  	v35 =	vadd.s32 $0x486C, v6;
	v8 =	vld.idx.msk [tilespmem:v8+s29+$0x0], $0xffff;
	[tilespmem:s7+$0xFFFFFEF0] =	vst v9  }
0x412: {  	v9 =	vadd.s32 $0x486C, v3;
	[tilespmem:s7+$0xFFFFFE90] =	vst v10;
	v10 =	vld.idx.msk [tilespmem:v30+s29+$0x0], $0xffff  }
0x413: {  	v33 =	vadd.s32 $0x486C, v2;
	[tilespmem:s7+$0xFFFFFEA0] =	vst v18;
	v11 =	vld.idx.msk [tilespmem:v11+s29+$0x0], $0xffff  }
0x414: {  	v36 =	vadd.s32 $0x486C, v0;
	[tilespmem:s7+$0xFFFFFEB0] =	vst v19;
	v13 =	vld.idx.msk [tilespmem:v31+s29+$0x0], $0xffff  }
0x415: {  	v34 =	vadd.s32 $0x4C72, v7;
	[tilespmem:s7+$0xFFFFFE80] =	vst v17;
	v14 =	vld.idx.msk [tilespmem:v32+s29+$0x0], $0xffff  }
0x416: {  	v37 =	vadd.s32 $0x4C72, v5;
	[tilespmem:s7+$0xFFFFFED0] =	vst v15;
	v18 =	vld.idx.msk [tilespmem:v35+s29+$0x0], $0xffff  }
0x417: {  	v40 =	vadd.s32 $0x4C72, v6;
	[tilespmem:s7+$0xFFFFFEC0] =	vst v8;
	v9 =	vld.idx.msk [tilespmem:v9+s29+$0x0], $0xffff  }
0x418: {  	v8 =	vadd.s32 $0x486C, v1;
	v16 =	vld.idx.msk [tilespmem:v33+s29+$0x0], $0xffff;
	[tilespmem:s7+$0xFFFFFEE0] =	vst v10  }
0x419: {  	v10 =	vld.idx.msk [tilespmem:v36+s29+$0x0], $0xffff;
	[tilespmem:s7+$0xFFFFFF70] =	vst v11;
	v11 =	vadd.s32 $0x4C72, v4  }
0x41a: {  	v38 =	vadd.s32 $0x4C72, v3;
	[tilespmem:s7+$0xFFFFFF10] =	vst v13;
	v12 =	vld.idx.msk [tilespmem:v34+s29+$0x0], $0xffff  }
0x41b: {  	v41 =	vadd.s32 $0x4C72, v2;
	[tilespmem:s7+$0xFFFFFF00] =	vst v18;
	v15 =	vld.idx.msk [tilespmem:v37+s29+$0x0], $0xffff  }
0x41c: {  	v39 =	vadd.s32 $0x5078, v7;
	[tilespmem:s7+$0xFFFFFF20] =	vst v14;
	v19 =	vld.idx.msk [tilespmem:v40+s29+$0x0], $0xffff  }
0x41d: {  	v43 =	vadd.s32 $0x5078, v5;
	v8 =	vld.idx.msk [tilespmem:v8+s29+$0x0], $0xffff;
	[tilespmem:s7+$0xFFFFFF30] =	vst v9  }
0x41e: {  	v45 =	vadd.s32 $0x5078, v6;
	[tilespmem:s7+$0xFFFFFF40] =	vst v16;
	v11 =	vld.idx.msk [tilespmem:v11+s29+$0x0], $0xffff  }
0x41f: {  	v9 =	vadd.s32 $0x4C72, v0;
	[tilespmem:s7+$0xFFFFFF50] =	vst v10;
	v17 =	vld.idx.msk [tilespmem:v38+s29+$0x0], $0xffff  }
0x420: {  	v42 =	vadd.s32 $0x4C72, v1;
	v10 =	vld.idx.msk [tilespmem:v41+s29+$0x0], $0xffff;
	[tilespmem:s7+$0xFFFFFFF0] =	vst v12  }
0x421: {  	v44 =	vadd.s32 $0x5078, v4;
	[tilespmem:s7+$0xFFFFFF90] =	vst v15;
	v13 =	vld.idx.msk [tilespmem:v39+s29+$0x0], $0xffff  }
0x422: {  	v46 =	vadd.s32 $0x5078, v3;
	[tilespmem:s7+$0xFFFFFF80] =	vst v19;
	v12 =	vld.idx.msk [tilespmem:v43+s29+$0x0], $0xffff  }
0x423: {  	v47 =	vadd.s32 $0x5078, v2;
	v14 =	vld.idx.msk [tilespmem:v45+s29+$0x0], $0xffff;
	[tilespmem:s7+$0xFFFFFF60] =	vst v8  }
0x424: {  	v8 =	vadd.s32 $0x547E, v7;
	v9 =	vld.idx.msk [tilespmem:v9+s29+$0x0], $0xffff;
	[tilespmem:s7+$0xFFFFFFA0] =	vst v11  }
0x425: {  	v50 =	vadd.s32 $0x547E, v5;
	v11 =	vld.idx.msk [tilespmem:v42+s29+$0x0], $0xffff;
	[tilespmem:s7+$0xFFFFFFB0] =	vst v17  }
0x426: {  	v51 =	vadd.s32 $0x547E, v6;
	[tilespmem:s7+$0xFFFFFFC0] =	vst v10;
	v18 =	vld.idx.msk [tilespmem:v44+s29+$0x0], $0xffff  }
0x427: {  	v48 =	vadd.s32 $0x5078, v0;
	v10 =	vld.idx.msk [tilespmem:v46+s29+$0x0], $0xffff;
	[tilespmem:s7+$0x70] =	vst v13  }
0x428: {  	v49 =	vadd.s32 $0x5078, v1;
	v16 =	vld.idx.msk [tilespmem:v47+s29+$0x0], $0xffff;
	[tilespmem:s7+$0x10] =	vst v12  }
0x429: {  	v53 =	vadd.s32 $0x547E, v3;
	[tilespmem:s7+$0x0] =	vst v14;
	v8 =	vld.idx.msk [tilespmem:v8+s29+$0x0], $0xffff  }
0x42a: {  	v54 =	vadd.s32 $0x547E, v2;
	v19 =	vld.idx.msk [tilespmem:v50+s29+$0x0], $0xffff;
	[tilespmem:s7+$0xFFFFFFD0] =	vst v9  }
0x42b: {  	v15 =	vld.idx.msk [tilespmem:v51+s29+$0x0], $0xffff;
	v9 =	vadd.s32 $0x5884, v7;
	[tilespmem:s7+$0xFFFFFFE0] =	vst v11  }
0x42c: {  	v57 =	vadd.s32 $0x5884, v5;
	v52 =	vld.idx.msk [tilespmem:v48+s29+$0x0], $0xffff;
	[tilespmem:s7+$0x20] =	vst v18  }
0x42d: {  	v11 =	vadd.s32 $0x547E, v4;
	v13 =	vld.idx.msk [tilespmem:v49+s29+$0x0], $0xffff;
	[tilespmem:s7+$0x30] =	vst v10  }
0x42e: {  	v55 =	vadd.s32 $0x547E, v1;
	[tilespmem:s7+$0x40] =	vst v16;
	v56 =	vld.idx.msk [tilespmem:v53+s29+$0x0], $0xffff  }
0x42f: {  	v58 =	vld.idx.msk [tilespmem:v54+s29+$0x0], $0xffff;
	[tilespmem:s7+$0xF0] =	vst v8;
	v8 =	vadd.s32 $0x547E, v0  }
0x430: {  	v60 =	vadd.s32 $0x5884, v3;
	[tilespmem:s7+$0x90] =	vst v19;
	v9 =	vld.idx.msk [tilespmem:v9+s29+$0x0], $0xffff  }
0x431: {  	v7 =	vadd.s32 $0x5C8A, v7;
	[tilespmem:s7+$0x80] =	vst v15;
	v12 =	vld.idx.msk [tilespmem:v57+s29+$0x0], $0xffff  }
0x432: {  	v10 =	vld.idx.msk [tilespmem:v11+s29+$0x0], $0xffff;
	v11 =	vadd.s32 $0x5884, v6;
	[tilespmem:s7+$0x60] =	vst v13  }
0x433: {  	v5 =	vadd.s32 $0x5C8A, v5;
	[tilespmem:s7+$0x50] =	vst v52;
	v14 =	vld.idx.msk [tilespmem:v55+s29+$0x0], $0xffff  }
0x434: {  	v59 =	vadd.s32 $0x5884, v4;
	[tilespmem:s7+$0xB0] =	vst v56;
	v8 =	vld.idx.msk [tilespmem:v8+s29+$0x0], $0xffff  }
0x435: {  	v16 =	vld.idx.msk [tilespmem:v60+s29+$0x0], $0xffff;
	[tilespmem:s7+$0x170] =	vst v9;
	v9 =	vadd.s32 $0x5884, v2  }
0x436: {  	v61 =	vadd.s32 $0x5884, v0;
	[tilespmem:s7+$0x110] =	vst v12;
	v7 =	vld.idx.msk [tilespmem:v7+s29+$0x0], $0xffff  }
0x437: {  	v11 =	vld.idx.msk [tilespmem:v11+s29+$0x0], $0xffff;
	[tilespmem:s7+$0xA0] =	vst v10;
	v10 =	vadd.s32 $0x5884, v1  }
0x438: {  	v6 =	vadd.s32 $0x5C8A, v6;
	[tilespmem:s7+$0xC0] =	vst v58;
	v5 =	vld.idx.msk [tilespmem:v5+s29+$0x0], $0xffff  }
0x439: {  	v62 =	vadd.s32 $0x5C8A, v3;
	v13 =	vld.idx.msk [tilespmem:v59+s29+$0x0], $0xffff;
	[tilespmem:s7+$0xE0] =	vst v14  }
0x43a: {  	v4 =	vadd.s32 $0x5C8A, v4;
	[tilespmem:s7+$0xD0] =	vst v8;
	v9 =	vld.idx.msk [tilespmem:v9+s29+$0x0], $0xffff  }
0x43b: {  	v63 =	vadd.s32 $0x5C8A, v2;
	[tilespmem:s7+$0x130] =	vst v16;
	v15 =	vld.idx.msk [tilespmem:v61+s29+$0x0], $0xffff  }
0x43c: {  	[tilespmem:s7+$0x100] =	vst v11;
	v8 =	vld.idx.msk [tilespmem:v10+s29+$0x0], $0xffff  }
0x43d: {  	[tilespmem:s7+$0x1F0] =	vst v7;
	v7 =	vld.idx.msk [tilespmem:v6+s29+$0x0], $0xffff  }
0x43e: {  	[tilespmem:s7+$0x120] =	vst v13;
	v6 =	vld.idx.msk [tilespmem:v62+s29+$0x0], $0xffff  }
0x43f: {  	v3 =	vld.idx.msk [tilespmem:v4+s29+$0x0], $0xffff;
	[tilespmem:s7+$0x140] =	vst v9  }
0x440: {  	s8 =	simm.s32 $0x0;
	s9 =	simm.s32 $0x89D0;
	v2 =	vadd.s32 $0x5C8A, v0;
	v1 =	vadd.s32 $0x5C8A, v1;
	[tilespmem:s7+$0x150] =	vst v15;
	v4 =	vld.idx.msk [tilespmem:v63+s29+$0x0], $0xffff  }
.LBB2_14:
0x441: {  	v0 =	vld [tilespmem:s9+$0x30];
	s8 =	sadd.s32 $0x8, s8;
	[tilespmem:s7+$0x160] =	vst v8  }
0x442: {  	v21 =	vld [tilespmem:s9+$0xFFFFFFD0];
	p1 =	slt.u32 s8, $0x78;
	[tilespmem:s7+$0x180] =	vst v7  }
0x443: {  	v22 =	vld [tilespmem:s9+$0xFFFFFFE0];
	[tilespmem:s7+$0x190] =	vst v5  }
0x444: {  	v23 =	vld [tilespmem:s9+$0xFFFFFFF0];
	[tilespmem:s7+$0x1A0] =	vst v3  }
0x445: {  	v24 =	vld [tilespmem:s9+$0x0];
	[tilespmem:s7+$0x1B0] =	vst v6  }
0x446: {  	v25 =	vld [tilespmem:s9+$0x10];
	v3 =	vadd.s32 $0x4060, v0;
	[tilespmem:s7+$0x1C0] =	vst v4  }
0x447: {  	v4 =	vadd.s32 $0x4060, v21;
	v5 =	vadd.s32 $0x4466, v21;
	v26 =	vadd.s32 $0x486C, v21;
	v27 =	vld [tilespmem:s9+$0x20]  }
0x448: {  	v6 =	vld [tilespmem:s9+$0xFFFFFFC0];
	v7 =	vadd.s32 $0x4060, v22;
	v8 =	vadd.s32 $0x4466, v22;
	v28 =	vadd.s32 $0x486C, v22  }
0x449: {  	v9 =	vadd.s32 $0x4060, v23;
	v11 =	vadd.s32 $0x4466, v23;
	v29 =	vadd.s32 $0x486C, v23;
	v2 =	vld.idx.msk [tilespmem:v2+s29+$0x0], $0xffff  }
0x44a: {  	v10 =	vadd.s32 $0x4060, v24;
	v13 =	vadd.s32 $0x4466, v24;
	v30 =	vadd.s32 $0x486C, v24;
	v1 =	vld.idx.msk [tilespmem:v1+s29+$0x0], $0xffff  }
0x44b: {  	v12 =	vadd.s32 $0x4060, v25;
	v31 =	vadd.s32 $0x4466, v25;
	v32 =	vadd.s32 $0x486C, v25;
	v3 =	vld.idx.msk [tilespmem:v3+s29+$0x0], $0xffff  }
0x44c: {  	v4 =	vld.idx.msk [tilespmem:v4+s29+$0x0], $0xffff;
	v14 =	vadd.s32 $0x4060, v27;
	v33 =	vadd.s32 $0x4466, v27;
	v34 =	vadd.s32 $0x486C, v27  }
0x44d: {  	v16 =	vadd.s32 $0x4466, v0;
	v15 =	vadd.s32 $0x4060, v6;
	v35 =	vadd.s32 $0x4466, v6;
	v7 =	vld.idx.msk [tilespmem:v7+s29+$0x0], $0xffff  }
0x44e: {  	v38 =	vadd.s32 $0x4C72, v21;
	v36 =	vadd.s32 $0x486C, v6;
	v37 =	vadd.s32 $0x4C72, v6;
	v9 =	vld.idx.msk [tilespmem:v9+s29+$0x0], $0xffff  }
0x44f: {  	v39 =	vadd.s32 $0x4C72, v22;
	v40 =	vadd.s32 $0x4C72, v23;
	v41 =	vadd.s32 $0x4C72, v24;
	v20 =	vld.idx.msk [tilespmem:v10+s29+$0x0], $0xffff;
	[tilespmem:s7+$0x1D0] =	vst v2  }
0x450: {  	v43 =	vadd.s32 $0x4C72, v25;
	v44 =	vadd.s32 $0x4C72, v27;
	v42 =	vadd.s32 $0x5078, v6;
	v2 =	vld.idx.msk [tilespmem:v12+s29+$0x0], $0xffff;
	[tilespmem:s7+$0x1E0] =	vst v1;
	s7 =	sadd.s32 $0x400, s7  }
0x451: {  	v45 =	vadd.s32 $0x5078, v21;
	v46 =	vadd.s32 $0x5078, v22;
	v47 =	vadd.s32 $0x5078, v23;
	v1 =	vld.idx.msk [tilespmem:v14+s29+$0x0], $0xffff;
	[tilespmem:s7+$0xFFFFFE70] =	vst v3  }
0x452: {  	v48 =	vadd.s32 $0x5078, v24;
	v49 =	vadd.s32 $0x5078, v25;
	v50 =	vadd.s32 $0x5078, v27;
	[tilespmem:s7+$0xFFFFFE10] =	vst v4;
	v4 =	vld.idx.msk [tilespmem:v16+s29+$0x0], $0xffff  }
0x453: {  	v52 =	vadd.s32 $0x547E, v21;
	v18 =	vadd.s32 $0x547E, v22;
	v17 =	vadd.s32 $0x547E, v6;
	v51 =	vld.idx.msk [tilespmem:v15+s29+$0x0], $0xffff;
	[tilespmem:s7+$0xFFFFFE20] =	vst v7  }
0x454: {  	v54 =	vadd.s32 $0x486C, v0;
	v19 =	vadd.s32 $0x547E, v23;
	v15 =	vadd.s32 $0x547E, v24;
	v53 =	vld.idx.msk [tilespmem:v5+s29+$0x0], $0xffff;
	[tilespmem:s7+$0xFFFFFE30] =	vst v9  }
0x455: {  	v10 =	vadd.s32 $0x5884, v6;
	v16 =	vadd.s32 $0x547E, v27;
	v55 =	vld.idx.msk [tilespmem:v8+s29+$0x0], $0xffff;
	[tilespmem:s7+$0xFFFFFE40] =	vst v20;
	v20 =	vadd.s32 $0x547E, v25  }
0x456: {  	v12 =	vadd.s32 $0x5884, v22;
	v14 =	vadd.s32 $0x5884, v21;
	v56 =	vld.idx.msk [tilespmem:v11+s29+$0x0], $0xffff;
	v11 =	vadd.s32 $0x5884, v23;
	[tilespmem:s7+$0xFFFFFE50] =	vst v2  }
0x457: {  	v9 =	vadd.s32 $0x5884, v25;
	v8 =	vadd.s32 $0x5884, v27;
	v57 =	vld.idx.msk [tilespmem:v13+s29+$0x0], $0xffff;
	v13 =	vadd.s32 $0x5884, v24;
	[tilespmem:s7+$0xFFFFFE60] =	vst v1  }
0x458: {  	v3 =	vadd.s32 $0x5C8A, v22;
	v7 =	vadd.s32 $0x5C8A, v6;
	v5 =	vadd.s32 $0x5C8A, v21;
	v21 =	vld.idx.msk [tilespmem:v31+s29+$0x0], $0xffff;
	[tilespmem:s7+$0xFFFFFEF0] =	vst v4  }
0x459: {  	v6 =	vadd.s32 $0x5C8A, v23;
	v2 =	vadd.s32 $0x5C8A, v25;
	v4 =	vadd.s32 $0x5C8A, v24;
	[tilespmem:s7+$0xFFFFFE00] =	vst v51;
	v22 =	vld.idx.msk [tilespmem:v54+s29+$0x0], $0xffff  }
0x45a: {  	v1 =	vadd.s32 $0x5C8A, v27;
	v23 =	vld.idx.msk [tilespmem:v35+s29+$0x0], $0xffff;
	[tilespmem:s7+$0xFFFFFE90] =	vst v53  }
0x45b: {  	v25 =	vadd.s32 $0x4C72, v0;
	[tilespmem:s7+$0xFFFFFEA0] =	vst v55;
	v24 =	vld.idx.msk [tilespmem:v33+s29+$0x0], $0xffff  }
0x45c: {  	v26 =	vld.idx.msk [tilespmem:v26+s29+$0x0], $0xffff;
	[tilespmem:s7+$0xFFFFFEB0] =	vst v56  }
0x45d: {  	v27 =	vld.idx.msk [tilespmem:v28+s29+$0x0], $0xffff;
	[tilespmem:s7+$0xFFFFFEC0] =	vst v57  }
0x45e: {  	v28 =	vld.idx.msk [tilespmem:v29+s29+$0x0], $0xffff;
	[tilespmem:s7+$0xFFFFFED0] =	vst v21  }
0x45f: {  	v21 =	vld.idx.msk [tilespmem:v30+s29+$0x0], $0xffff;
	[tilespmem:s7+$0xFFFFFF70] =	vst v22  }
0x460: {  	[tilespmem:s7+$0xFFFFFE80] =	vst v23;
	v22 =	vld.idx.msk [tilespmem:v25+s29+$0x0], $0xffff  }
0x461: {  	v23 =	vld.idx.msk [tilespmem:v36+s29+$0x0], $0xffff;
	[tilespmem:s7+$0xFFFFFEE0] =	vst v24  }
0x462: {  	v25 =	vadd.s32 $0x5078, v0;
	[tilespmem:s7+$0xFFFFFF10] =	vst v26;
	v24 =	vld.idx.msk [tilespmem:v32+s29+$0x0], $0xffff  }
0x463: {  	[tilespmem:s7+$0xFFFFFF20] =	vst v27;
	v26 =	vld.idx.msk [tilespmem:v34+s29+$0x0], $0xffff  }
0x464: {  	v27 =	vld.idx.msk [tilespmem:v38+s29+$0x0], $0xffff;
	[tilespmem:s7+$0xFFFFFF30] =	vst v28  }
0x465: {  	v28 =	vld.idx.msk [tilespmem:v39+s29+$0x0], $0xffff;
	[tilespmem:s7+$0xFFFFFF40] =	vst v21  }
0x466: {  	v21 =	vld.idx.msk [tilespmem:v40+s29+$0x0], $0xffff;
	[tilespmem:s7+$0xFFFFFFF0] =	vst v22  }
0x467: {  	[tilespmem:s7+$0xFFFFFF00] =	vst v23;
	v22 =	vld.idx.msk [tilespmem:v25+s29+$0x0], $0xffff  }
0x468: {  	v23 =	vld.idx.msk [tilespmem:v37+s29+$0x0], $0xffff;
	[tilespmem:s7+$0xFFFFFF50] =	vst v24  }
0x469: {  	v25 =	vadd.s32 $0x547E, v0;
	v24 =	vld.idx.msk [tilespmem:v41+s29+$0x0], $0xffff;
	[tilespmem:s7+$0xFFFFFF60] =	vst v26  }
0x46a: {  	[tilespmem:s7+$0xFFFFFF90] =	vst v27;
	v26 =	vld.idx.msk [tilespmem:v43+s29+$0x0], $0xffff  }
0x46b: {  	[tilespmem:s7+$0xFFFFFFA0] =	vst v28;
	v27 =	vld.idx.msk [tilespmem:v44+s29+$0x0], $0xffff  }
0x46c: {  	v28 =	vld.idx.msk [tilespmem:v45+s29+$0x0], $0xffff;
	[tilespmem:s7+$0xFFFFFFB0] =	vst v21  }
0x46d: {  	v21 =	vld.idx.msk [tilespmem:v46+s29+$0x0], $0xffff;
	[tilespmem:s7+$0x70] =	vst v22  }
0x46e: {  	[tilespmem:s7+$0xFFFFFF80] =	vst v23;
	v22 =	vld.idx.msk [tilespmem:v25+s29+$0x0], $0xffff  }
0x46f: {  	v23 =	vld.idx.msk [tilespmem:v42+s29+$0x0], $0xffff;
	[tilespmem:s7+$0xFFFFFFC0] =	vst v24  }
0x470: {  	v25 =	vadd.s32 $0x5884, v0;
	v24 =	vld.idx.msk [tilespmem:v47+s29+$0x0], $0xffff;
	[tilespmem:s7+$0xFFFFFFD0] =	vst v26  }
0x471: {  	v26 =	vld.idx.msk [tilespmem:v48+s29+$0x0], $0xffff;
	[tilespmem:s7+$0xFFFFFFE0] =	vst v27  }
0x472: {  	[tilespmem:s7+$0x10] =	vst v28;
	v27 =	vld.idx.msk [tilespmem:v49+s29+$0x0], $0xffff  }
0x473: {  	[tilespmem:s7+$0x20] =	vst v21;
	v21 =	vld.idx.msk [tilespmem:v50+s29+$0x0], $0xffff  }
0x474: {  	v28 =	vld.idx.msk [tilespmem:v52+s29+$0x0], $0xffff;
	[tilespmem:s7+$0xF0] =	vst v22  }
0x475: {  	[tilespmem:s7+$0x0] =	vst v23;
	v22 =	vld.idx.msk [tilespmem:v25+s29+$0x0], $0xffff  }
0x476: {  	v17 =	vld.idx.msk [tilespmem:v17+s29+$0x0], $0xffff;
	[tilespmem:s7+$0x30] =	vst v24  }
0x477: {  	v0 =	vadd.s32 $0x5C8A, v0;
	v18 =	vld.idx.msk [tilespmem:v18+s29+$0x0], $0xffff;
	[tilespmem:s7+$0x40] =	vst v26  }
0x478: {  	v19 =	vld.idx.msk [tilespmem:v19+s29+$0x0], $0xffff;
	[tilespmem:s7+$0x50] =	vst v27  }
0x479: {  	v15 =	vld.idx.msk [tilespmem:v15+s29+$0x0], $0xffff;
	[tilespmem:s7+$0x60] =	vst v21  }
0x47a: {  	[tilespmem:s7+$0x90] =	vst v28;
	v20 =	vld.idx.msk [tilespmem:v20+s29+$0x0], $0xffff  }
0x47b: {  	v16 =	vld.idx.msk [tilespmem:v16+s29+$0x0], $0xffff;
	[tilespmem:s7+$0x170] =	vst v22  }
0x47c: {  	[tilespmem:s7+$0x80] =	vst v17;
	v0 =	vld.idx.msk [tilespmem:v0+s29+$0x0], $0xffff  }
0x47d: {  	v10 =	vld.idx.msk [tilespmem:v10+s29+$0x0], $0xffff;
	[tilespmem:s7+$0xA0] =	vst v18  }
0x47e: {  	v14 =	vld.idx.msk [tilespmem:v14+s29+$0x0], $0xffff;
	[tilespmem:s7+$0xB0] =	vst v19  }
0x47f: {  	v12 =	vld.idx.msk [tilespmem:v12+s29+$0x0], $0xffff;
	[tilespmem:s7+$0xC0] =	vst v15  }
0x480: {  	v11 =	vld.idx.msk [tilespmem:v11+s29+$0x0], $0xffff;
	[tilespmem:s7+$0xD0] =	vst v20  }
0x481: {  	v13 =	vld.idx.msk [tilespmem:v13+s29+$0x0], $0xffff;
	[tilespmem:s7+$0xE0] =	vst v16  }
0x482: {  	v9 =	vld.idx.msk [tilespmem:v9+s29+$0x0], $0xffff;
	[tilespmem:s7+$0x1F0] =	vst v0  }
0x483: {  	[tilespmem:s7+$0x100] =	vst v10;
	v8 =	vld.idx.msk [tilespmem:v8+s29+$0x0], $0xffff  }
.Ltmp6:
0x484: {  	v7 =	vld.idx.msk [tilespmem:v7+s29+$0x0], $0xffff;
	[tilespmem:s7+$0x110] =	vst v14;
	(pc) =	sbr.rel @p1 .LBB2_14-.Ltmp6, $4  }
0x485: {  	v5 =	vld.idx.msk [tilespmem:v5+s29+$0x0], $0xffff;
	[tilespmem:s7+$0x120] =	vst v12  }
0x486: {  	v3 =	vld.idx.msk [tilespmem:v3+s29+$0x0], $0xffff;
	[tilespmem:s7+$0x130] =	vst v11  }
0x487: {  	v6 =	vld.idx.msk [tilespmem:v6+s29+$0x0], $0xffff;
	[tilespmem:s7+$0x140] =	vst v13  }
0x488: {  	s9 =	sadd.s32 $0x80, s9;
	v4 =	vld.idx.msk [tilespmem:v4+s29+$0x0], $0xffff;
	[tilespmem:s7+$0x150] =	vst v9  }
0x489: {  	_ =	sdelay $0x2  }
0x48a: {  	[tilespmem:s7+$0x160] =	vst v8  }
0x48b: {  	[tilespmem:s7+$0x180] =	vst v7;
	v0 =	vld.idx.msk [tilespmem:v2+s29+$0x0], $0xffff  }
0x48c: {  	[tilespmem:s7+$0x190] =	vst v5;
	v1 =	vld.idx.msk [tilespmem:v1+s29+$0x0], $0xffff  }
0x48d: {  	[tilespmem:s7+$0x1A0] =	vst v3  }
0x48e: {  	[tilespmem:s7+$0x1B0] =	vst v6  }
0x48f: {  	[tilespmem:s7+$0x1C0] =	vst v4  }
0x490: {  	[tilespmem:s7+$0x1D0] =	vst v0  }
0x491: {  	[tilespmem:s7+$0x1E0] =	vst v1  }
0x492: {  	[hbm4b:s21+s3] =	stream.linear.scatter [tilespmem:s0], [sflag:$0x3], $0x4000, $0x38;
	[tilespmem:$0x15910] =	vst v63  }
0x493: {  	_ =	swait.ge [sflag:s31], $0x800  }
0x494: {  	[sflag:s31] =	ssyncset.done $0x0  }
0x495: {  	[sflag:s31] =	ssyncadd.s32 $0xFFFFF800  }
0x496: {  	_ =	swait.ge [sflag:s5], $0x4000  }
0x497: {  	[sflag:s5] =	ssyncset.done $0x0  }
0x498: {  	s9 =	simm.s32 $0x9150;
	[sflag:s5] =	ssyncadd.s32 $0xFFFFC000  }
0x499: {  	v7 =	vld [tilespmem:s9+$0x30]  }
0x49a: {  	v5 =	vld [tilespmem:s9+$0xFFFFFFD0]  }
0x49b: {  	v4 =	vld [tilespmem:s9+$0xFFFFFFE0]  }
0x49c: {  	v3 =	vld [tilespmem:s9+$0xFFFFFFF0]  }
0x49d: {  	v2 =	vld [tilespmem:s9+$0x0]  }
0x49e: {  	v0 =	vld [tilespmem:s9+$0x10];
	v8 =	vadd.s32 $0x6090, v7  }
0x49f: {  	v1 =	vld [tilespmem:s9+$0x20];
	v9 =	vadd.s32 $0x6090, v5  }
0x4a0: {  	v6 =	vld [tilespmem:s9+$0xFFFFFFC0];
	v10 =	vadd.s32 $0x6090, v4  }
0x4a1: {  	v11 =	vadd.s32 $0x6090, v3  }
0x4a2: {  	v12 =	vadd.s32 $0x6090, v2  }
0x4a3: {  	v13 =	vadd.s32 $0x6090, v0;
	v8 =	vld.idx.msk [tilespmem:v8+s29+$0x0], $0xffff  }
0x4a4: {  	v14 =	vadd.s32 $0x6090, v1;
	v9 =	vld.idx.msk [tilespmem:v9+s29+$0x0], $0xffff  }
0x4a5: {  	v16 =	vadd.s32 $0x6090, v6;
	v10 =	vld.idx.msk [tilespmem:v10+s29+$0x0], $0xffff  }
0x4a6: {  	v15 =	vadd.s32 $0x6496, v7;
	v11 =	vld.idx.msk [tilespmem:v11+s29+$0x0], $0xffff  }
0x4a7: {  	v17 =	vadd.s32 $0x6496, v5;
	v12 =	vld.idx.msk [tilespmem:v12+s29+$0x0], $0xffff  }
0x4a8: {  	s7 =	simm.s32 $0xDB10;
	v18 =	vadd.s32 $0x6496, v4;
	v13 =	vld.idx.msk [tilespmem:v13+s29+$0x0], $0xffff  }
0x4a9: {  	v19 =	vadd.s32 $0x6496, v3;
	v14 =	vld.idx.msk [tilespmem:v14+s29+$0x0], $0xffff;
	[tilespmem:s7+$0xFFFFFE70] =	vst v8  }
0x4aa: {  	v28 =	vadd.s32 $0x6496, v0;
	v16 =	vld.idx.msk [tilespmem:v16+s29+$0x0], $0xffff;
	[tilespmem:s7+$0xFFFFFE10] =	vst v9  }
0x4ab: {  	v29 =	vadd.s32 $0x6496, v6;
	[tilespmem:s7+$0xFFFFFE20] =	vst v10;
	v9 =	vld.idx.msk [tilespmem:v15+s29+$0x0], $0xffff  }
0x4ac: {  	v8 =	vadd.s32 $0x6496, v2;
	[tilespmem:s7+$0xFFFFFE30] =	vst v11;
	v10 =	vld.idx.msk [tilespmem:v17+s29+$0x0], $0xffff  }
0x4ad: {  	v30 =	vadd.s32 $0x6496, v1;
	[tilespmem:s7+$0xFFFFFE40] =	vst v12;
	v18 =	vld.idx.msk [tilespmem:v18+s29+$0x0], $0xffff  }
0x4ae: {  	v11 =	vadd.s32 $0x689C, v7;
	[tilespmem:s7+$0xFFFFFE50] =	vst v13;
	v19 =	vld.idx.msk [tilespmem:v19+s29+$0x0], $0xffff  }
0x4af: {  	v31 =	vadd.s32 $0x689C, v5;
	[tilespmem:s7+$0xFFFFFE00] =	vst v16;
	v15 =	vld.idx.msk [tilespmem:v28+s29+$0x0], $0xffff  }
0x4b0: {  	v32 =	vadd.s32 $0x689C, v4;
	[tilespmem:s7+$0xFFFFFE60] =	vst v14;
	v17 =	vld.idx.msk [tilespmem:v29+s29+$0x0], $0xffff  }
0x4b1: {  	v35 =	vadd.s32 $0x689C, v6;
	v8 =	vld.idx.msk [tilespmem:v8+s29+$0x0], $0xffff;
	[tilespmem:s7+$0xFFFFFEF0] =	vst v9  }
0x4b2: {  	v9 =	vadd.s32 $0x689C, v3;
	[tilespmem:s7+$0xFFFFFE90] =	vst v10;
	v10 =	vld.idx.msk [tilespmem:v30+s29+$0x0], $0xffff  }
0x4b3: {  	v33 =	vadd.s32 $0x689C, v2;
	[tilespmem:s7+$0xFFFFFEA0] =	vst v18;
	v11 =	vld.idx.msk [tilespmem:v11+s29+$0x0], $0xffff  }
0x4b4: {  	v36 =	vadd.s32 $0x689C, v0;
	[tilespmem:s7+$0xFFFFFEB0] =	vst v19;
	v13 =	vld.idx.msk [tilespmem:v31+s29+$0x0], $0xffff  }
0x4b5: {  	v34 =	vadd.s32 $0x6CA2, v7;
	[tilespmem:s7+$0xFFFFFE80] =	vst v17;
	v14 =	vld.idx.msk [tilespmem:v32+s29+$0x0], $0xffff  }
0x4b6: {  	v37 =	vadd.s32 $0x6CA2, v5;
	[tilespmem:s7+$0xFFFFFED0] =	vst v15;
	v18 =	vld.idx.msk [tilespmem:v35+s29+$0x0], $0xffff  }
0x4b7: {  	v40 =	vadd.s32 $0x6CA2, v6;
	[tilespmem:s7+$0xFFFFFEC0] =	vst v8;
	v9 =	vld.idx.msk [tilespmem:v9+s29+$0x0], $0xffff  }
0x4b8: {  	v8 =	vadd.s32 $0x689C, v1;
	v16 =	vld.idx.msk [tilespmem:v33+s29+$0x0], $0xffff;
	[tilespmem:s7+$0xFFFFFEE0] =	vst v10  }
0x4b9: {  	v10 =	vld.idx.msk [tilespmem:v36+s29+$0x0], $0xffff;
	[tilespmem:s7+$0xFFFFFF70] =	vst v11;
	v11 =	vadd.s32 $0x6CA2, v4  }
0x4ba: {  	v38 =	vadd.s32 $0x6CA2, v3;
	[tilespmem:s7+$0xFFFFFF10] =	vst v13;
	v12 =	vld.idx.msk [tilespmem:v34+s29+$0x0], $0xffff  }
0x4bb: {  	v41 =	vadd.s32 $0x6CA2, v2;
	[tilespmem:s7+$0xFFFFFF00] =	vst v18;
	v15 =	vld.idx.msk [tilespmem:v37+s29+$0x0], $0xffff  }
0x4bc: {  	v39 =	vadd.s32 $0x70A8, v7;
	[tilespmem:s7+$0xFFFFFF20] =	vst v14;
	v19 =	vld.idx.msk [tilespmem:v40+s29+$0x0], $0xffff  }
0x4bd: {  	v43 =	vadd.s32 $0x70A8, v5;
	v8 =	vld.idx.msk [tilespmem:v8+s29+$0x0], $0xffff;
	[tilespmem:s7+$0xFFFFFF30] =	vst v9  }
0x4be: {  	v45 =	vadd.s32 $0x70A8, v6;
	[tilespmem:s7+$0xFFFFFF40] =	vst v16;
	v11 =	vld.idx.msk [tilespmem:v11+s29+$0x0], $0xffff  }
0x4bf: {  	v9 =	vadd.s32 $0x6CA2, v0;
	[tilespmem:s7+$0xFFFFFF50] =	vst v10;
	v17 =	vld.idx.msk [tilespmem:v38+s29+$0x0], $0xffff  }
0x4c0: {  	v42 =	vadd.s32 $0x6CA2, v1;
	v10 =	vld.idx.msk [tilespmem:v41+s29+$0x0], $0xffff;
	[tilespmem:s7+$0xFFFFFFF0] =	vst v12  }
0x4c1: {  	v44 =	vadd.s32 $0x70A8, v4;
	[tilespmem:s7+$0xFFFFFF90] =	vst v15;
	v13 =	vld.idx.msk [tilespmem:v39+s29+$0x0], $0xffff  }
0x4c2: {  	v46 =	vadd.s32 $0x70A8, v3;
	[tilespmem:s7+$0xFFFFFF80] =	vst v19;
	v12 =	vld.idx.msk [tilespmem:v43+s29+$0x0], $0xffff  }
0x4c3: {  	v47 =	vadd.s32 $0x70A8, v2;
	v14 =	vld.idx.msk [tilespmem:v45+s29+$0x0], $0xffff;
	[tilespmem:s7+$0xFFFFFF60] =	vst v8  }
0x4c4: {  	v8 =	vadd.s32 $0x74AE, v7;
	v9 =	vld.idx.msk [tilespmem:v9+s29+$0x0], $0xffff;
	[tilespmem:s7+$0xFFFFFFA0] =	vst v11  }
0x4c5: {  	v50 =	vadd.s32 $0x74AE, v5;
	v11 =	vld.idx.msk [tilespmem:v42+s29+$0x0], $0xffff;
	[tilespmem:s7+$0xFFFFFFB0] =	vst v17  }
0x4c6: {  	v51 =	vadd.s32 $0x74AE, v6;
	[tilespmem:s7+$0xFFFFFFC0] =	vst v10;
	v18 =	vld.idx.msk [tilespmem:v44+s29+$0x0], $0xffff  }
0x4c7: {  	v48 =	vadd.s32 $0x70A8, v0;
	v10 =	vld.idx.msk [tilespmem:v46+s29+$0x0], $0xffff;
	[tilespmem:s7+$0x70] =	vst v13  }
0x4c8: {  	v49 =	vadd.s32 $0x70A8, v1;
	v16 =	vld.idx.msk [tilespmem:v47+s29+$0x0], $0xffff;
	[tilespmem:s7+$0x10] =	vst v12  }
0x4c9: {  	v53 =	vadd.s32 $0x74AE, v3;
	[tilespmem:s7+$0x0] =	vst v14;
	v8 =	vld.idx.msk [tilespmem:v8+s29+$0x0], $0xffff  }
0x4ca: {  	v54 =	vadd.s32 $0x74AE, v2;
	v19 =	vld.idx.msk [tilespmem:v50+s29+$0x0], $0xffff;
	[tilespmem:s7+$0xFFFFFFD0] =	vst v9  }
0x4cb: {  	v15 =	vld.idx.msk [tilespmem:v51+s29+$0x0], $0xffff;
	v9 =	vadd.s32 $0x78B4, v7;
	[tilespmem:s7+$0xFFFFFFE0] =	vst v11  }
0x4cc: {  	v57 =	vadd.s32 $0x78B4, v5;
	v52 =	vld.idx.msk [tilespmem:v48+s29+$0x0], $0xffff;
	[tilespmem:s7+$0x20] =	vst v18  }
0x4cd: {  	v11 =	vadd.s32 $0x74AE, v4;
	v13 =	vld.idx.msk [tilespmem:v49+s29+$0x0], $0xffff;
	[tilespmem:s7+$0x30] =	vst v10  }
0x4ce: {  	v55 =	vadd.s32 $0x74AE, v1;
	[tilespmem:s7+$0x40] =	vst v16;
	v56 =	vld.idx.msk [tilespmem:v53+s29+$0x0], $0xffff  }
0x4cf: {  	v58 =	vld.idx.msk [tilespmem:v54+s29+$0x0], $0xffff;
	[tilespmem:s7+$0xF0] =	vst v8;
	v8 =	vadd.s32 $0x74AE, v0  }
0x4d0: {  	v60 =	vadd.s32 $0x78B4, v3;
	[tilespmem:s7+$0x90] =	vst v19;
	v9 =	vld.idx.msk [tilespmem:v9+s29+$0x0], $0xffff  }
0x4d1: {  	v7 =	vadd.s32 $0x7CBA, v7;
	[tilespmem:s7+$0x80] =	vst v15;
	v12 =	vld.idx.msk [tilespmem:v57+s29+$0x0], $0xffff  }
0x4d2: {  	v10 =	vld.idx.msk [tilespmem:v11+s29+$0x0], $0xffff;
	v11 =	vadd.s32 $0x78B4, v6;
	[tilespmem:s7+$0x60] =	vst v13  }
0x4d3: {  	v5 =	vadd.s32 $0x7CBA, v5;
	[tilespmem:s7+$0x50] =	vst v52;
	v14 =	vld.idx.msk [tilespmem:v55+s29+$0x0], $0xffff  }
0x4d4: {  	v59 =	vadd.s32 $0x78B4, v4;
	[tilespmem:s7+$0xB0] =	vst v56;
	v8 =	vld.idx.msk [tilespmem:v8+s29+$0x0], $0xffff  }
0x4d5: {  	v16 =	vld.idx.msk [tilespmem:v60+s29+$0x0], $0xffff;
	[tilespmem:s7+$0x170] =	vst v9;
	v9 =	vadd.s32 $0x78B4, v2  }
0x4d6: {  	v61 =	vadd.s32 $0x78B4, v0;
	[tilespmem:s7+$0x110] =	vst v12;
	v7 =	vld.idx.msk [tilespmem:v7+s29+$0x0], $0xffff  }
0x4d7: {  	v11 =	vld.idx.msk [tilespmem:v11+s29+$0x0], $0xffff;
	[tilespmem:s7+$0xA0] =	vst v10;
	v10 =	vadd.s32 $0x78B4, v1  }
0x4d8: {  	v6 =	vadd.s32 $0x7CBA, v6;
	[tilespmem:s7+$0xC0] =	vst v58;
	v5 =	vld.idx.msk [tilespmem:v5+s29+$0x0], $0xffff  }
0x4d9: {  	v62 =	vadd.s32 $0x7CBA, v3;
	v13 =	vld.idx.msk [tilespmem:v59+s29+$0x0], $0xffff;
	[tilespmem:s7+$0xE0] =	vst v14  }
0x4da: {  	v4 =	vadd.s32 $0x7CBA, v4;
	[tilespmem:s7+$0xD0] =	vst v8;
	v9 =	vld.idx.msk [tilespmem:v9+s29+$0x0], $0xffff  }
0x4db: {  	v63 =	vadd.s32 $0x7CBA, v2;
	[tilespmem:s7+$0x130] =	vst v16;
	v15 =	vld.idx.msk [tilespmem:v61+s29+$0x0], $0xffff  }
0x4dc: {  	[tilespmem:s7+$0x100] =	vst v11;
	v8 =	vld.idx.msk [tilespmem:v10+s29+$0x0], $0xffff  }
0x4dd: {  	[tilespmem:s7+$0x1F0] =	vst v7;
	v7 =	vld.idx.msk [tilespmem:v6+s29+$0x0], $0xffff  }
0x4de: {  	[tilespmem:s7+$0x120] =	vst v13;
	v6 =	vld.idx.msk [tilespmem:v62+s29+$0x0], $0xffff  }
0x4df: {  	v3 =	vld.idx.msk [tilespmem:v4+s29+$0x0], $0xffff;
	[tilespmem:s7+$0x140] =	vst v9  }
0x4e0: {  	s8 =	simm.s32 $0x0;
	s9 =	simm.s32 $0x91D0;
	v2 =	vadd.s32 $0x7CBA, v0;
	v1 =	vadd.s32 $0x7CBA, v1;
	[tilespmem:s7+$0x150] =	vst v15;
	v4 =	vld.idx.msk [tilespmem:v63+s29+$0x0], $0xffff  }
.LBB2_16:
0x4e1: {  	v0 =	vld [tilespmem:s9+$0x30];
	s8 =	sadd.s32 $0x8, s8;
	[tilespmem:s7+$0x160] =	vst v8  }
0x4e2: {  	v21 =	vld [tilespmem:s9+$0xFFFFFFD0];
	p1 =	slt.u32 s8, $0x78;
	[tilespmem:s7+$0x180] =	vst v7  }
0x4e3: {  	v22 =	vld [tilespmem:s9+$0xFFFFFFE0];
	[tilespmem:s7+$0x190] =	vst v5  }
0x4e4: {  	v23 =	vld [tilespmem:s9+$0xFFFFFFF0];
	[tilespmem:s7+$0x1A0] =	vst v3  }
0x4e5: {  	v24 =	vld [tilespmem:s9+$0x0];
	[tilespmem:s7+$0x1B0] =	vst v6  }
0x4e6: {  	v25 =	vld [tilespmem:s9+$0x10];
	v3 =	vadd.s32 $0x6090, v0;
	[tilespmem:s7+$0x1C0] =	vst v4  }
0x4e7: {  	v4 =	vadd.s32 $0x6090, v21;
	v5 =	vadd.s32 $0x6496, v21;
	v26 =	vadd.s32 $0x689C, v21;
	v27 =	vld [tilespmem:s9+$0x20]  }
0x4e8: {  	v6 =	vld [tilespmem:s9+$0xFFFFFFC0];
	v7 =	vadd.s32 $0x6090, v22;
	v8 =	vadd.s32 $0x6496, v22;
	v28 =	vadd.s32 $0x689C, v22  }
0x4e9: {  	v9 =	vadd.s32 $0x6090, v23;
	v11 =	vadd.s32 $0x6496, v23;
	v29 =	vadd.s32 $0x689C, v23;
	v2 =	vld.idx.msk [tilespmem:v2+s29+$0x0], $0xffff  }
0x4ea: {  	v10 =	vadd.s32 $0x6090, v24;
	v13 =	vadd.s32 $0x6496, v24;
	v30 =	vadd.s32 $0x689C, v24;
	v1 =	vld.idx.msk [tilespmem:v1+s29+$0x0], $0xffff  }
0x4eb: {  	v12 =	vadd.s32 $0x6090, v25;
	v31 =	vadd.s32 $0x6496, v25;
	v32 =	vadd.s32 $0x689C, v25;
	v3 =	vld.idx.msk [tilespmem:v3+s29+$0x0], $0xffff  }
0x4ec: {  	v4 =	vld.idx.msk [tilespmem:v4+s29+$0x0], $0xffff;
	v14 =	vadd.s32 $0x6090, v27;
	v33 =	vadd.s32 $0x6496, v27;
	v34 =	vadd.s32 $0x689C, v27  }
0x4ed: {  	v16 =	vadd.s32 $0x6496, v0;
	v15 =	vadd.s32 $0x6090, v6;
	v35 =	vadd.s32 $0x6496, v6;
	v7 =	vld.idx.msk [tilespmem:v7+s29+$0x0], $0xffff  }
0x4ee: {  	v38 =	vadd.s32 $0x6CA2, v21;
	v36 =	vadd.s32 $0x689C, v6;
	v37 =	vadd.s32 $0x6CA2, v6;
	v9 =	vld.idx.msk [tilespmem:v9+s29+$0x0], $0xffff  }
0x4ef: {  	v39 =	vadd.s32 $0x6CA2, v22;
	v40 =	vadd.s32 $0x6CA2, v23;
	v41 =	vadd.s32 $0x6CA2, v24;
	v20 =	vld.idx.msk [tilespmem:v10+s29+$0x0], $0xffff;
	[tilespmem:s7+$0x1D0] =	vst v2  }
0x4f0: {  	v43 =	vadd.s32 $0x6CA2, v25;
	v44 =	vadd.s32 $0x6CA2, v27;
	v42 =	vadd.s32 $0x70A8, v6;
	v2 =	vld.idx.msk [tilespmem:v12+s29+$0x0], $0xffff;
	[tilespmem:s7+$0x1E0] =	vst v1;
	s7 =	sadd.s32 $0x400, s7  }
0x4f1: {  	v45 =	vadd.s32 $0x70A8, v21;
	v46 =	vadd.s32 $0x70A8, v22;
	v47 =	vadd.s32 $0x70A8, v23;
	v1 =	vld.idx.msk [tilespmem:v14+s29+$0x0], $0xffff;
	[tilespmem:s7+$0xFFFFFE70] =	vst v3  }
0x4f2: {  	v48 =	vadd.s32 $0x70A8, v24;
	v49 =	vadd.s32 $0x70A8, v25;
	v50 =	vadd.s32 $0x70A8, v27;
	[tilespmem:s7+$0xFFFFFE10] =	vst v4;
	v4 =	vld.idx.msk [tilespmem:v16+s29+$0x0], $0xffff  }
0x4f3: {  	v52 =	vadd.s32 $0x74AE, v21;
	v18 =	vadd.s32 $0x74AE, v22;
	v17 =	vadd.s32 $0x74AE, v6;
	v51 =	vld.idx.msk [tilespmem:v15+s29+$0x0], $0xffff;
	[tilespmem:s7+$0xFFFFFE20] =	vst v7  }
0x4f4: {  	v54 =	vadd.s32 $0x689C, v0;
	v19 =	vadd.s32 $0x74AE, v23;
	v15 =	vadd.s32 $0x74AE, v24;
	v53 =	vld.idx.msk [tilespmem:v5+s29+$0x0], $0xffff;
	[tilespmem:s7+$0xFFFFFE30] =	vst v9  }
0x4f5: {  	v10 =	vadd.s32 $0x78B4, v6;
	v16 =	vadd.s32 $0x74AE, v27;
	v55 =	vld.idx.msk [tilespmem:v8+s29+$0x0], $0xffff;
	[tilespmem:s7+$0xFFFFFE40] =	vst v20;
	v20 =	vadd.s32 $0x74AE, v25  }
0x4f6: {  	v12 =	vadd.s32 $0x78B4, v22;
	v14 =	vadd.s32 $0x78B4, v21;
	v56 =	vld.idx.msk [tilespmem:v11+s29+$0x0], $0xffff;
	v11 =	vadd.s32 $0x78B4, v23;
	[tilespmem:s7+$0xFFFFFE50] =	vst v2  }
0x4f7: {  	v9 =	vadd.s32 $0x78B4, v25;
	v8 =	vadd.s32 $0x78B4, v27;
	v57 =	vld.idx.msk [tilespmem:v13+s29+$0x0], $0xffff;
	v13 =	vadd.s32 $0x78B4, v24;
	[tilespmem:s7+$0xFFFFFE60] =	vst v1  }
0x4f8: {  	v3 =	vadd.s32 $0x7CBA, v22;
	v7 =	vadd.s32 $0x7CBA, v6;
	v5 =	vadd.s32 $0x7CBA, v21;
	v21 =	vld.idx.msk [tilespmem:v31+s29+$0x0], $0xffff;
	[tilespmem:s7+$0xFFFFFEF0] =	vst v4  }
0x4f9: {  	v6 =	vadd.s32 $0x7CBA, v23;
	v2 =	vadd.s32 $0x7CBA, v25;
	v4 =	vadd.s32 $0x7CBA, v24;
	[tilespmem:s7+$0xFFFFFE00] =	vst v51;
	v22 =	vld.idx.msk [tilespmem:v54+s29+$0x0], $0xffff  }
0x4fa: {  	v1 =	vadd.s32 $0x7CBA, v27;
	v23 =	vld.idx.msk [tilespmem:v35+s29+$0x0], $0xffff;
	[tilespmem:s7+$0xFFFFFE90] =	vst v53  }
0x4fb: {  	v25 =	vadd.s32 $0x6CA2, v0;
	[tilespmem:s7+$0xFFFFFEA0] =	vst v55;
	v24 =	vld.idx.msk [tilespmem:v33+s29+$0x0], $0xffff  }
0x4fc: {  	v26 =	vld.idx.msk [tilespmem:v26+s29+$0x0], $0xffff;
	[tilespmem:s7+$0xFFFFFEB0] =	vst v56  }
0x4fd: {  	v27 =	vld.idx.msk [tilespmem:v28+s29+$0x0], $0xffff;
	[tilespmem:s7+$0xFFFFFEC0] =	vst v57  }
0x4fe: {  	v28 =	vld.idx.msk [tilespmem:v29+s29+$0x0], $0xffff;
	[tilespmem:s7+$0xFFFFFED0] =	vst v21  }
0x4ff: {  	v21 =	vld.idx.msk [tilespmem:v30+s29+$0x0], $0xffff;
	[tilespmem:s7+$0xFFFFFF70] =	vst v22  }
0x500: {  	[tilespmem:s7+$0xFFFFFE80] =	vst v23;
	v22 =	vld.idx.msk [tilespmem:v25+s29+$0x0], $0xffff  }
0x501: {  	v23 =	vld.idx.msk [tilespmem:v36+s29+$0x0], $0xffff;
	[tilespmem:s7+$0xFFFFFEE0] =	vst v24  }
0x502: {  	v25 =	vadd.s32 $0x70A8, v0;
	[tilespmem:s7+$0xFFFFFF10] =	vst v26;
	v24 =	vld.idx.msk [tilespmem:v32+s29+$0x0], $0xffff  }
0x503: {  	[tilespmem:s7+$0xFFFFFF20] =	vst v27;
	v26 =	vld.idx.msk [tilespmem:v34+s29+$0x0], $0xffff  }
0x504: {  	v27 =	vld.idx.msk [tilespmem:v38+s29+$0x0], $0xffff;
	[tilespmem:s7+$0xFFFFFF30] =	vst v28  }
0x505: {  	v28 =	vld.idx.msk [tilespmem:v39+s29+$0x0], $0xffff;
	[tilespmem:s7+$0xFFFFFF40] =	vst v21  }
0x506: {  	v21 =	vld.idx.msk [tilespmem:v40+s29+$0x0], $0xffff;
	[tilespmem:s7+$0xFFFFFFF0] =	vst v22  }
0x507: {  	[tilespmem:s7+$0xFFFFFF00] =	vst v23;
	v22 =	vld.idx.msk [tilespmem:v25+s29+$0x0], $0xffff  }
0x508: {  	v23 =	vld.idx.msk [tilespmem:v37+s29+$0x0], $0xffff;
	[tilespmem:s7+$0xFFFFFF50] =	vst v24  }
0x509: {  	v25 =	vadd.s32 $0x74AE, v0;
	v24 =	vld.idx.msk [tilespmem:v41+s29+$0x0], $0xffff;
	[tilespmem:s7+$0xFFFFFF60] =	vst v26  }
0x50a: {  	[tilespmem:s7+$0xFFFFFF90] =	vst v27;
	v26 =	vld.idx.msk [tilespmem:v43+s29+$0x0], $0xffff  }
0x50b: {  	[tilespmem:s7+$0xFFFFFFA0] =	vst v28;
	v27 =	vld.idx.msk [tilespmem:v44+s29+$0x0], $0xffff  }
0x50c: {  	v28 =	vld.idx.msk [tilespmem:v45+s29+$0x0], $0xffff;
	[tilespmem:s7+$0xFFFFFFB0] =	vst v21  }
0x50d: {  	v21 =	vld.idx.msk [tilespmem:v46+s29+$0x0], $0xffff;
	[tilespmem:s7+$0x70] =	vst v22  }
0x50e: {  	[tilespmem:s7+$0xFFFFFF80] =	vst v23;
	v22 =	vld.idx.msk [tilespmem:v25+s29+$0x0], $0xffff  }
0x50f: {  	v23 =	vld.idx.msk [tilespmem:v42+s29+$0x0], $0xffff;
	[tilespmem:s7+$0xFFFFFFC0] =	vst v24  }
0x510: {  	v25 =	vadd.s32 $0x78B4, v0;
	v24 =	vld.idx.msk [tilespmem:v47+s29+$0x0], $0xffff;
	[tilespmem:s7+$0xFFFFFFD0] =	vst v26  }
0x511: {  	v26 =	vld.idx.msk [tilespmem:v48+s29+$0x0], $0xffff;
	[tilespmem:s7+$0xFFFFFFE0] =	vst v27  }
0x512: {  	[tilespmem:s7+$0x10] =	vst v28;
	v27 =	vld.idx.msk [tilespmem:v49+s29+$0x0], $0xffff  }
0x513: {  	[tilespmem:s7+$0x20] =	vst v21;
	v21 =	vld.idx.msk [tilespmem:v50+s29+$0x0], $0xffff  }
0x514: {  	v28 =	vld.idx.msk [tilespmem:v52+s29+$0x0], $0xffff;
	[tilespmem:s7+$0xF0] =	vst v22  }
0x515: {  	[tilespmem:s7+$0x0] =	vst v23;
	v22 =	vld.idx.msk [tilespmem:v25+s29+$0x0], $0xffff  }
0x516: {  	v17 =	vld.idx.msk [tilespmem:v17+s29+$0x0], $0xffff;
	[tilespmem:s7+$0x30] =	vst v24  }
0x517: {  	v0 =	vadd.s32 $0x7CBA, v0;
	v18 =	vld.idx.msk [tilespmem:v18+s29+$0x0], $0xffff;
	[tilespmem:s7+$0x40] =	vst v26  }
0x518: {  	v19 =	vld.idx.msk [tilespmem:v19+s29+$0x0], $0xffff;
	[tilespmem:s7+$0x50] =	vst v27  }
0x519: {  	v15 =	vld.idx.msk [tilespmem:v15+s29+$0x0], $0xffff;
	[tilespmem:s7+$0x60] =	vst v21  }
0x51a: {  	[tilespmem:s7+$0x90] =	vst v28;
	v20 =	vld.idx.msk [tilespmem:v20+s29+$0x0], $0xffff  }
0x51b: {  	v16 =	vld.idx.msk [tilespmem:v16+s29+$0x0], $0xffff;
	[tilespmem:s7+$0x170] =	vst v22  }
0x51c: {  	[tilespmem:s7+$0x80] =	vst v17;
	v0 =	vld.idx.msk [tilespmem:v0+s29+$0x0], $0xffff  }
0x51d: {  	v10 =	vld.idx.msk [tilespmem:v10+s29+$0x0], $0xffff;
	[tilespmem:s7+$0xA0] =	vst v18  }
0x51e: {  	v14 =	vld.idx.msk [tilespmem:v14+s29+$0x0], $0xffff;
	[tilespmem:s7+$0xB0] =	vst v19  }
0x51f: {  	v12 =	vld.idx.msk [tilespmem:v12+s29+$0x0], $0xffff;
	[tilespmem:s7+$0xC0] =	vst v15  }
0x520: {  	v11 =	vld.idx.msk [tilespmem:v11+s29+$0x0], $0xffff;
	[tilespmem:s7+$0xD0] =	vst v20  }
0x521: {  	v13 =	vld.idx.msk [tilespmem:v13+s29+$0x0], $0xffff;
	[tilespmem:s7+$0xE0] =	vst v16  }
0x522: {  	v9 =	vld.idx.msk [tilespmem:v9+s29+$0x0], $0xffff;
	[tilespmem:s7+$0x1F0] =	vst v0  }
0x523: {  	[tilespmem:s7+$0x100] =	vst v10;
	v8 =	vld.idx.msk [tilespmem:v8+s29+$0x0], $0xffff  }
.Ltmp7:
0x524: {  	v7 =	vld.idx.msk [tilespmem:v7+s29+$0x0], $0xffff;
	[tilespmem:s7+$0x110] =	vst v14;
	(pc) =	sbr.rel @p1 .LBB2_16-.Ltmp7, $4  }
0x525: {  	v5 =	vld.idx.msk [tilespmem:v5+s29+$0x0], $0xffff;
	[tilespmem:s7+$0x120] =	vst v12  }
0x526: {  	v3 =	vld.idx.msk [tilespmem:v3+s29+$0x0], $0xffff;
	[tilespmem:s7+$0x130] =	vst v11  }
0x527: {  	v6 =	vld.idx.msk [tilespmem:v6+s29+$0x0], $0xffff;
	[tilespmem:s7+$0x140] =	vst v13  }
0x528: {  	s9 =	sadd.s32 $0x80, s9;
	v4 =	vld.idx.msk [tilespmem:v4+s29+$0x0], $0xffff;
	[tilespmem:s7+$0x150] =	vst v9  }
0x529: {  	_ =	sdelay $0x2  }
0x52a: {  	[tilespmem:s7+$0x160] =	vst v8  }
0x52b: {  	[tilespmem:s7+$0x180] =	vst v7;
	v0 =	vld.idx.msk [tilespmem:v2+s29+$0x0], $0xffff  }
0x52c: {  	[tilespmem:s7+$0x190] =	vst v5;
	v1 =	vld.idx.msk [tilespmem:v1+s29+$0x0], $0xffff  }
0x52d: {  	[tilespmem:s7+$0x1A0] =	vst v3  }
0x52e: {  	[tilespmem:s7+$0x1B0] =	vst v6  }
0x52f: {  	[tilespmem:s7+$0x1C0] =	vst v4  }
0x530: {  	[tilespmem:s7+$0x1D0] =	vst v0  }
0x531: {  	[tilespmem:s7+$0x1E0] =	vst v1  }
0x532: {  	[hbm4b:s22+s3] =	stream.linear.scatter [tilespmem:s4], [sflag:$0x3], $0x4000, $0x38;
	[tilespmem:$0x15910] =	vst v63  }
0x533: {  	_ =	swait.ge [sflag:s5], $0x4000  }
0x534: {  	[sflag:s5] =	ssyncset.done $0x0  }
0x535: {  	s6 =	sadd.s32 $0x1, s6;
	[sflag:s5] =	ssyncadd.s32 $0xFFFFC000  }
0x536: {  	p1 =	sne.s32 s6, s23;
	_ =	swait.ge [sflag:s5], $0x4000  }
.Ltmp8:
0x537: {  	[sflag:s5] =	ssyncset.done $0x0;
	(pc) =	sbr.rel @p1 .LBB2_1-.Ltmp8, $4  }
0x538: {  	[sflag:s5] =	ssyncadd.s32 $0xFFFFC000  }
0x539: {  	_ =	swait.ge [sflag:s5], $0x4000  }
0x53a: {  	[sflag:s5] =	ssyncset.done $0x0  }
0x53b: {  	[sflag:s5] =	ssyncadd.s32 $0xFFFFC000  }
0x53c: {  	_ =	sfence.sel $0x180000  }
0x53d: {  	[bflag:$0x0] =	sbarrier.arrive $0xFFFF  }
0x53e: {  	_ =	strace $0x90000047  }
0x53f: {  	[bflag:$0x2] =	sbarrier.arrive $0xFFFF  }
0x540: {  	s0 =	rddreg [dreg:$0x4]  }
0x541: {  	s0 =	sadd.s32 @!p0 $0x100000, s0  }
0x542: {  	[sflag:s0] =	ssyncadd.tile.s32 @!p0 $0x1;
	_ =	shalt  }
.Lfunc_end2:
_tile_overlayer_lowered:
.L_overlay_start_2:
0x543: {  	(tag) =	ssettag $0x2  }
0x544: {  	s0 =	rddreg [dreg:$0x0];
	s2 =	stileid.u32  }
0x545: {  	s1 =	rddreg [dreg:$0x1];
	p0 =	sne.s32 s2, $0x0  }
0x546: {  	s3 =	rddreg [dreg:$0x2];
	[bflag:$0x3] =	sbarrier.arrive $0xFFFF;
	s2 =	simm.s32 @!p0 $0x1C04  }
0x547: {  	[timem:s3], [sflag:s2] =	dma.local @!p0 [hbm:s0], s1  }
0x548: {  	s0 =	simm.s32 @!p0 $0x4  }
0x549: {  	_ =	swait.ge @!p0 [sflag:s0], s1  }
0x54a: {  	s1 =	ssub.s32 @!p0 $0x0, s1;
	[sflag:s0] =	ssyncset.done @!p0 $0x0  }
0x54b: {  	[sflag:s0] =	ssyncadd.s32 @!p0 s1  }
0x54c: {  	[bflag:$0x3] =	sbarrier.arrive $0xFFFF  }
0x54d: {  	_ =	shalt  }

</sc_bundles>
